<compile_context>
chip_gen: v7x
topology: tpu7x:2x2x1
jax: 0.10.2.dev20260603
libtpu: 0.0.44.dev20260713+nightly
codegen_flags: <defaults>
</compile_context>

<pallas_src>
import functools

import jax
import jax.numpy as jnp
from jax import lax
from jax.experimental import pallas as pl
from jax.experimental.pallas import tpu as pltpu
from jax.experimental.pallas import tpu_sc as plsc

_NC = 2
_NS = 16
_NW = _NC * _NS
_CH = 128

_PREC = lax.Precision.HIGHEST


_K = 3
_F0 = 1.0 / 6.0


def _seg_sum_sc(N_pad, H, n0, n1):
  mesh = plsc.VectorSubcoreMesh(core_axis_name="c", subcore_axis_name="s",
                                num_cores=_NC, num_subcores=_NS)
  rows_per_tile = N_pad // _NS
  RB = _K * _CH
  n_max = max(n0, n1)

  @functools.partial(
      pl.kernel,
      out_type=jax.ShapeDtypeStruct((_NC, N_pad, H), jnp.float32),
      mesh=mesh,
      scratch_types=[
          pltpu.VMEM((n_max, _CH), jnp.int32),
          pltpu.VMEM((n_max, _CH), jnp.int32),
          pltpu.VMEM((2 * RB, H), jnp.float32),
          pltpu.VMEM_SHARED((N_pad, H), jnp.float32),
          pltpu.SemaphoreType.DMA,
          pltpu.SemaphoreType.DMA,
      ],
      compiler_params=pltpu.CompilerParams(use_tc_tiling_on_sc=False),
  )
  def seg(h_hbm, src_hbm, dst_hbm, zeros_hbm, out_hbm,
          src_v, dst_v, rows_v, agg_sh, gsA, gsB):
    cid = lax.axis_index("c")
    sid = lax.axis_index("s")
    r0 = sid * rows_per_tile
    base = jnp.where(cid == 0, sid * n0, _NS * n0 + sid * n1)
    n_own = jnp.where(cid == 0, n0, n1)
    pltpu.sync_copy(zeros_hbm.at[pl.ds(r0, rows_per_tile)],
                    agg_sh.at[pl.ds(r0, rows_per_tile)])
    pltpu.sync_copy(src_hbm.at[pl.ds(base, n_max)], src_v)
    pltpu.sync_copy(dst_hbm.at[pl.ds(base, n_max)], dst_v)
    plsc.subcore_barrier()

    def gather(slot, chunk, sem):
      pltpu.async_copy(h_hbm.at[src_v.at[chunk]],
                       rows_v.at[pl.ds(slot * _CH, _CH)], sem)

    def scatter(slot, chunk):
      pltpu.sync_copy(rows_v.at[pl.ds(slot * _CH, _CH)],
                      agg_sh.at[dst_v.at[chunk]], add=True)

    def drain(ring, sem):
      pltpu.make_async_copy(zeros_hbm.at[pl.ds(0, RB)],
                            rows_v.at[pl.ds(ring * RB, RB)], sem).wait()

    for b in range(_K):
      gather(b, b, gsA)
      gather(_K + b, _K + b, gsB)

    @pl.loop(0, n_own // (2 * _K))
    def _sup(s):
      i = s * (2 * _K)
      drain(0, gsA)
      for b in range(_K):
        scatter(b, i + b)

      @pl.when(i + 2 * _K < n_own)
      def _():
        for b in range(_K):
          gather(b, i + 2 * _K + b, gsA)

      drain(1, gsB)
      for b in range(_K):
        scatter(_K + b, i + _K + b)

      @pl.when(i + 3 * _K < n_own)
      def _():
        for b in range(_K):
          gather(_K + b, i + 3 * _K + b, gsB)

    plsc.subcore_barrier()
    pltpu.sync_copy(agg_sh.at[pl.ds(r0, rows_per_tile)],
                    out_hbm.at[cid, pl.ds(r0, rows_per_tile)])

  return seg


def _embed_tc(x_ref, w_ref, b_ref, o_ref):
  o_ref[...] = jnp.maximum(
      jnp.dot(x_ref[...], w_ref[...], preferred_element_type=jnp.float32)
      + b_ref[...], 0.0)


def _make_level_tc(N, H):
  def body(h_ref, parts_ref, w_ref, b_ref, g_ref, bb_ref, o_ref):
    agg = parts_ref[0, :N, :] + parts_ref[1, :N, :]
    comb = jnp.dot(jnp.concatenate([h_ref[...], agg], axis=-1), w_ref[...],
                   preferred_element_type=jnp.float32) + b_ref[...]
    mu = jnp.mean(comb, axis=-1, keepdims=True)
    var = jnp.mean((comb - mu) ** 2, axis=-1, keepdims=True)
    y = (comb - mu) / jnp.sqrt(var + 1e-5) * g_ref[...] + bb_ref[...]
    o_ref[...] = jnp.maximum(y, 0.0)
  return body


def _make_readout_tc(B):
  def body(nb_ref, h_ref, p1w_ref, p1b_ref, bng_ref, bnb_ref,
           p2w_ref, p2b_ref, o_ref):
    nb = nb_ref[...]
    seg_ids = lax.broadcasted_iota(jnp.int32, (B, nb.shape[1]), 0)
    m = (nb == seg_ids).astype(jnp.float32)
    gr = jnp.dot(m, h_ref[...], preferred_element_type=jnp.float32,
                 precision=_PREC)
    z = jnp.dot(gr, p1w_ref[...],
                preferred_element_type=jnp.float32) + p1b_ref[...]
    z = jnp.maximum(z * bng_ref[...] + bnb_ref[...], 0.0)
    o_ref[...] = jnp.dot(z, p2w_ref[...],
                         preferred_element_type=jnp.float32) + p2b_ref[...]
  return body


def kernel(x, edge_index, node_batch, W_in, b_in, W_lv, b_lv, ln_g, ln_b,
           p1_W, p1_b, bn_g, bn_b, p2_W, p2_b):
  N, D = x.shape
  H = W_in.shape[1]
  E = edge_index.shape[1]
  HEIGHT = W_lv.shape[0]
  B = 128

  T = -(-E // _CH)
  step = 2 * _K
  n0 = max(step, (int(T * _F0) // (_NS * step)) * step)
  n1 = max(step, -(-(T - _NS * n0) // (_NS * step)) * step)
  T_cap = _NS * (n0 + n1)
  T_alloc = T_cap + max(n0, n1)
  E_pad = T_alloc * _CH
  N_pad = ((N + 1 + _NS * 8 - 1) // (_NS * 8)) * (_NS * 8)

  src = edge_index[0]
  dst = edge_index[1]
  pad = E_pad - E
  if pad:
    src = jnp.concatenate([src, jnp.zeros((pad,), jnp.int32)])
    dst = jnp.concatenate([dst, jnp.full((pad,), N_pad - 1, jnp.int32)])
  src_r = src.reshape(T_alloc, _CH)
  dst_r = dst.reshape(T_alloc, _CH)
  zeros = jnp.zeros((N_pad, H), jnp.float32)

  seg = _seg_sum_sc(N_pad, H, n0, n1)
  level = _make_level_tc(N, H)

  h = pl.pallas_call(
      _embed_tc,
      out_shape=jax.ShapeDtypeStruct((N, H), jnp.float32),
  )(x, W_in, b_in.reshape(1, H))

  for l in range(HEIGHT):
    parts = seg(h, src_r, dst_r, zeros)
    h = pl.pallas_call(
        level,
        out_shape=jax.ShapeDtypeStruct((N, H), jnp.float32),
    )(h, parts, W_lv[l], b_lv[l].reshape(1, H),
      ln_g[l].reshape(1, H), ln_b[l].reshape(1, H))

  p2w_pad = jnp.pad(p2_W, ((0, 0), (0, 127)))
  p2b_pad = jnp.broadcast_to(p2_b.reshape(1, 1), (1, 128))
  out = pl.pallas_call(
      _make_readout_tc(B),
      out_shape=jax.ShapeDtypeStruct((B, 128), jnp.float32),
  )(node_batch.reshape(1, N), h, p1_W, p1_b.reshape(1, H),
    bn_g.reshape(1, H), bn_b.reshape(1, H), p2w_pad, p2b_pad)
  return out[:, :1]

# --- scband reference (transcript-rebuilt; emitter-appended) ---
"""Pipeline reference for scband-rfgnn-predictor-54623394070804 (READ-ONLY COPY).

The authoritative reference and input builder live on the scoring server;
editing this copy changes nothing except your own understanding.
"""

import jax, jax.numpy as jnp
import numpy as np

N = 10000
E = 320000
D = 128
H = 64
HEIGHT = 3
B = 128


def _layer_norm(h, g, b, eps=1e-5):
    mu = jnp.mean(h, axis=-1, keepdims=True)
    var = jnp.var(h, axis=-1, keepdims=True)
    return (h - mu) / jnp.sqrt(var + eps) * g + b


def setup_inputs(seed: int = 0) -> dict:
    key = jax.random.key(seed)
    ks = jax.random.split(key, 16)
    x = jax.random.normal(ks[0], (N, D), dtype=jnp.float32)
    edge_index = jax.random.randint(ks[1], (2, E), 0, N, dtype=jnp.int32)
    node_batch = jnp.sort(jax.random.randint(ks[2], (N,), 0, B, dtype=jnp.int32))
    s_in = 1.0 / np.sqrt(D)
    s_lv = 1.0 / np.sqrt(2 * H)
    s_h = 1.0 / np.sqrt(H)
    W_in = jax.random.uniform(ks[3], (D, H), jnp.float32, -s_in, s_in)
    b_in = jnp.zeros((H,), jnp.float32)
    W_lv = jax.random.uniform(ks[4], (HEIGHT, 2 * H, H), jnp.float32, -s_lv, s_lv)
    b_lv = jnp.zeros((HEIGHT, H), jnp.float32)
    ln_g = jnp.ones((HEIGHT, H), jnp.float32)
    ln_b = jnp.zeros((HEIGHT, H), jnp.float32)
    p1_W = jax.random.uniform(ks[5], (H, H), jnp.float32, -s_h, s_h)
    p1_b = jnp.zeros((H,), jnp.float32)
    bn_g = jnp.ones((H,), jnp.float32)
    bn_b = jnp.zeros((H,), jnp.float32)
    p2_W = jax.random.uniform(ks[6], (H, 1), jnp.float32, -s_h, s_h)
    p2_b = jnp.zeros((1,), jnp.float32)
    return {"x": x, "edge_index": edge_index, "node_batch": node_batch,
            "W_in": W_in, "b_in": b_in, "W_lv": W_lv, "b_lv": b_lv,
            "ln_g": ln_g, "ln_b": ln_b, "p1_W": p1_W, "p1_b": p1_b,
            "bn_g": bn_g, "bn_b": bn_b, "p2_W": p2_W, "p2_b": p2_b}


def reference(x, edge_index, node_batch, W_in, b_in, W_lv, b_lv, ln_g, ln_b,
              p1_W, p1_b, bn_g, bn_b, p2_W, p2_b):
    # Tree_INIT: embed continuous node features
    h = jax.nn.relu(x @ W_in + b_in)
    src = edge_index[0]
    dst = edge_index[1]
    # Tree_BottomUp: `height` levels of child->parent sum aggregation
    for l in range(HEIGHT):
        msg = jnp.take(h, src, axis=0)            # gather child reprs
        agg = jax.ops.segment_sum(msg, dst, num_segments=N)  # child_agg='sum'
        comb = jnp.concatenate([h, agg], axis=-1) @ W_lv[l] + b_lv[l]
        h = jax.nn.relu(_layer_norm(comb, ln_g[l], ln_b[l]))
    # readout='sum' over node_batch (aggfn)
    graph_repr = jax.ops.segment_sum(h, node_batch, num_segments=B)
    # predictor: Linear -> BN(eval: affine) -> ReLU -> (Dropout off) -> Linear
    z = graph_repr @ p1_W + p1_b
    z = z * bn_g + bn_b
    z = jax.nn.relu(z)
    out = z @ p2_W + p2_b
    return out

if __name__ == "__main__":
    import jax
    _d = setup_inputs()
    print(jax.jit(kernel)(*tuple(_d.values())))

</pallas_src>

<mosaic_0001>
#map = affine_map<(d0, d1) -> (0, 0)>
#map1 = affine_map<(d0, d1) -> (0, 0, 0)>
module attributes {stable_mosaic.version = 14 : i64} {
  func.func @seg(%arg0: i32, %arg1: i32, %arg2: memref<10000x64xf32, #tpu.memory_space<hbm>>, %arg3: memref<2730x128xi32, #tpu.memory_space<hbm>>, %arg4: memref<2730x128xi32, #tpu.memory_space<hbm>>, %arg5: memref<10112x64xf32, #tpu.memory_space<hbm>>, %arg6: memref<2x10112x64xf32, #tpu.memory_space<hbm>>, %arg7: memref<138x128xi32, #tpu.memory_space<vmem>>, %arg8: memref<138x128xi32, #tpu.memory_space<vmem>>, %arg9: memref<768x64xf32, #tpu.memory_space<vmem>>, %arg10: memref<10112x64xf32, #tpu.memory_space<vmem_shared>>, %arg11: memref<!tpu.dma_semaphore, #tpu.memory_space<semaphore_mem>>, %arg12: memref<!tpu.dma_semaphore, #tpu.memory_space<semaphore_mem>>) attributes {dimension_semantics = [#tpu.dimension_semantics<core_parallel>, #tpu.dimension_semantics<subcore_parallel>], iteration_bounds = array<i64: 2, 16>, scalar_prefetch = 0 : i64, scratch_operands = 6 : i64, tpu.core_type = #tpu.core_type<sc_vector_subcore>, window_params = [{transform_indices = #map}, {transform_indices = #map}, {transform_indices = #map}, {transform_indices = #map}, {transform_indices = #map1}]} {
    %mul3A = arith.constant 632 : i32
    %mul3A_0 = arith.muli %arg1, %mul3A : i32
    %eq3A = arith.constant 0 : i32
    %eq3A_1 = arith.cmpi eq, %arg0, %eq3A : i32
    %mul3A_2 = arith.constant 24 : i32
    %mul3A_3 = arith.muli %arg1, %mul3A_2 : i32
    %mul3A_4 = arith.constant 138 : i32
    %mul3A_5 = arith.muli %arg1, %mul3A_4 : i32
    %add3A = arith.constant 384 : i32
    %add3A_6 = arith.addi %add3A, %mul3A_5 : i32
    %select_n3A = arith.select %eq3A_1, %mul3A_3, %add3A_6 : i32
    %eq3A_7 = arith.constant 0 : i32
    %eq3A_8 = arith.cmpi eq, %arg0, %eq3A_7 : i32
    %jit3A = arith.constant 24 : i32
    %jit3A_9 = arith.constant 138 : i32
    %select_n3A_10 = arith.select %eq3A_8, %jit3A, %jit3A_9 : i32
    "tpu.region"() ({
      %run_scoped3A = tpu.sem_alloc : memref<!tpu.dma_semaphore, #tpu.memory_space<semaphore_mem>>
      %dma_start3A_107 = arith.constant 0 : i32
      %dma_start3A_108 = tpu.memref_slice %arg10[%mul3A_0, %dma_start3A_107] : memref<10112x64xf32, #tpu.memory_space<vmem_shared>> -> memref<632x64xf32, #tpu.memory_space<vmem_shared>>
      %dma_start3A_109 = arith.constant 0 : i32
      %dma_start3A_110 = tpu.memref_slice %arg5[%mul3A_0, %dma_start3A_109] : memref<10112x64xf32, #tpu.memory_space<hbm>> -> memref<632x64xf32, #tpu.memory_space<hbm>>
      tpu.enqueue_dma source(%dma_start3A_110 : memref<632x64xf32, #tpu.memory_space<hbm>>) target(%dma_start3A_108 : memref<632x64xf32, #tpu.memory_space<vmem_shared>>) target_semaphore(%run_scoped3A : memref<!tpu.dma_semaphore, #tpu.memory_space<semaphore_mem>>)
      %dma_wait3A = arith.constant 0 : i32
      %dma_wait3A_111 = tpu.memref_slice %arg10[%mul3A_0, %dma_wait3A] : memref<10112x64xf32, #tpu.memory_space<vmem_shared>> -> memref<632x64xf32, #tpu.memory_space<vmem_shared>>
      %dma_wait3A_112 = arith.constant 0 : i32
      %dma_wait3A_113 = tpu.memref_slice %arg5[%mul3A_0, %dma_wait3A_112] : memref<10112x64xf32, #tpu.memory_space<hbm>> -> memref<632x64xf32, #tpu.memory_space<hbm>>
      tpu.wait_dma2 semaphore(%run_scoped3A : memref<!tpu.dma_semaphore, #tpu.memory_space<semaphore_mem>>) src(%dma_wait3A_113 : memref<632x64xf32, #tpu.memory_space<hbm>>) dst(%dma_wait3A_111 : memref<632x64xf32, #tpu.memory_space<vmem_shared>>)
      tpu.yield
    }) : () -> ()
    "tpu.region"() ({
      %run_scoped3A = tpu.sem_alloc : memref<!tpu.dma_semaphore, #tpu.memory_space<semaphore_mem>>
      %dma_start3A_107 = arith.constant 0 : i32
      %dma_start3A_108 = tpu.memref_slice %arg3[%select_n3A, %dma_start3A_107] : memref<2730x128xi32, #tpu.memory_space<hbm>> -> memref<138x128xi32, #tpu.memory_space<hbm>>
      %dma_start3A_109 = arith.constant 0 : i32
      %dma_start3A_110 = tpu.memref_slice %arg3[%select_n3A, %dma_start3A_109] : memref<2730x128xi32, #tpu.memory_space<hbm>> -> memref<138x128xi32, #tpu.memory_space<hbm>>
      tpu.enqueue_dma source(%dma_start3A_110 : memref<138x128xi32, #tpu.memory_space<hbm>>) target(%arg7 : memref<138x128xi32, #tpu.memory_space<vmem>>) target_semaphore(%run_scoped3A : memref<!tpu.dma_semaphore, #tpu.memory_space<semaphore_mem>>)
      %dma_wait3A = arith.constant 0 : i32
      %dma_wait3A_111 = tpu.memref_slice %arg3[%select_n3A, %dma_wait3A] : memref<2730x128xi32, #tpu.memory_space<hbm>> -> memref<138x128xi32, #tpu.memory_space<hbm>>
      %dma_wait3A_112 = arith.constant 0 : i32
      %dma_wait3A_113 = tpu.memref_slice %arg3[%select_n3A, %dma_wait3A_112] : memref<2730x128xi32, #tpu.memory_space<hbm>> -> memref<138x128xi32, #tpu.memory_space<hbm>>
      tpu.wait_dma2 semaphore(%run_scoped3A : memref<!tpu.dma_semaphore, #tpu.memory_space<semaphore_mem>>) src(%dma_wait3A_113 : memref<138x128xi32, #tpu.memory_space<hbm>>) dst(%arg7 : memref<138x128xi32, #tpu.memory_space<vmem>>)
      tpu.yield
    }) : () -> ()
    "tpu.region"() ({
      %run_scoped3A = tpu.sem_alloc : memref<!tpu.dma_semaphore, #tpu.memory_space<semaphore_mem>>
      %dma_start3A_107 = arith.constant 0 : i32
      %dma_start3A_108 = tpu.memref_slice %arg4[%select_n3A, %dma_start3A_107] : memref<2730x128xi32, #tpu.memory_space<hbm>> -> memref<138x128xi32, #tpu.memory_space<hbm>>
      %dma_start3A_109 = arith.constant 0 : i32
      %dma_start3A_110 = tpu.memref_slice %arg4[%select_n3A, %dma_start3A_109] : memref<2730x128xi32, #tpu.memory_space<hbm>> -> memref<138x128xi32, #tpu.memory_space<hbm>>
      tpu.enqueue_dma source(%dma_start3A_110 : memref<138x128xi32, #tpu.memory_space<hbm>>) target(%arg8 : memref<138x128xi32, #tpu.memory_space<vmem>>) target_semaphore(%run_scoped3A : memref<!tpu.dma_semaphore, #tpu.memory_space<semaphore_mem>>)
      %dma_wait3A = arith.constant 0 : i32
      %dma_wait3A_111 = tpu.memref_slice %arg4[%select_n3A, %dma_wait3A] : memref<2730x128xi32, #tpu.memory_space<hbm>> -> memref<138x128xi32, #tpu.memory_space<hbm>>
      %dma_wait3A_112 = arith.constant 0 : i32
      %dma_wait3A_113 = tpu.memref_slice %arg4[%select_n3A, %dma_wait3A_112] : memref<2730x128xi32, #tpu.memory_space<hbm>> -> memref<138x128xi32, #tpu.memory_space<hbm>>
      tpu.wait_dma2 semaphore(%run_scoped3A : memref<!tpu.dma_semaphore, #tpu.memory_space<semaphore_mem>>) src(%dma_wait3A_113 : memref<138x128xi32, #tpu.memory_space<hbm>>) dst(%arg8 : memref<138x128xi32, #tpu.memory_space<vmem>>)
      tpu.yield
    }) : () -> ()
    %barrier3A = arith.constant 0 : index
    tpu.barrier barrier_id(%barrier3A)
    %dma_start3A = arith.constant 0 : i32
    %dma_start3A_11 = arith.constant 0 : i32
    %dma_start3A_12 = arith.constant 0 : i32
    %dma_start3A_13 = tpu.memref_slice %arg9[%dma_start3A_11, %dma_start3A_12] : memref<768x64xf32, #tpu.memory_space<vmem>> -> memref<128x64xf32, #tpu.memory_space<vmem>>
    %dma_start3A_14 = arith.constant 0 : i32
    %dma_start3A_15 = tpu.memref_slice %arg7[%dma_start3A, %dma_start3A_14] : memref<138x128xi32, #tpu.memory_space<vmem>> -> memref<1x128xi32, #tpu.memory_space<vmem>>
    %dma_start3A_16 = tpu.memref_squeeze %dma_start3A_15 : memref<1x128xi32, #tpu.memory_space<vmem>> -> memref<128xi32, #tpu.memory_space<vmem>>
    %dma_start3A_17 = arith.constant 0 : i32
    %dma_start3A_18 = arith.constant 0 : i32
    %dma_start3A_19 = tpu.memref_slice %arg2[%dma_start3A_17, %dma_start3A_18] : memref<10000x64xf32, #tpu.memory_space<hbm>> -> memref<10000x64xf32, #tpu.memory_space<hbm>>
    tpu.enqueue_indirect_dma source(%dma_start3A_19 : memref<10000x64xf32, #tpu.memory_space<hbm>>) target(%dma_start3A_13 : memref<128x64xf32, #tpu.memory_space<vmem>>) offsets(%dma_start3A_16 : memref<128xi32, #tpu.memory_space<vmem>>) semaphore(%arg11 : memref<!tpu.dma_semaphore, #tpu.memory_space<semaphore_mem>>)
    %dma_start3A_20 = arith.constant 3 : i32
    %dma_start3A_21 = arith.constant 384 : i32
    %dma_start3A_22 = arith.constant 0 : i32
    %dma_start3A_23 = tpu.memref_slice %arg9[%dma_start3A_21, %dma_start3A_22] : memref<768x64xf32, #tpu.memory_space<vmem>> -> memref<128x64xf32, #tpu.memory_space<vmem>>
    %dma_start3A_24 = arith.constant 0 : i32
    %dma_start3A_25 = tpu.memref_slice %arg7[%dma_start3A_20, %dma_start3A_24] : memref<138x128xi32, #tpu.memory_space<vmem>> -> memref<1x128xi32, #tpu.memory_space<vmem>>
    %dma_start3A_26 = tpu.memref_squeeze %dma_start3A_25 : memref<1x128xi32, #tpu.memory_space<vmem>> -> memref<128xi32, #tpu.memory_space<vmem>>
    %dma_start3A_27 = arith.constant 0 : i32
    %dma_start3A_28 = arith.constant 0 : i32
    %dma_start3A_29 = tpu.memref_slice %arg2[%dma_start3A_27, %dma_start3A_28] : memref<10000x64xf32, #tpu.memory_space<hbm>> -> memref<10000x64xf32, #tpu.memory_space<hbm>>
    tpu.enqueue_indirect_dma source(%dma_start3A_29 : memref<10000x64xf32, #tpu.memory_space<hbm>>) target(%dma_start3A_23 : memref<128x64xf32, #tpu.memory_space<vmem>>) offsets(%dma_start3A_26 : memref<128xi32, #tpu.memory_space<vmem>>) semaphore(%arg12 : memref<!tpu.dma_semaphore, #tpu.memory_space<semaphore_mem>>)
    %dma_start3A_30 = arith.constant 1 : i32
    %dma_start3A_31 = arith.constant 128 : i32
    %dma_start3A_32 = arith.constant 0 : i32
    %dma_start3A_33 = tpu.memref_slice %arg9[%dma_start3A_31, %dma_start3A_32] : memref<768x64xf32, #tpu.memory_space<vmem>> -> memref<128x64xf32, #tpu.memory_space<vmem>>
    %dma_start3A_34 = arith.constant 0 : i32
    %dma_start3A_35 = tpu.memref_slice %arg7[%dma_start3A_30, %dma_start3A_34] : memref<138x128xi32, #tpu.memory_space<vmem>> -> memref<1x128xi32, #tpu.memory_space<vmem>>
    %dma_start3A_36 = tpu.memref_squeeze %dma_start3A_35 : memref<1x128xi32, #tpu.memory_space<vmem>> -> memref<128xi32, #tpu.memory_space<vmem>>
    %dma_start3A_37 = arith.constant 0 : i32
    %dma_start3A_38 = arith.constant 0 : i32
    %dma_start3A_39 = tpu.memref_slice %arg2[%dma_start3A_37, %dma_start3A_38] : memref<10000x64xf32, #tpu.memory_space<hbm>> -> memref<10000x64xf32, #tpu.memory_space<hbm>>
    tpu.enqueue_indirect_dma source(%dma_start3A_39 : memref<10000x64xf32, #tpu.memory_space<hbm>>) target(%dma_start3A_33 : memref<128x64xf32, #tpu.memory_space<vmem>>) offsets(%dma_start3A_36 : memref<128xi32, #tpu.memory_space<vmem>>) semaphore(%arg11 : memref<!tpu.dma_semaphore, #tpu.memory_space<semaphore_mem>>)
    %dma_start3A_40 = arith.constant 4 : i32
    %dma_start3A_41 = arith.constant 512 : i32
    %dma_start3A_42 = arith.constant 0 : i32
    %dma_start3A_43 = tpu.memref_slice %arg9[%dma_start3A_41, %dma_start3A_42] : memref<768x64xf32, #tpu.memory_space<vmem>> -> memref<128x64xf32, #tpu.memory_space<vmem>>
    %dma_start3A_44 = arith.constant 0 : i32
    %dma_start3A_45 = tpu.memref_slice %arg7[%dma_start3A_40, %dma_start3A_44] : memref<138x128xi32, #tpu.memory_space<vmem>> -> memref<1x128xi32, #tpu.memory_space<vmem>>
    %dma_start3A_46 = tpu.memref_squeeze %dma_start3A_45 : memref<1x128xi32, #tpu.memory_space<vmem>> -> memref<128xi32, #tpu.memory_space<vmem>>
    %dma_start3A_47 = arith.constant 0 : i32
    %dma_start3A_48 = arith.constant 0 : i32
    %dma_start3A_49 = tpu.memref_slice %arg2[%dma_start3A_47, %dma_start3A_48] : memref<10000x64xf32, #tpu.memory_space<hbm>> -> memref<10000x64xf32, #tpu.memory_space<hbm>>
    tpu.enqueue_indirect_dma source(%dma_start3A_49 : memref<10000x64xf32, #tpu.memory_space<hbm>>) target(%dma_start3A_43 : memref<128x64xf32, #tpu.memory_space<vmem>>) offsets(%dma_start3A_46 : memref<128xi32, #tpu.memory_space<vmem>>) semaphore(%arg12 : memref<!tpu.dma_semaphore, #tpu.memory_space<semaphore_mem>>)
    %dma_start3A_50 = arith.constant 2 : i32
    %dma_start3A_51 = arith.constant 256 : i32
    %dma_start3A_52 = arith.constant 0 : i32
    %dma_start3A_53 = tpu.memref_slice %arg9[%dma_start3A_51, %dma_start3A_52] : memref<768x64xf32, #tpu.memory_space<vmem>> -> memref<128x64xf32, #tpu.memory_space<vmem>>
    %dma_start3A_54 = arith.constant 0 : i32
    %dma_start3A_55 = tpu.memref_slice %arg7[%dma_start3A_50, %dma_start3A_54] : memref<138x128xi32, #tpu.memory_space<vmem>> -> memref<1x128xi32, #tpu.memory_space<vmem>>
    %dma_start3A_56 = tpu.memref_squeeze %dma_start3A_55 : memref<1x128xi32, #tpu.memory_space<vmem>> -> memref<128xi32, #tpu.memory_space<vmem>>
    %dma_start3A_57 = arith.constant 0 : i32
    %dma_start3A_58 = arith.constant 0 : i32
    %dma_start3A_59 = tpu.memref_slice %arg2[%dma_start3A_57, %dma_start3A_58] : memref<10000x64xf32, #tpu.memory_space<hbm>> -> memref<10000x64xf32, #tpu.memory_space<hbm>>
    tpu.enqueue_indirect_dma source(%dma_start3A_59 : memref<10000x64xf32, #tpu.memory_space<hbm>>) target(%dma_start3A_53 : memref<128x64xf32, #tpu.memory_space<vmem>>) offsets(%dma_start3A_56 : memref<128xi32, #tpu.memory_space<vmem>>) semaphore(%arg11 : memref<!tpu.dma_semaphore, #tpu.memory_space<semaphore_mem>>)
    %dma_start3A_60 = arith.constant 5 : i32
    %dma_start3A_61 = arith.constant 640 : i32
    %dma_start3A_62 = arith.constant 0 : i32
    %dma_start3A_63 = tpu.memref_slice %arg9[%dma_start3A_61, %dma_start3A_62] : memref<768x64xf32, #tpu.memory_space<vmem>> -> memref<128x64xf32, #tpu.memory_space<vmem>>
    %dma_start3A_64 = arith.constant 0 : i32
    %dma_start3A_65 = tpu.memref_slice %arg7[%dma_start3A_60, %dma_start3A_64] : memref<138x128xi32, #tpu.memory_space<vmem>> -> memref<1x128xi32, #tpu.memory_space<vmem>>
    %dma_start3A_66 = tpu.memref_squeeze %dma_start3A_65 : memref<1x128xi32, #tpu.memory_space<vmem>> -> memref<128xi32, #tpu.memory_space<vmem>>
    %dma_start3A_67 = arith.constant 0 : i32
    %dma_start3A_68 = arith.constant 0 : i32
    %dma_start3A_69 = tpu.memref_slice %arg2[%dma_start3A_67, %dma_start3A_68] : memref<10000x64xf32, #tpu.memory_space<hbm>> -> memref<10000x64xf32, #tpu.memory_space<hbm>>
    tpu.enqueue_indirect_dma source(%dma_start3A_69 : memref<10000x64xf32, #tpu.memory_space<hbm>>) target(%dma_start3A_63 : memref<128x64xf32, #tpu.memory_space<vmem>>) offsets(%dma_start3A_66 : memref<128xi32, #tpu.memory_space<vmem>>) semaphore(%arg12 : memref<!tpu.dma_semaphore, #tpu.memory_space<semaphore_mem>>)
    %jit3A_70 = arith.constant 6 : i32
    %div3A = arith.divsi %select_n3A_10, %jit3A_70 : i32
    %sign3A = arith.constant 0 : i32
    %sign3A_71 = arith.cmpi sgt, %select_n3A_10, %sign3A : i32
    %sign3A_72 = arith.extui %sign3A_71 : i1 to i32
    %sign3A_73 = arith.constant 0 : i32
    %sign3A_74 = arith.cmpi slt, %select_n3A_10, %sign3A_73 : i32
    %sign3A_75 = arith.extui %sign3A_74 : i1 to i32
    %sign3A_76 = arith.subi %sign3A_72, %sign3A_75 : i32
    %sign3A_77 = arith.constant 0 : i32
    %sign3A_78 = arith.cmpi sgt, %jit3A_70, %sign3A_77 : i32
    %sign3A_79 = arith.extui %sign3A_78 : i1 to i32
    %sign3A_80 = arith.constant 0 : i32
    %sign3A_81 = arith.cmpi slt, %jit3A_70, %sign3A_80 : i32
    %sign3A_82 = arith.extui %sign3A_81 : i1 to i32
    %sign3A_83 = arith.subi %sign3A_79, %sign3A_82 : i32
    %ne3A = arith.cmpi ne, %sign3A_76, %sign3A_83 : i32
    %rem3A = arith.remsi %select_n3A_10, %jit3A_70 : i32
    %ne3A_84 = arith.constant 0 : i32
    %ne3A_85 = arith.cmpi ne, %rem3A, %ne3A_84 : i32
    %and3A = arith.andi %ne3A, %ne3A_85 : i1
    %sub3A = arith.constant 1 : i32
    %sub3A_86 = arith.subi %div3A, %sub3A : i32
    %select_n3A_87 = arith.select %and3A, %sub3A_86, %div3A : i32
    %sub3A_88 = arith.constant 0 : i32
    %sub3A_89 = arith.subi %select_n3A_87, %sub3A_88 : i32
    %sub3A_90 = arith.constant 1 : i32
    %sub3A_91 = arith.constant 1 : i32
    %sub3A_92 = arith.subi %sub3A_90, %sub3A_91 : i32
    %add3A_93 = arith.addi %sub3A_89, %sub3A_92 : i32
    %div3A_94 = arith.constant 1 : i32
    %div3A_95 = arith.divsi %add3A_93, %div3A_94 : i32
    %while3A = arith.constant 1 : i32
    %while3A_96 = arith.constant 0 : i32
    %while3A_97 = arith.constant 0 : i32
    %while3A_98 = arith.subi %div3A_95, %while3A_97 : i32
    %while3A_99 = arith.addi %while3A_97, %while3A_98 : i32
    %while3A_100 = arith.constant 1 : i32
    %while3A_101 = arith.divsi %while3A_98, %while3A_100 : i32
    %while3A_102 = arith.muli %while3A_101, %while3A_100 : i32
    %while3A_103 = arith.addi %while3A_97, %while3A_102 : i32
    %while3A_104 = arith.constant 1 : i32
    scf.for %while3A_107 = %while3A_97 to %while3A_103 step %while3A_104  : i32 {
      %mul3A_108 = arith.muli %while3A_107, %while3A : i32
      %add3A_109 = arith.addi %while3A_96, %mul3A_108 : i32
      %mul3A_110 = arith.constant 6 : i32
      %mul3A_111 = arith.muli %add3A_109, %mul3A_110 : i32
      %dma_wait3A = arith.constant 0 : i32
      %dma_wait3A_112 = arith.constant 0 : i32
      %dma_wait3A_113 = tpu.memref_slice %arg9[%dma_wait3A, %dma_wait3A_112] : memref<768x64xf32, #tpu.memory_space<vmem>> -> memref<384x64xf32, #tpu.memory_space<vmem>>
      %dma_wait3A_114 = arith.constant 0 : i32
      %dma_wait3A_115 = arith.constant 0 : i32
      %dma_wait3A_116 = tpu.memref_slice %arg5[%dma_wait3A_114, %dma_wait3A_115] : memref<10112x64xf32, #tpu.memory_space<hbm>> -> memref<384x64xf32, #tpu.memory_space<hbm>>
      %dma_wait3A_117 = arith.constant 0 : i32
      %dma_wait3A_118 = arith.constant 0 : i32
      %dma_wait3A_119 = tpu.memref_slice %arg9[%dma_wait3A_117, %dma_wait3A_118] : memref<768x64xf32, #tpu.memory_space<vmem>> -> memref<384x64xf32, #tpu.memory_space<vmem>>
      %dma_wait3A_120 = arith.constant 0 : i32
      %dma_wait3A_121 = arith.constant 0 : i32
      %dma_wait3A_122 = tpu.memref_slice %arg5[%dma_wait3A_120, %dma_wait3A_121] : memref<10112x64xf32, #tpu.memory_space<hbm>> -> memref<384x64xf32, #tpu.memory_space<hbm>>
      tpu.wait_dma2 semaphore(%arg11 : memref<!tpu.dma_semaphore, #tpu.memory_space<semaphore_mem>>) src(%dma_wait3A_122 : memref<384x64xf32, #tpu.memory_space<hbm>>) dst(%dma_wait3A_119 : memref<384x64xf32, #tpu.memory_space<vmem>>)
      %add3A_123 = arith.constant 0 : i32
      %add3A_124 = arith.addi %mul3A_111, %add3A_123 : i32
      "tpu.region"() ({
        %run_scoped3A = tpu.sem_alloc : memref<!tpu.dma_semaphore, #tpu.memory_space<semaphore_mem>>
        %dma_start3A_162 = arith.constant 0 : i32
        %dma_start3A_163 = arith.constant 0 : i32
        %dma_start3A_164 = tpu.memref_slice %arg9[%dma_start3A_162, %dma_start3A_163] : memref<768x64xf32, #tpu.memory_space<vmem>> -> memref<128x64xf32, #tpu.memory_space<vmem>>
        %dma_start3A_165 = arith.constant 0 : i32
        %dma_start3A_166 = tpu.memref_slice %arg8[%add3A_124, %dma_start3A_165] : memref<138x128xi32, #tpu.memory_space<vmem>> -> memref<1x128xi32, #tpu.memory_space<vmem>>
        %dma_start3A_167 = tpu.memref_squeeze %dma_start3A_166 : memref<1x128xi32, #tpu.memory_space<vmem>> -> memref<128xi32, #tpu.memory_space<vmem>>
        %dma_start3A_168 = arith.constant 0 : i32
        %dma_start3A_169 = arith.constant 0 : i32
        %dma_start3A_170 = tpu.memref_slice %arg10[%dma_start3A_168, %dma_start3A_169] : memref<10112x64xf32, #tpu.memory_space<vmem_shared>> -> memref<10112x64xf32, #tpu.memory_space<vmem_shared>>
        tpu.enqueue_indirect_dma source(%dma_start3A_164 : memref<128x64xf32, #tpu.memory_space<vmem>>) target(%dma_start3A_170 : memref<10112x64xf32, #tpu.memory_space<vmem_shared>>) offsets(%dma_start3A_167 : memref<128xi32, #tpu.memory_space<vmem>>) semaphore(%run_scoped3A : memref<!tpu.dma_semaphore, #tpu.memory_space<semaphore_mem>>) {add = true}
        %dma_wait3A_171 = arith.constant 0 : i32
        %dma_wait3A_172 = arith.constant 0 : i32
        %dma_wait3A_173 = tpu.memref_slice %arg9[%dma_wait3A_171, %dma_wait3A_172] : memref<768x64xf32, #tpu.memory_space<vmem>> -> memref<128x64xf32, #tpu.memory_space<vmem>>
        %dma_wait3A_174 = arith.constant 0 : i32
        %dma_wait3A_175 = tpu.memref_slice %arg8[%add3A_124, %dma_wait3A_174] : memref<138x128xi32, #tpu.memory_space<vmem>> -> memref<1x128xi32, #tpu.memory_space<vmem>>
        %dma_wait3A_176 = tpu.memref_squeeze %dma_wait3A_175 : memref<1x128xi32, #tpu.memory_space<vmem>> -> memref<128xi32, #tpu.memory_space<vmem>>
        %dma_wait3A_177 = arith.constant 0 : i32
        %dma_wait3A_178 = arith.constant 0 : i32
        %dma_wait3A_179 = tpu.memref_slice %arg10[%dma_wait3A_177, %dma_wait3A_178] : memref<10112x64xf32, #tpu.memory_space<vmem_shared>> -> memref<10112x64xf32, #tpu.memory_space<vmem_shared>>
        tpu.wait_indirect_dma semaphore(%run_scoped3A : memref<!tpu.dma_semaphore, #tpu.memory_space<semaphore_mem>>) src(%dma_wait3A_173 : memref<128x64xf32, #tpu.memory_space<vmem>>) dst(%dma_wait3A_179 : memref<10112x64xf32, #tpu.memory_space<vmem_shared>>)
        tpu.yield
      }) : () -> ()
      %add3A_125 = arith.constant 1 : i32
      %add3A_126 = arith.addi %mul3A_111, %add3A_125 : i32
      "tpu.region"() ({
        %run_scoped3A = tpu.sem_alloc : memref<!tpu.dma_semaphore, #tpu.memory_space<semaphore_mem>>
        %dma_start3A_162 = arith.constant 128 : i32
        %dma_start3A_163 = arith.constant 0 : i32
        %dma_start3A_164 = tpu.memref_slice %arg9[%dma_start3A_162, %dma_start3A_163] : memref<768x64xf32, #tpu.memory_space<vmem>> -> memref<128x64xf32, #tpu.memory_space<vmem>>
        %dma_start3A_165 = arith.constant 0 : i32
        %dma_start3A_166 = tpu.memref_slice %arg8[%add3A_126, %dma_start3A_165] : memref<138x128xi32, #tpu.memory_space<vmem>> -> memref<1x128xi32, #tpu.memory_space<vmem>>
        %dma_start3A_167 = tpu.memref_squeeze %dma_start3A_166 : memref<1x128xi32, #tpu.memory_space<vmem>> -> memref<128xi32, #tpu.memory_space<vmem>>
        %dma_start3A_168 = arith.constant 0 : i32
        %dma_start3A_169 = arith.constant 0 : i32
        %dma_start3A_170 = tpu.memref_slice %arg10[%dma_start3A_168, %dma_start3A_169] : memref<10112x64xf32, #tpu.memory_space<vmem_shared>> -> memref<10112x64xf32, #tpu.memory_space<vmem_shared>>
        tpu.enqueue_indirect_dma source(%dma_start3A_164 : memref<128x64xf32, #tpu.memory_space<vmem>>) target(%dma_start3A_170 : memref<10112x64xf32, #tpu.memory_space<vmem_shared>>) offsets(%dma_start3A_167 : memref<128xi32, #tpu.memory_space<vmem>>) semaphore(%run_scoped3A : memref<!tpu.dma_semaphore, #tpu.memory_space<semaphore_mem>>) {add = true}
        %dma_wait3A_171 = arith.constant 128 : i32
        %dma_wait3A_172 = arith.constant 0 : i32
        %dma_wait3A_173 = tpu.memref_slice %arg9[%dma_wait3A_171, %dma_wait3A_172] : memref<768x64xf32, #tpu.memory_space<vmem>> -> memref<128x64xf32, #tpu.memory_space<vmem>>
        %dma_wait3A_174 = arith.constant 0 : i32
        %dma_wait3A_175 = tpu.memref_slice %arg8[%add3A_126, %dma_wait3A_174] : memref<138x128xi32, #tpu.memory_space<vmem>> -> memref<1x128xi32, #tpu.memory_space<vmem>>
        %dma_wait3A_176 = tpu.memref_squeeze %dma_wait3A_175 : memref<1x128xi32, #tpu.memory_space<vmem>> -> memref<128xi32, #tpu.memory_space<vmem>>
        %dma_wait3A_177 = arith.constant 0 : i32
        %dma_wait3A_178 = arith.constant 0 : i32
        %dma_wait3A_179 = tpu.memref_slice %arg10[%dma_wait3A_177, %dma_wait3A_178] : memref<10112x64xf32, #tpu.memory_space<vmem_shared>> -> memref<10112x64xf32, #tpu.memory_space<vmem_shared>>
        tpu.wait_indirect_dma semaphore(%run_scoped3A : memref<!tpu.dma_semaphore, #tpu.memory_space<semaphore_mem>>) src(%dma_wait3A_173 : memref<128x64xf32, #tpu.memory_space<vmem>>) dst(%dma_wait3A_179 : memref<10112x64xf32, #tpu.memory_space<vmem_shared>>)
        tpu.yield
      }) : () -> ()
      %add3A_127 = arith.constant 2 : i32
      %add3A_128 = arith.addi %mul3A_111, %add3A_127 : i32
      "tpu.region"() ({
        %run_scoped3A = tpu.sem_alloc : memref<!tpu.dma_semaphore, #tpu.memory_space<semaphore_mem>>
        %dma_start3A_162 = arith.constant 256 : i32
        %dma_start3A_163 = arith.constant 0 : i32
        %dma_start3A_164 = tpu.memref_slice %arg9[%dma_start3A_162, %dma_start3A_163] : memref<768x64xf32, #tpu.memory_space<vmem>> -> memref<128x64xf32, #tpu.memory_space<vmem>>
        %dma_start3A_165 = arith.constant 0 : i32
        %dma_start3A_166 = tpu.memref_slice %arg8[%add3A_128, %dma_start3A_165] : memref<138x128xi32, #tpu.memory_space<vmem>> -> memref<1x128xi32, #tpu.memory_space<vmem>>
        %dma_start3A_167 = tpu.memref_squeeze %dma_start3A_166 : memref<1x128xi32, #tpu.memory_space<vmem>> -> memref<128xi32, #tpu.memory_space<vmem>>
        %dma_start3A_168 = arith.constant 0 : i32
        %dma_start3A_169 = arith.constant 0 : i32
        %dma_start3A_170 = tpu.memref_slice %arg10[%dma_start3A_168, %dma_start3A_169] : memref<10112x64xf32, #tpu.memory_space<vmem_shared>> -> memref<10112x64xf32, #tpu.memory_space<vmem_shared>>
        tpu.enqueue_indirect_dma source(%dma_start3A_164 : memref<128x64xf32, #tpu.memory_space<vmem>>) target(%dma_start3A_170 : memref<10112x64xf32, #tpu.memory_space<vmem_shared>>) offsets(%dma_start3A_167 : memref<128xi32, #tpu.memory_space<vmem>>) semaphore(%run_scoped3A : memref<!tpu.dma_semaphore, #tpu.memory_space<semaphore_mem>>) {add = true}
        %dma_wait3A_171 = arith.constant 256 : i32
        %dma_wait3A_172 = arith.constant 0 : i32
        %dma_wait3A_173 = tpu.memref_slice %arg9[%dma_wait3A_171, %dma_wait3A_172] : memref<768x64xf32, #tpu.memory_space<vmem>> -> memref<128x64xf32, #tpu.memory_space<vmem>>
        %dma_wait3A_174 = arith.constant 0 : i32
        %dma_wait3A_175 = tpu.memref_slice %arg8[%add3A_128, %dma_wait3A_174] : memref<138x128xi32, #tpu.memory_space<vmem>> -> memref<1x128xi32, #tpu.memory_space<vmem>>
        %dma_wait3A_176 = tpu.memref_squeeze %dma_wait3A_175 : memref<1x128xi32, #tpu.memory_space<vmem>> -> memref<128xi32, #tpu.memory_space<vmem>>
        %dma_wait3A_177 = arith.constant 0 : i32
        %dma_wait3A_178 = arith.constant 0 : i32
        %dma_wait3A_179 = tpu.memref_slice %arg10[%dma_wait3A_177, %dma_wait3A_178] : memref<10112x64xf32, #tpu.memory_space<vmem_shared>> -> memref<10112x64xf32, #tpu.memory_space<vmem_shared>>
        tpu.wait_indirect_dma semaphore(%run_scoped3A : memref<!tpu.dma_semaphore, #tpu.memory_space<semaphore_mem>>) src(%dma_wait3A_173 : memref<128x64xf32, #tpu.memory_space<vmem>>) dst(%dma_wait3A_179 : memref<10112x64xf32, #tpu.memory_space<vmem_shared>>)
        tpu.yield
      }) : () -> ()
      %add3A_129 = arith.constant 6 : i32
      %add3A_130 = arith.addi %mul3A_111, %add3A_129 : i32
      %lt3A = arith.cmpi slt, %add3A_130, %select_n3A_10 : i32
      %convert_element_type3A = arith.extui %lt3A : i1 to i32
      %cond3A = arith.constant 0 : i32
      %cond3A_131 = arith.cmpi ne, %convert_element_type3A, %cond3A : i32
      scf.if %cond3A_131 {
        %add3A_162 = arith.constant 6 : i32
        %add3A_163 = arith.addi %mul3A_111, %add3A_162 : i32
        %add3A_164 = arith.constant 0 : i32
        %add3A_165 = arith.addi %add3A_163, %add3A_164 : i32
        %dma_start3A_166 = arith.constant 0 : i32
        %dma_start3A_167 = arith.constant 0 : i32
        %dma_start3A_168 = tpu.memref_slice %arg9[%dma_start3A_166, %dma_start3A_167] : memref<768x64xf32, #tpu.memory_space<vmem>> -> memref<128x64xf32, #tpu.memory_space<vmem>>
        %dma_start3A_169 = arith.constant 0 : i32
        %dma_start3A_170 = tpu.memref_slice %arg7[%add3A_165, %dma_start3A_169] : memref<138x128xi32, #tpu.memory_space<vmem>> -> memref<1x128xi32, #tpu.memory_space<vmem>>
        %dma_start3A_171 = tpu.memref_squeeze %dma_start3A_170 : memref<1x128xi32, #tpu.memory_space<vmem>> -> memref<128xi32, #tpu.memory_space<vmem>>
        %dma_start3A_172 = arith.constant 0 : i32
        %dma_start3A_173 = arith.constant 0 : i32
        %dma_start3A_174 = tpu.memref_slice %arg2[%dma_start3A_172, %dma_start3A_173] : memref<10000x64xf32, #tpu.memory_space<hbm>> -> memref<10000x64xf32, #tpu.memory_space<hbm>>
        tpu.enqueue_indirect_dma source(%dma_start3A_174 : memref<10000x64xf32, #tpu.memory_space<hbm>>) target(%dma_start3A_168 : memref<128x64xf32, #tpu.memory_space<vmem>>) offsets(%dma_start3A_171 : memref<128xi32, #tpu.memory_space<vmem>>) semaphore(%arg11 : memref<!tpu.dma_semaphore, #tpu.memory_space<semaphore_mem>>)
        %add3A_175 = arith.constant 6 : i32
        %add3A_176 = arith.addi %mul3A_111, %add3A_175 : i32
        %add3A_177 = arith.constant 1 : i32
        %add3A_178 = arith.addi %add3A_176, %add3A_177 : i32
        %dma_start3A_179 = arith.constant 128 : i32
        %dma_start3A_180 = arith.constant 0 : i32
        %dma_start3A_181 = tpu.memref_slice %arg9[%dma_start3A_179, %dma_start3A_180] : memref<768x64xf32, #tpu.memory_space<vmem>> -> memref<128x64xf32, #tpu.memory_space<vmem>>
        %dma_start3A_182 = arith.constant 0 : i32
        %dma_start3A_183 = tpu.memref_slice %arg7[%add3A_178, %dma_start3A_182] : memref<138x128xi32, #tpu.memory_space<vmem>> -> memref<1x128xi32, #tpu.memory_space<vmem>>
        %dma_start3A_184 = tpu.memref_squeeze %dma_start3A_183 : memref<1x128xi32, #tpu.memory_space<vmem>> -> memref<128xi32, #tpu.memory_space<vmem>>
        %dma_start3A_185 = arith.constant 0 : i32
        %dma_start3A_186 = arith.constant 0 : i32
        %dma_start3A_187 = tpu.memref_slice %arg2[%dma_start3A_185, %dma_start3A_186] : memref<10000x64xf32, #tpu.memory_space<hbm>> -> memref<10000x64xf32, #tpu.memory_space<hbm>>
        tpu.enqueue_indirect_dma source(%dma_start3A_187 : memref<10000x64xf32, #tpu.memory_space<hbm>>) target(%dma_start3A_181 : memref<128x64xf32, #tpu.memory_space<vmem>>) offsets(%dma_start3A_184 : memref<128xi32, #tpu.memory_space<vmem>>) semaphore(%arg11 : memref<!tpu.dma_semaphore, #tpu.memory_space<semaphore_mem>>)
        %add3A_188 = arith.constant 6 : i32
        %add3A_189 = arith.addi %mul3A_111, %add3A_188 : i32
        %add3A_190 = arith.constant 2 : i32
        %add3A_191 = arith.addi %add3A_189, %add3A_190 : i32
        %dma_start3A_192 = arith.constant 256 : i32
        %dma_start3A_193 = arith.constant 0 : i32
        %dma_start3A_194 = tpu.memref_slice %arg9[%dma_start3A_192, %dma_start3A_193] : memref<768x64xf32, #tpu.memory_space<vmem>> -> memref<128x64xf32, #tpu.memory_space<vmem>>
        %dma_start3A_195 = arith.constant 0 : i32
        %dma_start3A_196 = tpu.memref_slice %arg7[%add3A_191, %dma_start3A_195] : memref<138x128xi32, #tpu.memory_space<vmem>> -> memref<1x128xi32, #tpu.memory_space<vmem>>
        %dma_start3A_197 = tpu.memref_squeeze %dma_start3A_196 : memref<1x128xi32, #tpu.memory_space<vmem>> -> memref<128xi32, #tpu.memory_space<vmem>>
        %dma_start3A_198 = arith.constant 0 : i32
        %dma_start3A_199 = arith.constant 0 : i32
        %dma_start3A_200 = tpu.memref_slice %arg2[%dma_start3A_198, %dma_start3A_199] : memref<10000x64xf32, #tpu.memory_space<hbm>> -> memref<10000x64xf32, #tpu.memory_space<hbm>>
        tpu.enqueue_indirect_dma source(%dma_start3A_200 : memref<10000x64xf32, #tpu.memory_space<hbm>>) target(%dma_start3A_194 : memref<128x64xf32, #tpu.memory_space<vmem>>) offsets(%dma_start3A_197 : memref<128xi32, #tpu.memory_space<vmem>>) semaphore(%arg11 : memref<!tpu.dma_semaphore, #tpu.memory_space<semaphore_mem>>)
      } else {
      }
      %dma_wait3A_132 = arith.constant 384 : i32
      %dma_wait3A_133 = arith.constant 0 : i32
      %dma_wait3A_134 = tpu.memref_slice %arg9[%dma_wait3A_132, %dma_wait3A_133] : memref<768x64xf32, #tpu.memory_space<vmem>> -> memref<384x64xf32, #tpu.memory_space<vmem>>
      %dma_wait3A_135 = arith.constant 0 : i32
      %dma_wait3A_136 = arith.constant 0 : i32
      %dma_wait3A_137 = tpu.memref_slice %arg5[%dma_wait3A_135, %dma_wait3A_136] : memref<10112x64xf32, #tpu.memory_space<hbm>> -> memref<384x64xf32, #tpu.memory_space<hbm>>
      %dma_wait3A_138 = arith.constant 384 : i32
      %dma_wait3A_139 = arith.constant 0 : i32
      %dma_wait3A_140 = tpu.memref_slice %arg9[%dma_wait3A_138, %dma_wait3A_139] : memref<768x64xf32, #tpu.memory_space<vmem>> -> memref<384x64xf32, #tpu.memory_space<vmem>>
      %dma_wait3A_141 = arith.constant 0 : i32
      %dma_wait3A_142 = arith.constant 0 : i32
      %dma_wait3A_143 = tpu.memref_slice %arg5[%dma_wait3A_141, %dma_wait3A_142] : memref<10112x64xf32, #tpu.memory_space<hbm>> -> memref<384x64xf32, #tpu.memory_space<hbm>>
      tpu.wait_dma2 semaphore(%arg12 : memref<!tpu.dma_semaphore, #tpu.memory_space<semaphore_mem>>) src(%dma_wait3A_143 : memref<384x64xf32, #tpu.memory_space<hbm>>) dst(%dma_wait3A_140 : memref<384x64xf32, #tpu.memory_space<vmem>>)
      %add3A_144 = arith.constant 3 : i32
      %add3A_145 = arith.addi %mul3A_111, %add3A_144 : i32
      %add3A_146 = arith.constant 0 : i32
      %add3A_147 = arith.addi %add3A_145, %add3A_146 : i32
      "tpu.region"() ({
        %run_scoped3A = tpu.sem_alloc : memref<!tpu.dma_semaphore, #tpu.memory_space<semaphore_mem>>
        %dma_start3A_162 = arith.constant 384 : i32
        %dma_start3A_163 = arith.constant 0 : i32
        %dma_start3A_164 = tpu.memref_slice %arg9[%dma_start3A_162, %dma_start3A_163] : memref<768x64xf32, #tpu.memory_space<vmem>> -> memref<128x64xf32, #tpu.memory_space<vmem>>
        %dma_start3A_165 = arith.constant 0 : i32
        %dma_start3A_166 = tpu.memref_slice %arg8[%add3A_147, %dma_start3A_165] : memref<138x128xi32, #tpu.memory_space<vmem>> -> memref<1x128xi32, #tpu.memory_space<vmem>>
        %dma_start3A_167 = tpu.memref_squeeze %dma_start3A_166 : memref<1x128xi32, #tpu.memory_space<vmem>> -> memref<128xi32, #tpu.memory_space<vmem>>
        %dma_start3A_168 = arith.constant 0 : i32
        %dma_start3A_169 = arith.constant 0 : i32
        %dma_start3A_170 = tpu.memref_slice %arg10[%dma_start3A_168, %dma_start3A_169] : memref<10112x64xf32, #tpu.memory_space<vmem_shared>> -> memref<10112x64xf32, #tpu.memory_space<vmem_shared>>
        tpu.enqueue_indirect_dma source(%dma_start3A_164 : memref<128x64xf32, #tpu.memory_space<vmem>>) target(%dma_start3A_170 : memref<10112x64xf32, #tpu.memory_space<vmem_shared>>) offsets(%dma_start3A_167 : memref<128xi32, #tpu.memory_space<vmem>>) semaphore(%run_scoped3A : memref<!tpu.dma_semaphore, #tpu.memory_space<semaphore_mem>>) {add = true}
        %dma_wait3A_171 = arith.constant 384 : i32
        %dma_wait3A_172 = arith.constant 0 : i32
        %dma_wait3A_173 = tpu.memref_slice %arg9[%dma_wait3A_171, %dma_wait3A_172] : memref<768x64xf32, #tpu.memory_space<vmem>> -> memref<128x64xf32, #tpu.memory_space<vmem>>
        %dma_wait3A_174 = arith.constant 0 : i32
        %dma_wait3A_175 = tpu.memref_slice %arg8[%add3A_147, %dma_wait3A_174] : memref<138x128xi32, #tpu.memory_space<vmem>> -> memref<1x128xi32, #tpu.memory_space<vmem>>
        %dma_wait3A_176 = tpu.memref_squeeze %dma_wait3A_175 : memref<1x128xi32, #tpu.memory_space<vmem>> -> memref<128xi32, #tpu.memory_space<vmem>>
        %dma_wait3A_177 = arith.constant 0 : i32
        %dma_wait3A_178 = arith.constant 0 : i32
        %dma_wait3A_179 = tpu.memref_slice %arg10[%dma_wait3A_177, %dma_wait3A_178] : memref<10112x64xf32, #tpu.memory_space<vmem_shared>> -> memref<10112x64xf32, #tpu.memory_space<vmem_shared>>
        tpu.wait_indirect_dma semaphore(%run_scoped3A : memref<!tpu.dma_semaphore, #tpu.memory_space<semaphore_mem>>) src(%dma_wait3A_173 : memref<128x64xf32, #tpu.memory_space<vmem>>) dst(%dma_wait3A_179 : memref<10112x64xf32, #tpu.memory_space<vmem_shared>>)
        tpu.yield
      }) : () -> ()
      %add3A_148 = arith.constant 3 : i32
      %add3A_149 = arith.addi %mul3A_111, %add3A_148 : i32
      %add3A_150 = arith.constant 1 : i32
      %add3A_151 = arith.addi %add3A_149, %add3A_150 : i32
      "tpu.region"() ({
        %run_scoped3A = tpu.sem_alloc : memref<!tpu.dma_semaphore, #tpu.memory_space<semaphore_mem>>
        %dma_start3A_162 = arith.constant 512 : i32
        %dma_start3A_163 = arith.constant 0 : i32
        %dma_start3A_164 = tpu.memref_slice %arg9[%dma_start3A_162, %dma_start3A_163] : memref<768x64xf32, #tpu.memory_space<vmem>> -> memref<128x64xf32, #tpu.memory_space<vmem>>
        %dma_start3A_165 = arith.constant 0 : i32
        %dma_start3A_166 = tpu.memref_slice %arg8[%add3A_151, %dma_start3A_165] : memref<138x128xi32, #tpu.memory_space<vmem>> -> memref<1x128xi32, #tpu.memory_space<vmem>>
        %dma_start3A_167 = tpu.memref_squeeze %dma_start3A_166 : memref<1x128xi32, #tpu.memory_space<vmem>> -> memref<128xi32, #tpu.memory_space<vmem>>
        %dma_start3A_168 = arith.constant 0 : i32
        %dma_start3A_169 = arith.constant 0 : i32
        %dma_start3A_170 = tpu.memref_slice %arg10[%dma_start3A_168, %dma_start3A_169] : memref<10112x64xf32, #tpu.memory_space<vmem_shared>> -> memref<10112x64xf32, #tpu.memory_space<vmem_shared>>
        tpu.enqueue_indirect_dma source(%dma_start3A_164 : memref<128x64xf32, #tpu.memory_space<vmem>>) target(%dma_start3A_170 : memref<10112x64xf32, #tpu.memory_space<vmem_shared>>) offsets(%dma_start3A_167 : memref<128xi32, #tpu.memory_space<vmem>>) semaphore(%run_scoped3A : memref<!tpu.dma_semaphore, #tpu.memory_space<semaphore_mem>>) {add = true}
        %dma_wait3A_171 = arith.constant 512 : i32
        %dma_wait3A_172 = arith.constant 0 : i32
        %dma_wait3A_173 = tpu.memref_slice %arg9[%dma_wait3A_171, %dma_wait3A_172] : memref<768x64xf32, #tpu.memory_space<vmem>> -> memref<128x64xf32, #tpu.memory_space<vmem>>
        %dma_wait3A_174 = arith.constant 0 : i32
        %dma_wait3A_175 = tpu.memref_slice %arg8[%add3A_151, %dma_wait3A_174] : memref<138x128xi32, #tpu.memory_space<vmem>> -> memref<1x128xi32, #tpu.memory_space<vmem>>
        %dma_wait3A_176 = tpu.memref_squeeze %dma_wait3A_175 : memref<1x128xi32, #tpu.memory_space<vmem>> -> memref<128xi32, #tpu.memory_space<vmem>>
        %dma_wait3A_177 = arith.constant 0 : i32
        %dma_wait3A_178 = arith.constant 0 : i32
        %dma_wait3A_179 = tpu.memref_slice %arg10[%dma_wait3A_177, %dma_wait3A_178] : memref<10112x64xf32, #tpu.memory_space<vmem_shared>> -> memref<10112x64xf32, #tpu.memory_space<vmem_shared>>
        tpu.wait_indirect_dma semaphore(%run_scoped3A : memref<!tpu.dma_semaphore, #tpu.memory_space<semaphore_mem>>) src(%dma_wait3A_173 : memref<128x64xf32, #tpu.memory_space<vmem>>) dst(%dma_wait3A_179 : memref<10112x64xf32, #tpu.memory_space<vmem_shared>>)
        tpu.yield
      }) : () -> ()
      %add3A_152 = arith.constant 3 : i32
      %add3A_153 = arith.addi %mul3A_111, %add3A_152 : i32
      %add3A_154 = arith.constant 2 : i32
      %add3A_155 = arith.addi %add3A_153, %add3A_154 : i32
      "tpu.region"() ({
        %run_scoped3A = tpu.sem_alloc : memref<!tpu.dma_semaphore, #tpu.memory_space<semaphore_mem>>
        %dma_start3A_162 = arith.constant 640 : i32
        %dma_start3A_163 = arith.constant 0 : i32
        %dma_start3A_164 = tpu.memref_slice %arg9[%dma_start3A_162, %dma_start3A_163] : memref<768x64xf32, #tpu.memory_space<vmem>> -> memref<128x64xf32, #tpu.memory_space<vmem>>
        %dma_start3A_165 = arith.constant 0 : i32
        %dma_start3A_166 = tpu.memref_slice %arg8[%add3A_155, %dma_start3A_165] : memref<138x128xi32, #tpu.memory_space<vmem>> -> memref<1x128xi32, #tpu.memory_space<vmem>>
        %dma_start3A_167 = tpu.memref_squeeze %dma_start3A_166 : memref<1x128xi32, #tpu.memory_space<vmem>> -> memref<128xi32, #tpu.memory_space<vmem>>
        %dma_start3A_168 = arith.constant 0 : i32
        %dma_start3A_169 = arith.constant 0 : i32
        %dma_start3A_170 = tpu.memref_slice %arg10[%dma_start3A_168, %dma_start3A_169] : memref<10112x64xf32, #tpu.memory_space<vmem_shared>> -> memref<10112x64xf32, #tpu.memory_space<vmem_shared>>
        tpu.enqueue_indirect_dma source(%dma_start3A_164 : memref<128x64xf32, #tpu.memory_space<vmem>>) target(%dma_start3A_170 : memref<10112x64xf32, #tpu.memory_space<vmem_shared>>) offsets(%dma_start3A_167 : memref<128xi32, #tpu.memory_space<vmem>>) semaphore(%run_scoped3A : memref<!tpu.dma_semaphore, #tpu.memory_space<semaphore_mem>>) {add = true}
        %dma_wait3A_171 = arith.constant 640 : i32
        %dma_wait3A_172 = arith.constant 0 : i32
        %dma_wait3A_173 = tpu.memref_slice %arg9[%dma_wait3A_171, %dma_wait3A_172] : memref<768x64xf32, #tpu.memory_space<vmem>> -> memref<128x64xf32, #tpu.memory_space<vmem>>
        %dma_wait3A_174 = arith.constant 0 : i32
        %dma_wait3A_175 = tpu.memref_slice %arg8[%add3A_155, %dma_wait3A_174] : memref<138x128xi32, #tpu.memory_space<vmem>> -> memref<1x128xi32, #tpu.memory_space<vmem>>
        %dma_wait3A_176 = tpu.memref_squeeze %dma_wait3A_175 : memref<1x128xi32, #tpu.memory_space<vmem>> -> memref<128xi32, #tpu.memory_space<vmem>>
        %dma_wait3A_177 = arith.constant 0 : i32
        %dma_wait3A_178 = arith.constant 0 : i32
        %dma_wait3A_179 = tpu.memref_slice %arg10[%dma_wait3A_177, %dma_wait3A_178] : memref<10112x64xf32, #tpu.memory_space<vmem_shared>> -> memref<10112x64xf32, #tpu.memory_space<vmem_shared>>
        tpu.wait_indirect_dma semaphore(%run_scoped3A : memref<!tpu.dma_semaphore, #tpu.memory_space<semaphore_mem>>) src(%dma_wait3A_173 : memref<128x64xf32, #tpu.memory_space<vmem>>) dst(%dma_wait3A_179 : memref<10112x64xf32, #tpu.memory_space<vmem_shared>>)
        tpu.yield
      }) : () -> ()
      %add3A_156 = arith.constant 9 : i32
      %add3A_157 = arith.addi %mul3A_111, %add3A_156 : i32
      %lt3A_158 = arith.cmpi slt, %add3A_157, %select_n3A_10 : i32
      %convert_element_type3A_159 = arith.extui %lt3A_158 : i1 to i32
      %cond3A_160 = arith.constant 0 : i32
      %cond3A_161 = arith.cmpi ne, %convert_element_type3A_159, %cond3A_160 : i32
      scf.if %cond3A_161 {
        %add3A_162 = arith.constant 9 : i32
        %add3A_163 = arith.addi %mul3A_111, %add3A_162 : i32
        %add3A_164 = arith.constant 0 : i32
        %add3A_165 = arith.addi %add3A_163, %add3A_164 : i32
        %dma_start3A_166 = arith.constant 384 : i32
        %dma_start3A_167 = arith.constant 0 : i32
        %dma_start3A_168 = tpu.memref_slice %arg9[%dma_start3A_166, %dma_start3A_167] : memref<768x64xf32, #tpu.memory_space<vmem>> -> memref<128x64xf32, #tpu.memory_space<vmem>>
        %dma_start3A_169 = arith.constant 0 : i32
        %dma_start3A_170 = tpu.memref_slice %arg7[%add3A_165, %dma_start3A_169] : memref<138x128xi32, #tpu.memory_space<vmem>> -> memref<1x128xi32, #tpu.memory_space<vmem>>
        %dma_start3A_171 = tpu.memref_squeeze %dma_start3A_170 : memref<1x128xi32, #tpu.memory_space<vmem>> -> memref<128xi32, #tpu.memory_space<vmem>>
        %dma_start3A_172 = arith.constant 0 : i32
        %dma_start3A_173 = arith.constant 0 : i32
        %dma_start3A_174 = tpu.memref_slice %arg2[%dma_start3A_172, %dma_start3A_173] : memref<10000x64xf32, #tpu.memory_space<hbm>> -> memref<10000x64xf32, #tpu.memory_space<hbm>>
        tpu.enqueue_indirect_dma source(%dma_start3A_174 : memref<10000x64xf32, #tpu.memory_space<hbm>>) target(%dma_start3A_168 : memref<128x64xf32, #tpu.memory_space<vmem>>) offsets(%dma_start3A_171 : memref<128xi32, #tpu.memory_space<vmem>>) semaphore(%arg12 : memref<!tpu.dma_semaphore, #tpu.memory_space<semaphore_mem>>)
        %add3A_175 = arith.constant 9 : i32
        %add3A_176 = arith.addi %mul3A_111, %add3A_175 : i32
        %add3A_177 = arith.constant 1 : i32
        %add3A_178 = arith.addi %add3A_176, %add3A_177 : i32
        %dma_start3A_179 = arith.constant 512 : i32
        %dma_start3A_180 = arith.constant 0 : i32
        %dma_start3A_181 = tpu.memref_slice %arg9[%dma_start3A_179, %dma_start3A_180] : memref<768x64xf32, #tpu.memory_space<vmem>> -> memref<128x64xf32, #tpu.memory_space<vmem>>
        %dma_start3A_182 = arith.constant 0 : i32
        %dma_start3A_183 = tpu.memref_slice %arg7[%add3A_178, %dma_start3A_182] : memref<138x128xi32, #tpu.memory_space<vmem>> -> memref<1x128xi32, #tpu.memory_space<vmem>>
        %dma_start3A_184 = tpu.memref_squeeze %dma_start3A_183 : memref<1x128xi32, #tpu.memory_space<vmem>> -> memref<128xi32, #tpu.memory_space<vmem>>
        %dma_start3A_185 = arith.constant 0 : i32
        %dma_start3A_186 = arith.constant 0 : i32
        %dma_start3A_187 = tpu.memref_slice %arg2[%dma_start3A_185, %dma_start3A_186] : memref<10000x64xf32, #tpu.memory_space<hbm>> -> memref<10000x64xf32, #tpu.memory_space<hbm>>
        tpu.enqueue_indirect_dma source(%dma_start3A_187 : memref<10000x64xf32, #tpu.memory_space<hbm>>) target(%dma_start3A_181 : memref<128x64xf32, #tpu.memory_space<vmem>>) offsets(%dma_start3A_184 : memref<128xi32, #tpu.memory_space<vmem>>) semaphore(%arg12 : memref<!tpu.dma_semaphore, #tpu.memory_space<semaphore_mem>>)
        %add3A_188 = arith.constant 9 : i32
        %add3A_189 = arith.addi %mul3A_111, %add3A_188 : i32
        %add3A_190 = arith.constant 2 : i32
        %add3A_191 = arith.addi %add3A_189, %add3A_190 : i32
        %dma_start3A_192 = arith.constant 640 : i32
        %dma_start3A_193 = arith.constant 0 : i32
        %dma_start3A_194 = tpu.memref_slice %arg9[%dma_start3A_192, %dma_start3A_193] : memref<768x64xf32, #tpu.memory_space<vmem>> -> memref<128x64xf32, #tpu.memory_space<vmem>>
        %dma_start3A_195 = arith.constant 0 : i32
        %dma_start3A_196 = tpu.memref_slice %arg7[%add3A_191, %dma_start3A_195] : memref<138x128xi32, #tpu.memory_space<vmem>> -> memref<1x128xi32, #tpu.memory_space<vmem>>
        %dma_start3A_197 = tpu.memref_squeeze %dma_start3A_196 : memref<1x128xi32, #tpu.memory_space<vmem>> -> memref<128xi32, #tpu.memory_space<vmem>>
        %dma_start3A_198 = arith.constant 0 : i32
        %dma_start3A_199 = arith.constant 0 : i32
        %dma_start3A_200 = tpu.memref_slice %arg2[%dma_start3A_198, %dma_start3A_199] : memref<10000x64xf32, #tpu.memory_space<hbm>> -> memref<10000x64xf32, #tpu.memory_space<hbm>>
        tpu.enqueue_indirect_dma source(%dma_start3A_200 : memref<10000x64xf32, #tpu.memory_space<hbm>>) target(%dma_start3A_194 : memref<128x64xf32, #tpu.memory_space<vmem>>) offsets(%dma_start3A_197 : memref<128xi32, #tpu.memory_space<vmem>>) semaphore(%arg12 : memref<!tpu.dma_semaphore, #tpu.memory_space<semaphore_mem>>)
      } else {
      }
    }
    %while3A_105 = arith.constant 1 : i32
    scf.for %while3A_107 = %while3A_103 to %while3A_99 step %while3A_105  : i32 {
      %mul3A_108 = arith.muli %while3A_107, %while3A : i32
      %add3A_109 = arith.addi %while3A_96, %mul3A_108 : i32
      %mul3A_110 = arith.constant 6 : i32
      %mul3A_111 = arith.muli %add3A_109, %mul3A_110 : i32
      %dma_wait3A = arith.constant 0 : i32
      %dma_wait3A_112 = arith.constant 0 : i32
      %dma_wait3A_113 = tpu.memref_slice %arg9[%dma_wait3A, %dma_wait3A_112] : memref<768x64xf32, #tpu.memory_space<vmem>> -> memref<384x64xf32, #tpu.memory_space<vmem>>
      %dma_wait3A_114 = arith.constant 0 : i32
      %dma_wait3A_115 = arith.constant 0 : i32
      %dma_wait3A_116 = tpu.memref_slice %arg5[%dma_wait3A_114, %dma_wait3A_115] : memref<10112x64xf32, #tpu.memory_space<hbm>> -> memref<384x64xf32, #tpu.memory_space<hbm>>
      %dma_wait3A_117 = arith.constant 0 : i32
      %dma_wait3A_118 = arith.constant 0 : i32
      %dma_wait3A_119 = tpu.memref_slice %arg9[%dma_wait3A_117, %dma_wait3A_118] : memref<768x64xf32, #tpu.memory_space<vmem>> -> memref<384x64xf32, #tpu.memory_space<vmem>>
      %dma_wait3A_120 = arith.constant 0 : i32
      %dma_wait3A_121 = arith.constant 0 : i32
      %dma_wait3A_122 = tpu.memref_slice %arg5[%dma_wait3A_120, %dma_wait3A_121] : memref<10112x64xf32, #tpu.memory_space<hbm>> -> memref<384x64xf32, #tpu.memory_space<hbm>>
      tpu.wait_dma2 semaphore(%arg11 : memref<!tpu.dma_semaphore, #tpu.memory_space<semaphore_mem>>) src(%dma_wait3A_122 : memref<384x64xf32, #tpu.memory_space<hbm>>) dst(%dma_wait3A_119 : memref<384x64xf32, #tpu.memory_space<vmem>>)
      %add3A_123 = arith.constant 0 : i32
      %add3A_124 = arith.addi %mul3A_111, %add3A_123 : i32
      "tpu.region"() ({
        %run_scoped3A = tpu.sem_alloc : memref<!tpu.dma_semaphore, #tpu.memory_space<semaphore_mem>>
        %dma_start3A_162 = arith.constant 0 : i32
        %dma_start3A_163 = arith.constant 0 : i32
        %dma_start3A_164 = tpu.memref_slice %arg9[%dma_start3A_162, %dma_start3A_163] : memref<768x64xf32, #tpu.memory_space<vmem>> -> memref<128x64xf32, #tpu.memory_space<vmem>>
        %dma_start3A_165 = arith.constant 0 : i32
        %dma_start3A_166 = tpu.memref_slice %arg8[%add3A_124, %dma_start3A_165] : memref<138x128xi32, #tpu.memory_space<vmem>> -> memref<1x128xi32, #tpu.memory_space<vmem>>
        %dma_start3A_167 = tpu.memref_squeeze %dma_start3A_166 : memref<1x128xi32, #tpu.memory_space<vmem>> -> memref<128xi32, #tpu.memory_space<vmem>>
        %dma_start3A_168 = arith.constant 0 : i32
        %dma_start3A_169 = arith.constant 0 : i32
        %dma_start3A_170 = tpu.memref_slice %arg10[%dma_start3A_168, %dma_start3A_169] : memref<10112x64xf32, #tpu.memory_space<vmem_shared>> -> memref<10112x64xf32, #tpu.memory_space<vmem_shared>>
        tpu.enqueue_indirect_dma source(%dma_start3A_164 : memref<128x64xf32, #tpu.memory_space<vmem>>) target(%dma_start3A_170 : memref<10112x64xf32, #tpu.memory_space<vmem_shared>>) offsets(%dma_start3A_167 : memref<128xi32, #tpu.memory_space<vmem>>) semaphore(%run_scoped3A : memref<!tpu.dma_semaphore, #tpu.memory_space<semaphore_mem>>) {add = true}
        %dma_wait3A_171 = arith.constant 0 : i32
        %dma_wait3A_172 = arith.constant 0 : i32
        %dma_wait3A_173 = tpu.memref_slice %arg9[%dma_wait3A_171, %dma_wait3A_172] : memref<768x64xf32, #tpu.memory_space<vmem>> -> memref<128x64xf32, #tpu.memory_space<vmem>>
        %dma_wait3A_174 = arith.constant 0 : i32
        %dma_wait3A_175 = tpu.memref_slice %arg8[%add3A_124, %dma_wait3A_174] : memref<138x128xi32, #tpu.memory_space<vmem>> -> memref<1x128xi32, #tpu.memory_space<vmem>>
        %dma_wait3A_176 = tpu.memref_squeeze %dma_wait3A_175 : memref<1x128xi32, #tpu.memory_space<vmem>> -> memref<128xi32, #tpu.memory_space<vmem>>
        %dma_wait3A_177 = arith.constant 0 : i32
        %dma_wait3A_178 = arith.constant 0 : i32
        %dma_wait3A_179 = tpu.memref_slice %arg10[%dma_wait3A_177, %dma_wait3A_178] : memref<10112x64xf32, #tpu.memory_space<vmem_shared>> -> memref<10112x64xf32, #tpu.memory_space<vmem_shared>>
        tpu.wait_indirect_dma semaphore(%run_scoped3A : memref<!tpu.dma_semaphore, #tpu.memory_space<semaphore_mem>>) src(%dma_wait3A_173 : memref<128x64xf32, #tpu.memory_space<vmem>>) dst(%dma_wait3A_179 : memref<10112x64xf32, #tpu.memory_space<vmem_shared>>)
        tpu.yield
      }) : () -> ()
      %add3A_125 = arith.constant 1 : i32
      %add3A_126 = arith.addi %mul3A_111, %add3A_125 : i32
      "tpu.region"() ({
        %run_scoped3A = tpu.sem_alloc : memref<!tpu.dma_semaphore, #tpu.memory_space<semaphore_mem>>
        %dma_start3A_162 = arith.constant 128 : i32
        %dma_start3A_163 = arith.constant 0 : i32
        %dma_start3A_164 = tpu.memref_slice %arg9[%dma_start3A_162, %dma_start3A_163] : memref<768x64xf32, #tpu.memory_space<vmem>> -> memref<128x64xf32, #tpu.memory_space<vmem>>
        %dma_start3A_165 = arith.constant 0 : i32
        %dma_start3A_166 = tpu.memref_slice %arg8[%add3A_126, %dma_start3A_165] : memref<138x128xi32, #tpu.memory_space<vmem>> -> memref<1x128xi32, #tpu.memory_space<vmem>>
        %dma_start3A_167 = tpu.memref_squeeze %dma_start3A_166 : memref<1x128xi32, #tpu.memory_space<vmem>> -> memref<128xi32, #tpu.memory_space<vmem>>
        %dma_start3A_168 = arith.constant 0 : i32
        %dma_start3A_169 = arith.constant 0 : i32
        %dma_start3A_170 = tpu.memref_slice %arg10[%dma_start3A_168, %dma_start3A_169] : memref<10112x64xf32, #tpu.memory_space<vmem_shared>> -> memref<10112x64xf32, #tpu.memory_space<vmem_shared>>
        tpu.enqueue_indirect_dma source(%dma_start3A_164 : memref<128x64xf32, #tpu.memory_space<vmem>>) target(%dma_start3A_170 : memref<10112x64xf32, #tpu.memory_space<vmem_shared>>) offsets(%dma_start3A_167 : memref<128xi32, #tpu.memory_space<vmem>>) semaphore(%run_scoped3A : memref<!tpu.dma_semaphore, #tpu.memory_space<semaphore_mem>>) {add = true}
        %dma_wait3A_171 = arith.constant 128 : i32
        %dma_wait3A_172 = arith.constant 0 : i32
        %dma_wait3A_173 = tpu.memref_slice %arg9[%dma_wait3A_171, %dma_wait3A_172] : memref<768x64xf32, #tpu.memory_space<vmem>> -> memref<128x64xf32, #tpu.memory_space<vmem>>
        %dma_wait3A_174 = arith.constant 0 : i32
        %dma_wait3A_175 = tpu.memref_slice %arg8[%add3A_126, %dma_wait3A_174] : memref<138x128xi32, #tpu.memory_space<vmem>> -> memref<1x128xi32, #tpu.memory_space<vmem>>
        %dma_wait3A_176 = tpu.memref_squeeze %dma_wait3A_175 : memref<1x128xi32, #tpu.memory_space<vmem>> -> memref<128xi32, #tpu.memory_space<vmem>>
        %dma_wait3A_177 = arith.constant 0 : i32
        %dma_wait3A_178 = arith.constant 0 : i32
        %dma_wait3A_179 = tpu.memref_slice %arg10[%dma_wait3A_177, %dma_wait3A_178] : memref<10112x64xf32, #tpu.memory_space<vmem_shared>> -> memref<10112x64xf32, #tpu.memory_space<vmem_shared>>
        tpu.wait_indirect_dma semaphore(%run_scoped3A : memref<!tpu.dma_semaphore, #tpu.memory_space<semaphore_mem>>) src(%dma_wait3A_173 : memref<128x64xf32, #tpu.memory_space<vmem>>) dst(%dma_wait3A_179 : memref<10112x64xf32, #tpu.memory_space<vmem_shared>>)
        tpu.yield
      }) : () -> ()
      %add3A_127 = arith.constant 2 : i32
      %add3A_128 = arith.addi %mul3A_111, %add3A_127 : i32
      "tpu.region"() ({
        %run_scoped3A = tpu.sem_alloc : memref<!tpu.dma_semaphore, #tpu.memory_space<semaphore_mem>>
        %dma_start3A_162 = arith.constant 256 : i32
        %dma_start3A_163 = arith.constant 0 : i32
        %dma_start3A_164 = tpu.memref_slice %arg9[%dma_start3A_162, %dma_start3A_163] : memref<768x64xf32, #tpu.memory_space<vmem>> -> memref<128x64xf32, #tpu.memory_space<vmem>>
        %dma_start3A_165 = arith.constant 0 : i32
        %dma_start3A_166 = tpu.memref_slice %arg8[%add3A_128, %dma_start3A_165] : memref<138x128xi32, #tpu.memory_space<vmem>> -> memref<1x128xi32, #tpu.memory_space<vmem>>
        %dma_start3A_167 = tpu.memref_squeeze %dma_start3A_166 : memref<1x128xi32, #tpu.memory_space<vmem>> -> memref<128xi32, #tpu.memory_space<vmem>>
        %dma_start3A_168 = arith.constant 0 : i32
        %dma_start3A_169 = arith.constant 0 : i32
        %dma_start3A_170 = tpu.memref_slice %arg10[%dma_start3A_168, %dma_start3A_169] : memref<10112x64xf32, #tpu.memory_space<vmem_shared>> -> memref<10112x64xf32, #tpu.memory_space<vmem_shared>>
        tpu.enqueue_indirect_dma source(%dma_start3A_164 : memref<128x64xf32, #tpu.memory_space<vmem>>) target(%dma_start3A_170 : memref<10112x64xf32, #tpu.memory_space<vmem_shared>>) offsets(%dma_start3A_167 : memref<128xi32, #tpu.memory_space<vmem>>) semaphore(%run_scoped3A : memref<!tpu.dma_semaphore, #tpu.memory_space<semaphore_mem>>) {add = true}
        %dma_wait3A_171 = arith.constant 256 : i32
        %dma_wait3A_172 = arith.constant 0 : i32
        %dma_wait3A_173 = tpu.memref_slice %arg9[%dma_wait3A_171, %dma_wait3A_172] : memref<768x64xf32, #tpu.memory_space<vmem>> -> memref<128x64xf32, #tpu.memory_space<vmem>>
        %dma_wait3A_174 = arith.constant 0 : i32
        %dma_wait3A_175 = tpu.memref_slice %arg8[%add3A_128, %dma_wait3A_174] : memref<138x128xi32, #tpu.memory_space<vmem>> -> memref<1x128xi32, #tpu.memory_space<vmem>>
        %dma_wait3A_176 = tpu.memref_squeeze %dma_wait3A_175 : memref<1x128xi32, #tpu.memory_space<vmem>> -> memref<128xi32, #tpu.memory_space<vmem>>
        %dma_wait3A_177 = arith.constant 0 : i32
        %dma_wait3A_178 = arith.constant 0 : i32
        %dma_wait3A_179 = tpu.memref_slice %arg10[%dma_wait3A_177, %dma_wait3A_178] : memref<10112x64xf32, #tpu.memory_space<vmem_shared>> -> memref<10112x64xf32, #tpu.memory_space<vmem_shared>>
        tpu.wait_indirect_dma semaphore(%run_scoped3A : memref<!tpu.dma_semaphore, #tpu.memory_space<semaphore_mem>>) src(%dma_wait3A_173 : memref<128x64xf32, #tpu.memory_space<vmem>>) dst(%dma_wait3A_179 : memref<10112x64xf32, #tpu.memory_space<vmem_shared>>)
        tpu.yield
      }) : () -> ()
      %add3A_129 = arith.constant 6 : i32
      %add3A_130 = arith.addi %mul3A_111, %add3A_129 : i32
      %lt3A = arith.cmpi slt, %add3A_130, %select_n3A_10 : i32
      %convert_element_type3A = arith.extui %lt3A : i1 to i32
      %cond3A = arith.constant 0 : i32
      %cond3A_131 = arith.cmpi ne, %convert_element_type3A, %cond3A : i32
      scf.if %cond3A_131 {
        %add3A_162 = arith.constant 6 : i32
        %add3A_163 = arith.addi %mul3A_111, %add3A_162 : i32
        %add3A_164 = arith.constant 0 : i32
        %add3A_165 = arith.addi %add3A_163, %add3A_164 : i32
        %dma_start3A_166 = arith.constant 0 : i32
        %dma_start3A_167 = arith.constant 0 : i32
        %dma_start3A_168 = tpu.memref_slice %arg9[%dma_start3A_166, %dma_start3A_167] : memref<768x64xf32, #tpu.memory_space<vmem>> -> memref<128x64xf32, #tpu.memory_space<vmem>>
        %dma_start3A_169 = arith.constant 0 : i32
        %dma_start3A_170 = tpu.memref_slice %arg7[%add3A_165, %dma_start3A_169] : memref<138x128xi32, #tpu.memory_space<vmem>> -> memref<1x128xi32, #tpu.memory_space<vmem>>
        %dma_start3A_171 = tpu.memref_squeeze %dma_start3A_170 : memref<1x128xi32, #tpu.memory_space<vmem>> -> memref<128xi32, #tpu.memory_space<vmem>>
        %dma_start3A_172 = arith.constant 0 : i32
        %dma_start3A_173 = arith.constant 0 : i32
        %dma_start3A_174 = tpu.memref_slice %arg2[%dma_start3A_172, %dma_start3A_173] : memref<10000x64xf32, #tpu.memory_space<hbm>> -> memref<10000x64xf32, #tpu.memory_space<hbm>>
        tpu.enqueue_indirect_dma source(%dma_start3A_174 : memref<10000x64xf32, #tpu.memory_space<hbm>>) target(%dma_start3A_168 : memref<128x64xf32, #tpu.memory_space<vmem>>) offsets(%dma_start3A_171 : memref<128xi32, #tpu.memory_space<vmem>>) semaphore(%arg11 : memref<!tpu.dma_semaphore, #tpu.memory_space<semaphore_mem>>)
        %add3A_175 = arith.constant 6 : i32
        %add3A_176 = arith.addi %mul3A_111, %add3A_175 : i32
        %add3A_177 = arith.constant 1 : i32
        %add3A_178 = arith.addi %add3A_176, %add3A_177 : i32
        %dma_start3A_179 = arith.constant 128 : i32
        %dma_start3A_180 = arith.constant 0 : i32
        %dma_start3A_181 = tpu.memref_slice %arg9[%dma_start3A_179, %dma_start3A_180] : memref<768x64xf32, #tpu.memory_space<vmem>> -> memref<128x64xf32, #tpu.memory_space<vmem>>
        %dma_start3A_182 = arith.constant 0 : i32
        %dma_start3A_183 = tpu.memref_slice %arg7[%add3A_178, %dma_start3A_182] : memref<138x128xi32, #tpu.memory_space<vmem>> -> memref<1x128xi32, #tpu.memory_space<vmem>>
        %dma_start3A_184 = tpu.memref_squeeze %dma_start3A_183 : memref<1x128xi32, #tpu.memory_space<vmem>> -> memref<128xi32, #tpu.memory_space<vmem>>
        %dma_start3A_185 = arith.constant 0 : i32
        %dma_start3A_186 = arith.constant 0 : i32
        %dma_start3A_187 = tpu.memref_slice %arg2[%dma_start3A_185, %dma_start3A_186] : memref<10000x64xf32, #tpu.memory_space<hbm>> -> memref<10000x64xf32, #tpu.memory_space<hbm>>
        tpu.enqueue_indirect_dma source(%dma_start3A_187 : memref<10000x64xf32, #tpu.memory_space<hbm>>) target(%dma_start3A_181 : memref<128x64xf32, #tpu.memory_space<vmem>>) offsets(%dma_start3A_184 : memref<128xi32, #tpu.memory_space<vmem>>) semaphore(%arg11 : memref<!tpu.dma_semaphore, #tpu.memory_space<semaphore_mem>>)
        %add3A_188 = arith.constant 6 : i32
        %add3A_189 = arith.addi %mul3A_111, %add3A_188 : i32
        %add3A_190 = arith.constant 2 : i32
        %add3A_191 = arith.addi %add3A_189, %add3A_190 : i32
        %dma_start3A_192 = arith.constant 256 : i32
        %dma_start3A_193 = arith.constant 0 : i32
        %dma_start3A_194 = tpu.memref_slice %arg9[%dma_start3A_192, %dma_start3A_193] : memref<768x64xf32, #tpu.memory_space<vmem>> -> memref<128x64xf32, #tpu.memory_space<vmem>>
        %dma_start3A_195 = arith.constant 0 : i32
        %dma_start3A_196 = tpu.memref_slice %arg7[%add3A_191, %dma_start3A_195] : memref<138x128xi32, #tpu.memory_space<vmem>> -> memref<1x128xi32, #tpu.memory_space<vmem>>
        %dma_start3A_197 = tpu.memref_squeeze %dma_start3A_196 : memref<1x128xi32, #tpu.memory_space<vmem>> -> memref<128xi32, #tpu.memory_space<vmem>>
        %dma_start3A_198 = arith.constant 0 : i32
        %dma_start3A_199 = arith.constant 0 : i32
        %dma_start3A_200 = tpu.memref_slice %arg2[%dma_start3A_198, %dma_start3A_199] : memref<10000x64xf32, #tpu.memory_space<hbm>> -> memref<10000x64xf32, #tpu.memory_space<hbm>>
        tpu.enqueue_indirect_dma source(%dma_start3A_200 : memref<10000x64xf32, #tpu.memory_space<hbm>>) target(%dma_start3A_194 : memref<128x64xf32, #tpu.memory_space<vmem>>) offsets(%dma_start3A_197 : memref<128xi32, #tpu.memory_space<vmem>>) semaphore(%arg11 : memref<!tpu.dma_semaphore, #tpu.memory_space<semaphore_mem>>)
      } else {
      }
      %dma_wait3A_132 = arith.constant 384 : i32
      %dma_wait3A_133 = arith.constant 0 : i32
      %dma_wait3A_134 = tpu.memref_slice %arg9[%dma_wait3A_132, %dma_wait3A_133] : memref<768x64xf32, #tpu.memory_space<vmem>> -> memref<384x64xf32, #tpu.memory_space<vmem>>
      %dma_wait3A_135 = arith.constant 0 : i32
      %dma_wait3A_136 = arith.constant 0 : i32
      %dma_wait3A_137 = tpu.memref_slice %arg5[%dma_wait3A_135, %dma_wait3A_136] : memref<10112x64xf32, #tpu.memory_space<hbm>> -> memref<384x64xf32, #tpu.memory_space<hbm>>
      %dma_wait3A_138 = arith.constant 384 : i32
      %dma_wait3A_139 = arith.constant 0 : i32
      %dma_wait3A_140 = tpu.memref_slice %arg9[%dma_wait3A_138, %dma_wait3A_139] : memref<768x64xf32, #tpu.memory_space<vmem>> -> memref<384x64xf32, #tpu.memory_space<vmem>>
      %dma_wait3A_141 = arith.constant 0 : i32
      %dma_wait3A_142 = arith.constant 0 : i32
      %dma_wait3A_143 = tpu.memref_slice %arg5[%dma_wait3A_141, %dma_wait3A_142] : memref<10112x64xf32, #tpu.memory_space<hbm>> -> memref<384x64xf32, #tpu.memory_space<hbm>>
      tpu.wait_dma2 semaphore(%arg12 : memref<!tpu.dma_semaphore, #tpu.memory_space<semaphore_mem>>) src(%dma_wait3A_143 : memref<384x64xf32, #tpu.memory_space<hbm>>) dst(%dma_wait3A_140 : memref<384x64xf32, #tpu.memory_space<vmem>>)
      %add3A_144 = arith.constant 3 : i32
      %add3A_145 = arith.addi %mul3A_111, %add3A_144 : i32
      %add3A_146 = arith.constant 0 : i32
      %add3A_147 = arith.addi %add3A_145, %add3A_146 : i32
      "tpu.region"() ({
        %run_scoped3A = tpu.sem_alloc : memref<!tpu.dma_semaphore, #tpu.memory_space<semaphore_mem>>
        %dma_start3A_162 = arith.constant 384 : i32
        %dma_start3A_163 = arith.constant 0 : i32
        %dma_start3A_164 = tpu.memref_slice %arg9[%dma_start3A_162, %dma_start3A_163] : memref<768x64xf32, #tpu.memory_space<vmem>> -> memref<128x64xf32, #tpu.memory_space<vmem>>
        %dma_start3A_165 = arith.constant 0 : i32
        %dma_start3A_166 = tpu.memref_slice %arg8[%add3A_147, %dma_start3A_165] : memref<138x128xi32, #tpu.memory_space<vmem>> -> memref<1x128xi32, #tpu.memory_space<vmem>>
        %dma_start3A_167 = tpu.memref_squeeze %dma_start3A_166 : memref<1x128xi32, #tpu.memory_space<vmem>> -> memref<128xi32, #tpu.memory_space<vmem>>
        %dma_start3A_168 = arith.constant 0 : i32
        %dma_start3A_169 = arith.constant 0 : i32
        %dma_start3A_170 = tpu.memref_slice %arg10[%dma_start3A_168, %dma_start3A_169] : memref<10112x64xf32, #tpu.memory_space<vmem_shared>> -> memref<10112x64xf32, #tpu.memory_space<vmem_shared>>
        tpu.enqueue_indirect_dma source(%dma_start3A_164 : memref<128x64xf32, #tpu.memory_space<vmem>>) target(%dma_start3A_170 : memref<10112x64xf32, #tpu.memory_space<vmem_shared>>) offsets(%dma_start3A_167 : memref<128xi32, #tpu.memory_space<vmem>>) semaphore(%run_scoped3A : memref<!tpu.dma_semaphore, #tpu.memory_space<semaphore_mem>>) {add = true}
        %dma_wait3A_171 = arith.constant 384 : i32
        %dma_wait3A_172 = arith.constant 0 : i32
        %dma_wait3A_173 = tpu.memref_slice %arg9[%dma_wait3A_171, %dma_wait3A_172] : memref<768x64xf32, #tpu.memory_space<vmem>> -> memref<128x64xf32, #tpu.memory_space<vmem>>
        %dma_wait3A_174 = arith.constant 0 : i32
        %dma_wait3A_175 = tpu.memref_slice %arg8[%add3A_147, %dma_wait3A_174] : memref<138x128xi32, #tpu.memory_space<vmem>> -> memref<1x128xi32, #tpu.memory_space<vmem>>
        %dma_wait3A_176 = tpu.memref_squeeze %dma_wait3A_175 : memref<1x128xi32, #tpu.memory_space<vmem>> -> memref<128xi32, #tpu.memory_space<vmem>>
        %dma_wait3A_177 = arith.constant 0 : i32
        %dma_wait3A_178 = arith.constant 0 : i32
        %dma_wait3A_179 = tpu.memref_slice %arg10[%dma_wait3A_177, %dma_wait3A_178] : memref<10112x64xf32, #tpu.memory_space<vmem_shared>> -> memref<10112x64xf32, #tpu.memory_space<vmem_shared>>
        tpu.wait_indirect_dma semaphore(%run_scoped3A : memref<!tpu.dma_semaphore, #tpu.memory_space<semaphore_mem>>) src(%dma_wait3A_173 : memref<128x64xf32, #tpu.memory_space<vmem>>) dst(%dma_wait3A_179 : memref<10112x64xf32, #tpu.memory_space<vmem_shared>>)
        tpu.yield
      }) : () -> ()
      %add3A_148 = arith.constant 3 : i32
      %add3A_149 = arith.addi %mul3A_111, %add3A_148 : i32
      %add3A_150 = arith.constant 1 : i32
      %add3A_151 = arith.addi %add3A_149, %add3A_150 : i32
      "tpu.region"() ({
        %run_scoped3A = tpu.sem_alloc : memref<!tpu.dma_semaphore, #tpu.memory_space<semaphore_mem>>
        %dma_start3A_162 = arith.constant 512 : i32
        %dma_start3A_163 = arith.constant 0 : i32
        %dma_start3A_164 = tpu.memref_slice %arg9[%dma_start3A_162, %dma_start3A_163] : memref<768x64xf32, #tpu.memory_space<vmem>> -> memref<128x64xf32, #tpu.memory_space<vmem>>
        %dma_start3A_165 = arith.constant 0 : i32
        %dma_start3A_166 = tpu.memref_slice %arg8[%add3A_151, %dma_start3A_165] : memref<138x128xi32, #tpu.memory_space<vmem>> -> memref<1x128xi32, #tpu.memory_space<vmem>>
        %dma_start3A_167 = tpu.memref_squeeze %dma_start3A_166 : memref<1x128xi32, #tpu.memory_space<vmem>> -> memref<128xi32, #tpu.memory_space<vmem>>
        %dma_start3A_168 = arith.constant 0 : i32
        %dma_start3A_169 = arith.constant 0 : i32
        %dma_start3A_170 = tpu.memref_slice %arg10[%dma_start3A_168, %dma_start3A_169] : memref<10112x64xf32, #tpu.memory_space<vmem_shared>> -> memref<10112x64xf32, #tpu.memory_space<vmem_shared>>
        tpu.enqueue_indirect_dma source(%dma_start3A_164 : memref<128x64xf32, #tpu.memory_space<vmem>>) target(%dma_start3A_170 : memref<10112x64xf32, #tpu.memory_space<vmem_shared>>) offsets(%dma_start3A_167 : memref<128xi32, #tpu.memory_space<vmem>>) semaphore(%run_scoped3A : memref<!tpu.dma_semaphore, #tpu.memory_space<semaphore_mem>>) {add = true}
        %dma_wait3A_171 = arith.constant 512 : i32
        %dma_wait3A_172 = arith.constant 0 : i32
        %dma_wait3A_173 = tpu.memref_slice %arg9[%dma_wait3A_171, %dma_wait3A_172] : memref<768x64xf32, #tpu.memory_space<vmem>> -> memref<128x64xf32, #tpu.memory_space<vmem>>
        %dma_wait3A_174 = arith.constant 0 : i32
        %dma_wait3A_175 = tpu.memref_slice %arg8[%add3A_151, %dma_wait3A_174] : memref<138x128xi32, #tpu.memory_space<vmem>> -> memref<1x128xi32, #tpu.memory_space<vmem>>
        %dma_wait3A_176 = tpu.memref_squeeze %dma_wait3A_175 : memref<1x128xi32, #tpu.memory_space<vmem>> -> memref<128xi32, #tpu.memory_space<vmem>>
        %dma_wait3A_177 = arith.constant 0 : i32
        %dma_wait3A_178 = arith.constant 0 : i32
        %dma_wait3A_179 = tpu.memref_slice %arg10[%dma_wait3A_177, %dma_wait3A_178] : memref<10112x64xf32, #tpu.memory_space<vmem_shared>> -> memref<10112x64xf32, #tpu.memory_space<vmem_shared>>
        tpu.wait_indirect_dma semaphore(%run_scoped3A : memref<!tpu.dma_semaphore, #tpu.memory_space<semaphore_mem>>) src(%dma_wait3A_173 : memref<128x64xf32, #tpu.memory_space<vmem>>) dst(%dma_wait3A_179 : memref<10112x64xf32, #tpu.memory_space<vmem_shared>>)
        tpu.yield
      }) : () -> ()
      %add3A_152 = arith.constant 3 : i32
      %add3A_153 = arith.addi %mul3A_111, %add3A_152 : i32
      %add3A_154 = arith.constant 2 : i32
      %add3A_155 = arith.addi %add3A_153, %add3A_154 : i32
      "tpu.region"() ({
        %run_scoped3A = tpu.sem_alloc : memref<!tpu.dma_semaphore, #tpu.memory_space<semaphore_mem>>
        %dma_start3A_162 = arith.constant 640 : i32
        %dma_start3A_163 = arith.constant 0 : i32
        %dma_start3A_164 = tpu.memref_slice %arg9[%dma_start3A_162, %dma_start3A_163] : memref<768x64xf32, #tpu.memory_space<vmem>> -> memref<128x64xf32, #tpu.memory_space<vmem>>
        %dma_start3A_165 = arith.constant 0 : i32
        %dma_start3A_166 = tpu.memref_slice %arg8[%add3A_155, %dma_start3A_165] : memref<138x128xi32, #tpu.memory_space<vmem>> -> memref<1x128xi32, #tpu.memory_space<vmem>>
        %dma_start3A_167 = tpu.memref_squeeze %dma_start3A_166 : memref<1x128xi32, #tpu.memory_space<vmem>> -> memref<128xi32, #tpu.memory_space<vmem>>
        %dma_start3A_168 = arith.constant 0 : i32
        %dma_start3A_169 = arith.constant 0 : i32
        %dma_start3A_170 = tpu.memref_slice %arg10[%dma_start3A_168, %dma_start3A_169] : memref<10112x64xf32, #tpu.memory_space<vmem_shared>> -> memref<10112x64xf32, #tpu.memory_space<vmem_shared>>
        tpu.enqueue_indirect_dma source(%dma_start3A_164 : memref<128x64xf32, #tpu.memory_space<vmem>>) target(%dma_start3A_170 : memref<10112x64xf32, #tpu.memory_space<vmem_shared>>) offsets(%dma_start3A_167 : memref<128xi32, #tpu.memory_space<vmem>>) semaphore(%run_scoped3A : memref<!tpu.dma_semaphore, #tpu.memory_space<semaphore_mem>>) {add = true}
        %dma_wait3A_171 = arith.constant 640 : i32
        %dma_wait3A_172 = arith.constant 0 : i32
        %dma_wait3A_173 = tpu.memref_slice %arg9[%dma_wait3A_171, %dma_wait3A_172] : memref<768x64xf32, #tpu.memory_space<vmem>> -> memref<128x64xf32, #tpu.memory_space<vmem>>
        %dma_wait3A_174 = arith.constant 0 : i32
        %dma_wait3A_175 = tpu.memref_slice %arg8[%add3A_155, %dma_wait3A_174] : memref<138x128xi32, #tpu.memory_space<vmem>> -> memref<1x128xi32, #tpu.memory_space<vmem>>
        %dma_wait3A_176 = tpu.memref_squeeze %dma_wait3A_175 : memref<1x128xi32, #tpu.memory_space<vmem>> -> memref<128xi32, #tpu.memory_space<vmem>>
        %dma_wait3A_177 = arith.constant 0 : i32
        %dma_wait3A_178 = arith.constant 0 : i32
        %dma_wait3A_179 = tpu.memref_slice %arg10[%dma_wait3A_177, %dma_wait3A_178] : memref<10112x64xf32, #tpu.memory_space<vmem_shared>> -> memref<10112x64xf32, #tpu.memory_space<vmem_shared>>
        tpu.wait_indirect_dma semaphore(%run_scoped3A : memref<!tpu.dma_semaphore, #tpu.memory_space<semaphore_mem>>) src(%dma_wait3A_173 : memref<128x64xf32, #tpu.memory_space<vmem>>) dst(%dma_wait3A_179 : memref<10112x64xf32, #tpu.memory_space<vmem_shared>>)
        tpu.yield
      }) : () -> ()
      %add3A_156 = arith.constant 9 : i32
      %add3A_157 = arith.addi %mul3A_111, %add3A_156 : i32
      %lt3A_158 = arith.cmpi slt, %add3A_157, %select_n3A_10 : i32
      %convert_element_type3A_159 = arith.extui %lt3A_158 : i1 to i32
      %cond3A_160 = arith.constant 0 : i32
      %cond3A_161 = arith.cmpi ne, %convert_element_type3A_159, %cond3A_160 : i32
      scf.if %cond3A_161 {
        %add3A_162 = arith.constant 9 : i32
        %add3A_163 = arith.addi %mul3A_111, %add3A_162 : i32
        %add3A_164 = arith.constant 0 : i32
        %add3A_165 = arith.addi %add3A_163, %add3A_164 : i32
        %dma_start3A_166 = arith.constant 384 : i32
        %dma_start3A_167 = arith.constant 0 : i32
        %dma_start3A_168 = tpu.memref_slice %arg9[%dma_start3A_166, %dma_start3A_167] : memref<768x64xf32, #tpu.memory_space<vmem>> -> memref<128x64xf32, #tpu.memory_space<vmem>>
        %dma_start3A_169 = arith.constant 0 : i32
        %dma_start3A_170 = tpu.memref_slice %arg7[%add3A_165, %dma_start3A_169] : memref<138x128xi32, #tpu.memory_space<vmem>> -> memref<1x128xi32, #tpu.memory_space<vmem>>
        %dma_start3A_171 = tpu.memref_squeeze %dma_start3A_170 : memref<1x128xi32, #tpu.memory_space<vmem>> -> memref<128xi32, #tpu.memory_space<vmem>>
        %dma_start3A_172 = arith.constant 0 : i32
        %dma_start3A_173 = arith.constant 0 : i32
        %dma_start3A_174 = tpu.memref_slice %arg2[%dma_start3A_172, %dma_start3A_173] : memref<10000x64xf32, #tpu.memory_space<hbm>> -> memref<10000x64xf32, #tpu.memory_space<hbm>>
        tpu.enqueue_indirect_dma source(%dma_start3A_174 : memref<10000x64xf32, #tpu.memory_space<hbm>>) target(%dma_start3A_168 : memref<128x64xf32, #tpu.memory_space<vmem>>) offsets(%dma_start3A_171 : memref<128xi32, #tpu.memory_space<vmem>>) semaphore(%arg12 : memref<!tpu.dma_semaphore, #tpu.memory_space<semaphore_mem>>)
        %add3A_175 = arith.constant 9 : i32
        %add3A_176 = arith.addi %mul3A_111, %add3A_175 : i32
        %add3A_177 = arith.constant 1 : i32
        %add3A_178 = arith.addi %add3A_176, %add3A_177 : i32
        %dma_start3A_179 = arith.constant 512 : i32
        %dma_start3A_180 = arith.constant 0 : i32
        %dma_start3A_181 = tpu.memref_slice %arg9[%dma_start3A_179, %dma_start3A_180] : memref<768x64xf32, #tpu.memory_space<vmem>> -> memref<128x64xf32, #tpu.memory_space<vmem>>
        %dma_start3A_182 = arith.constant 0 : i32
        %dma_start3A_183 = tpu.memref_slice %arg7[%add3A_178, %dma_start3A_182] : memref<138x128xi32, #tpu.memory_space<vmem>> -> memref<1x128xi32, #tpu.memory_space<vmem>>
        %dma_start3A_184 = tpu.memref_squeeze %dma_start3A_183 : memref<1x128xi32, #tpu.memory_space<vmem>> -> memref<128xi32, #tpu.memory_space<vmem>>
        %dma_start3A_185 = arith.constant 0 : i32
        %dma_start3A_186 = arith.constant 0 : i32
        %dma_start3A_187 = tpu.memref_slice %arg2[%dma_start3A_185, %dma_start3A_186] : memref<10000x64xf32, #tpu.memory_space<hbm>> -> memref<10000x64xf32, #tpu.memory_space<hbm>>
        tpu.enqueue_indirect_dma source(%dma_start3A_187 : memref<10000x64xf32, #tpu.memory_space<hbm>>) target(%dma_start3A_181 : memref<128x64xf32, #tpu.memory_space<vmem>>) offsets(%dma_start3A_184 : memref<128xi32, #tpu.memory_space<vmem>>) semaphore(%arg12 : memref<!tpu.dma_semaphore, #tpu.memory_space<semaphore_mem>>)
        %add3A_188 = arith.constant 9 : i32
        %add3A_189 = arith.addi %mul3A_111, %add3A_188 : i32
        %add3A_190 = arith.constant 2 : i32
        %add3A_191 = arith.addi %add3A_189, %add3A_190 : i32
        %dma_start3A_192 = arith.constant 640 : i32
        %dma_start3A_193 = arith.constant 0 : i32
        %dma_start3A_194 = tpu.memref_slice %arg9[%dma_start3A_192, %dma_start3A_193] : memref<768x64xf32, #tpu.memory_space<vmem>> -> memref<128x64xf32, #tpu.memory_space<vmem>>
        %dma_start3A_195 = arith.constant 0 : i32
        %dma_start3A_196 = tpu.memref_slice %arg7[%add3A_191, %dma_start3A_195] : memref<138x128xi32, #tpu.memory_space<vmem>> -> memref<1x128xi32, #tpu.memory_space<vmem>>
        %dma_start3A_197 = tpu.memref_squeeze %dma_start3A_196 : memref<1x128xi32, #tpu.memory_space<vmem>> -> memref<128xi32, #tpu.memory_space<vmem>>
        %dma_start3A_198 = arith.constant 0 : i32
        %dma_start3A_199 = arith.constant 0 : i32
        %dma_start3A_200 = tpu.memref_slice %arg2[%dma_start3A_198, %dma_start3A_199] : memref<10000x64xf32, #tpu.memory_space<hbm>> -> memref<10000x64xf32, #tpu.memory_space<hbm>>
        tpu.enqueue_indirect_dma source(%dma_start3A_200 : memref<10000x64xf32, #tpu.memory_space<hbm>>) target(%dma_start3A_194 : memref<128x64xf32, #tpu.memory_space<vmem>>) offsets(%dma_start3A_197 : memref<128xi32, #tpu.memory_space<vmem>>) semaphore(%arg12 : memref<!tpu.dma_semaphore, #tpu.memory_space<semaphore_mem>>)
      } else {
      }
    }
    %barrier3A_106 = arith.constant 0 : index
    tpu.barrier barrier_id(%barrier3A_106)
    "tpu.region"() ({
      %run_scoped3A = tpu.sem_alloc : memref<!tpu.dma_semaphore, #tpu.memory_space<semaphore_mem>>
      %dma_start3A_107 = arith.constant 0 : i32
      %dma_start3A_108 = tpu.memref_slice %arg6[%arg0, %mul3A_0, %dma_start3A_107] : memref<2x10112x64xf32, #tpu.memory_space<hbm>> -> memref<1x632x64xf32, #tpu.memory_space<hbm>>
      %dma_start3A_109 = tpu.memref_squeeze %dma_start3A_108 : memref<1x632x64xf32, #tpu.memory_space<hbm>> -> memref<632x64xf32, #tpu.memory_space<hbm>>
      %dma_start3A_110 = arith.constant 0 : i32
      %dma_start3A_111 = tpu.memref_slice %arg10[%mul3A_0, %dma_start3A_110] : memref<10112x64xf32, #tpu.memory_space<vmem_shared>> -> memref<632x64xf32, #tpu.memory_space<vmem_shared>>
      tpu.enqueue_dma source(%dma_start3A_111 : memref<632x64xf32, #tpu.memory_space<vmem_shared>>) target(%dma_start3A_109 : memref<632x64xf32, #tpu.memory_space<hbm>>) target_semaphore(%run_scoped3A : memref<!tpu.dma_semaphore, #tpu.memory_space<semaphore_mem>>)
      %dma_wait3A = arith.constant 0 : i32
      %dma_wait3A_112 = tpu.memref_slice %arg6[%arg0, %mul3A_0, %dma_wait3A] : memref<2x10112x64xf32, #tpu.memory_space<hbm>> -> memref<1x632x64xf32, #tpu.memory_space<hbm>>
      %dma_wait3A_113 = tpu.memref_squeeze %dma_wait3A_112 : memref<1x632x64xf32, #tpu.memory_space<hbm>> -> memref<632x64xf32, #tpu.memory_space<hbm>>
      %dma_wait3A_114 = arith.constant 0 : i32
      %dma_wait3A_115 = tpu.memref_slice %arg10[%mul3A_0, %dma_wait3A_114] : memref<10112x64xf32, #tpu.memory_space<vmem_shared>> -> memref<632x64xf32, #tpu.memory_space<vmem_shared>>
      tpu.wait_dma2 semaphore(%run_scoped3A : memref<!tpu.dma_semaphore, #tpu.memory_space<semaphore_mem>>) src(%dma_wait3A_115 : memref<632x64xf32, #tpu.memory_space<vmem_shared>>) dst(%dma_wait3A_113 : memref<632x64xf32, #tpu.memory_space<hbm>>)
      tpu.yield
    }) : () -> ()
    return
  }
}

#map = affine_map<(d0, d1) -> (0, 0)>
#map1 = affine_map<(d0, d1) -> (0, 0, 0)>
module attributes {stable_mosaic.version = 14 : i64} {
  func.func @seg(%arg0: i32, %arg1: i32, %arg2: memref<10000x64xf32, #tpu.memory_space<hbm>>, %arg3: memref<2730x128xi32, #tpu.memory_space<hbm>>, %arg4: memref<2730x128xi32, #tpu.memory_space<hbm>>, %arg5: memref<10112x64xf32, #tpu.memory_space<hbm>>, %arg6: memref<2x10112x64xf32, #tpu.memory_space<hbm>>, %arg7: memref<138x128xi32, #tpu.memory_space<vmem>>, %arg8: memref<138x128xi32, #tpu.memory_space<vmem>>, %arg9: memref<768x64xf32, #tpu.memory_space<vmem>>, %arg10: memref<10112x64xf32, #tpu.memory_space<vmem_shared>>, %arg11: memref<!tpu.dma_semaphore, #tpu.memory_space<semaphore_mem>>, %arg12: memref<!tpu.dma_semaphore, #tpu.memory_space<semaphore_mem>>) attributes {dimension_semantics = [#tpu.dimension_semantics<core_parallel>, #tpu.dimension_semantics<subcore_parallel>], iteration_bounds = array<i64: 2, 16>, scalar_prefetch = 0 : i64, scratch_operands = 6 : i64, tpu.core_type = #tpu.core_type<sc_vector_subcore>, window_params = [{transform_indices = #map}, {transform_indices = #map}, {transform_indices = #map}, {transform_indices = #map}, {transform_indices = #map1}]} {
    %mul3A = arith.constant 632 : i32
    %mul3A_0 = arith.muli %arg1, %mul3A : i32
    %eq3A = arith.constant 0 : i32
    %eq3A_1 = arith.cmpi eq, %arg0, %eq3A : i32
    %mul3A_2 = arith.constant 24 : i32
    %mul3A_3 = arith.muli %arg1, %mul3A_2 : i32
    %mul3A_4 = arith.constant 138 : i32
    %mul3A_5 = arith.muli %arg1, %mul3A_4 : i32
    %add3A = arith.constant 384 : i32
    %add3A_6 = arith.addi %add3A, %mul3A_5 : i32
    %select_n3A = arith.select %eq3A_1, %mul3A_3, %add3A_6 : i32
    %eq3A_7 = arith.constant 0 : i32
    %eq3A_8 = arith.cmpi eq, %arg0, %eq3A_7 : i32
    %jit3A = arith.constant 24 : i32
    %jit3A_9 = arith.constant 138 : i32
    %select_n3A_10 = arith.select %eq3A_8, %jit3A, %jit3A_9 : i32
    "tpu.region"() ({
      %run_scoped3A = tpu.sem_alloc : memref<!tpu.dma_semaphore, #tpu.memory_space<semaphore_mem>>
      %dma_start3A_107 = arith.constant 0 : i32
      %dma_start3A_108 = tpu.memref_slice %arg10[%mul3A_0, %dma_start3A_107] : memref<10112x64xf32, #tpu.memory_space<vmem_shared>> -> memref<632x64xf32, #tpu.memory_space<vmem_shared>>
      %dma_start3A_109 = arith.constant 0 : i32
      %dma_start3A_110 = tpu.memref_slice %arg5[%mul3A_0, %dma_start3A_109] : memref<10112x64xf32, #tpu.memory_space<hbm>> -> memref<632x64xf32, #tpu.memory_space<hbm>>
      tpu.enqueue_dma source(%dma_start3A_110 : memref<632x64xf32, #tpu.memory_space<hbm>>) target(%dma_start3A_108 : memref<632x64xf32, #tpu.memory_space<vmem_shared>>) target_semaphore(%run_scoped3A : memref<!tpu.dma_semaphore, #tpu.memory_space<semaphore_mem>>)
      %dma_wait3A = arith.constant 0 : i32
      %dma_wait3A_111 = tpu.memref_slice %arg10[%mul3A_0, %dma_wait3A] : memref<10112x64xf32, #tpu.memory_space<vmem_shared>> -> memref<632x64xf32, #tpu.memory_space<vmem_shared>>
      %dma_wait3A_112 = arith.constant 0 : i32
      %dma_wait3A_113 = tpu.memref_slice %arg5[%mul3A_0, %dma_wait3A_112] : memref<10112x64xf32, #tpu.memory_space<hbm>> -> memref<632x64xf32, #tpu.memory_space<hbm>>
      tpu.wait_dma2 semaphore(%run_scoped3A : memref<!tpu.dma_semaphore, #tpu.memory_space<semaphore_mem>>) src(%dma_wait3A_113 : memref<632x64xf32, #tpu.memory_space<hbm>>) dst(%dma_wait3A_111 : memref<632x64xf32, #tpu.memory_space<vmem_shared>>)
      tpu.yield
    }) : () -> ()
    "tpu.region"() ({
      %run_scoped3A = tpu.sem_alloc : memref<!tpu.dma_semaphore, #tpu.memory_space<semaphore_mem>>
      %dma_start3A_107 = arith.constant 0 : i32
      %dma_start3A_108 = tpu.memref_slice %arg3[%select_n3A, %dma_start3A_107] : memref<2730x128xi32, #tpu.memory_space<hbm>> -> memref<138x128xi32, #tpu.memory_space<hbm>>
      %dma_start3A_109 = arith.constant 0 : i32
      %dma_start3A_110 = tpu.memref_slice %arg3[%select_n3A, %dma_start3A_109] : memref<2730x128xi32, #tpu.memory_space<hbm>> -> memref<138x128xi32, #tpu.memory_space<hbm>>
      tpu.enqueue_dma source(%dma_start3A_110 : memref<138x128xi32, #tpu.memory_space<hbm>>) target(%arg7 : memref<138x128xi32, #tpu.memory_space<vmem>>) target_semaphore(%run_scoped3A : memref<!tpu.dma_semaphore, #tpu.memory_space<semaphore_mem>>)
      %dma_wait3A = arith.constant 0 : i32
      %dma_wait3A_111 = tpu.memref_slice %arg3[%select_n3A, %dma_wait3A] : memref<2730x128xi32, #tpu.memory_space<hbm>> -> memref<138x128xi32, #tpu.memory_space<hbm>>
      %dma_wait3A_112 = arith.constant 0 : i32
      %dma_wait3A_113 = tpu.memref_slice %arg3[%select_n3A, %dma_wait3A_112] : memref<2730x128xi32, #tpu.memory_space<hbm>> -> memref<138x128xi32, #tpu.memory_space<hbm>>
      tpu.wait_dma2 semaphore(%run_scoped3A : memref<!tpu.dma_semaphore, #tpu.memory_space<semaphore_mem>>) src(%dma_wait3A_113 : memref<138x128xi32, #tpu.memory_space<hbm>>) dst(%arg7 : memref<138x128xi32, #tpu.memory_space<vmem>>)
      tpu.yield
    }) : () -> ()
    "tpu.region"() ({
      %run_scoped3A = tpu.sem_alloc : memref<!tpu.dma_semaphore, #tpu.memory_space<semaphore_mem>>
      %dma_start3A_107 = arith.constant 0 : i32
      %dma_start3A_108 = tpu.memref_slice %arg4[%select_n3A, %dma_start3A_107] : memref<2730x128xi32, #tpu.memory_space<hbm>> -> memref<138x128xi32, #tpu.memory_space<hbm>>
      %dma_start3A_109 = arith.constant 0 : i32
      %dma_start3A_110 = tpu.memref_slice %arg4[%select_n3A, %dma_start3A_109] : memref<2730x128xi32, #tpu.memory_space<hbm>> -> memref<138x128xi32, #tpu.memory_space<hbm>>
      tpu.enqueue_dma source(%dma_start3A_110 : memref<138x128xi32, #tpu.memory_space<hbm>>) target(%arg8 : memref<138x128xi32, #tpu.memory_space<vmem>>) target_semaphore(%run_scoped3A : memref<!tpu.dma_semaphore, #tpu.memory_space<semaphore_mem>>)
      %dma_wait3A = arith.constant 0 : i32
      %dma_wait3A_111 = tpu.memref_slice %arg4[%select_n3A, %dma_wait3A] : memref<2730x128xi32, #tpu.memory_space<hbm>> -> memref<138x128xi32, #tpu.memory_space<hbm>>
      %dma_wait3A_112 = arith.constant 0 : i32
      %dma_wait3A_113 = tpu.memref_slice %arg4[%select_n3A, %dma_wait3A_112] : memref<2730x128xi32, #tpu.memory_space<hbm>> -> memref<138x128xi32, #tpu.memory_space<hbm>>
      tpu.wait_dma2 semaphore(%run_scoped3A : memref<!tpu.dma_semaphore, #tpu.memory_space<semaphore_mem>>) src(%dma_wait3A_113 : memref<138x128xi32, #tpu.memory_space<hbm>>) dst(%arg8 : memref<138x128xi32, #tpu.memory_space<vmem>>)
      tpu.yield
    }) : () -> ()
    %barrier3A = arith.constant 0 : index
    tpu.barrier barrier_id(%barrier3A)
    %dma_start3A = arith.constant 0 : i32
    %dma_start3A_11 = arith.constant 0 : i32
    %dma_start3A_12 = arith.constant 0 : i32
    %dma_start3A_13 = tpu.memref_slice %arg9[%dma_start3A_11, %dma_start3A_12] : memref<768x64xf32, #tpu.memory_space<vmem>> -> memref<128x64xf32, #tpu.memory_space<vmem>>
    %dma_start3A_14 = arith.constant 0 : i32
    %dma_start3A_15 = tpu.memref_slice %arg7[%dma_start3A, %dma_start3A_14] : memref<138x128xi32, #tpu.memory_space<vmem>> -> memref<1x128xi32, #tpu.memory_space<vmem>>
    %dma_start3A_16 = tpu.memref_squeeze %dma_start3A_15 : memref<1x128xi32, #tpu.memory_space<vmem>> -> memref<128xi32, #tpu.memory_space<vmem>>
    %dma_start3A_17 = arith.constant 0 : i32
    %dma_start3A_18 = arith.constant 0 : i32
    %dma_start3A_19 = tpu.memref_slice %arg2[%dma_start3A_17, %dma_start3A_18] : memref<10000x64xf32, #tpu.memory_space<hbm>> -> memref<10000x64xf32, #tpu.memory_space<hbm>>
    tpu.enqueue_indirect_dma source(%dma_start3A_19 : memref<10000x64xf32, #tpu.memory_space<hbm>>) target(%dma_start3A_13 : memref<128x64xf32, #tpu.memory_space<vmem>>) offsets(%dma_start3A_16 : memref<128xi32, #tpu.memory_space<vmem>>) semaphore(%arg11 : memref<!tpu.dma_semaphore, #tpu.memory_space<semaphore_mem>>)
    %dma_start3A_20 = arith.constant 3 : i32
    %dma_start3A_21 = arith.constant 384 : i32
    %dma_start3A_22 = arith.constant 0 : i32
    %dma_start3A_23 = tpu.memref_slice %arg9[%dma_start3A_21, %dma_start3A_22] : memref<768x64xf32, #tpu.memory_space<vmem>> -> memref<128x64xf32, #tpu.memory_space<vmem>>
    %dma_start3A_24 = arith.constant 0 : i32
    %dma_start3A_25 = tpu.memref_slice %arg7[%dma_start3A_20, %dma_start3A_24] : memref<138x128xi32, #tpu.memory_space<vmem>> -> memref<1x128xi32, #tpu.memory_space<vmem>>
    %dma_start3A_26 = tpu.memref_squeeze %dma_start3A_25 : memref<1x128xi32, #tpu.memory_space<vmem>> -> memref<128xi32, #tpu.memory_space<vmem>>
    %dma_start3A_27 = arith.constant 0 : i32
    %dma_start3A_28 = arith.constant 0 : i32
    %dma_start3A_29 = tpu.memref_slice %arg2[%dma_start3A_27, %dma_start3A_28] : memref<10000x64xf32, #tpu.memory_space<hbm>> -> memref<10000x64xf32, #tpu.memory_space<hbm>>
    tpu.enqueue_indirect_dma source(%dma_start3A_29 : memref<10000x64xf32, #tpu.memory_space<hbm>>) target(%dma_start3A_23 : memref<128x64xf32, #tpu.memory_space<vmem>>) offsets(%dma_start3A_26 : memref<128xi32, #tpu.memory_space<vmem>>) semaphore(%arg12 : memref<!tpu.dma_semaphore, #tpu.memory_space<semaphore_mem>>)
    %dma_start3A_30 = arith.constant 1 : i32
    %dma_start3A_31 = arith.constant 128 : i32
    %dma_start3A_32 = arith.constant 0 : i32
    %dma_start3A_33 = tpu.memref_slice %arg9[%dma_start3A_31, %dma_start3A_32] : memref<768x64xf32, #tpu.memory_space<vmem>> -> memref<128x64xf32, #tpu.memory_space<vmem>>
    %dma_start3A_34 = arith.constant 0 : i32
    %dma_start3A_35 = tpu.memref_slice %arg7[%dma_start3A_30, %dma_start3A_34] : memref<138x128xi32, #tpu.memory_space<vmem>> -> memref<1x128xi32, #tpu.memory_space<vmem>>
    %dma_start3A_36 = tpu.memref_squeeze %dma_start3A_35 : memref<1x128xi32, #tpu.memory_space<vmem>> -> memref<128xi32, #tpu.memory_space<vmem>>
    %dma_start3A_37 = arith.constant 0 : i32
    %dma_start3A_38 = arith.constant 0 : i32
    %dma_start3A_39 = tpu.memref_slice %arg2[%dma_start3A_37, %dma_start3A_38] : memref<10000x64xf32, #tpu.memory_space<hbm>> -> memref<10000x64xf32, #tpu.memory_space<hbm>>
    tpu.enqueue_indirect_dma source(%dma_start3A_39 : memref<10000x64xf32, #tpu.memory_space<hbm>>) target(%dma_start3A_33 : memref<128x64xf32, #tpu.memory_space<vmem>>) offsets(%dma_start3A_36 : memref<128xi32, #tpu.memory_space<vmem>>) semaphore(%arg11 : memref<!tpu.dma_semaphore, #tpu.memory_space<semaphore_mem>>)
    %dma_start3A_40 = arith.constant 4 : i32
    %dma_start3A_41 = arith.constant 512 : i32
    %dma_start3A_42 = arith.constant 0 : i32
    %dma_start3A_43 = tpu.memref_slice %arg9[%dma_start3A_41, %dma_start3A_42] : memref<768x64xf32, #tpu.memory_space<vmem>> -> memref<128x64xf32, #tpu.memory_space<vmem>>
    %dma_start3A_44 = arith.constant 0 : i32
    %dma_start3A_45 = tpu.memref_slice %arg7[%dma_start3A_40, %dma_start3A_44] : memref<138x128xi32, #tpu.memory_space<vmem>> -> memref<1x128xi32, #tpu.memory_space<vmem>>
    %dma_start3A_46 = tpu.memref_squeeze %dma_start3A_45 : memref<1x128xi32, #tpu.memory_space<vmem>> -> memref<128xi32, #tpu.memory_space<vmem>>
    %dma_start3A_47 = arith.constant 0 : i32
    %dma_start3A_48 = arith.constant 0 : i32
    %dma_start3A_49 = tpu.memref_slice %arg2[%dma_start3A_47, %dma_start3A_48] : memref<10000x64xf32, #tpu.memory_space<hbm>> -> memref<10000x64xf32, #tpu.memory_space<hbm>>
    tpu.enqueue_indirect_dma source(%dma_start3A_49 : memref<10000x64xf32, #tpu.memory_space<hbm>>) target(%dma_start3A_43 : memref<128x64xf32, #tpu.memory_space<vmem>>) offsets(%dma_start3A_46 : memref<128xi32, #tpu.memory_space<vmem>>) semaphore(%arg12 : memref<!tpu.dma_semaphore, #tpu.memory_space<semaphore_mem>>)
    %dma_start3A_50 = arith.constant 2 : i32
    %dma_start3A_51 = arith.constant 256 : i32
    %dma_start3A_52 = arith.constant 0 : i32
    %dma_start3A_53 = tpu.memref_slice %arg9[%dma_start3A_51, %dma_start3A_52] : memref<768x64xf32, #tpu.memory_space<vmem>> -> memref<128x64xf32, #tpu.memory_space<vmem>>
    %dma_start3A_54 = arith.constant 0 : i32
    %dma_start3A_55 = tpu.memref_slice %arg7[%dma_start3A_50, %dma_start3A_54] : memref<138x128xi32, #tpu.memory_space<vmem>> -> memref<1x128xi32, #tpu.memory_space<vmem>>
    %dma_start3A_56 = tpu.memref_squeeze %dma_start3A_55 : memref<1x128xi32, #tpu.memory_space<vmem>> -> memref<128xi32, #tpu.memory_space<vmem>>
    %dma_start3A_57 = arith.constant 0 : i32
    %dma_start3A_58 = arith.constant 0 : i32
    %dma_start3A_59 = tpu.memref_slice %arg2[%dma_start3A_57, %dma_start3A_58] : memref<10000x64xf32, #tpu.memory_space<hbm>> -> memref<10000x64xf32, #tpu.memory_space<hbm>>
    tpu.enqueue_indirect_dma source(%dma_start3A_59 : memref<10000x64xf32, #tpu.memory_space<hbm>>) target(%dma_start3A_53 : memref<128x64xf32, #tpu.memory_space<vmem>>) offsets(%dma_start3A_56 : memref<128xi32, #tpu.memory_space<vmem>>) semaphore(%arg11 : memref<!tpu.dma_semaphore, #tpu.memory_space<semaphore_mem>>)
    %dma_start3A_60 = arith.constant 5 : i32
    %dma_start3A_61 = arith.constant 640 : i32
    %dma_start3A_62 = arith.constant 0 : i32
    %dma_start3A_63 = tpu.memref_slice %arg9[%dma_start3A_61, %dma_start3A_62] : memref<768x64xf32, #tpu.memory_space<vmem>> -> memref<128x64xf32, #tpu.memory_space<vmem>>
    %dma_start3A_64 = arith.constant 0 : i32
    %dma_start3A_65 = tpu.memref_slice %arg7[%dma_start3A_60, %dma_start3A_64] : memref<138x128xi32, #tpu.memory_space<vmem>> -> memref<1x128xi32, #tpu.memory_space<vmem>>
    %dma_start3A_66 = tpu.memref_squeeze %dma_start3A_65 : memref<1x128xi32, #tpu.memory_space<vmem>> -> memref<128xi32, #tpu.memory_space<vmem>>
    %dma_start3A_67 = arith.constant 0 : i32
    %dma_start3A_68 = arith.constant 0 : i32
    %dma_start3A_69 = tpu.memref_slice %arg2[%dma_start3A_67, %dma_start3A_68] : memref<10000x64xf32, #tpu.memory_space<hbm>> -> memref<10000x64xf32, #tpu.memory_space<hbm>>
    tpu.enqueue_indirect_dma source(%dma_start3A_69 : memref<10000x64xf32, #tpu.memory_space<hbm>>) target(%dma_start3A_63 : memref<128x64xf32, #tpu.memory_space<vmem>>) offsets(%dma_start3A_66 : memref<128xi32, #tpu.memory_space<vmem>>) semaphore(%arg12 : memref<!tpu.dma_semaphore, #tpu.memory_space<semaphore_mem>>)
    %jit3A_70 = arith.constant 6 : i32
    %div3A = arith.divsi %select_n3A_10, %jit3A_70 : i32
    %sign3A = arith.constant 0 : i32
    %sign3A_71 = arith.cmpi sgt, %select_n3A_10, %sign3A : i32
    %sign3A_72 = arith.extui %sign3A_71 : i1 to i32
    %sign3A_73 = arith.constant 0 : i32
    %sign3A_74 = arith.cmpi slt, %select_n3A_10, %sign3A_73 : i32
    %sign3A_75 = arith.extui %sign3A_74 : i1 to i32
    %sign3A_76 = arith.subi %sign3A_72, %sign3A_75 : i32
    %sign3A_77 = arith.constant 0 : i32
    %sign3A_78 = arith.cmpi sgt, %jit3A_70, %sign3A_77 : i32
    %sign3A_79 = arith.extui %sign3A_78 : i1 to i32
    %sign3A_80 = arith.constant 0 : i32
    %sign3A_81 = arith.cmpi slt, %jit3A_70, %sign3A_80 : i32
    %sign3A_82 = arith.extui %sign3A_81 : i1 to i32
    %sign3A_83 = arith.subi %sign3A_79, %sign3A_82 : i32
    %ne3A = arith.cmpi ne, %sign3A_76, %sign3A_83 : i32
    %rem3A = arith.remsi %select_n3A_10, %jit3A_70 : i32
    %ne3A_84 = arith.constant 0 : i32
    %ne3A_85 = arith.cmpi ne, %rem3A, %ne3A_84 : i32
    %and3A = arith.andi %ne3A, %ne3A_85 : i1
    %sub3A = arith.constant 1 : i32
    %sub3A_86 = arith.subi %div3A, %sub3A : i32
    %select_n3A_87 = arith.select %and3A, %sub3A_86, %div3A : i32
    %sub3A_88 = arith.constant 0 : i32
    %sub3A_89 = arith.subi %select_n3A_87, %sub3A_88 : i32
    %sub3A_90 = arith.constant 1 : i32
    %sub3A_91 = arith.constant 1 : i32
    %sub3A_92 = arith.subi %sub3A_90, %sub3A_91 : i32
    %add3A_93 = arith.addi %sub3A_89, %sub3A_92 : i32
    %div3A_94 = arith.constant 1 : i32
    %div3A_95 = arith.divsi %add3A_93, %div3A_94 : i32
    %while3A = arith.constant 1 : i32
    %while3A_96 = arith.constant 0 : i32
    %while3A_97 = arith.constant 0 : i32
    %while3A_98 = arith.subi %div3A_95, %while3A_97 : i32
    %while3A_99 = arith.addi %while3A_97, %while3A_98 : i32
    %while3A_100 = arith.constant 1 : i32
    %while3A_101 = arith.divsi %while3A_98, %while3A_100 : i32
    %while3A_102 = arith.muli %while3A_101, %while3A_100 : i32
    %while3A_103 = arith.addi %while3A_97, %while3A_102 : i32
    %while3A_104 = arith.constant 1 : i32
    scf.for %while3A_107 = %while3A_97 to %while3A_103 step %while3A_104  : i32 {
      %mul3A_108 = arith.muli %while3A_107, %while3A : i32
      %add3A_109 = arith.addi %while3A_96, %mul3A_108 : i32
      %mul3A_110 = arith.constant 6 : i32
      %mul3A_111 = arith.muli %add3A_109, %mul3A_110 : i32
      %dma_wait3A = arith.constant 0 : i32
      %dma_wait3A_112 = arith.constant 0 : i32
      %dma_wait3A_113 = tpu.memref_slice %arg9[%dma_wait3A, %dma_wait3A_112] : memref<768x64xf32, #tpu.memory_space<vmem>> -> memref<384x64xf32, #tpu.memory_space<vmem>>
      %dma_wait3A_114 = arith.constant 0 : i32
      %dma_wait3A_115 = arith.constant 0 : i32
      %dma_wait3A_116 = tpu.memref_slice %arg5[%dma_wait3A_114, %dma_wait3A_115] : memref<10112x64xf32, #tpu.memory_space<hbm>> -> memref<384x64xf32, #tpu.memory_space<hbm>>
      %dma_wait3A_117 = arith.constant 0 : i32
      %dma_wait3A_118 = arith.constant 0 : i32
      %dma_wait3A_119 = tpu.memref_slice %arg9[%dma_wait3A_117, %dma_wait3A_118] : memref<768x64xf32, #tpu.memory_space<vmem>> -> memref<384x64xf32, #tpu.memory_space<vmem>>
      %dma_wait3A_120 = arith.constant 0 : i32
      %dma_wait3A_121 = arith.constant 0 : i32
      %dma_wait3A_122 = tpu.memref_slice %arg5[%dma_wait3A_120, %dma_wait3A_121] : memref<10112x64xf32, #tpu.memory_space<hbm>> -> memref<384x64xf32, #tpu.memory_space<hbm>>
      tpu.wait_dma2 semaphore(%arg11 : memref<!tpu.dma_semaphore, #tpu.memory_space<semaphore_mem>>) src(%dma_wait3A_122 : memref<384x64xf32, #tpu.memory_space<hbm>>) dst(%dma_wait3A_119 : memref<384x64xf32, #tpu.memory_space<vmem>>)
      %add3A_123 = arith.constant 0 : i32
      %add3A_124 = arith.addi %mul3A_111, %add3A_123 : i32
      "tpu.region"() ({
        %run_scoped3A = tpu.sem_alloc : memref<!tpu.dma_semaphore, #tpu.memory_space<semaphore_mem>>
        %dma_start3A_162 = arith.constant 0 : i32
        %dma_start3A_163 = arith.constant 0 : i32
        %dma_start3A_164 = tpu.memref_slice %arg9[%dma_start3A_162, %dma_start3A_163] : memref<768x64xf32, #tpu.memory_space<vmem>> -> memref<128x64xf32, #tpu.memory_space<vmem>>
        %dma_start3A_165 = arith.constant 0 : i32
        %dma_start3A_166 = tpu.memref_slice %arg8[%add3A_124, %dma_start3A_165] : memref<138x128xi32, #tpu.memory_space<vmem>> -> memref<1x128xi32, #tpu.memory_space<vmem>>
        %dma_start3A_167 = tpu.memref_squeeze %dma_start3A_166 : memref<1x128xi32, #tpu.memory_space<vmem>> -> memref<128xi32, #tpu.memory_space<vmem>>
        %dma_start3A_168 = arith.constant 0 : i32
        %dma_start3A_169 = arith.constant 0 : i32
        %dma_start3A_170 = tpu.memref_slice %arg10[%dma_start3A_168, %dma_start3A_169] : memref<10112x64xf32, #tpu.memory_space<vmem_shared>> -> memref<10112x64xf32, #tpu.memory_space<vmem_shared>>
        tpu.enqueue_indirect_dma source(%dma_start3A_164 : memref<128x64xf32, #tpu.memory_space<vmem>>) target(%dma_start3A_170 : memref<10112x64xf32, #tpu.memory_space<vmem_shared>>) offsets(%dma_start3A_167 : memref<128xi32, #tpu.memory_space<vmem>>) semaphore(%run_scoped3A : memref<!tpu.dma_semaphore, #tpu.memory_space<semaphore_mem>>) {add = true}
        %dma_wait3A_171 = arith.constant 0 : i32
        %dma_wait3A_172 = arith.constant 0 : i32
        %dma_wait3A_173 = tpu.memref_slice %arg9[%dma_wait3A_171, %dma_wait3A_172] : memref<768x64xf32, #tpu.memory_space<vmem>> -> memref<128x64xf32, #tpu.memory_space<vmem>>
        %dma_wait3A_174 = arith.constant 0 : i32
        %dma_wait3A_175 = tpu.memref_slice %arg8[%add3A_124, %dma_wait3A_174] : memref<138x128xi32, #tpu.memory_space<vmem>> -> memref<1x128xi32, #tpu.memory_space<vmem>>
        %dma_wait3A_176 = tpu.memref_squeeze %dma_wait3A_175 : memref<1x128xi32, #tpu.memory_space<vmem>> -> memref<128xi32, #tpu.memory_space<vmem>>
        %dma_wait3A_177 = arith.constant 0 : i32
        %dma_wait3A_178 = arith.constant 0 : i32
        %dma_wait3A_179 = tpu.memref_slice %arg10[%dma_wait3A_177, %dma_wait3A_178] : memref<10112x64xf32, #tpu.memory_space<vmem_shared>> -> memref<10112x64xf32, #tpu.memory_space<vmem_shared>>
        tpu.wait_indirect_dma semaphore(%run_scoped3A : memref<!tpu.dma_semaphore, #tpu.memory_space<semaphore_mem>>) src(%dma_wait3A_173 : memref<128x64xf32, #tpu.memory_space<vmem>>) dst(%dma_wait3A_179 : memref<10112x64xf32, #tpu.memory_space<vmem_shared>>)
        tpu.yield
      }) : () -> ()
      %add3A_125 = arith.constant 1 : i32
      %add3A_126 = arith.addi %mul3A_111, %add3A_125 : i32
      "tpu.region"() ({
        %run_scoped3A = tpu.sem_alloc : memref<!tpu.dma_semaphore, #tpu.memory_space<semaphore_mem>>
        %dma_start3A_162 = arith.constant 128 : i32
        %dma_start3A_163 = arith.constant 0 : i32
        %dma_start3A_164 = tpu.memref_slice %arg9[%dma_start3A_162, %dma_start3A_163] : memref<768x64xf32, #tpu.memory_space<vmem>> -> memref<128x64xf32, #tpu.memory_space<vmem>>
        %dma_start3A_165 = arith.constant 0 : i32
        %dma_start3A_166 = tpu.memref_slice %arg8[%add3A_126, %dma_start3A_165] : memref<138x128xi32, #tpu.memory_space<vmem>> -> memref<1x128xi32, #tpu.memory_space<vmem>>
        %dma_start3A_167 = tpu.memref_squeeze %dma_start3A_166 : memref<1x128xi32, #tpu.memory_space<vmem>> -> memref<128xi32, #tpu.memory_space<vmem>>
        %dma_start3A_168 = arith.constant 0 : i32
        %dma_start3A_169 = arith.constant 0 : i32
        %dma_start3A_170 = tpu.memref_slice %arg10[%dma_start3A_168, %dma_start3A_169] : memref<10112x64xf32, #tpu.memory_space<vmem_shared>> -> memref<10112x64xf32, #tpu.memory_space<vmem_shared>>
        tpu.enqueue_indirect_dma source(%dma_start3A_164 : memref<128x64xf32, #tpu.memory_space<vmem>>) target(%dma_start3A_170 : memref<10112x64xf32, #tpu.memory_space<vmem_shared>>) offsets(%dma_start3A_167 : memref<128xi32, #tpu.memory_space<vmem>>) semaphore(%run_scoped3A : memref<!tpu.dma_semaphore, #tpu.memory_space<semaphore_mem>>) {add = true}
        %dma_wait3A_171 = arith.constant 128 : i32
        %dma_wait3A_172 = arith.constant 0 : i32
        %dma_wait3A_173 = tpu.memref_slice %arg9[%dma_wait3A_171, %dma_wait3A_172] : memref<768x64xf32, #tpu.memory_space<vmem>> -> memref<128x64xf32, #tpu.memory_space<vmem>>
        %dma_wait3A_174 = arith.constant 0 : i32
        %dma_wait3A_175 = tpu.memref_slice %arg8[%add3A_126, %dma_wait3A_174] : memref<138x128xi32, #tpu.memory_space<vmem>> -> memref<1x128xi32, #tpu.memory_space<vmem>>
        %dma_wait3A_176 = tpu.memref_squeeze %dma_wait3A_175 : memref<1x128xi32, #tpu.memory_space<vmem>> -> memref<128xi32, #tpu.memory_space<vmem>>
        %dma_wait3A_177 = arith.constant 0 : i32
        %dma_wait3A_178 = arith.constant 0 : i32
        %dma_wait3A_179 = tpu.memref_slice %arg10[%dma_wait3A_177, %dma_wait3A_178] : memref<10112x64xf32, #tpu.memory_space<vmem_shared>> -> memref<10112x64xf32, #tpu.memory_space<vmem_shared>>
        tpu.wait_indirect_dma semaphore(%run_scoped3A : memref<!tpu.dma_semaphore, #tpu.memory_space<semaphore_mem>>) src(%dma_wait3A_173 : memref<128x64xf32, #tpu.memory_space<vmem>>) dst(%dma_wait3A_179 : memref<10112x64xf32, #tpu.memory_space<vmem_shared>>)
        tpu.yield
      }) : () -> ()
      %add3A_127 = arith.constant 2 : i32
      %add3A_128 = arith.addi %mul3A_111, %add3A_127 : i32
      "tpu.region"() ({
        %run_scoped3A = tpu.sem_alloc : memref<!tpu.dma_semaphore, #tpu.memory_space<semaphore_mem>>
        %dma_start3A_162 = arith.constant 256 : i32
        %dma_start3A_163 = arith.constant 0 : i32
        %dma_start3A_164 = tpu.memref_slice %arg9[%dma_start3A_162, %dma_start3A_163] : memref<768x64xf32, #tpu.memory_space<vmem>> -> memref<128x64xf32, #tpu.memory_space<vmem>>
        %dma_start3A_165 = arith.constant 0 : i32
        %dma_start3A_166 = tpu.memref_slice %arg8[%add3A_128, %dma_start3A_165] : memref<138x128xi32, #tpu.memory_space<vmem>> -> memref<1x128xi32, #tpu.memory_space<vmem>>
        %dma_start3A_167 = tpu.memref_squeeze %dma_start3A_166 : memref<1x128xi32, #tpu.memory_space<vmem>> -> memref<128xi32, #tpu.memory_space<vmem>>
        %dma_start3A_168 = arith.constant 0 : i32
        %dma_start3A_169 = arith.constant 0 : i32
        %dma_start3A_170 = tpu.memref_slice %arg10[%dma_start3A_168, %dma_start3A_169] : memref<10112x64xf32, #tpu.memory_space<vmem_shared>> -> memref<10112x64xf32, #tpu.memory_space<vmem_shared>>
        tpu.enqueue_indirect_dma source(%dma_start3A_164 : memref<128x64xf32, #tpu.memory_space<vmem>>) target(%dma_start3A_170 : memref<10112x64xf32, #tpu.memory_space<vmem_shared>>) offsets(%dma_start3A_167 : memref<128xi32, #tpu.memory_space<vmem>>) semaphore(%run_scoped3A : memref<!tpu.dma_semaphore, #tpu.memory_space<semaphore_mem>>) {add = true}
        %dma_wait3A_171 = arith.constant 256 : i32
        %dma_wait3A_172 = arith.constant 0 : i32
        %dma_wait3A_173 = tpu.memref_slice %arg9[%dma_wait3A_171, %dma_wait3A_172] : memref<768x64xf32, #tpu.memory_space<vmem>> -> memref<128x64xf32, #tpu.memory_space<vmem>>
        %dma_wait3A_174 = arith.constant 0 : i32
        %dma_wait3A_175 = tpu.memref_slice %arg8[%add3A_128, %dma_wait3A_174] : memref<138x128xi32, #tpu.memory_space<vmem>> -> memref<1x128xi32, #tpu.memory_space<vmem>>
        %dma_wait3A_176 = tpu.memref_squeeze %dma_wait3A_175 : memref<1x128xi32, #tpu.memory_space<vmem>> -> memref<128xi32, #tpu.memory_space<vmem>>
        %dma_wait3A_177 = arith.constant 0 : i32
        %dma_wait3A_178 = arith.constant 0 : i32
        %dma_wait3A_179 = tpu.memref_slice %arg10[%dma_wait3A_177, %dma_wait3A_178] : memref<10112x64xf32, #tpu.memory_space<vmem_shared>> -> memref<10112x64xf32, #tpu.memory_space<vmem_shared>>
        tpu.wait_indirect_dma semaphore(%run_scoped3A : memref<!tpu.dma_semaphore, #tpu.memory_space<semaphore_mem>>) src(%dma_wait3A_173 : memref<128x64xf32, #tpu.memory_space<vmem>>) dst(%dma_wait3A_179 : memref<10112x64xf32, #tpu.memory_space<vmem_shared>>)
        tpu.yield
      }) : () -> ()
      %add3A_129 = arith.constant 6 : i32
      %add3A_130 = arith.addi %mul3A_111, %add3A_129 : i32
      %lt3A = arith.cmpi slt, %add3A_130, %select_n3A_10 : i32
      %convert_element_type3A = arith.extui %lt3A : i1 to i32
      %cond3A = arith.constant 0 : i32
      %cond3A_131 = arith.cmpi ne, %convert_element_type3A, %cond3A : i32
      scf.if %cond3A_131 {
        %add3A_162 = arith.constant 6 : i32
        %add3A_163 = arith.addi %mul3A_111, %add3A_162 : i32
        %add3A_164 = arith.constant 0 : i32
        %add3A_165 = arith.addi %add3A_163, %add3A_164 : i32
        %dma_start3A_166 = arith.constant 0 : i32
        %dma_start3A_167 = arith.constant 0 : i32
        %dma_start3A_168 = tpu.memref_slice %arg9[%dma_start3A_166, %dma_start3A_167] : memref<768x64xf32, #tpu.memory_space<vmem>> -> memref<128x64xf32, #tpu.memory_space<vmem>>
        %dma_start3A_169 = arith.constant 0 : i32
        %dma_start3A_170 = tpu.memref_slice %arg7[%add3A_165, %dma_start3A_169] : memref<138x128xi32, #tpu.memory_space<vmem>> -> memref<1x128xi32, #tpu.memory_space<vmem>>
        %dma_start3A_171 = tpu.memref_squeeze %dma_start3A_170 : memref<1x128xi32, #tpu.memory_space<vmem>> -> memref<128xi32, #tpu.memory_space<vmem>>
        %dma_start3A_172 = arith.constant 0 : i32
        %dma_start3A_173 = arith.constant 0 : i32
        %dma_start3A_174 = tpu.memref_slice %arg2[%dma_start3A_172, %dma_start3A_173] : memref<10000x64xf32, #tpu.memory_space<hbm>> -> memref<10000x64xf32, #tpu.memory_space<hbm>>
        tpu.enqueue_indirect_dma source(%dma_start3A_174 : memref<10000x64xf32, #tpu.memory_space<hbm>>) target(%dma_start3A_168 : memref<128x64xf32, #tpu.memory_space<vmem>>) offsets(%dma_start3A_171 : memref<128xi32, #tpu.memory_space<vmem>>) semaphore(%arg11 : memref<!tpu.dma_semaphore, #tpu.memory_space<semaphore_mem>>)
        %add3A_175 = arith.constant 6 : i32
        %add3A_176 = arith.addi %mul3A_111, %add3A_175 : i32
        %add3A_177 = arith.constant 1 : i32
        %add3A_178 = arith.addi %add3A_176, %add3A_177 : i32
        %dma_start3A_179 = arith.constant 128 : i32
        %dma_start3A_180 = arith.constant 0 : i32
        %dma_start3A_181 = tpu.memref_slice %arg9[%dma_start3A_179, %dma_start3A_180] : memref<768x64xf32, #tpu.memory_space<vmem>> -> memref<128x64xf32, #tpu.memory_space<vmem>>
        %dma_start3A_182 = arith.constant 0 : i32
        %dma_start3A_183 = tpu.memref_slice %arg7[%add3A_178, %dma_start3A_182] : memref<138x128xi32, #tpu.memory_space<vmem>> -> memref<1x128xi32, #tpu.memory_space<vmem>>
        %dma_start3A_184 = tpu.memref_squeeze %dma_start3A_183 : memref<1x128xi32, #tpu.memory_space<vmem>> -> memref<128xi32, #tpu.memory_space<vmem>>
        %dma_start3A_185 = arith.constant 0 : i32
        %dma_start3A_186 = arith.constant 0 : i32
        %dma_start3A_187 = tpu.memref_slice %arg2[%dma_start3A_185, %dma_start3A_186] : memref<10000x64xf32, #tpu.memory_space<hbm>> -> memref<10000x64xf32, #tpu.memory_space<hbm>>
        tpu.enqueue_indirect_dma source(%dma_start3A_187 : memref<10000x64xf32, #tpu.memory_space<hbm>>) target(%dma_start3A_181 : memref<128x64xf32, #tpu.memory_space<vmem>>) offsets(%dma_start3A_184 : memref<128xi32, #tpu.memory_space<vmem>>) semaphore(%arg11 : memref<!tpu.dma_semaphore, #tpu.memory_space<semaphore_mem>>)
        %add3A_188 = arith.constant 6 : i32
        %add3A_189 = arith.addi %mul3A_111, %add3A_188 : i32
        %add3A_190 = arith.constant 2 : i32
        %add3A_191 = arith.addi %add3A_189, %add3A_190 : i32
        %dma_start3A_192 = arith.constant 256 : i32
        %dma_start3A_193 = arith.constant 0 : i32
        %dma_start3A_194 = tpu.memref_slice %arg9[%dma_start3A_192, %dma_start3A_193] : memref<768x64xf32, #tpu.memory_space<vmem>> -> memref<128x64xf32, #tpu.memory_space<vmem>>
        %dma_start3A_195 = arith.constant 0 : i32
        %dma_start3A_196 = tpu.memref_slice %arg7[%add3A_191, %dma_start3A_195] : memref<138x128xi32, #tpu.memory_space<vmem>> -> memref<1x128xi32, #tpu.memory_space<vmem>>
        %dma_start3A_197 = tpu.memref_squeeze %dma_start3A_196 : memref<1x128xi32, #tpu.memory_space<vmem>> -> memref<128xi32, #tpu.memory_space<vmem>>
        %dma_start3A_198 = arith.constant 0 : i32
        %dma_start3A_199 = arith.constant 0 : i32
        %dma_start3A_200 = tpu.memref_slice %arg2[%dma_start3A_198, %dma_start3A_199] : memref<10000x64xf32, #tpu.memory_space<hbm>> -> memref<10000x64xf32, #tpu.memory_space<hbm>>
        tpu.enqueue_indirect_dma source(%dma_start3A_200 : memref<10000x64xf32, #tpu.memory_space<hbm>>) target(%dma_start3A_194 : memref<128x64xf32, #tpu.memory_space<vmem>>) offsets(%dma_start3A_197 : memref<128xi32, #tpu.memory_space<vmem>>) semaphore(%arg11 : memref<!tpu.dma_semaphore, #tpu.memory_space<semaphore_mem>>)
      } else {
      }
      %dma_wait3A_132 = arith.constant 384 : i32
      %dma_wait3A_133 = arith.constant 0 : i32
      %dma_wait3A_134 = tpu.memref_slice %arg9[%dma_wait3A_132, %dma_wait3A_133] : memref<768x64xf32, #tpu.memory_space<vmem>> -> memref<384x64xf32, #tpu.memory_space<vmem>>
      %dma_wait3A_135 = arith.constant 0 : i32
      %dma_wait3A_136 = arith.constant 0 : i32
      %dma_wait3A_137 = tpu.memref_slice %arg5[%dma_wait3A_135, %dma_wait3A_136] : memref<10112x64xf32, #tpu.memory_space<hbm>> -> memref<384x64xf32, #tpu.memory_space<hbm>>
      %dma_wait3A_138 = arith.constant 384 : i32
      %dma_wait3A_139 = arith.constant 0 : i32
      %dma_wait3A_140 = tpu.memref_slice %arg9[%dma_wait3A_138, %dma_wait3A_139] : memref<768x64xf32, #tpu.memory_space<vmem>> -> memref<384x64xf32, #tpu.memory_space<vmem>>
      %dma_wait3A_141 = arith.constant 0 : i32
      %dma_wait3A_142 = arith.constant 0 : i32
      %dma_wait3A_143 = tpu.memref_slice %arg5[%dma_wait3A_141, %dma_wait3A_142] : memref<10112x64xf32, #tpu.memory_space<hbm>> -> memref<384x64xf32, #tpu.memory_space<hbm>>
      tpu.wait_dma2 semaphore(%arg12 : memref<!tpu.dma_semaphore, #tpu.memory_space<semaphore_mem>>) src(%dma_wait3A_143 : memref<384x64xf32, #tpu.memory_space<hbm>>) dst(%dma_wait3A_140 : memref<384x64xf32, #tpu.memory_space<vmem>>)
      %add3A_144 = arith.constant 3 : i32
      %add3A_145 = arith.addi %mul3A_111, %add3A_144 : i32
      %add3A_146 = arith.constant 0 : i32
      %add3A_147 = arith.addi %add3A_145, %add3A_146 : i32
      "tpu.region"() ({
        %run_scoped3A = tpu.sem_alloc : memref<!tpu.dma_semaphore, #tpu.memory_space<semaphore_mem>>
        %dma_start3A_162 = arith.constant 384 : i32
        %dma_start3A_163 = arith.constant 0 : i32
        %dma_start3A_164 = tpu.memref_slice %arg9[%dma_start3A_162, %dma_start3A_163] : memref<768x64xf32, #tpu.memory_space<vmem>> -> memref<128x64xf32, #tpu.memory_space<vmem>>
        %dma_start3A_165 = arith.constant 0 : i32
        %dma_start3A_166 = tpu.memref_slice %arg8[%add3A_147, %dma_start3A_165] : memref<138x128xi32, #tpu.memory_space<vmem>> -> memref<1x128xi32, #tpu.memory_space<vmem>>
        %dma_start3A_167 = tpu.memref_squeeze %dma_start3A_166 : memref<1x128xi32, #tpu.memory_space<vmem>> -> memref<128xi32, #tpu.memory_space<vmem>>
        %dma_start3A_168 = arith.constant 0 : i32
        %dma_start3A_169 = arith.constant 0 : i32
        %dma_start3A_170 = tpu.memref_slice %arg10[%dma_start3A_168, %dma_start3A_169] : memref<10112x64xf32, #tpu.memory_space<vmem_shared>> -> memref<10112x64xf32, #tpu.memory_space<vmem_shared>>
        tpu.enqueue_indirect_dma source(%dma_start3A_164 : memref<128x64xf32, #tpu.memory_space<vmem>>) target(%dma_start3A_170 : memref<10112x64xf32, #tpu.memory_space<vmem_shared>>) offsets(%dma_start3A_167 : memref<128xi32, #tpu.memory_space<vmem>>) semaphore(%run_scoped3A : memref<!tpu.dma_semaphore, #tpu.memory_space<semaphore_mem>>) {add = true}
        %dma_wait3A_171 = arith.constant 384 : i32
        %dma_wait3A_172 = arith.constant 0 : i32
        %dma_wait3A_173 = tpu.memref_slice %arg9[%dma_wait3A_171, %dma_wait3A_172] : memref<768x64xf32, #tpu.memory_space<vmem>> -> memref<128x64xf32, #tpu.memory_space<vmem>>
        %dma_wait3A_174 = arith.constant 0 : i32
        %dma_wait3A_175 = tpu.memref_slice %arg8[%add3A_147, %dma_wait3A_174] : memref<138x128xi32, #tpu.memory_space<vmem>> -> memref<1x128xi32, #tpu.memory_space<vmem>>
        %dma_wait3A_176 = tpu.memref_squeeze %dma_wait3A_175 : memref<1x128xi32, #tpu.memory_space<vmem>> -> memref<128xi32, #tpu.memory_space<vmem>>
        %dma_wait3A_177 = arith.constant 0 : i32
        %dma_wait3A_178 = arith.constant 0 : i32
        %dma_wait3A_179 = tpu.memref_slice %arg10[%dma_wait3A_177, %dma_wait3A_178] : memref<10112x64xf32, #tpu.memory_space<vmem_shared>> -> memref<10112x64xf32, #tpu.memory_space<vmem_shared>>
        tpu.wait_indirect_dma semaphore(%run_scoped3A : memref<!tpu.dma_semaphore, #tpu.memory_space<semaphore_mem>>) src(%dma_wait3A_173 : memref<128x64xf32, #tpu.memory_space<vmem>>) dst(%dma_wait3A_179 : memref<10112x64xf32, #tpu.memory_space<vmem_shared>>)
        tpu.yield
      }) : () -> ()
      %add3A_148 = arith.constant 3 : i32
      %add3A_149 = arith.addi %mul3A_111, %add3A_148 : i32
      %add3A_150 = arith.constant 1 : i32
      %add3A_151 = arith.addi %add3A_149, %add3A_150 : i32
      "tpu.region"() ({
        %run_scoped3A = tpu.sem_alloc : memref<!tpu.dma_semaphore, #tpu.memory_space<semaphore_mem>>
        %dma_start3A_162 = arith.constant 512 : i32
        %dma_start3A_163 = arith.constant 0 : i32
        %dma_start3A_164 = tpu.memref_slice %arg9[%dma_start3A_162, %dma_start3A_163] : memref<768x64xf32, #tpu.memory_space<vmem>> -> memref<128x64xf32, #tpu.memory_space<vmem>>
        %dma_start3A_165 = arith.constant 0 : i32
        %dma_start3A_166 = tpu.memref_slice %arg8[%add3A_151, %dma_start3A_165] : memref<138x128xi32, #tpu.memory_space<vmem>> -> memref<1x128xi32, #tpu.memory_space<vmem>>
        %dma_start3A_167 = tpu.memref_squeeze %dma_start3A_166 : memref<1x128xi32, #tpu.memory_space<vmem>> -> memref<128xi32, #tpu.memory_space<vmem>>
        %dma_start3A_168 = arith.constant 0 : i32
        %dma_start3A_169 = arith.constant 0 : i32
        %dma_start3A_170 = tpu.memref_slice %arg10[%dma_start3A_168, %dma_start3A_169] : memref<10112x64xf32, #tpu.memory_space<vmem_shared>> -> memref<10112x64xf32, #tpu.memory_space<vmem_shared>>
        tpu.enqueue_indirect_dma source(%dma_start3A_164 : memref<128x64xf32, #tpu.memory_space<vmem>>) target(%dma_start3A_170 : memref<10112x64xf32, #tpu.memory_space<vmem_shared>>) offsets(%dma_start3A_167 : memref<128xi32, #tpu.memory_space<vmem>>) semaphore(%run_scoped3A : memref<!tpu.dma_semaphore, #tpu.memory_space<semaphore_mem>>) {add = true}
        %dma_wait3A_171 = arith.constant 512 : i32
        %dma_wait3A_172 = arith.constant 0 : i32
        %dma_wait3A_173 = tpu.memref_slice %arg9[%dma_wait3A_171, %dma_wait3A_172] : memref<768x64xf32, #tpu.memory_space<vmem>> -> memref<128x64xf32, #tpu.memory_space<vmem>>
        %dma_wait3A_174 = arith.constant 0 : i32
        %dma_wait3A_175 = tpu.memref_slice %arg8[%add3A_151, %dma_wait3A_174] : memref<138x128xi32, #tpu.memory_space<vmem>> -> memref<1x128xi32, #tpu.memory_space<vmem>>
        %dma_wait3A_176 = tpu.memref_squeeze %dma_wait3A_175 : memref<1x128xi32, #tpu.memory_space<vmem>> -> memref<128xi32, #tpu.memory_space<vmem>>
        %dma_wait3A_177 = arith.constant 0 : i32
        %dma_wait3A_178 = arith.constant 0 : i32
        %dma_wait3A_179 = tpu.memref_slice %arg10[%dma_wait3A_177, %dma_wait3A_178] : memref<10112x64xf32, #tpu.memory_space<vmem_shared>> -> memref<10112x64xf32, #tpu.memory_space<vmem_shared>>
        tpu.wait_indirect_dma semaphore(%run_scoped3A : memref<!tpu.dma_semaphore, #tpu.memory_space<semaphore_mem>>) src(%dma_wait3A_173 : memref<128x64xf32, #tpu.memory_space<vmem>>) dst(%dma_wait3A_179 : memref<10112x64xf32, #tpu.memory_space<vmem_shared>>)
        tpu.yield
      }) : () -> ()
      %add3A_152 = arith.constant 3 : i32
      %add3A_153 = arith.addi %mul3A_111, %add3A_152 : i32
      %add3A_154 = arith.constant 2 : i32
      %add3A_155 = arith.addi %add3A_153, %add3A_154 : i32
      "tpu.region"() ({
        %run_scoped3A = tpu.sem_alloc : memref<!tpu.dma_semaphore, #tpu.memory_space<semaphore_mem>>
        %dma_start3A_162 = arith.constant 640 : i32
        %dma_start3A_163 = arith.constant 0 : i32
        %dma_start3A_164 = tpu.memref_slice %arg9[%dma_start3A_162, %dma_start3A_163] : memref<768x64xf32, #tpu.memory_space<vmem>> -> memref<128x64xf32, #tpu.memory_space<vmem>>
        %dma_start3A_165 = arith.constant 0 : i32
        %dma_start3A_166 = tpu.memref_slice %arg8[%add3A_155, %dma_start3A_165] : memref<138x128xi32, #tpu.memory_space<vmem>> -> memref<1x128xi32, #tpu.memory_space<vmem>>
        %dma_start3A_167 = tpu.memref_squeeze %dma_start3A_166 : memref<1x128xi32, #tpu.memory_space<vmem>> -> memref<128xi32, #tpu.memory_space<vmem>>
        %dma_start3A_168 = arith.constant 0 : i32
        %dma_start3A_169 = arith.constant 0 : i32
        %dma_start3A_170 = tpu.memref_slice %arg10[%dma_start3A_168, %dma_start3A_169] : memref<10112x64xf32, #tpu.memory_space<vmem_shared>> -> memref<10112x64xf32, #tpu.memory_space<vmem_shared>>
        tpu.enqueue_indirect_dma source(%dma_start3A_164 : memref<128x64xf32, #tpu.memory_space<vmem>>) target(%dma_start3A_170 : memref<10112x64xf32, #tpu.memory_space<vmem_shared>>) offsets(%dma_start3A_167 : memref<128xi32, #tpu.memory_space<vmem>>) semaphore(%run_scoped3A : memref<!tpu.dma_semaphore, #tpu.memory_space<semaphore_mem>>) {add = true}
        %dma_wait3A_171 = arith.constant 640 : i32
        %dma_wait3A_172 = arith.constant 0 : i32
        %dma_wait3A_173 = tpu.memref_slice %arg9[%dma_wait3A_171, %dma_wait3A_172] : memref<768x64xf32, #tpu.memory_space<vmem>> -> memref<128x64xf32, #tpu.memory_space<vmem>>
        %dma_wait3A_174 = arith.constant 0 : i32
        %dma_wait3A_175 = tpu.memref_slice %arg8[%add3A_155, %dma_wait3A_174] : memref<138x128xi32, #tpu.memory_space<vmem>> -> memref<1x128xi32, #tpu.memory_space<vmem>>
        %dma_wait3A_176 = tpu.memref_squeeze %dma_wait3A_175 : memref<1x128xi32, #tpu.memory_space<vmem>> -> memref<128xi32, #tpu.memory_space<vmem>>
        %dma_wait3A_177 = arith.constant 0 : i32
        %dma_wait3A_178 = arith.constant 0 : i32
        %dma_wait3A_179 = tpu.memref_slice %arg10[%dma_wait3A_177, %dma_wait3A_178] : memref<10112x64xf32, #tpu.memory_space<vmem_shared>> -> memref<10112x64xf32, #tpu.memory_space<vmem_shared>>
        tpu.wait_indirect_dma semaphore(%run_scoped3A : memref<!tpu.dma_semaphore, #tpu.memory_space<semaphore_mem>>) src(%dma_wait3A_173 : memref<128x64xf32, #tpu.memory_space<vmem>>) dst(%dma_wait3A_179 : memref<10112x64xf32, #tpu.memory_space<vmem_shared>>)
        tpu.yield
      }) : () -> ()
      %add3A_156 = arith.constant 9 : i32
      %add3A_157 = arith.addi %mul3A_111, %add3A_156 : i32
      %lt3A_158 = arith.cmpi slt, %add3A_157, %select_n3A_10 : i32
      %convert_element_type3A_159 = arith.extui %lt3A_158 : i1 to i32
      %cond3A_160 = arith.constant 0 : i32
      %cond3A_161 = arith.cmpi ne, %convert_element_type3A_159, %cond3A_160 : i32
      scf.if %cond3A_161 {
        %add3A_162 = arith.constant 9 : i32
        %add3A_163 = arith.addi %mul3A_111, %add3A_162 : i32
        %add3A_164 = arith.constant 0 : i32
        %add3A_165 = arith.addi %add3A_163, %add3A_164 : i32
        %dma_start3A_166 = arith.constant 384 : i32
        %dma_start3A_167 = arith.constant 0 : i32
        %dma_start3A_168 = tpu.memref_slice %arg9[%dma_start3A_166, %dma_start3A_167] : memref<768x64xf32, #tpu.memory_space<vmem>> -> memref<128x64xf32, #tpu.memory_space<vmem>>
        %dma_start3A_169 = arith.constant 0 : i32
        %dma_start3A_170 = tpu.memref_slice %arg7[%add3A_165, %dma_start3A_169] : memref<138x128xi32, #tpu.memory_space<vmem>> -> memref<1x128xi32, #tpu.memory_space<vmem>>
        %dma_start3A_171 = tpu.memref_squeeze %dma_start3A_170 : memref<1x128xi32, #tpu.memory_space<vmem>> -> memref<128xi32, #tpu.memory_space<vmem>>
        %dma_start3A_172 = arith.constant 0 : i32
        %dma_start3A_173 = arith.constant 0 : i32
        %dma_start3A_174 = tpu.memref_slice %arg2[%dma_start3A_172, %dma_start3A_173] : memref<10000x64xf32, #tpu.memory_space<hbm>> -> memref<10000x64xf32, #tpu.memory_space<hbm>>
        tpu.enqueue_indirect_dma source(%dma_start3A_174 : memref<10000x64xf32, #tpu.memory_space<hbm>>) target(%dma_start3A_168 : memref<128x64xf32, #tpu.memory_space<vmem>>) offsets(%dma_start3A_171 : memref<128xi32, #tpu.memory_space<vmem>>) semaphore(%arg12 : memref<!tpu.dma_semaphore, #tpu.memory_space<semaphore_mem>>)
        %add3A_175 = arith.constant 9 : i32
        %add3A_176 = arith.addi %mul3A_111, %add3A_175 : i32
        %add3A_177 = arith.constant 1 : i32
        %add3A_178 = arith.addi %add3A_176, %add3A_177 : i32
        %dma_start3A_179 = arith.constant 512 : i32
        %dma_start3A_180 = arith.constant 0 : i32
        %dma_start3A_181 = tpu.memref_slice %arg9[%dma_start3A_179, %dma_start3A_180] : memref<768x64xf32, #tpu.memory_space<vmem>> -> memref<128x64xf32, #tpu.memory_space<vmem>>
        %dma_start3A_182 = arith.constant 0 : i32
        %dma_start3A_183 = tpu.memref_slice %arg7[%add3A_178, %dma_start3A_182] : memref<138x128xi32, #tpu.memory_space<vmem>> -> memref<1x128xi32, #tpu.memory_space<vmem>>
        %dma_start3A_184 = tpu.memref_squeeze %dma_start3A_183 : memref<1x128xi32, #tpu.memory_space<vmem>> -> memref<128xi32, #tpu.memory_space<vmem>>
        %dma_start3A_185 = arith.constant 0 : i32
        %dma_start3A_186 = arith.constant 0 : i32
        %dma_start3A_187 = tpu.memref_slice %arg2[%dma_start3A_185, %dma_start3A_186] : memref<10000x64xf32, #tpu.memory_space<hbm>> -> memref<10000x64xf32, #tpu.memory_space<hbm>>
        tpu.enqueue_indirect_dma source(%dma_start3A_187 : memref<10000x64xf32, #tpu.memory_space<hbm>>) target(%dma_start3A_181 : memref<128x64xf32, #tpu.memory_space<vmem>>) offsets(%dma_start3A_184 : memref<128xi32, #tpu.memory_space<vmem>>) semaphore(%arg12 : memref<!tpu.dma_semaphore, #tpu.memory_space<semaphore_mem>>)
        %add3A_188 = arith.constant 9 : i32
        %add3A_189 = arith.addi %mul3A_111, %add3A_188 : i32
        %add3A_190 = arith.constant 2 : i32
        %add3A_191 = arith.addi %add3A_189, %add3A_190 : i32
        %dma_start3A_192 = arith.constant 640 : i32
        %dma_start3A_193 = arith.constant 0 : i32
        %dma_start3A_194 = tpu.memref_slice %arg9[%dma_start3A_192, %dma_start3A_193] : memref<768x64xf32, #tpu.memory_space<vmem>> -> memref<128x64xf32, #tpu.memory_space<vmem>>
        %dma_start3A_195 = arith.constant 0 : i32
        %dma_start3A_196 = tpu.memref_slice %arg7[%add3A_191, %dma_start3A_195] : memref<138x128xi32, #tpu.memory_space<vmem>> -> memref<1x128xi32, #tpu.memory_space<vmem>>
        %dma_start3A_197 = tpu.memref_squeeze %dma_start3A_196 : memref<1x128xi32, #tpu.memory_space<vmem>> -> memref<128xi32, #tpu.memory_space<vmem>>
        %dma_start3A_198 = arith.constant 0 : i32
        %dma_start3A_199 = arith.constant 0 : i32
        %dma_start3A_200 = tpu.memref_slice %arg2[%dma_start3A_198, %dma_start3A_199] : memref<10000x64xf32, #tpu.memory_space<hbm>> -> memref<10000x64xf32, #tpu.memory_space<hbm>>
        tpu.enqueue_indirect_dma source(%dma_start3A_200 : memref<10000x64xf32, #tpu.memory_space<hbm>>) target(%dma_start3A_194 : memref<128x64xf32, #tpu.memory_space<vmem>>) offsets(%dma_start3A_197 : memref<128xi32, #tpu.memory_space<vmem>>) semaphore(%arg12 : memref<!tpu.dma_semaphore, #tpu.memory_space<semaphore_mem>>)
      } else {
      }
    }
    %while3A_105 = arith.constant 1 : i32
    scf.for %while3A_107 = %while3A_103 to %while3A_99 step %while3A_105  : i32 {
      %mul3A_108 = arith.muli %while3A_107, %while3A : i32
      %add3A_109 = arith.addi %while3A_96, %mul3A_108 : i32
      %mul3A_110 = arith.constant 6 : i32
      %mul3A_111 = arith.muli %add3A_109, %mul3A_110 : i32
      %dma_wait3A = arith.constant 0 : i32
      %dma_wait3A_112 = arith.constant 0 : i32
      %dma_wait3A_113 = tpu.memref_slice %arg9[%dma_wait3A, %dma_wait3A_112] : memref<768x64xf32, #tpu.memory_space<vmem>> -> memref<384x64xf32, #tpu.memory_space<vmem>>
      %dma_wait3A_114 = arith.constant 0 : i32
      %dma_wait3A_115 = arith.constant 0 : i32
      %dma_wait3A_116 = tpu.memref_slice %arg5[%dma_wait3A_114, %dma_wait3A_115] : memref<10112x64xf32, #tpu.memory_space<hbm>> -> memref<384x64xf32, #tpu.memory_space<hbm>>
      %dma_wait3A_117 = arith.constant 0 : i32
      %dma_wait3A_118 = arith.constant 0 : i32
      %dma_wait3A_119 = tpu.memref_slice %arg9[%dma_wait3A_117, %dma_wait3A_118] : memref<768x64xf32, #tpu.memory_space<vmem>> -> memref<384x64xf32, #tpu.memory_space<vmem>>
      %dma_wait3A_120 = arith.constant 0 : i32
      %dma_wait3A_121 = arith.constant 0 : i32
      %dma_wait3A_122 = tpu.memref_slice %arg5[%dma_wait3A_120, %dma_wait3A_121] : memref<10112x64xf32, #tpu.memory_space<hbm>> -> memref<384x64xf32, #tpu.memory_space<hbm>>
      tpu.wait_dma2 semaphore(%arg11 : memref<!tpu.dma_semaphore, #tpu.memory_space<semaphore_mem>>) src(%dma_wait3A_122 : memref<384x64xf32, #tpu.memory_space<hbm>>) dst(%dma_wait3A_119 : memref<384x64xf32, #tpu.memory_space<vmem>>)
      %add3A_123 = arith.constant 0 : i32
      %add3A_124 = arith.addi %mul3A_111, %add3A_123 : i32
      "tpu.region"() ({
        %run_scoped3A = tpu.sem_alloc : memref<!tpu.dma_semaphore, #tpu.memory_space<semaphore_mem>>
        %dma_start3A_162 = arith.constant 0 : i32
        %dma_start3A_163 = arith.constant 0 : i32
        %dma_start3A_164 = tpu.memref_slice %arg9[%dma_start3A_162, %dma_start3A_163] : memref<768x64xf32, #tpu.memory_space<vmem>> -> memref<128x64xf32, #tpu.memory_space<vmem>>
        %dma_start3A_165 = arith.constant 0 : i32
        %dma_start3A_166 = tpu.memref_slice %arg8[%add3A_124, %dma_start3A_165] : memref<138x128xi32, #tpu.memory_space<vmem>> -> memref<1x128xi32, #tpu.memory_space<vmem>>
        %dma_start3A_167 = tpu.memref_squeeze %dma_start3A_166 : memref<1x128xi32, #tpu.memory_space<vmem>> -> memref<128xi32, #tpu.memory_space<vmem>>
        %dma_start3A_168 = arith.constant 0 : i32
        %dma_start3A_169 = arith.constant 0 : i32
        %dma_start3A_170 = tpu.memref_slice %arg10[%dma_start3A_168, %dma_start3A_169] : memref<10112x64xf32, #tpu.memory_space<vmem_shared>> -> memref<10112x64xf32, #tpu.memory_space<vmem_shared>>
        tpu.enqueue_indirect_dma source(%dma_start3A_164 : memref<128x64xf32, #tpu.memory_space<vmem>>) target(%dma_start3A_170 : memref<10112x64xf32, #tpu.memory_space<vmem_shared>>) offsets(%dma_start3A_167 : memref<128xi32, #tpu.memory_space<vmem>>) semaphore(%run_scoped3A : memref<!tpu.dma_semaphore, #tpu.memory_space<semaphore_mem>>) {add = true}
        %dma_wait3A_171 = arith.constant 0 : i32
        %dma_wait3A_172 = arith.constant 0 : i32
        %dma_wait3A_173 = tpu.memref_slice %arg9[%dma_wait3A_171, %dma_wait3A_172] : memref<768x64xf32, #tpu.memory_space<vmem>> -> memref<128x64xf32, #tpu.memory_space<vmem>>
        %dma_wait3A_174 = arith.constant 0 : i32
        %dma_wait3A_175 = tpu.memref_slice %arg8[%add3A_124, %dma_wait3A_174] : memref<138x128xi32, #tpu.memory_space<vmem>> -> memref<1x128xi32, #tpu.memory_space<vmem>>
        %dma_wait3A_176 = tpu.memref_squeeze %dma_wait3A_175 : memref<1x128xi32, #tpu.memory_space<vmem>> -> memref<128xi32, #tpu.memory_space<vmem>>
        %dma_wait3A_177 = arith.constant 0 : i32
        %dma_wait3A_178 = arith.constant 0 : i32
        %dma_wait3A_179 = tpu.memref_slice %arg10[%dma_wait3A_177, %dma_wait3A_178] : memref<10112x64xf32, #tpu.memory_space<vmem_shared>> -> memref<10112x64xf32, #tpu.memory_space<vmem_shared>>
        tpu.wait_indirect_dma semaphore(%run_scoped3A : memref<!tpu.dma_semaphore, #tpu.memory_space<semaphore_mem>>) src(%dma_wait3A_173 : memref<128x64xf32, #tpu.memory_space<vmem>>) dst(%dma_wait3A_179 : memref<10112x64xf32, #tpu.memory_space<vmem_shared>>)
        tpu.yield
      }) : () -> ()
      %add3A_125 = arith.constant 1 : i32
      %add3A_126 = arith.addi %mul3A_111, %add3A_125 : i32
      "tpu.region"() ({
        %run_scoped3A = tpu.sem_alloc : memref<!tpu.dma_semaphore, #tpu.memory_space<semaphore_mem>>
        %dma_start3A_162 = arith.constant 128 : i32
        %dma_start3A_163 = arith.constant 0 : i32
        %dma_start3A_164 = tpu.memref_slice %arg9[%dma_start3A_162, %dma_start3A_163] : memref<768x64xf32, #tpu.memory_space<vmem>> -> memref<128x64xf32, #tpu.memory_space<vmem>>
        %dma_start3A_165 = arith.constant 0 : i32
        %dma_start3A_166 = tpu.memref_slice %arg8[%add3A_126, %dma_start3A_165] : memref<138x128xi32, #tpu.memory_space<vmem>> -> memref<1x128xi32, #tpu.memory_space<vmem>>
        %dma_start3A_167 = tpu.memref_squeeze %dma_start3A_166 : memref<1x128xi32, #tpu.memory_space<vmem>> -> memref<128xi32, #tpu.memory_space<vmem>>
        %dma_start3A_168 = arith.constant 0 : i32
        %dma_start3A_169 = arith.constant 0 : i32
        %dma_start3A_170 = tpu.memref_slice %arg10[%dma_start3A_168, %dma_start3A_169] : memref<10112x64xf32, #tpu.memory_space<vmem_shared>> -> memref<10112x64xf32, #tpu.memory_space<vmem_shared>>
        tpu.enqueue_indirect_dma source(%dma_start3A_164 : memref<128x64xf32, #tpu.memory_space<vmem>>) target(%dma_start3A_170 : memref<10112x64xf32, #tpu.memory_space<vmem_shared>>) offsets(%dma_start3A_167 : memref<128xi32, #tpu.memory_space<vmem>>) semaphore(%run_scoped3A : memref<!tpu.dma_semaphore, #tpu.memory_space<semaphore_mem>>) {add = true}
        %dma_wait3A_171 = arith.constant 128 : i32
        %dma_wait3A_172 = arith.constant 0 : i32
        %dma_wait3A_173 = tpu.memref_slice %arg9[%dma_wait3A_171, %dma_wait3A_172] : memref<768x64xf32, #tpu.memory_space<vmem>> -> memref<128x64xf32, #tpu.memory_space<vmem>>
        %dma_wait3A_174 = arith.constant 0 : i32
        %dma_wait3A_175 = tpu.memref_slice %arg8[%add3A_126, %dma_wait3A_174] : memref<138x128xi32, #tpu.memory_space<vmem>> -> memref<1x128xi32, #tpu.memory_space<vmem>>
        %dma_wait3A_176 = tpu.memref_squeeze %dma_wait3A_175 : memref<1x128xi32, #tpu.memory_space<vmem>> -> memref<128xi32, #tpu.memory_space<vmem>>
        %dma_wait3A_177 = arith.constant 0 : i32
        %dma_wait3A_178 = arith.constant 0 : i32
        %dma_wait3A_179 = tpu.memref_slice %arg10[%dma_wait3A_177, %dma_wait3A_178] : memref<10112x64xf32, #tpu.memory_space<vmem_shared>> -> memref<10112x64xf32, #tpu.memory_space<vmem_shared>>
        tpu.wait_indirect_dma semaphore(%run_scoped3A : memref<!tpu.dma_semaphore, #tpu.memory_space<semaphore_mem>>) src(%dma_wait3A_173 : memref<128x64xf32, #tpu.memory_space<vmem>>) dst(%dma_wait3A_179 : memref<10112x64xf32, #tpu.memory_space<vmem_shared>>)
        tpu.yield
      }) : () -> ()
      %add3A_127 = arith.constant 2 : i32
      %add3A_128 = arith.addi %mul3A_111, %add3A_127 : i32
      "tpu.region"() ({
        %run_scoped3A = tpu.sem_alloc : memref<!tpu.dma_semaphore, #tpu.memory_space<semaphore_mem>>
        %dma_start3A_162 = arith.constant 256 : i32
        %dma_start3A_163 = arith.constant 0 : i32
        %dma_start3A_164 = tpu.memref_slice %arg9[%dma_start3A_162, %dma_start3A_163] : memref<768x64xf32, #tpu.memory_space<vmem>> -> memref<128x64xf32, #tpu.memory_space<vmem>>
        %dma_start3A_165 = arith.constant 0 : i32
        %dma_start3A_166 = tpu.memref_slice %arg8[%add3A_128, %dma_start3A_165] : memref<138x128xi32, #tpu.memory_space<vmem>> -> memref<1x128xi32, #tpu.memory_space<vmem>>
        %dma_start3A_167 = tpu.memref_squeeze %dma_start3A_166 : memref<1x128xi32, #tpu.memory_space<vmem>> -> memref<128xi32, #tpu.memory_space<vmem>>
        %dma_start3A_168 = arith.constant 0 : i32
        %dma_start3A_169 = arith.constant 0 : i32
        %dma_start3A_170 = tpu.memref_slice %arg10[%dma_start3A_168, %dma_start3A_169] : memref<10112x64xf32, #tpu.memory_space<vmem_shared>> -> memref<10112x64xf32, #tpu.memory_space<vmem_shared>>
        tpu.enqueue_indirect_dma source(%dma_start3A_164 : memref<128x64xf32, #tpu.memory_space<vmem>>) target(%dma_start3A_170 : memref<10112x64xf32, #tpu.memory_space<vmem_shared>>) offsets(%dma_start3A_167 : memref<128xi32, #tpu.memory_space<vmem>>) semaphore(%run_scoped3A : memref<!tpu.dma_semaphore, #tpu.memory_space<semaphore_mem>>) {add = true}
        %dma_wait3A_171 = arith.constant 256 : i32
        %dma_wait3A_172 = arith.constant 0 : i32
        %dma_wait3A_173 = tpu.memref_slice %arg9[%dma_wait3A_171, %dma_wait3A_172] : memref<768x64xf32, #tpu.memory_space<vmem>> -> memref<128x64xf32, #tpu.memory_space<vmem>>
        %dma_wait3A_174 = arith.constant 0 : i32
        %dma_wait3A_175 = tpu.memref_slice %arg8[%add3A_128, %dma_wait3A_174] : memref<138x128xi32, #tpu.memory_space<vmem>> -> memref<1x128xi32, #tpu.memory_space<vmem>>
        %dma_wait3A_176 = tpu.memref_squeeze %dma_wait3A_175 : memref<1x128xi32, #tpu.memory_space<vmem>> -> memref<128xi32, #tpu.memory_space<vmem>>
        %dma_wait3A_177 = arith.constant 0 : i32
        %dma_wait3A_178 = arith.constant 0 : i32
        %dma_wait3A_179 = tpu.memref_slice %arg10[%dma_wait3A_177, %dma_wait3A_178] : memref<10112x64xf32, #tpu.memory_space<vmem_shared>> -> memref<10112x64xf32, #tpu.memory_space<vmem_shared>>
        tpu.wait_indirect_dma semaphore(%run_scoped3A : memref<!tpu.dma_semaphore, #tpu.memory_space<semaphore_mem>>) src(%dma_wait3A_173 : memref<128x64xf32, #tpu.memory_space<vmem>>) dst(%dma_wait3A_179 : memref<10112x64xf32, #tpu.memory_space<vmem_shared>>)
        tpu.yield
      }) : () -> ()
      %add3A_129 = arith.constant 6 : i32
      %add3A_130 = arith.addi %mul3A_111, %add3A_129 : i32
      %lt3A = arith.cmpi slt, %add3A_130, %select_n3A_10 : i32
      %convert_element_type3A = arith.extui %lt3A : i1 to i32
      %cond3A = arith.constant 0 : i32
      %cond3A_131 = arith.cmpi ne, %convert_element_type3A, %cond3A : i32
      scf.if %cond3A_131 {
        %add3A_162 = arith.constant 6 : i32
        %add3A_163 = arith.addi %mul3A_111, %add3A_162 : i32
        %add3A_164 = arith.constant 0 : i32
        %add3A_165 = arith.addi %add3A_163, %add3A_164 : i32
        %dma_start3A_166 = arith.constant 0 : i32
        %dma_start3A_167 = arith.constant 0 : i32
        %dma_start3A_168 = tpu.memref_slice %arg9[%dma_start3A_166, %dma_start3A_167] : memref<768x64xf32, #tpu.memory_space<vmem>> -> memref<128x64xf32, #tpu.memory_space<vmem>>
        %dma_start3A_169 = arith.constant 0 : i32
        %dma_start3A_170 = tpu.memref_slice %arg7[%add3A_165, %dma_start3A_169] : memref<138x128xi32, #tpu.memory_space<vmem>> -> memref<1x128xi32, #tpu.memory_space<vmem>>
        %dma_start3A_171 = tpu.memref_squeeze %dma_start3A_170 : memref<1x128xi32, #tpu.memory_space<vmem>> -> memref<128xi32, #tpu.memory_space<vmem>>
        %dma_start3A_172 = arith.constant 0 : i32
        %dma_start3A_173 = arith.constant 0 : i32
        %dma_start3A_174 = tpu.memref_slice %arg2[%dma_start3A_172, %dma_start3A_173] : memref<10000x64xf32, #tpu.memory_space<hbm>> -> memref<10000x64xf32, #tpu.memory_space<hbm>>
        tpu.enqueue_indirect_dma source(%dma_start3A_174 : memref<10000x64xf32, #tpu.memory_space<hbm>>) target(%dma_start3A_168 : memref<128x64xf32, #tpu.memory_space<vmem>>) offsets(%dma_start3A_171 : memref<128xi32, #tpu.memory_space<vmem>>) semaphore(%arg11 : memref<!tpu.dma_semaphore, #tpu.memory_space<semaphore_mem>>)
        %add3A_175 = arith.constant 6 : i32
        %add3A_176 = arith.addi %mul3A_111, %add3A_175 : i32
        %add3A_177 = arith.constant 1 : i32
        %add3A_178 = arith.addi %add3A_176, %add3A_177 : i32
        %dma_start3A_179 = arith.constant 128 : i32
        %dma_start3A_180 = arith.constant 0 : i32
        %dma_start3A_181 = tpu.memref_slice %arg9[%dma_start3A_179, %dma_start3A_180] : memref<768x64xf32, #tpu.memory_space<vmem>> -> memref<128x64xf32, #tpu.memory_space<vmem>>
        %dma_start3A_182 = arith.constant 0 : i32
        %dma_start3A_183 = tpu.memref_slice %arg7[%add3A_178, %dma_start3A_182] : memref<138x128xi32, #tpu.memory_space<vmem>> -> memref<1x128xi32, #tpu.memory_space<vmem>>
        %dma_start3A_184 = tpu.memref_squeeze %dma_start3A_183 : memref<1x128xi32, #tpu.memory_space<vmem>> -> memref<128xi32, #tpu.memory_space<vmem>>
        %dma_start3A_185 = arith.constant 0 : i32
        %dma_start3A_186 = arith.constant 0 : i32
        %dma_start3A_187 = tpu.memref_slice %arg2[%dma_start3A_185, %dma_start3A_186] : memref<10000x64xf32, #tpu.memory_space<hbm>> -> memref<10000x64xf32, #tpu.memory_space<hbm>>
        tpu.enqueue_indirect_dma source(%dma_start3A_187 : memref<10000x64xf32, #tpu.memory_space<hbm>>) target(%dma_start3A_181 : memref<128x64xf32, #tpu.memory_space<vmem>>) offsets(%dma_start3A_184 : memref<128xi32, #tpu.memory_space<vmem>>) semaphore(%arg11 : memref<!tpu.dma_semaphore, #tpu.memory_space<semaphore_mem>>)
        %add3A_188 = arith.constant 6 : i32
        %add3A_189 = arith.addi %mul3A_111, %add3A_188 : i32
        %add3A_190 = arith.constant 2 : i32
        %add3A_191 = arith.addi %add3A_189, %add3A_190 : i32
        %dma_start3A_192 = arith.constant 256 : i32
        %dma_start3A_193 = arith.constant 0 : i32
        %dma_start3A_194 = tpu.memref_slice %arg9[%dma_start3A_192, %dma_start3A_193] : memref<768x64xf32, #tpu.memory_space<vmem>> -> memref<128x64xf32, #tpu.memory_space<vmem>>
        %dma_start3A_195 = arith.constant 0 : i32
        %dma_start3A_196 = tpu.memref_slice %arg7[%add3A_191, %dma_start3A_195] : memref<138x128xi32, #tpu.memory_space<vmem>> -> memref<1x128xi32, #tpu.memory_space<vmem>>
        %dma_start3A_197 = tpu.memref_squeeze %dma_start3A_196 : memref<1x128xi32, #tpu.memory_space<vmem>> -> memref<128xi32, #tpu.memory_space<vmem>>
        %dma_start3A_198 = arith.constant 0 : i32
        %dma_start3A_199 = arith.constant 0 : i32
        %dma_start3A_200 = tpu.memref_slice %arg2[%dma_start3A_198, %dma_start3A_199] : memref<10000x64xf32, #tpu.memory_space<hbm>> -> memref<10000x64xf32, #tpu.memory_space<hbm>>
        tpu.enqueue_indirect_dma source(%dma_start3A_200 : memref<10000x64xf32, #tpu.memory_space<hbm>>) target(%dma_start3A_194 : memref<128x64xf32, #tpu.memory_space<vmem>>) offsets(%dma_start3A_197 : memref<128xi32, #tpu.memory_space<vmem>>) semaphore(%arg11 : memref<!tpu.dma_semaphore, #tpu.memory_space<semaphore_mem>>)
      } else {
      }
      %dma_wait3A_132 = arith.constant 384 : i32
      %dma_wait3A_133 = arith.constant 0 : i32
      %dma_wait3A_134 = tpu.memref_slice %arg9[%dma_wait3A_132, %dma_wait3A_133] : memref<768x64xf32, #tpu.memory_space<vmem>> -> memref<384x64xf32, #tpu.memory_space<vmem>>
      %dma_wait3A_135 = arith.constant 0 : i32
      %dma_wait3A_136 = arith.constant 0 : i32
      %dma_wait3A_137 = tpu.memref_slice %arg5[%dma_wait3A_135, %dma_wait3A_136] : memref<10112x64xf32, #tpu.memory_space<hbm>> -> memref<384x64xf32, #tpu.memory_space<hbm>>
      %dma_wait3A_138 = arith.constant 384 : i32
      %dma_wait3A_139 = arith.constant 0 : i32
      %dma_wait3A_140 = tpu.memref_slice %arg9[%dma_wait3A_138, %dma_wait3A_139] : memref<768x64xf32, #tpu.memory_space<vmem>> -> memref<384x64xf32, #tpu.memory_space<vmem>>
      %dma_wait3A_141 = arith.constant 0 : i32
      %dma_wait3A_142 = arith.constant 0 : i32
      %dma_wait3A_143 = tpu.memref_slice %arg5[%dma_wait3A_141, %dma_wait3A_142] : memref<10112x64xf32, #tpu.memory_space<hbm>> -> memref<384x64xf32, #tpu.memory_space<hbm>>
      tpu.wait_dma2 semaphore(%arg12 : memref<!tpu.dma_semaphore, #tpu.memory_space<semaphore_mem>>) src(%dma_wait3A_143 : memref<384x64xf32, #tpu.memory_space<hbm>>) dst(%dma_wait3A_140 : memref<384x64xf32, #tpu.memory_space<vmem>>)
      %add3A_144 = arith.constant 3 : i32
      %add3A_145 = arith.addi %mul3A_111, %add3A_144 : i32
      %add3A_146 = arith.constant 0 : i32
      %add3A_147 = arith.addi %add3A_145, %add3A_146 : i32
      "tpu.region"() ({
        %run_scoped3A = tpu.sem_alloc : memref<!tpu.dma_semaphore, #tpu.memory_space<semaphore_mem>>
        %dma_start3A_162 = arith.constant 384 : i32
        %dma_start3A_163 = arith.constant 0 : i32
        %dma_start3A_164 = tpu.memref_slice %arg9[%dma_start3A_162, %dma_start3A_163] : memref<768x64xf32, #tpu.memory_space<vmem>> -> memref<128x64xf32, #tpu.memory_space<vmem>>
        %dma_start3A_165 = arith.constant 0 : i32
        %dma_start3A_166 = tpu.memref_slice %arg8[%add3A_147, %dma_start3A_165] : memref<138x128xi32, #tpu.memory_space<vmem>> -> memref<1x128xi32, #tpu.memory_space<vmem>>
        %dma_start3A_167 = tpu.memref_squeeze %dma_start3A_166 : memref<1x128xi32, #tpu.memory_space<vmem>> -> memref<128xi32, #tpu.memory_space<vmem>>
        %dma_start3A_168 = arith.constant 0 : i32
        %dma_start3A_169 = arith.constant 0 : i32
        %dma_start3A_170 = tpu.memref_slice %arg10[%dma_start3A_168, %dma_start3A_169] : memref<10112x64xf32, #tpu.memory_space<vmem_shared>> -> memref<10112x64xf32, #tpu.memory_space<vmem_shared>>
        tpu.enqueue_indirect_dma source(%dma_start3A_164 : memref<128x64xf32, #tpu.memory_space<vmem>>) target(%dma_start3A_170 : memref<10112x64xf32, #tpu.memory_space<vmem_shared>>) offsets(%dma_start3A_167 : memref<128xi32, #tpu.memory_space<vmem>>) semaphore(%run_scoped3A : memref<!tpu.dma_semaphore, #tpu.memory_space<semaphore_mem>>) {add = true}
        %dma_wait3A_171 = arith.constant 384 : i32
        %dma_wait3A_172 = arith.constant 0 : i32
        %dma_wait3A_173 = tpu.memref_slice %arg9[%dma_wait3A_171, %dma_wait3A_172] : memref<768x64xf32, #tpu.memory_space<vmem>> -> memref<128x64xf32, #tpu.memory_space<vmem>>
        %dma_wait3A_174 = arith.constant 0 : i32
        %dma_wait3A_175 = tpu.memref_slice %arg8[%add3A_147, %dma_wait3A_174] : memref<138x128xi32, #tpu.memory_space<vmem>> -> memref<1x128xi32, #tpu.memory_space<vmem>>
        %dma_wait3A_176 = tpu.memref_squeeze %dma_wait3A_175 : memref<1x128xi32, #tpu.memory_space<vmem>> -> memref<128xi32, #tpu.memory_space<vmem>>
        %dma_wait3A_177 = arith.constant 0 : i32
        %dma_wait3A_178 = arith.constant 0 : i32
        %dma_wait3A_179 = tpu.memref_slice %arg10[%dma_wait3A_177, %dma_wait3A_178] : memref<10112x64xf32, #tpu.memory_space<vmem_shared>> -> memref<10112x64xf32, #tpu.memory_space<vmem_shared>>
        tpu.wait_indirect_dma semaphore(%run_scoped3A : memref<!tpu.dma_semaphore, #tpu.memory_space<semaphore_mem>>) src(%dma_wait3A_173 : memref<128x64xf32, #tpu.memory_space<vmem>>) dst(%dma_wait3A_179 : memref<10112x64xf32, #tpu.memory_space<vmem_shared>>)
        tpu.yield
      }) : () -> ()
      %add3A_148 = arith.constant 3 : i32
      %add3A_149 = arith.addi %mul3A_111, %add3A_148 : i32
      %add3A_150 = arith.constant 1 : i32
      %add3A_151 = arith.addi %add3A_149, %add3A_150 : i32
      "tpu.region"() ({
        %run_scoped3A = tpu.sem_alloc : memref<!tpu.dma_semaphore, #tpu.memory_space<semaphore_mem>>
        %dma_start3A_162 = arith.constant 512 : i32
        %dma_start3A_163 = arith.constant 0 : i32
        %dma_start3A_164 = tpu.memref_slice %arg9[%dma_start3A_162, %dma_start3A_163] : memref<768x64xf32, #tpu.memory_space<vmem>> -> memref<128x64xf32, #tpu.memory_space<vmem>>
        %dma_start3A_165 = arith.constant 0 : i32
        %dma_start3A_166 = tpu.memref_slice %arg8[%add3A_151, %dma_start3A_165] : memref<138x128xi32, #tpu.memory_space<vmem>> -> memref<1x128xi32, #tpu.memory_space<vmem>>
        %dma_start3A_167 = tpu.memref_squeeze %dma_start3A_166 : memref<1x128xi32, #tpu.memory_space<vmem>> -> memref<128xi32, #tpu.memory_space<vmem>>
        %dma_start3A_168 = arith.constant 0 : i32
        %dma_start3A_169 = arith.constant 0 : i32
        %dma_start3A_170 = tpu.memref_slice %arg10[%dma_start3A_168, %dma_start3A_169] : memref<10112x64xf32, #tpu.memory_space<vmem_shared>> -> memref<10112x64xf32, #tpu.memory_space<vmem_shared>>
        tpu.enqueue_indirect_dma source(%dma_start3A_164 : memref<128x64xf32, #tpu.memory_space<vmem>>) target(%dma_start3A_170 : memref<10112x64xf32, #tpu.memory_space<vmem_shared>>) offsets(%dma_start3A_167 : memref<128xi32, #tpu.memory_space<vmem>>) semaphore(%run_scoped3A : memref<!tpu.dma_semaphore, #tpu.memory_space<semaphore_mem>>) {add = true}
        %dma_wait3A_171 = arith.constant 512 : i32
        %dma_wait3A_172 = arith.constant 0 : i32
        %dma_wait3A_173 = tpu.memref_slice %arg9[%dma_wait3A_171, %dma_wait3A_172] : memref<768x64xf32, #tpu.memory_space<vmem>> -> memref<128x64xf32, #tpu.memory_space<vmem>>
        %dma_wait3A_174 = arith.constant 0 : i32
        %dma_wait3A_175 = tpu.memref_slice %arg8[%add3A_151, %dma_wait3A_174] : memref<138x128xi32, #tpu.memory_space<vmem>> -> memref<1x128xi32, #tpu.memory_space<vmem>>
        %dma_wait3A_176 = tpu.memref_squeeze %dma_wait3A_175 : memref<1x128xi32, #tpu.memory_space<vmem>> -> memref<128xi32, #tpu.memory_space<vmem>>
        %dma_wait3A_177 = arith.constant 0 : i32
        %dma_wait3A_178 = arith.constant 0 : i32
        %dma_wait3A_179 = tpu.memref_slice %arg10[%dma_wait3A_177, %dma_wait3A_178] : memref<10112x64xf32, #tpu.memory_space<vmem_shared>> -> memref<10112x64xf32, #tpu.memory_space<vmem_shared>>
        tpu.wait_indirect_dma semaphore(%run_scoped3A : memref<!tpu.dma_semaphore, #tpu.memory_space<semaphore_mem>>) src(%dma_wait3A_173 : memref<128x64xf32, #tpu.memory_space<vmem>>) dst(%dma_wait3A_179 : memref<10112x64xf32, #tpu.memory_space<vmem_shared>>)
        tpu.yield
      }) : () -> ()
      %add3A_152 = arith.constant 3 : i32
      %add3A_153 = arith.addi %mul3A_111, %add3A_152 : i32
      %add3A_154 = arith.constant 2 : i32
      %add3A_155 = arith.addi %add3A_153, %add3A_154 : i32
      "tpu.region"() ({
        %run_scoped3A = tpu.sem_alloc : memref<!tpu.dma_semaphore, #tpu.memory_space<semaphore_mem>>
        %dma_start3A_162 = arith.constant 640 : i32
        %dma_start3A_163 = arith.constant 0 : i32
        %dma_start3A_164 = tpu.memref_slice %arg9[%dma_start3A_162, %dma_start3A_163] : memref<768x64xf32, #tpu.memory_space<vmem>> -> memref<128x64xf32, #tpu.memory_space<vmem>>
        %dma_start3A_165 = arith.constant 0 : i32
        %dma_start3A_166 = tpu.memref_slice %arg8[%add3A_155, %dma_start3A_165] : memref<138x128xi32, #tpu.memory_space<vmem>> -> memref<1x128xi32, #tpu.memory_space<vmem>>
        %dma_start3A_167 = tpu.memref_squeeze %dma_start3A_166 : memref<1x128xi32, #tpu.memory_space<vmem>> -> memref<128xi32, #tpu.memory_space<vmem>>
        %dma_start3A_168 = arith.constant 0 : i32
        %dma_start3A_169 = arith.constant 0 : i32
        %dma_start3A_170 = tpu.memref_slice %arg10[%dma_start3A_168, %dma_start3A_169] : memref<10112x64xf32, #tpu.memory_space<vmem_shared>> -> memref<10112x64xf32, #tpu.memory_space<vmem_shared>>
        tpu.enqueue_indirect_dma source(%dma_start3A_164 : memref<128x64xf32, #tpu.memory_space<vmem>>) target(%dma_start3A_170 : memref<10112x64xf32, #tpu.memory_space<vmem_shared>>) offsets(%dma_start3A_167 : memref<128xi32, #tpu.memory_space<vmem>>) semaphore(%run_scoped3A : memref<!tpu.dma_semaphore, #tpu.memory_space<semaphore_mem>>) {add = true}
        %dma_wait3A_171 = arith.constant 640 : i32
        %dma_wait3A_172 = arith.constant 0 : i32
        %dma_wait3A_173 = tpu.memref_slice %arg9[%dma_wait3A_171, %dma_wait3A_172] : memref<768x64xf32, #tpu.memory_space<vmem>> -> memref<128x64xf32, #tpu.memory_space<vmem>>
        %dma_wait3A_174 = arith.constant 0 : i32
        %dma_wait3A_175 = tpu.memref_slice %arg8[%add3A_155, %dma_wait3A_174] : memref<138x128xi32, #tpu.memory_space<vmem>> -> memref<1x128xi32, #tpu.memory_space<vmem>>
        %dma_wait3A_176 = tpu.memref_squeeze %dma_wait3A_175 : memref<1x128xi32, #tpu.memory_space<vmem>> -> memref<128xi32, #tpu.memory_space<vmem>>
        %dma_wait3A_177 = arith.constant 0 : i32
        %dma_wait3A_178 = arith.constant 0 : i32
        %dma_wait3A_179 = tpu.memref_slice %arg10[%dma_wait3A_177, %dma_wait3A_178] : memref<10112x64xf32, #tpu.memory_space<vmem_shared>> -> memref<10112x64xf32, #tpu.memory_space<vmem_shared>>
        tpu.wait_indirect_dma semaphore(%run_scoped3A : memref<!tpu.dma_semaphore, #tpu.memory_space<semaphore_mem>>) src(%dma_wait3A_173 : memref<128x64xf32, #tpu.memory_space<vmem>>) dst(%dma_wait3A_179 : memref<10112x64xf32, #tpu.memory_space<vmem_shared>>)
        tpu.yield
      }) : () -> ()
      %add3A_156 = arith.constant 9 : i32
      %add3A_157 = arith.addi %mul3A_111, %add3A_156 : i32
      %lt3A_158 = arith.cmpi slt, %add3A_157, %select_n3A_10 : i32
      %convert_element_type3A_159 = arith.extui %lt3A_158 : i1 to i32
      %cond3A_160 = arith.constant 0 : i32
      %cond3A_161 = arith.cmpi ne, %convert_element_type3A_159, %cond3A_160 : i32
      scf.if %cond3A_161 {
        %add3A_162 = arith.constant 9 : i32
        %add3A_163 = arith.addi %mul3A_111, %add3A_162 : i32
        %add3A_164 = arith.constant 0 : i32
        %add3A_165 = arith.addi %add3A_163, %add3A_164 : i32
        %dma_start3A_166 = arith.constant 384 : i32
        %dma_start3A_167 = arith.constant 0 : i32
        %dma_start3A_168 = tpu.memref_slice %arg9[%dma_start3A_166, %dma_start3A_167] : memref<768x64xf32, #tpu.memory_space<vmem>> -> memref<128x64xf32, #tpu.memory_space<vmem>>
        %dma_start3A_169 = arith.constant 0 : i32
        %dma_start3A_170 = tpu.memref_slice %arg7[%add3A_165, %dma_start3A_169] : memref<138x128xi32, #tpu.memory_space<vmem>> -> memref<1x128xi32, #tpu.memory_space<vmem>>
        %dma_start3A_171 = tpu.memref_squeeze %dma_start3A_170 : memref<1x128xi32, #tpu.memory_space<vmem>> -> memref<128xi32, #tpu.memory_space<vmem>>
        %dma_start3A_172 = arith.constant 0 : i32
        %dma_start3A_173 = arith.constant 0 : i32
        %dma_start3A_174 = tpu.memref_slice %arg2[%dma_start3A_172, %dma_start3A_173] : memref<10000x64xf32, #tpu.memory_space<hbm>> -> memref<10000x64xf32, #tpu.memory_space<hbm>>
        tpu.enqueue_indirect_dma source(%dma_start3A_174 : memref<10000x64xf32, #tpu.memory_space<hbm>>) target(%dma_start3A_168 : memref<128x64xf32, #tpu.memory_space<vmem>>) offsets(%dma_start3A_171 : memref<128xi32, #tpu.memory_space<vmem>>) semaphore(%arg12 : memref<!tpu.dma_semaphore, #tpu.memory_space<semaphore_mem>>)
        %add3A_175 = arith.constant 9 : i32
        %add3A_176 = arith.addi %mul3A_111, %add3A_175 : i32
        %add3A_177 = arith.constant 1 : i32
        %add3A_178 = arith.addi %add3A_176, %add3A_177 : i32
        %dma_start3A_179 = arith.constant 512 : i32
        %dma_start3A_180 = arith.constant 0 : i32
        %dma_start3A_181 = tpu.memref_slice %arg9[%dma_start3A_179, %dma_start3A_180] : memref<768x64xf32, #tpu.memory_space<vmem>> -> memref<128x64xf32, #tpu.memory_space<vmem>>
        %dma_start3A_182 = arith.constant 0 : i32
        %dma_start3A_183 = tpu.memref_slice %arg7[%add3A_178, %dma_start3A_182] : memref<138x128xi32, #tpu.memory_space<vmem>> -> memref<1x128xi32, #tpu.memory_space<vmem>>
        %dma_start3A_184 = tpu.memref_squeeze %dma_start3A_183 : memref<1x128xi32, #tpu.memory_space<vmem>> -> memref<128xi32, #tpu.memory_space<vmem>>
        %dma_start3A_185 = arith.constant 0 : i32
        %dma_start3A_186 = arith.constant 0 : i32
        %dma_start3A_187 = tpu.memref_slice %arg2[%dma_start3A_185, %dma_start3A_186] : memref<10000x64xf32, #tpu.memory_space<hbm>> -> memref<10000x64xf32, #tpu.memory_space<hbm>>
        tpu.enqueue_indirect_dma source(%dma_start3A_187 : memref<10000x64xf32, #tpu.memory_space<hbm>>) target(%dma_start3A_181 : memref<128x64xf32, #tpu.memory_space<vmem>>) offsets(%dma_start3A_184 : memref<128xi32, #tpu.memory_space<vmem>>) semaphore(%arg12 : memref<!tpu.dma_semaphore, #tpu.memory_space<semaphore_mem>>)
        %add3A_188 = arith.constant 9 : i32
        %add3A_189 = arith.addi %mul3A_111, %add3A_188 : i32
        %add3A_190 = arith.constant 2 : i32
        %add3A_191 = arith.addi %add3A_189, %add3A_190 : i32
        %dma_start3A_192 = arith.constant 640 : i32
        %dma_start3A_193 = arith.constant 0 : i32
        %dma_start3A_194 = tpu.memref_slice %arg9[%dma_start3A_192, %dma_start3A_193] : memref<768x64xf32, #tpu.memory_space<vmem>> -> memref<128x64xf32, #tpu.memory_space<vmem>>
        %dma_start3A_195 = arith.constant 0 : i32
        %dma_start3A_196 = tpu.memref_slice %arg7[%add3A_191, %dma_start3A_195] : memref<138x128xi32, #tpu.memory_space<vmem>> -> memref<1x128xi32, #tpu.memory_space<vmem>>
        %dma_start3A_197 = tpu.memref_squeeze %dma_start3A_196 : memref<1x128xi32, #tpu.memory_space<vmem>> -> memref<128xi32, #tpu.memory_space<vmem>>
        %dma_start3A_198 = arith.constant 0 : i32
        %dma_start3A_199 = arith.constant 0 : i32
        %dma_start3A_200 = tpu.memref_slice %arg2[%dma_start3A_198, %dma_start3A_199] : memref<10000x64xf32, #tpu.memory_space<hbm>> -> memref<10000x64xf32, #tpu.memory_space<hbm>>
        tpu.enqueue_indirect_dma source(%dma_start3A_200 : memref<10000x64xf32, #tpu.memory_space<hbm>>) target(%dma_start3A_194 : memref<128x64xf32, #tpu.memory_space<vmem>>) offsets(%dma_start3A_197 : memref<128xi32, #tpu.memory_space<vmem>>) semaphore(%arg12 : memref<!tpu.dma_semaphore, #tpu.memory_space<semaphore_mem>>)
      } else {
      }
    }
    %barrier3A_106 = arith.constant 0 : index
    tpu.barrier barrier_id(%barrier3A_106)
    "tpu.region"() ({
      %run_scoped3A = tpu.sem_alloc : memref<!tpu.dma_semaphore, #tpu.memory_space<semaphore_mem>>
      %dma_start3A_107 = arith.constant 0 : i32
      %dma_start3A_108 = tpu.memref_slice %arg6[%arg0, %mul3A_0, %dma_start3A_107] : memref<2x10112x64xf32, #tpu.memory_space<hbm>> -> memref<1x632x64xf32, #tpu.memory_space<hbm>>
      %dma_start3A_109 = tpu.memref_squeeze %dma_start3A_108 : memref<1x632x64xf32, #tpu.memory_space<hbm>> -> memref<632x64xf32, #tpu.memory_space<hbm>>
      %dma_start3A_110 = arith.constant 0 : i32
      %dma_start3A_111 = tpu.memref_slice %arg10[%mul3A_0, %dma_start3A_110] : memref<10112x64xf32, #tpu.memory_space<vmem_shared>> -> memref<632x64xf32, #tpu.memory_space<vmem_shared>>
      tpu.enqueue_dma source(%dma_start3A_111 : memref<632x64xf32, #tpu.memory_space<vmem_shared>>) target(%dma_start3A_109 : memref<632x64xf32, #tpu.memory_space<hbm>>) target_semaphore(%run_scoped3A : memref<!tpu.dma_semaphore, #tpu.memory_space<semaphore_mem>>)
      %dma_wait3A = arith.constant 0 : i32
      %dma_wait3A_112 = tpu.memref_slice %arg6[%arg0, %mul3A_0, %dma_wait3A] : memref<2x10112x64xf32, #tpu.memory_space<hbm>> -> memref<1x632x64xf32, #tpu.memory_space<hbm>>
      %dma_wait3A_113 = tpu.memref_squeeze %dma_wait3A_112 : memref<1x632x64xf32, #tpu.memory_space<hbm>> -> memref<632x64xf32, #tpu.memory_space<hbm>>
      %dma_wait3A_114 = arith.constant 0 : i32
      %dma_wait3A_115 = tpu.memref_slice %arg10[%mul3A_0, %dma_wait3A_114] : memref<10112x64xf32, #tpu.memory_space<vmem_shared>> -> memref<632x64xf32, #tpu.memory_space<vmem_shared>>
      tpu.wait_dma2 semaphore(%run_scoped3A : memref<!tpu.dma_semaphore, #tpu.memory_space<semaphore_mem>>) src(%dma_wait3A_115 : memref<632x64xf32, #tpu.memory_space<vmem_shared>>) dst(%dma_wait3A_113 : memref<632x64xf32, #tpu.memory_space<hbm>>)
      tpu.yield
    }) : () -> ()
    return
  }
}

#map = affine_map<(d0, d1) -> (0, 0)>
#map1 = affine_map<(d0, d1) -> (0, 0, 0)>
module attributes {stable_mosaic.version = 14 : i64} {
  func.func @seg(%arg0: i32, %arg1: i32, %arg2: memref<10000x64xf32, #tpu.memory_space<hbm>>, %arg3: memref<2730x128xi32, #tpu.memory_space<hbm>>, %arg4: memref<2730x128xi32, #tpu.memory_space<hbm>>, %arg5: memref<10112x64xf32, #tpu.memory_space<hbm>>, %arg6: memref<2x10112x64xf32, #tpu.memory_space<hbm>>, %arg7: memref<138x128xi32, #tpu.memory_space<vmem>>, %arg8: memref<138x128xi32, #tpu.memory_space<vmem>>, %arg9: memref<768x64xf32, #tpu.memory_space<vmem>>, %arg10: memref<10112x64xf32, #tpu.memory_space<vmem_shared>>, %arg11: memref<!tpu.dma_semaphore, #tpu.memory_space<semaphore_mem>>, %arg12: memref<!tpu.dma_semaphore, #tpu.memory_space<semaphore_mem>>) attributes {dimension_semantics = [#tpu.dimension_semantics<core_parallel>, #tpu.dimension_semantics<subcore_parallel>], iteration_bounds = array<i64: 2, 16>, scalar_prefetch = 0 : i64, scratch_operands = 6 : i64, tpu.core_type = #tpu.core_type<sc_vector_subcore>, window_params = [{transform_indices = #map}, {transform_indices = #map}, {transform_indices = #map}, {transform_indices = #map}, {transform_indices = #map1}]} {
    %mul3A = arith.constant 632 : i32
    %mul3A_0 = arith.muli %arg1, %mul3A : i32
    %eq3A = arith.constant 0 : i32
    %eq3A_1 = arith.cmpi eq, %arg0, %eq3A : i32
    %mul3A_2 = arith.constant 24 : i32
    %mul3A_3 = arith.muli %arg1, %mul3A_2 : i32
    %mul3A_4 = arith.constant 138 : i32
    %mul3A_5 = arith.muli %arg1, %mul3A_4 : i32
    %add3A = arith.constant 384 : i32
    %add3A_6 = arith.addi %add3A, %mul3A_5 : i32
    %select_n3A = arith.select %eq3A_1, %mul3A_3, %add3A_6 : i32
    %eq3A_7 = arith.constant 0 : i32
    %eq3A_8 = arith.cmpi eq, %arg0, %eq3A_7 : i32
    %jit3A = arith.constant 24 : i32
    %jit3A_9 = arith.constant 138 : i32
    %select_n3A_10 = arith.select %eq3A_8, %jit3A, %jit3A_9 : i32
    "tpu.region"() ({
      %run_scoped3A = tpu.sem_alloc : memref<!tpu.dma_semaphore, #tpu.memory_space<semaphore_mem>>
      %dma_start3A_107 = arith.constant 0 : i32
      %dma_start3A_108 = tpu.memref_slice %arg10[%mul3A_0, %dma_start3A_107] : memref<10112x64xf32, #tpu.memory_space<vmem_shared>> -> memref<632x64xf32, #tpu.memory_space<vmem_shared>>
      %dma_start3A_109 = arith.constant 0 : i32
      %dma_start3A_110 = tpu.memref_slice %arg5[%mul3A_0, %dma_start3A_109] : memref<10112x64xf32, #tpu.memory_space<hbm>> -> memref<632x64xf32, #tpu.memory_space<hbm>>
      tpu.enqueue_dma source(%dma_start3A_110 : memref<632x64xf32, #tpu.memory_space<hbm>>) target(%dma_start3A_108 : memref<632x64xf32, #tpu.memory_space<vmem_shared>>) target_semaphore(%run_scoped3A : memref<!tpu.dma_semaphore, #tpu.memory_space<semaphore_mem>>)
      %dma_wait3A = arith.constant 0 : i32
      %dma_wait3A_111 = tpu.memref_slice %arg10[%mul3A_0, %dma_wait3A] : memref<10112x64xf32, #tpu.memory_space<vmem_shared>> -> memref<632x64xf32, #tpu.memory_space<vmem_shared>>
      %dma_wait3A_112 = arith.constant 0 : i32
      %dma_wait3A_113 = tpu.memref_slice %arg5[%mul3A_0, %dma_wait3A_112] : memref<10112x64xf32, #tpu.memory_space<hbm>> -> memref<632x64xf32, #tpu.memory_space<hbm>>
      tpu.wait_dma2 semaphore(%run_scoped3A : memref<!tpu.dma_semaphore, #tpu.memory_space<semaphore_mem>>) src(%dma_wait3A_113 : memref<632x64xf32, #tpu.memory_space<hbm>>) dst(%dma_wait3A_111 : memref<632x64xf32, #tpu.memory_space<vmem_shared>>)
      tpu.yield
    }) : () -> ()
    "tpu.region"() ({
      %run_scoped3A = tpu.sem_alloc : memref<!tpu.dma_semaphore, #tpu.memory_space<semaphore_mem>>
      %dma_start3A_107 = arith.constant 0 : i32
      %dma_start3A_108 = tpu.memref_slice %arg3[%select_n3A, %dma_start3A_107] : memref<2730x128xi32, #tpu.memory_space<hbm>> -> memref<138x128xi32, #tpu.memory_space<hbm>>
      %dma_start3A_109 = arith.constant 0 : i32
      %dma_start3A_110 = tpu.memref_slice %arg3[%select_n3A, %dma_start3A_109] : memref<2730x128xi32, #tpu.memory_space<hbm>> -> memref<138x128xi32, #tpu.memory_space<hbm>>
      tpu.enqueue_dma source(%dma_start3A_110 : memref<138x128xi32, #tpu.memory_space<hbm>>) target(%arg7 : memref<138x128xi32, #tpu.memory_space<vmem>>) target_semaphore(%run_scoped3A : memref<!tpu.dma_semaphore, #tpu.memory_space<semaphore_mem>>)
      %dma_wait3A = arith.constant 0 : i32
      %dma_wait3A_111 = tpu.memref_slice %arg3[%select_n3A, %dma_wait3A] : memref<2730x128xi32, #tpu.memory_space<hbm>> -> memref<138x128xi32, #tpu.memory_space<hbm>>
      %dma_wait3A_112 = arith.constant 0 : i32
      %dma_wait3A_113 = tpu.memref_slice %arg3[%select_n3A, %dma_wait3A_112] : memref<2730x128xi32, #tpu.memory_space<hbm>> -> memref<138x128xi32, #tpu.memory_space<hbm>>
      tpu.wait_dma2 semaphore(%run_scoped3A : memref<!tpu.dma_semaphore, #tpu.memory_space<semaphore_mem>>) src(%dma_wait3A_113 : memref<138x128xi32, #tpu.memory_space<hbm>>) dst(%arg7 : memref<138x128xi32, #tpu.memory_space<vmem>>)
      tpu.yield
    }) : () -> ()
    "tpu.region"() ({
      %run_scoped3A = tpu.sem_alloc : memref<!tpu.dma_semaphore, #tpu.memory_space<semaphore_mem>>
      %dma_start3A_107 = arith.constant 0 : i32
      %dma_start3A_108 = tpu.memref_slice %arg4[%select_n3A, %dma_start3A_107] : memref<2730x128xi32, #tpu.memory_space<hbm>> -> memref<138x128xi32, #tpu.memory_space<hbm>>
      %dma_start3A_109 = arith.constant 0 : i32
      %dma_start3A_110 = tpu.memref_slice %arg4[%select_n3A, %dma_start3A_109] : memref<2730x128xi32, #tpu.memory_space<hbm>> -> memref<138x128xi32, #tpu.memory_space<hbm>>
      tpu.enqueue_dma source(%dma_start3A_110 : memref<138x128xi32, #tpu.memory_space<hbm>>) target(%arg8 : memref<138x128xi32, #tpu.memory_space<vmem>>) target_semaphore(%run_scoped3A : memref<!tpu.dma_semaphore, #tpu.memory_space<semaphore_mem>>)
      %dma_wait3A = arith.constant 0 : i32
      %dma_wait3A_111 = tpu.memref_slice %arg4[%select_n3A, %dma_wait3A] : memref<2730x128xi32, #tpu.memory_space<hbm>> -> memref<138x128xi32, #tpu.memory_space<hbm>>
      %dma_wait3A_112 = arith.constant 0 : i32
      %dma_wait3A_113 = tpu.memref_slice %arg4[%select_n3A, %dma_wait3A_112] : memref<2730x128xi32, #tpu.memory_space<hbm>> -> memref<138x128xi32, #tpu.memory_space<hbm>>
      tpu.wait_dma2 semaphore(%run_scoped3A : memref<!tpu.dma_semaphore, #tpu.memory_space<semaphore_mem>>) src(%dma_wait3A_113 : memref<138x128xi32, #tpu.memory_space<hbm>>) dst(%arg8 : memref<138x128xi32, #tpu.memory_space<vmem>>)
      tpu.yield
    }) : () -> ()
    %barrier3A = arith.constant 0 : index
    tpu.barrier barrier_id(%barrier3A)
    %dma_start3A = arith.constant 0 : i32
    %dma_start3A_11 = arith.constant 0 : i32
    %dma_start3A_12 = arith.constant 0 : i32
    %dma_start3A_13 = tpu.memref_slice %arg9[%dma_start3A_11, %dma_start3A_12] : memref<768x64xf32, #tpu.memory_space<vmem>> -> memref<128x64xf32, #tpu.memory_space<vmem>>
    %dma_start3A_14 = arith.constant 0 : i32
    %dma_start3A_15 = tpu.memref_slice %arg7[%dma_start3A, %dma_start3A_14] : memref<138x128xi32, #tpu.memory_space<vmem>> -> memref<1x128xi32, #tpu.memory_space<vmem>>
    %dma_start3A_16 = tpu.memref_squeeze %dma_start3A_15 : memref<1x128xi32, #tpu.memory_space<vmem>> -> memref<128xi32, #tpu.memory_space<vmem>>
    %dma_start3A_17 = arith.constant 0 : i32
    %dma_start3A_18 = arith.constant 0 : i32
    %dma_start3A_19 = tpu.memref_slice %arg2[%dma_start3A_17, %dma_start3A_18] : memref<10000x64xf32, #tpu.memory_space<hbm>> -> memref<10000x64xf32, #tpu.memory_space<hbm>>
    tpu.enqueue_indirect_dma source(%dma_start3A_19 : memref<10000x64xf32, #tpu.memory_space<hbm>>) target(%dma_start3A_13 : memref<128x64xf32, #tpu.memory_space<vmem>>) offsets(%dma_start3A_16 : memref<128xi32, #tpu.memory_space<vmem>>) semaphore(%arg11 : memref<!tpu.dma_semaphore, #tpu.memory_space<semaphore_mem>>)
    %dma_start3A_20 = arith.constant 3 : i32
    %dma_start3A_21 = arith.constant 384 : i32
    %dma_start3A_22 = arith.constant 0 : i32
    %dma_start3A_23 = tpu.memref_slice %arg9[%dma_start3A_21, %dma_start3A_22] : memref<768x64xf32, #tpu.memory_space<vmem>> -> memref<128x64xf32, #tpu.memory_space<vmem>>
    %dma_start3A_24 = arith.constant 0 : i32
    %dma_start3A_25 = tpu.memref_slice %arg7[%dma_start3A_20, %dma_start3A_24] : memref<138x128xi32, #tpu.memory_space<vmem>> -> memref<1x128xi32, #tpu.memory_space<vmem>>
    %dma_start3A_26 = tpu.memref_squeeze %dma_start3A_25 : memref<1x128xi32, #tpu.memory_space<vmem>> -> memref<128xi32, #tpu.memory_space<vmem>>
    %dma_start3A_27 = arith.constant 0 : i32
    %dma_start3A_28 = arith.constant 0 : i32
    %dma_start3A_29 = tpu.memref_slice %arg2[%dma_start3A_27, %dma_start3A_28] : memref<10000x64xf32, #tpu.memory_space<hbm>> -> memref<10000x64xf32, #tpu.memory_space<hbm>>
    tpu.enqueue_indirect_dma source(%dma_start3A_29 : memref<10000x64xf32, #tpu.memory_space<hbm>>) target(%dma_start3A_23 : memref<128x64xf32, #tpu.memory_space<vmem>>) offsets(%dma_start3A_26 : memref<128xi32, #tpu.memory_space<vmem>>) semaphore(%arg12 : memref<!tpu.dma_semaphore, #tpu.memory_space<semaphore_mem>>)
    %dma_start3A_30 = arith.constant 1 : i32
    %dma_start3A_31 = arith.constant 128 : i32
    %dma_start3A_32 = arith.constant 0 : i32
    %dma_start3A_33 = tpu.memref_slice %arg9[%dma_start3A_31, %dma_start3A_32] : memref<768x64xf32, #tpu.memory_space<vmem>> -> memref<128x64xf32, #tpu.memory_space<vmem>>
    %dma_start3A_34 = arith.constant 0 : i32
    %dma_start3A_35 = tpu.memref_slice %arg7[%dma_start3A_30, %dma_start3A_34] : memref<138x128xi32, #tpu.memory_space<vmem>> -> memref<1x128xi32, #tpu.memory_space<vmem>>
    %dma_start3A_36 = tpu.memref_squeeze %dma_start3A_35 : memref<1x128xi32, #tpu.memory_space<vmem>> -> memref<128xi32, #tpu.memory_space<vmem>>
    %dma_start3A_37 = arith.constant 0 : i32
    %dma_start3A_38 = arith.constant 0 : i32
    %dma_start3A_39 = tpu.memref_slice %arg2[%dma_start3A_37, %dma_start3A_38] : memref<10000x64xf32, #tpu.memory_space<hbm>> -> memref<10000x64xf32, #tpu.memory_space<hbm>>
    tpu.enqueue_indirect_dma source(%dma_start3A_39 : memref<10000x64xf32, #tpu.memory_space<hbm>>) target(%dma_start3A_33 : memref<128x64xf32, #tpu.memory_space<vmem>>) offsets(%dma_start3A_36 : memref<128xi32, #tpu.memory_space<vmem>>) semaphore(%arg11 : memref<!tpu.dma_semaphore, #tpu.memory_space<semaphore_mem>>)
    %dma_start3A_40 = arith.constant 4 : i32
    %dma_start3A_41 = arith.constant 512 : i32
    %dma_start3A_42 = arith.constant 0 : i32
    %dma_start3A_43 = tpu.memref_slice %arg9[%dma_start3A_41, %dma_start3A_42] : memref<768x64xf32, #tpu.memory_space<vmem>> -> memref<128x64xf32, #tpu.memory_space<vmem>>
    %dma_start3A_44 = arith.constant 0 : i32
    %dma_start3A_45 = tpu.memref_slice %arg7[%dma_start3A_40, %dma_start3A_44] : memref<138x128xi32, #tpu.memory_space<vmem>> -> memref<1x128xi32, #tpu.memory_space<vmem>>
    %dma_start3A_46 = tpu.memref_squeeze %dma_start3A_45 : memref<1x128xi32, #tpu.memory_space<vmem>> -> memref<128xi32, #tpu.memory_space<vmem>>
    %dma_start3A_47 = arith.constant 0 : i32
    %dma_start3A_48 = arith.constant 0 : i32
    %dma_start3A_49 = tpu.memref_slice %arg2[%dma_start3A_47, %dma_start3A_48] : memref<10000x64xf32, #tpu.memory_space<hbm>> -> memref<10000x64xf32, #tpu.memory_space<hbm>>
    tpu.enqueue_indirect_dma source(%dma_start3A_49 : memref<10000x64xf32, #tpu.memory_space<hbm>>) target(%dma_start3A_43 : memref<128x64xf32, #tpu.memory_space<vmem>>) offsets(%dma_start3A_46 : memref<128xi32, #tpu.memory_space<vmem>>) semaphore(%arg12 : memref<!tpu.dma_semaphore, #tpu.memory_space<semaphore_mem>>)
    %dma_start3A_50 = arith.constant 2 : i32
    %dma_start3A_51 = arith.constant 256 : i32
    %dma_start3A_52 = arith.constant 0 : i32
    %dma_start3A_53 = tpu.memref_slice %arg9[%dma_start3A_51, %dma_start3A_52] : memref<768x64xf32, #tpu.memory_space<vmem>> -> memref<128x64xf32, #tpu.memory_space<vmem>>
    %dma_start3A_54 = arith.constant 0 : i32
    %dma_start3A_55 = tpu.memref_slice %arg7[%dma_start3A_50, %dma_start3A_54] : memref<138x128xi32, #tpu.memory_space<vmem>> -> memref<1x128xi32, #tpu.memory_space<vmem>>
    %dma_start3A_56 = tpu.memref_squeeze %dma_start3A_55 : memref<1x128xi32, #tpu.memory_space<vmem>> -> memref<128xi32, #tpu.memory_space<vmem>>
    %dma_start3A_57 = arith.constant 0 : i32
    %dma_start3A_58 = arith.constant 0 : i32
    %dma_start3A_59 = tpu.memref_slice %arg2[%dma_start3A_57, %dma_start3A_58] : memref<10000x64xf32, #tpu.memory_space<hbm>> -> memref<10000x64xf32, #tpu.memory_space<hbm>>
    tpu.enqueue_indirect_dma source(%dma_start3A_59 : memref<10000x64xf32, #tpu.memory_space<hbm>>) target(%dma_start3A_53 : memref<128x64xf32, #tpu.memory_space<vmem>>) offsets(%dma_start3A_56 : memref<128xi32, #tpu.memory_space<vmem>>) semaphore(%arg11 : memref<!tpu.dma_semaphore, #tpu.memory_space<semaphore_mem>>)
    %dma_start3A_60 = arith.constant 5 : i32
    %dma_start3A_61 = arith.constant 640 : i32
    %dma_start3A_62 = arith.constant 0 : i32
    %dma_start3A_63 = tpu.memref_slice %arg9[%dma_start3A_61, %dma_start3A_62] : memref<768x64xf32, #tpu.memory_space<vmem>> -> memref<128x64xf32, #tpu.memory_space<vmem>>
    %dma_start3A_64 = arith.constant 0 : i32
    %dma_start3A_65 = tpu.memref_slice %arg7[%dma_start3A_60, %dma_start3A_64] : memref<138x128xi32, #tpu.memory_space<vmem>> -> memref<1x128xi32, #tpu.memory_space<vmem>>
    %dma_start3A_66 = tpu.memref_squeeze %dma_start3A_65 : memref<1x128xi32, #tpu.memory_space<vmem>> -> memref<128xi32, #tpu.memory_space<vmem>>
    %dma_start3A_67 = arith.constant 0 : i32
    %dma_start3A_68 = arith.constant 0 : i32
    %dma_start3A_69 = tpu.memref_slice %arg2[%dma_start3A_67, %dma_start3A_68] : memref<10000x64xf32, #tpu.memory_space<hbm>> -> memref<10000x64xf32, #tpu.memory_space<hbm>>
    tpu.enqueue_indirect_dma source(%dma_start3A_69 : memref<10000x64xf32, #tpu.memory_space<hbm>>) target(%dma_start3A_63 : memref<128x64xf32, #tpu.memory_space<vmem>>) offsets(%dma_start3A_66 : memref<128xi32, #tpu.memory_space<vmem>>) semaphore(%arg12 : memref<!tpu.dma_semaphore, #tpu.memory_space<semaphore_mem>>)
    %jit3A_70 = arith.constant 6 : i32
    %div3A = arith.divsi %select_n3A_10, %jit3A_70 : i32
    %sign3A = arith.constant 0 : i32
    %sign3A_71 = arith.cmpi sgt, %select_n3A_10, %sign3A : i32
    %sign3A_72 = arith.extui %sign3A_71 : i1 to i32
    %sign3A_73 = arith.constant 0 : i32
    %sign3A_74 = arith.cmpi slt, %select_n3A_10, %sign3A_73 : i32
    %sign3A_75 = arith.extui %sign3A_74 : i1 to i32
    %sign3A_76 = arith.subi %sign3A_72, %sign3A_75 : i32
    %sign3A_77 = arith.constant 0 : i32
    %sign3A_78 = arith.cmpi sgt, %jit3A_70, %sign3A_77 : i32
    %sign3A_79 = arith.extui %sign3A_78 : i1 to i32
    %sign3A_80 = arith.constant 0 : i32
    %sign3A_81 = arith.cmpi slt, %jit3A_70, %sign3A_80 : i32
    %sign3A_82 = arith.extui %sign3A_81 : i1 to i32
    %sign3A_83 = arith.subi %sign3A_79, %sign3A_82 : i32
    %ne3A = arith.cmpi ne, %sign3A_76, %sign3A_83 : i32
    %rem3A = arith.remsi %select_n3A_10, %jit3A_70 : i32
    %ne3A_84 = arith.constant 0 : i32
    %ne3A_85 = arith.cmpi ne, %rem3A, %ne3A_84 : i32
    %and3A = arith.andi %ne3A, %ne3A_85 : i1
    %sub3A = arith.constant 1 : i32
    %sub3A_86 = arith.subi %div3A, %sub3A : i32
    %select_n3A_87 = arith.select %and3A, %sub3A_86, %div3A : i32
    %sub3A_88 = arith.constant 0 : i32
    %sub3A_89 = arith.subi %select_n3A_87, %sub3A_88 : i32
    %sub3A_90 = arith.constant 1 : i32
    %sub3A_91 = arith.constant 1 : i32
    %sub3A_92 = arith.subi %sub3A_90, %sub3A_91 : i32
    %add3A_93 = arith.addi %sub3A_89, %sub3A_92 : i32
    %div3A_94 = arith.constant 1 : i32
    %div3A_95 = arith.divsi %add3A_93, %div3A_94 : i32
    %while3A = arith.constant 1 : i32
    %while3A_96 = arith.constant 0 : i32
    %while3A_97 = arith.constant 0 : i32
    %while3A_98 = arith.subi %div3A_95, %while3A_97 : i32
    %while3A_99 = arith.addi %while3A_97, %while3A_98 : i32
    %while3A_100 = arith.constant 1 : i32
    %while3A_101 = arith.divsi %while3A_98, %while3A_100 : i32
    %while3A_102 = arith.muli %while3A_101, %while3A_100 : i32
    %while3A_103 = arith.addi %while3A_97, %while3A_102 : i32
    %while3A_104 = arith.constant 1 : i32
    scf.for %while3A_107 = %while3A_97 to %while3A_103 step %while3A_104  : i32 {
      %mul3A_108 = arith.muli %while3A_107, %while3A : i32
      %add3A_109 = arith.addi %while3A_96, %mul3A_108 : i32
      %mul3A_110 = arith.constant 6 : i32
      %mul3A_111 = arith.muli %add3A_109, %mul3A_110 : i32
      %dma_wait3A = arith.constant 0 : i32
      %dma_wait3A_112 = arith.constant 0 : i32
      %dma_wait3A_113 = tpu.memref_slice %arg9[%dma_wait3A, %dma_wait3A_112] : memref<768x64xf32, #tpu.memory_space<vmem>> -> memref<384x64xf32, #tpu.memory_space<vmem>>
      %dma_wait3A_114 = arith.constant 0 : i32
      %dma_wait3A_115 = arith.constant 0 : i32
      %dma_wait3A_116 = tpu.memref_slice %arg5[%dma_wait3A_114, %dma_wait3A_115] : memref<10112x64xf32, #tpu.memory_space<hbm>> -> memref<384x64xf32, #tpu.memory_space<hbm>>
      %dma_wait3A_117 = arith.constant 0 : i32
      %dma_wait3A_118 = arith.constant 0 : i32
      %dma_wait3A_119 = tpu.memref_slice %arg9[%dma_wait3A_117, %dma_wait3A_118] : memref<768x64xf32, #tpu.memory_space<vmem>> -> memref<384x64xf32, #tpu.memory_space<vmem>>
      %dma_wait3A_120 = arith.constant 0 : i32
      %dma_wait3A_121 = arith.constant 0 : i32
      %dma_wait3A_122 = tpu.memref_slice %arg5[%dma_wait3A_120, %dma_wait3A_121] : memref<10112x64xf32, #tpu.memory_space<hbm>> -> memref<384x64xf32, #tpu.memory_space<hbm>>
      tpu.wait_dma2 semaphore(%arg11 : memref<!tpu.dma_semaphore, #tpu.memory_space<semaphore_mem>>) src(%dma_wait3A_122 : memref<384x64xf32, #tpu.memory_space<hbm>>) dst(%dma_wait3A_119 : memref<384x64xf32, #tpu.memory_space<vmem>>)
      %add3A_123 = arith.constant 0 : i32
      %add3A_124 = arith.addi %mul3A_111, %add3A_123 : i32
      "tpu.region"() ({
        %run_scoped3A = tpu.sem_alloc : memref<!tpu.dma_semaphore, #tpu.memory_space<semaphore_mem>>
        %dma_start3A_162 = arith.constant 0 : i32
        %dma_start3A_163 = arith.constant 0 : i32
        %dma_start3A_164 = tpu.memref_slice %arg9[%dma_start3A_162, %dma_start3A_163] : memref<768x64xf32, #tpu.memory_space<vmem>> -> memref<128x64xf32, #tpu.memory_space<vmem>>
        %dma_start3A_165 = arith.constant 0 : i32
        %dma_start3A_166 = tpu.memref_slice %arg8[%add3A_124, %dma_start3A_165] : memref<138x128xi32, #tpu.memory_space<vmem>> -> memref<1x128xi32, #tpu.memory_space<vmem>>
        %dma_start3A_167 = tpu.memref_squeeze %dma_start3A_166 : memref<1x128xi32, #tpu.memory_space<vmem>> -> memref<128xi32, #tpu.memory_space<vmem>>
        %dma_start3A_168 = arith.constant 0 : i32
        %dma_start3A_169 = arith.constant 0 : i32
        %dma_start3A_170 = tpu.memref_slice %arg10[%dma_start3A_168, %dma_start3A_169] : memref<10112x64xf32, #tpu.memory_space<vmem_shared>> -> memref<10112x64xf32, #tpu.memory_space<vmem_shared>>
        tpu.enqueue_indirect_dma source(%dma_start3A_164 : memref<128x64xf32, #tpu.memory_space<vmem>>) target(%dma_start3A_170 : memref<10112x64xf32, #tpu.memory_space<vmem_shared>>) offsets(%dma_start3A_167 : memref<128xi32, #tpu.memory_space<vmem>>) semaphore(%run_scoped3A : memref<!tpu.dma_semaphore, #tpu.memory_space<semaphore_mem>>) {add = true}
        %dma_wait3A_171 = arith.constant 0 : i32
        %dma_wait3A_172 = arith.constant 0 : i32
        %dma_wait3A_173 = tpu.memref_slice %arg9[%dma_wait3A_171, %dma_wait3A_172] : memref<768x64xf32, #tpu.memory_space<vmem>> -> memref<128x64xf32, #tpu.memory_space<vmem>>
        %dma_wait3A_174 = arith.constant 0 : i32
        %dma_wait3A_175 = tpu.memref_slice %arg8[%add3A_124, %dma_wait3A_174] : memref<138x128xi32, #tpu.memory_space<vmem>> -> memref<1x128xi32, #tpu.memory_space<vmem>>
        %dma_wait3A_176 = tpu.memref_squeeze %dma_wait3A_175 : memref<1x128xi32, #tpu.memory_space<vmem>> -> memref<128xi32, #tpu.memory_space<vmem>>
        %dma_wait3A_177 = arith.constant 0 : i32
        %dma_wait3A_178 = arith.constant 0 : i32
        %dma_wait3A_179 = tpu.memref_slice %arg10[%dma_wait3A_177, %dma_wait3A_178] : memref<10112x64xf32, #tpu.memory_space<vmem_shared>> -> memref<10112x64xf32, #tpu.memory_space<vmem_shared>>
        tpu.wait_indirect_dma semaphore(%run_scoped3A : memref<!tpu.dma_semaphore, #tpu.memory_space<semaphore_mem>>) src(%dma_wait3A_173 : memref<128x64xf32, #tpu.memory_space<vmem>>) dst(%dma_wait3A_179 : memref<10112x64xf32, #tpu.memory_space<vmem_shared>>)
        tpu.yield
      }) : () -> ()
      %add3A_125 = arith.constant 1 : i32
      %add3A_126 = arith.addi %mul3A_111, %add3A_125 : i32
      "tpu.region"() ({
        %run_scoped3A = tpu.sem_alloc : memref<!tpu.dma_semaphore, #tpu.memory_space<semaphore_mem>>
        %dma_start3A_162 = arith.constant 128 : i32
        %dma_start3A_163 = arith.constant 0 : i32
        %dma_start3A_164 = tpu.memref_slice %arg9[%dma_start3A_162, %dma_start3A_163] : memref<768x64xf32, #tpu.memory_space<vmem>> -> memref<128x64xf32, #tpu.memory_space<vmem>>
        %dma_start3A_165 = arith.constant 0 : i32
        %dma_start3A_166 = tpu.memref_slice %arg8[%add3A_126, %dma_start3A_165] : memref<138x128xi32, #tpu.memory_space<vmem>> -> memref<1x128xi32, #tpu.memory_space<vmem>>
        %dma_start3A_167 = tpu.memref_squeeze %dma_start3A_166 : memref<1x128xi32, #tpu.memory_space<vmem>> -> memref<128xi32, #tpu.memory_space<vmem>>
        %dma_start3A_168 = arith.constant 0 : i32
        %dma_start3A_169 = arith.constant 0 : i32
        %dma_start3A_170 = tpu.memref_slice %arg10[%dma_start3A_168, %dma_start3A_169] : memref<10112x64xf32, #tpu.memory_space<vmem_shared>> -> memref<10112x64xf32, #tpu.memory_space<vmem_shared>>
        tpu.enqueue_indirect_dma source(%dma_start3A_164 : memref<128x64xf32, #tpu.memory_space<vmem>>) target(%dma_start3A_170 : memref<10112x64xf32, #tpu.memory_space<vmem_shared>>) offsets(%dma_start3A_167 : memref<128xi32, #tpu.memory_space<vmem>>) semaphore(%run_scoped3A : memref<!tpu.dma_semaphore, #tpu.memory_space<semaphore_mem>>) {add = true}
        %dma_wait3A_171 = arith.constant 128 : i32
        %dma_wait3A_172 = arith.constant 0 : i32
        %dma_wait3A_173 = tpu.memref_slice %arg9[%dma_wait3A_171, %dma_wait3A_172] : memref<768x64xf32, #tpu.memory_space<vmem>> -> memref<128x64xf32, #tpu.memory_space<vmem>>
        %dma_wait3A_174 = arith.constant 0 : i32
        %dma_wait3A_175 = tpu.memref_slice %arg8[%add3A_126, %dma_wait3A_174] : memref<138x128xi32, #tpu.memory_space<vmem>> -> memref<1x128xi32, #tpu.memory_space<vmem>>
        %dma_wait3A_176 = tpu.memref_squeeze %dma_wait3A_175 : memref<1x128xi32, #tpu.memory_space<vmem>> -> memref<128xi32, #tpu.memory_space<vmem>>
        %dma_wait3A_177 = arith.constant 0 : i32
        %dma_wait3A_178 = arith.constant 0 : i32
        %dma_wait3A_179 = tpu.memref_slice %arg10[%dma_wait3A_177, %dma_wait3A_178] : memref<10112x64xf32, #tpu.memory_space<vmem_shared>> -> memref<10112x64xf32, #tpu.memory_space<vmem_shared>>
        tpu.wait_indirect_dma semaphore(%run_scoped3A : memref<!tpu.dma_semaphore, #tpu.memory_space<semaphore_mem>>) src(%dma_wait3A_173 : memref<128x64xf32, #tpu.memory_space<vmem>>) dst(%dma_wait3A_179 : memref<10112x64xf32, #tpu.memory_space<vmem_shared>>)
        tpu.yield
      }) : () -> ()
      %add3A_127 = arith.constant 2 : i32
      %add3A_128 = arith.addi %mul3A_111, %add3A_127 : i32
      "tpu.region"() ({
        %run_scoped3A = tpu.sem_alloc : memref<!tpu.dma_semaphore, #tpu.memory_space<semaphore_mem>>
        %dma_start3A_162 = arith.constant 256 : i32
        %dma_start3A_163 = arith.constant 0 : i32
        %dma_start3A_164 = tpu.memref_slice %arg9[%dma_start3A_162, %dma_start3A_163] : memref<768x64xf32, #tpu.memory_space<vmem>> -> memref<128x64xf32, #tpu.memory_space<vmem>>
        %dma_start3A_165 = arith.constant 0 : i32
        %dma_start3A_166 = tpu.memref_slice %arg8[%add3A_128, %dma_start3A_165] : memref<138x128xi32, #tpu.memory_space<vmem>> -> memref<1x128xi32, #tpu.memory_space<vmem>>
        %dma_start3A_167 = tpu.memref_squeeze %dma_start3A_166 : memref<1x128xi32, #tpu.memory_space<vmem>> -> memref<128xi32, #tpu.memory_space<vmem>>
        %dma_start3A_168 = arith.constant 0 : i32
        %dma_start3A_169 = arith.constant 0 : i32
        %dma_start3A_170 = tpu.memref_slice %arg10[%dma_start3A_168, %dma_start3A_169] : memref<10112x64xf32, #tpu.memory_space<vmem_shared>> -> memref<10112x64xf32, #tpu.memory_space<vmem_shared>>
        tpu.enqueue_indirect_dma source(%dma_start3A_164 : memref<128x64xf32, #tpu.memory_space<vmem>>) target(%dma_start3A_170 : memref<10112x64xf32, #tpu.memory_space<vmem_shared>>) offsets(%dma_start3A_167 : memref<128xi32, #tpu.memory_space<vmem>>) semaphore(%run_scoped3A : memref<!tpu.dma_semaphore, #tpu.memory_space<semaphore_mem>>) {add = true}
        %dma_wait3A_171 = arith.constant 256 : i32
        %dma_wait3A_172 = arith.constant 0 : i32
        %dma_wait3A_173 = tpu.memref_slice %arg9[%dma_wait3A_171, %dma_wait3A_172] : memref<768x64xf32, #tpu.memory_space<vmem>> -> memref<128x64xf32, #tpu.memory_space<vmem>>
        %dma_wait3A_174 = arith.constant 0 : i32
        %dma_wait3A_175 = tpu.memref_slice %arg8[%add3A_128, %dma_wait3A_174] : memref<138x128xi32, #tpu.memory_space<vmem>> -> memref<1x128xi32, #tpu.memory_space<vmem>>
        %dma_wait3A_176 = tpu.memref_squeeze %dma_wait3A_175 : memref<1x128xi32, #tpu.memory_space<vmem>> -> memref<128xi32, #tpu.memory_space<vmem>>
        %dma_wait3A_177 = arith.constant 0 : i32
        %dma_wait3A_178 = arith.constant 0 : i32
        %dma_wait3A_179 = tpu.memref_slice %arg10[%dma_wait3A_177, %dma_wait3A_178] : memref<10112x64xf32, #tpu.memory_space<vmem_shared>> -> memref<10112x64xf32, #tpu.memory_space<vmem_shared>>
        tpu.wait_indirect_dma semaphore(%run_scoped3A : memref<!tpu.dma_semaphore, #tpu.memory_space<semaphore_mem>>) src(%dma_wait3A_173 : memref<128x64xf32, #tpu.memory_space<vmem>>) dst(%dma_wait3A_179 : memref<10112x64xf32, #tpu.memory_space<vmem_shared>>)
        tpu.yield
      }) : () -> ()
      %add3A_129 = arith.constant 6 : i32
      %add3A_130 = arith.addi %mul3A_111, %add3A_129 : i32
      %lt3A = arith.cmpi slt, %add3A_130, %select_n3A_10 : i32
      %convert_element_type3A = arith.extui %lt3A : i1 to i32
      %cond3A = arith.constant 0 : i32
      %cond3A_131 = arith.cmpi ne, %convert_element_type3A, %cond3A : i32
      scf.if %cond3A_131 {
        %add3A_162 = arith.constant 6 : i32
        %add3A_163 = arith.addi %mul3A_111, %add3A_162 : i32
        %add3A_164 = arith.constant 0 : i32
        %add3A_165 = arith.addi %add3A_163, %add3A_164 : i32
        %dma_start3A_166 = arith.constant 0 : i32
        %dma_start3A_167 = arith.constant 0 : i32
        %dma_start3A_168 = tpu.memref_slice %arg9[%dma_start3A_166, %dma_start3A_167] : memref<768x64xf32, #tpu.memory_space<vmem>> -> memref<128x64xf32, #tpu.memory_space<vmem>>
        %dma_start3A_169 = arith.constant 0 : i32
        %dma_start3A_170 = tpu.memref_slice %arg7[%add3A_165, %dma_start3A_169] : memref<138x128xi32, #tpu.memory_space<vmem>> -> memref<1x128xi32, #tpu.memory_space<vmem>>
        %dma_start3A_171 = tpu.memref_squeeze %dma_start3A_170 : memref<1x128xi32, #tpu.memory_space<vmem>> -> memref<128xi32, #tpu.memory_space<vmem>>
        %dma_start3A_172 = arith.constant 0 : i32
        %dma_start3A_173 = arith.constant 0 : i32
        %dma_start3A_174 = tpu.memref_slice %arg2[%dma_start3A_172, %dma_start3A_173] : memref<10000x64xf32, #tpu.memory_space<hbm>> -> memref<10000x64xf32, #tpu.memory_space<hbm>>
        tpu.enqueue_indirect_dma source(%dma_start3A_174 : memref<10000x64xf32, #tpu.memory_space<hbm>>) target(%dma_start3A_168 : memref<128x64xf32, #tpu.memory_space<vmem>>) offsets(%dma_start3A_171 : memref<128xi32, #tpu.memory_space<vmem>>) semaphore(%arg11 : memref<!tpu.dma_semaphore, #tpu.memory_space<semaphore_mem>>)
        %add3A_175 = arith.constant 6 : i32
        %add3A_176 = arith.addi %mul3A_111, %add3A_175 : i32
        %add3A_177 = arith.constant 1 : i32
        %add3A_178 = arith.addi %add3A_176, %add3A_177 : i32
        %dma_start3A_179 = arith.constant 128 : i32
        %dma_start3A_180 = arith.constant 0 : i32
        %dma_start3A_181 = tpu.memref_slice %arg9[%dma_start3A_179, %dma_start3A_180] : memref<768x64xf32, #tpu.memory_space<vmem>> -> memref<128x64xf32, #tpu.memory_space<vmem>>
        %dma_start3A_182 = arith.constant 0 : i32
        %dma_start3A_183 = tpu.memref_slice %arg7[%add3A_178, %dma_start3A_182] : memref<138x128xi32, #tpu.memory_space<vmem>> -> memref<1x128xi32, #tpu.memory_space<vmem>>
        %dma_start3A_184 = tpu.memref_squeeze %dma_start3A_183 : memref<1x128xi32, #tpu.memory_space<vmem>> -> memref<128xi32, #tpu.memory_space<vmem>>
        %dma_start3A_185 = arith.constant 0 : i32
        %dma_start3A_186 = arith.constant 0 : i32
        %dma_start3A_187 = tpu.memref_slice %arg2[%dma_start3A_185, %dma_start3A_186] : memref<10000x64xf32, #tpu.memory_space<hbm>> -> memref<10000x64xf32, #tpu.memory_space<hbm>>
        tpu.enqueue_indirect_dma source(%dma_start3A_187 : memref<10000x64xf32, #tpu.memory_space<hbm>>) target(%dma_start3A_181 : memref<128x64xf32, #tpu.memory_space<vmem>>) offsets(%dma_start3A_184 : memref<128xi32, #tpu.memory_space<vmem>>) semaphore(%arg11 : memref<!tpu.dma_semaphore, #tpu.memory_space<semaphore_mem>>)
        %add3A_188 = arith.constant 6 : i32
        %add3A_189 = arith.addi %mul3A_111, %add3A_188 : i32
        %add3A_190 = arith.constant 2 : i32
        %add3A_191 = arith.addi %add3A_189, %add3A_190 : i32
        %dma_start3A_192 = arith.constant 256 : i32
        %dma_start3A_193 = arith.constant 0 : i32
        %dma_start3A_194 = tpu.memref_slice %arg9[%dma_start3A_192, %dma_start3A_193] : memref<768x64xf32, #tpu.memory_space<vmem>> -> memref<128x64xf32, #tpu.memory_space<vmem>>
        %dma_start3A_195 = arith.constant 0 : i32
        %dma_start3A_196 = tpu.memref_slice %arg7[%add3A_191, %dma_start3A_195] : memref<138x128xi32, #tpu.memory_space<vmem>> -> memref<1x128xi32, #tpu.memory_space<vmem>>
        %dma_start3A_197 = tpu.memref_squeeze %dma_start3A_196 : memref<1x128xi32, #tpu.memory_space<vmem>> -> memref<128xi32, #tpu.memory_space<vmem>>
        %dma_start3A_198 = arith.constant 0 : i32
        %dma_start3A_199 = arith.constant 0 : i32
        %dma_start3A_200 = tpu.memref_slice %arg2[%dma_start3A_198, %dma_start3A_199] : memref<10000x64xf32, #tpu.memory_space<hbm>> -> memref<10000x64xf32, #tpu.memory_space<hbm>>
        tpu.enqueue_indirect_dma source(%dma_start3A_200 : memref<10000x64xf32, #tpu.memory_space<hbm>>) target(%dma_start3A_194 : memref<128x64xf32, #tpu.memory_space<vmem>>) offsets(%dma_start3A_197 : memref<128xi32, #tpu.memory_space<vmem>>) semaphore(%arg11 : memref<!tpu.dma_semaphore, #tpu.memory_space<semaphore_mem>>)
      } else {
      }
      %dma_wait3A_132 = arith.constant 384 : i32
      %dma_wait3A_133 = arith.constant 0 : i32
      %dma_wait3A_134 = tpu.memref_slice %arg9[%dma_wait3A_132, %dma_wait3A_133] : memref<768x64xf32, #tpu.memory_space<vmem>> -> memref<384x64xf32, #tpu.memory_space<vmem>>
      %dma_wait3A_135 = arith.constant 0 : i32
      %dma_wait3A_136 = arith.constant 0 : i32
      %dma_wait3A_137 = tpu.memref_slice %arg5[%dma_wait3A_135, %dma_wait3A_136] : memref<10112x64xf32, #tpu.memory_space<hbm>> -> memref<384x64xf32, #tpu.memory_space<hbm>>
      %dma_wait3A_138 = arith.constant 384 : i32
      %dma_wait3A_139 = arith.constant 0 : i32
      %dma_wait3A_140 = tpu.memref_slice %arg9[%dma_wait3A_138, %dma_wait3A_139] : memref<768x64xf32, #tpu.memory_space<vmem>> -> memref<384x64xf32, #tpu.memory_space<vmem>>
      %dma_wait3A_141 = arith.constant 0 : i32
      %dma_wait3A_142 = arith.constant 0 : i32
      %dma_wait3A_143 = tpu.memref_slice %arg5[%dma_wait3A_141, %dma_wait3A_142] : memref<10112x64xf32, #tpu.memory_space<hbm>> -> memref<384x64xf32, #tpu.memory_space<hbm>>
      tpu.wait_dma2 semaphore(%arg12 : memref<!tpu.dma_semaphore, #tpu.memory_space<semaphore_mem>>) src(%dma_wait3A_143 : memref<384x64xf32, #tpu.memory_space<hbm>>) dst(%dma_wait3A_140 : memref<384x64xf32, #tpu.memory_space<vmem>>)
      %add3A_144 = arith.constant 3 : i32
      %add3A_145 = arith.addi %mul3A_111, %add3A_144 : i32
      %add3A_146 = arith.constant 0 : i32
      %add3A_147 = arith.addi %add3A_145, %add3A_146 : i32
      "tpu.region"() ({
        %run_scoped3A = tpu.sem_alloc : memref<!tpu.dma_semaphore, #tpu.memory_space<semaphore_mem>>
        %dma_start3A_162 = arith.constant 384 : i32
        %dma_start3A_163 = arith.constant 0 : i32
        %dma_start3A_164 = tpu.memref_slice %arg9[%dma_start3A_162, %dma_start3A_163] : memref<768x64xf32, #tpu.memory_space<vmem>> -> memref<128x64xf32, #tpu.memory_space<vmem>>
        %dma_start3A_165 = arith.constant 0 : i32
        %dma_start3A_166 = tpu.memref_slice %arg8[%add3A_147, %dma_start3A_165] : memref<138x128xi32, #tpu.memory_space<vmem>> -> memref<1x128xi32, #tpu.memory_space<vmem>>
        %dma_start3A_167 = tpu.memref_squeeze %dma_start3A_166 : memref<1x128xi32, #tpu.memory_space<vmem>> -> memref<128xi32, #tpu.memory_space<vmem>>
        %dma_start3A_168 = arith.constant 0 : i32
        %dma_start3A_169 = arith.constant 0 : i32
        %dma_start3A_170 = tpu.memref_slice %arg10[%dma_start3A_168, %dma_start3A_169] : memref<10112x64xf32, #tpu.memory_space<vmem_shared>> -> memref<10112x64xf32, #tpu.memory_space<vmem_shared>>
        tpu.enqueue_indirect_dma source(%dma_start3A_164 : memref<128x64xf32, #tpu.memory_space<vmem>>) target(%dma_start3A_170 : memref<10112x64xf32, #tpu.memory_space<vmem_shared>>) offsets(%dma_start3A_167 : memref<128xi32, #tpu.memory_space<vmem>>) semaphore(%run_scoped3A : memref<!tpu.dma_semaphore, #tpu.memory_space<semaphore_mem>>) {add = true}
        %dma_wait3A_171 = arith.constant 384 : i32
        %dma_wait3A_172 = arith.constant 0 : i32
        %dma_wait3A_173 = tpu.memref_slice %arg9[%dma_wait3A_171, %dma_wait3A_172] : memref<768x64xf32, #tpu.memory_space<vmem>> -> memref<128x64xf32, #tpu.memory_space<vmem>>
        %dma_wait3A_174 = arith.constant 0 : i32
        %dma_wait3A_175 = tpu.memref_slice %arg8[%add3A_147, %dma_wait3A_174] : memref<138x128xi32, #tpu.memory_space<vmem>> -> memref<1x128xi32, #tpu.memory_space<vmem>>
        %dma_wait3A_176 = tpu.memref_squeeze %dma_wait3A_175 : memref<1x128xi32, #tpu.memory_space<vmem>> -> memref<128xi32, #tpu.memory_space<vmem>>
        %dma_wait3A_177 = arith.constant 0 : i32
        %dma_wait3A_178 = arith.constant 0 : i32
        %dma_wait3A_179 = tpu.memref_slice %arg10[%dma_wait3A_177, %dma_wait3A_178] : memref<10112x64xf32, #tpu.memory_space<vmem_shared>> -> memref<10112x64xf32, #tpu.memory_space<vmem_shared>>
        tpu.wait_indirect_dma semaphore(%run_scoped3A : memref<!tpu.dma_semaphore, #tpu.memory_space<semaphore_mem>>) src(%dma_wait3A_173 : memref<128x64xf32, #tpu.memory_space<vmem>>) dst(%dma_wait3A_179 : memref<10112x64xf32, #tpu.memory_space<vmem_shared>>)
        tpu.yield
      }) : () -> ()
      %add3A_148 = arith.constant 3 : i32
      %add3A_149 = arith.addi %mul3A_111, %add3A_148 : i32
      %add3A_150 = arith.constant 1 : i32
      %add3A_151 = arith.addi %add3A_149, %add3A_150 : i32
      "tpu.region"() ({
        %run_scoped3A = tpu.sem_alloc : memref<!tpu.dma_semaphore, #tpu.memory_space<semaphore_mem>>
        %dma_start3A_162 = arith.constant 512 : i32
        %dma_start3A_163 = arith.constant 0 : i32
        %dma_start3A_164 = tpu.memref_slice %arg9[%dma_start3A_162, %dma_start3A_163] : memref<768x64xf32, #tpu.memory_space<vmem>> -> memref<128x64xf32, #tpu.memory_space<vmem>>
        %dma_start3A_165 = arith.constant 0 : i32
        %dma_start3A_166 = tpu.memref_slice %arg8[%add3A_151, %dma_start3A_165] : memref<138x128xi32, #tpu.memory_space<vmem>> -> memref<1x128xi32, #tpu.memory_space<vmem>>
        %dma_start3A_167 = tpu.memref_squeeze %dma_start3A_166 : memref<1x128xi32, #tpu.memory_space<vmem>> -> memref<128xi32, #tpu.memory_space<vmem>>
        %dma_start3A_168 = arith.constant 0 : i32
        %dma_start3A_169 = arith.constant 0 : i32
        %dma_start3A_170 = tpu.memref_slice %arg10[%dma_start3A_168, %dma_start3A_169] : memref<10112x64xf32, #tpu.memory_space<vmem_shared>> -> memref<10112x64xf32, #tpu.memory_space<vmem_shared>>
        tpu.enqueue_indirect_dma source(%dma_start3A_164 : memref<128x64xf32, #tpu.memory_space<vmem>>) target(%dma_start3A_170 : memref<10112x64xf32, #tpu.memory_space<vmem_shared>>) offsets(%dma_start3A_167 : memref<128xi32, #tpu.memory_space<vmem>>) semaphore(%run_scoped3A : memref<!tpu.dma_semaphore, #tpu.memory_space<semaphore_mem>>) {add = true}
        %dma_wait3A_171 = arith.constant 512 : i32
        %dma_wait3A_172 = arith.constant 0 : i32
        %dma_wait3A_173 = tpu.memref_slice %arg9[%dma_wait3A_171, %dma_wait3A_172] : memref<768x64xf32, #tpu.memory_space<vmem>> -> memref<128x64xf32, #tpu.memory_space<vmem>>
        %dma_wait3A_174 = arith.constant 0 : i32
        %dma_wait3A_175 = tpu.memref_slice %arg8[%add3A_151, %dma_wait3A_174] : memref<138x128xi32, #tpu.memory_space<vmem>> -> memref<1x128xi32, #tpu.memory_space<vmem>>
        %dma_wait3A_176 = tpu.memref_squeeze %dma_wait3A_175 : memref<1x128xi32, #tpu.memory_space<vmem>> -> memref<128xi32, #tpu.memory_space<vmem>>
        %dma_wait3A_177 = arith.constant 0 : i32
        %dma_wait3A_178 = arith.constant 0 : i32
        %dma_wait3A_179 = tpu.memref_slice %arg10[%dma_wait3A_177, %dma_wait3A_178] : memref<10112x64xf32, #tpu.memory_space<vmem_shared>> -> memref<10112x64xf32, #tpu.memory_space<vmem_shared>>
        tpu.wait_indirect_dma semaphore(%run_scoped3A : memref<!tpu.dma_semaphore, #tpu.memory_space<semaphore_mem>>) src(%dma_wait3A_173 : memref<128x64xf32, #tpu.memory_space<vmem>>) dst(%dma_wait3A_179 : memref<10112x64xf32, #tpu.memory_space<vmem_shared>>)
        tpu.yield
      }) : () -> ()
      %add3A_152 = arith.constant 3 : i32
      %add3A_153 = arith.addi %mul3A_111, %add3A_152 : i32
      %add3A_154 = arith.constant 2 : i32
      %add3A_155 = arith.addi %add3A_153, %add3A_154 : i32
      "tpu.region"() ({
        %run_scoped3A = tpu.sem_alloc : memref<!tpu.dma_semaphore, #tpu.memory_space<semaphore_mem>>
        %dma_start3A_162 = arith.constant 640 : i32
        %dma_start3A_163 = arith.constant 0 : i32
        %dma_start3A_164 = tpu.memref_slice %arg9[%dma_start3A_162, %dma_start3A_163] : memref<768x64xf32, #tpu.memory_space<vmem>> -> memref<128x64xf32, #tpu.memory_space<vmem>>
        %dma_start3A_165 = arith.constant 0 : i32
        %dma_start3A_166 = tpu.memref_slice %arg8[%add3A_155, %dma_start3A_165] : memref<138x128xi32, #tpu.memory_space<vmem>> -> memref<1x128xi32, #tpu.memory_space<vmem>>
        %dma_start3A_167 = tpu.memref_squeeze %dma_start3A_166 : memref<1x128xi32, #tpu.memory_space<vmem>> -> memref<128xi32, #tpu.memory_space<vmem>>
        %dma_start3A_168 = arith.constant 0 : i32
        %dma_start3A_169 = arith.constant 0 : i32
        %dma_start3A_170 = tpu.memref_slice %arg10[%dma_start3A_168, %dma_start3A_169] : memref<10112x64xf32, #tpu.memory_space<vmem_shared>> -> memref<10112x64xf32, #tpu.memory_space<vmem_shared>>
        tpu.enqueue_indirect_dma source(%dma_start3A_164 : memref<128x64xf32, #tpu.memory_space<vmem>>) target(%dma_start3A_170 : memref<10112x64xf32, #tpu.memory_space<vmem_shared>>) offsets(%dma_start3A_167 : memref<128xi32, #tpu.memory_space<vmem>>) semaphore(%run_scoped3A : memref<!tpu.dma_semaphore, #tpu.memory_space<semaphore_mem>>) {add = true}
        %dma_wait3A_171 = arith.constant 640 : i32
        %dma_wait3A_172 = arith.constant 0 : i32
        %dma_wait3A_173 = tpu.memref_slice %arg9[%dma_wait3A_171, %dma_wait3A_172] : memref<768x64xf32, #tpu.memory_space<vmem>> -> memref<128x64xf32, #tpu.memory_space<vmem>>
        %dma_wait3A_174 = arith.constant 0 : i32
        %dma_wait3A_175 = tpu.memref_slice %arg8[%add3A_155, %dma_wait3A_174] : memref<138x128xi32, #tpu.memory_space<vmem>> -> memref<1x128xi32, #tpu.memory_space<vmem>>
        %dma_wait3A_176 = tpu.memref_squeeze %dma_wait3A_175 : memref<1x128xi32, #tpu.memory_space<vmem>> -> memref<128xi32, #tpu.memory_space<vmem>>
        %dma_wait3A_177 = arith.constant 0 : i32
        %dma_wait3A_178 = arith.constant 0 : i32
        %dma_wait3A_179 = tpu.memref_slice %arg10[%dma_wait3A_177, %dma_wait3A_178] : memref<10112x64xf32, #tpu.memory_space<vmem_shared>> -> memref<10112x64xf32, #tpu.memory_space<vmem_shared>>
        tpu.wait_indirect_dma semaphore(%run_scoped3A : memref<!tpu.dma_semaphore, #tpu.memory_space<semaphore_mem>>) src(%dma_wait3A_173 : memref<128x64xf32, #tpu.memory_space<vmem>>) dst(%dma_wait3A_179 : memref<10112x64xf32, #tpu.memory_space<vmem_shared>>)
        tpu.yield
      }) : () -> ()
      %add3A_156 = arith.constant 9 : i32
      %add3A_157 = arith.addi %mul3A_111, %add3A_156 : i32
      %lt3A_158 = arith.cmpi slt, %add3A_157, %select_n3A_10 : i32
      %convert_element_type3A_159 = arith.extui %lt3A_158 : i1 to i32
      %cond3A_160 = arith.constant 0 : i32
      %cond3A_161 = arith.cmpi ne, %convert_element_type3A_159, %cond3A_160 : i32
      scf.if %cond3A_161 {
        %add3A_162 = arith.constant 9 : i32
        %add3A_163 = arith.addi %mul3A_111, %add3A_162 : i32
        %add3A_164 = arith.constant 0 : i32
        %add3A_165 = arith.addi %add3A_163, %add3A_164 : i32
        %dma_start3A_166 = arith.constant 384 : i32
        %dma_start3A_167 = arith.constant 0 : i32
        %dma_start3A_168 = tpu.memref_slice %arg9[%dma_start3A_166, %dma_start3A_167] : memref<768x64xf32, #tpu.memory_space<vmem>> -> memref<128x64xf32, #tpu.memory_space<vmem>>
        %dma_start3A_169 = arith.constant 0 : i32
        %dma_start3A_170 = tpu.memref_slice %arg7[%add3A_165, %dma_start3A_169] : memref<138x128xi32, #tpu.memory_space<vmem>> -> memref<1x128xi32, #tpu.memory_space<vmem>>
        %dma_start3A_171 = tpu.memref_squeeze %dma_start3A_170 : memref<1x128xi32, #tpu.memory_space<vmem>> -> memref<128xi32, #tpu.memory_space<vmem>>
        %dma_start3A_172 = arith.constant 0 : i32
        %dma_start3A_173 = arith.constant 0 : i32
        %dma_start3A_174 = tpu.memref_slice %arg2[%dma_start3A_172, %dma_start3A_173] : memref<10000x64xf32, #tpu.memory_space<hbm>> -> memref<10000x64xf32, #tpu.memory_space<hbm>>
        tpu.enqueue_indirect_dma source(%dma_start3A_174 : memref<10000x64xf32, #tpu.memory_space<hbm>>) target(%dma_start3A_168 : memref<128x64xf32, #tpu.memory_space<vmem>>) offsets(%dma_start3A_171 : memref<128xi32, #tpu.memory_space<vmem>>) semaphore(%arg12 : memref<!tpu.dma_semaphore, #tpu.memory_space<semaphore_mem>>)
        %add3A_175 = arith.constant 9 : i32
        %add3A_176 = arith.addi %mul3A_111, %add3A_175 : i32
        %add3A_177 = arith.constant 1 : i32
        %add3A_178 = arith.addi %add3A_176, %add3A_177 : i32
        %dma_start3A_179 = arith.constant 512 : i32
        %dma_start3A_180 = arith.constant 0 : i32
        %dma_start3A_181 = tpu.memref_slice %arg9[%dma_start3A_179, %dma_start3A_180] : memref<768x64xf32, #tpu.memory_space<vmem>> -> memref<128x64xf32, #tpu.memory_space<vmem>>
        %dma_start3A_182 = arith.constant 0 : i32
        %dma_start3A_183 = tpu.memref_slice %arg7[%add3A_178, %dma_start3A_182] : memref<138x128xi32, #tpu.memory_space<vmem>> -> memref<1x128xi32, #tpu.memory_space<vmem>>
        %dma_start3A_184 = tpu.memref_squeeze %dma_start3A_183 : memref<1x128xi32, #tpu.memory_space<vmem>> -> memref<128xi32, #tpu.memory_space<vmem>>
        %dma_start3A_185 = arith.constant 0 : i32
        %dma_start3A_186 = arith.constant 0 : i32
        %dma_start3A_187 = tpu.memref_slice %arg2[%dma_start3A_185, %dma_start3A_186] : memref<10000x64xf32, #tpu.memory_space<hbm>> -> memref<10000x64xf32, #tpu.memory_space<hbm>>
        tpu.enqueue_indirect_dma source(%dma_start3A_187 : memref<10000x64xf32, #tpu.memory_space<hbm>>) target(%dma_start3A_181 : memref<128x64xf32, #tpu.memory_space<vmem>>) offsets(%dma_start3A_184 : memref<128xi32, #tpu.memory_space<vmem>>) semaphore(%arg12 : memref<!tpu.dma_semaphore, #tpu.memory_space<semaphore_mem>>)
        %add3A_188 = arith.constant 9 : i32
        %add3A_189 = arith.addi %mul3A_111, %add3A_188 : i32
        %add3A_190 = arith.constant 2 : i32
        %add3A_191 = arith.addi %add3A_189, %add3A_190 : i32
        %dma_start3A_192 = arith.constant 640 : i32
        %dma_start3A_193 = arith.constant 0 : i32
        %dma_start3A_194 = tpu.memref_slice %arg9[%dma_start3A_192, %dma_start3A_193] : memref<768x64xf32, #tpu.memory_space<vmem>> -> memref<128x64xf32, #tpu.memory_space<vmem>>
        %dma_start3A_195 = arith.constant 0 : i32
        %dma_start3A_196 = tpu.memref_slice %arg7[%add3A_191, %dma_start3A_195] : memref<138x128xi32, #tpu.memory_space<vmem>> -> memref<1x128xi32, #tpu.memory_space<vmem>>
        %dma_start3A_197 = tpu.memref_squeeze %dma_start3A_196 : memref<1x128xi32, #tpu.memory_space<vmem>> -> memref<128xi32, #tpu.memory_space<vmem>>
        %dma_start3A_198 = arith.constant 0 : i32
        %dma_start3A_199 = arith.constant 0 : i32
        %dma_start3A_200 = tpu.memref_slice %arg2[%dma_start3A_198, %dma_start3A_199] : memref<10000x64xf32, #tpu.memory_space<hbm>> -> memref<10000x64xf32, #tpu.memory_space<hbm>>
        tpu.enqueue_indirect_dma source(%dma_start3A_200 : memref<10000x64xf32, #tpu.memory_space<hbm>>) target(%dma_start3A_194 : memref<128x64xf32, #tpu.memory_space<vmem>>) offsets(%dma_start3A_197 : memref<128xi32, #tpu.memory_space<vmem>>) semaphore(%arg12 : memref<!tpu.dma_semaphore, #tpu.memory_space<semaphore_mem>>)
      } else {
      }
    }
    %while3A_105 = arith.constant 1 : i32
    scf.for %while3A_107 = %while3A_103 to %while3A_99 step %while3A_105  : i32 {
      %mul3A_108 = arith.muli %while3A_107, %while3A : i32
      %add3A_109 = arith.addi %while3A_96, %mul3A_108 : i32
      %mul3A_110 = arith.constant 6 : i32
      %mul3A_111 = arith.muli %add3A_109, %mul3A_110 : i32
      %dma_wait3A = arith.constant 0 : i32
      %dma_wait3A_112 = arith.constant 0 : i32
      %dma_wait3A_113 = tpu.memref_slice %arg9[%dma_wait3A, %dma_wait3A_112] : memref<768x64xf32, #tpu.memory_space<vmem>> -> memref<384x64xf32, #tpu.memory_space<vmem>>
      %dma_wait3A_114 = arith.constant 0 : i32
      %dma_wait3A_115 = arith.constant 0 : i32
      %dma_wait3A_116 = tpu.memref_slice %arg5[%dma_wait3A_114, %dma_wait3A_115] : memref<10112x64xf32, #tpu.memory_space<hbm>> -> memref<384x64xf32, #tpu.memory_space<hbm>>
      %dma_wait3A_117 = arith.constant 0 : i32
      %dma_wait3A_118 = arith.constant 0 : i32
      %dma_wait3A_119 = tpu.memref_slice %arg9[%dma_wait3A_117, %dma_wait3A_118] : memref<768x64xf32, #tpu.memory_space<vmem>> -> memref<384x64xf32, #tpu.memory_space<vmem>>
      %dma_wait3A_120 = arith.constant 0 : i32
      %dma_wait3A_121 = arith.constant 0 : i32
      %dma_wait3A_122 = tpu.memref_slice %arg5[%dma_wait3A_120, %dma_wait3A_121] : memref<10112x64xf32, #tpu.memory_space<hbm>> -> memref<384x64xf32, #tpu.memory_space<hbm>>
      tpu.wait_dma2 semaphore(%arg11 : memref<!tpu.dma_semaphore, #tpu.memory_space<semaphore_mem>>) src(%dma_wait3A_122 : memref<384x64xf32, #tpu.memory_space<hbm>>) dst(%dma_wait3A_119 : memref<384x64xf32, #tpu.memory_space<vmem>>)
      %add3A_123 = arith.constant 0 : i32
      %add3A_124 = arith.addi %mul3A_111, %add3A_123 : i32
      "tpu.region"() ({
        %run_scoped3A = tpu.sem_alloc : memref<!tpu.dma_semaphore, #tpu.memory_space<semaphore_mem>>
        %dma_start3A_162 = arith.constant 0 : i32
        %dma_start3A_163 = arith.constant 0 : i32
        %dma_start3A_164 = tpu.memref_slice %arg9[%dma_start3A_162, %dma_start3A_163] : memref<768x64xf32, #tpu.memory_space<vmem>> -> memref<128x64xf32, #tpu.memory_space<vmem>>
        %dma_start3A_165 = arith.constant 0 : i32
        %dma_start3A_166 = tpu.memref_slice %arg8[%add3A_124, %dma_start3A_165] : memref<138x128xi32, #tpu.memory_space<vmem>> -> memref<1x128xi32, #tpu.memory_space<vmem>>
        %dma_start3A_167 = tpu.memref_squeeze %dma_start3A_166 : memref<1x128xi32, #tpu.memory_space<vmem>> -> memref<128xi32, #tpu.memory_space<vmem>>
        %dma_start3A_168 = arith.constant 0 : i32
        %dma_start3A_169 = arith.constant 0 : i32
        %dma_start3A_170 = tpu.memref_slice %arg10[%dma_start3A_168, %dma_start3A_169] : memref<10112x64xf32, #tpu.memory_space<vmem_shared>> -> memref<10112x64xf32, #tpu.memory_space<vmem_shared>>
        tpu.enqueue_indirect_dma source(%dma_start3A_164 : memref<128x64xf32, #tpu.memory_space<vmem>>) target(%dma_start3A_170 : memref<10112x64xf32, #tpu.memory_space<vmem_shared>>) offsets(%dma_start3A_167 : memref<128xi32, #tpu.memory_space<vmem>>) semaphore(%run_scoped3A : memref<!tpu.dma_semaphore, #tpu.memory_space<semaphore_mem>>) {add = true}
        %dma_wait3A_171 = arith.constant 0 : i32
        %dma_wait3A_172 = arith.constant 0 : i32
        %dma_wait3A_173 = tpu.memref_slice %arg9[%dma_wait3A_171, %dma_wait3A_172] : memref<768x64xf32, #tpu.memory_space<vmem>> -> memref<128x64xf32, #tpu.memory_space<vmem>>
        %dma_wait3A_174 = arith.constant 0 : i32
        %dma_wait3A_175 = tpu.memref_slice %arg8[%add3A_124, %dma_wait3A_174] : memref<138x128xi32, #tpu.memory_space<vmem>> -> memref<1x128xi32, #tpu.memory_space<vmem>>
        %dma_wait3A_176 = tpu.memref_squeeze %dma_wait3A_175 : memref<1x128xi32, #tpu.memory_space<vmem>> -> memref<128xi32, #tpu.memory_space<vmem>>
        %dma_wait3A_177 = arith.constant 0 : i32
        %dma_wait3A_178 = arith.constant 0 : i32
        %dma_wait3A_179 = tpu.memref_slice %arg10[%dma_wait3A_177, %dma_wait3A_178] : memref<10112x64xf32, #tpu.memory_space<vmem_shared>> -> memref<10112x64xf32, #tpu.memory_space<vmem_shared>>
        tpu.wait_indirect_dma semaphore(%run_scoped3A : memref<!tpu.dma_semaphore, #tpu.memory_space<semaphore_mem>>) src(%dma_wait3A_173 : memref<128x64xf32, #tpu.memory_space<vmem>>) dst(%dma_wait3A_179 : memref<10112x64xf32, #tpu.memory_space<vmem_shared>>)
        tpu.yield
      }) : () -> ()
      %add3A_125 = arith.constant 1 : i32
      %add3A_126 = arith.addi %mul3A_111, %add3A_125 : i32
      "tpu.region"() ({
        %run_scoped3A = tpu.sem_alloc : memref<!tpu.dma_semaphore, #tpu.memory_space<semaphore_mem>>
        %dma_start3A_162 = arith.constant 128 : i32
        %dma_start3A_163 = arith.constant 0 : i32
        %dma_start3A_164 = tpu.memref_slice %arg9[%dma_start3A_162, %dma_start3A_163] : memref<768x64xf32, #tpu.memory_space<vmem>> -> memref<128x64xf32, #tpu.memory_space<vmem>>
        %dma_start3A_165 = arith.constant 0 : i32
        %dma_start3A_166 = tpu.memref_slice %arg8[%add3A_126, %dma_start3A_165] : memref<138x128xi32, #tpu.memory_space<vmem>> -> memref<1x128xi32, #tpu.memory_space<vmem>>
        %dma_start3A_167 = tpu.memref_squeeze %dma_start3A_166 : memref<1x128xi32, #tpu.memory_space<vmem>> -> memref<128xi32, #tpu.memory_space<vmem>>
        %dma_start3A_168 = arith.constant 0 : i32
        %dma_start3A_169 = arith.constant 0 : i32
        %dma_start3A_170 = tpu.memref_slice %arg10[%dma_start3A_168, %dma_start3A_169] : memref<10112x64xf32, #tpu.memory_space<vmem_shared>> -> memref<10112x64xf32, #tpu.memory_space<vmem_shared>>
        tpu.enqueue_indirect_dma source(%dma_start3A_164 : memref<128x64xf32, #tpu.memory_space<vmem>>) target(%dma_start3A_170 : memref<10112x64xf32, #tpu.memory_space<vmem_shared>>) offsets(%dma_start3A_167 : memref<128xi32, #tpu.memory_space<vmem>>) semaphore(%run_scoped3A : memref<!tpu.dma_semaphore, #tpu.memory_space<semaphore_mem>>) {add = true}
        %dma_wait3A_171 = arith.constant 128 : i32
        %dma_wait3A_172 = arith.constant 0 : i32
        %dma_wait3A_173 = tpu.memref_slice %arg9[%dma_wait3A_171, %dma_wait3A_172] : memref<768x64xf32, #tpu.memory_space<vmem>> -> memref<128x64xf32, #tpu.memory_space<vmem>>
        %dma_wait3A_174 = arith.constant 0 : i32
        %dma_wait3A_175 = tpu.memref_slice %arg8[%add3A_126, %dma_wait3A_174] : memref<138x128xi32, #tpu.memory_space<vmem>> -> memref<1x128xi32, #tpu.memory_space<vmem>>
        %dma_wait3A_176 = tpu.memref_squeeze %dma_wait3A_175 : memref<1x128xi32, #tpu.memory_space<vmem>> -> memref<128xi32, #tpu.memory_space<vmem>>
        %dma_wait3A_177 = arith.constant 0 : i32
        %dma_wait3A_178 = arith.constant 0 : i32
        %dma_wait3A_179 = tpu.memref_slice %arg10[%dma_wait3A_177, %dma_wait3A_178] : memref<10112x64xf32, #tpu.memory_space<vmem_shared>> -> memref<10112x64xf32, #tpu.memory_space<vmem_shared>>
        tpu.wait_indirect_dma semaphore(%run_scoped3A : memref<!tpu.dma_semaphore, #tpu.memory_space<semaphore_mem>>) src(%dma_wait3A_173 : memref<128x64xf32, #tpu.memory_space<vmem>>) dst(%dma_wait3A_179 : memref<10112x64xf32, #tpu.memory_space<vmem_shared>>)
        tpu.yield
      }) : () -> ()
      %add3A_127 = arith.constant 2 : i32
      %add3A_128 = arith.addi %mul3A_111, %add3A_127 : i32
      "tpu.region"() ({
        %run_scoped3A = tpu.sem_alloc : memref<!tpu.dma_semaphore, #tpu.memory_space<semaphore_mem>>
        %dma_start3A_162 = arith.constant 256 : i32
        %dma_start3A_163 = arith.constant 0 : i32
        %dma_start3A_164 = tpu.memref_slice %arg9[%dma_start3A_162, %dma_start3A_163] : memref<768x64xf32, #tpu.memory_space<vmem>> -> memref<128x64xf32, #tpu.memory_space<vmem>>
        %dma_start3A_165 = arith.constant 0 : i32
        %dma_start3A_166 = tpu.memref_slice %arg8[%add3A_128, %dma_start3A_165] : memref<138x128xi32, #tpu.memory_space<vmem>> -> memref<1x128xi32, #tpu.memory_space<vmem>>
        %dma_start3A_167 = tpu.memref_squeeze %dma_start3A_166 : memref<1x128xi32, #tpu.memory_space<vmem>> -> memref<128xi32, #tpu.memory_space<vmem>>
        %dma_start3A_168 = arith.constant 0 : i32
        %dma_start3A_169 = arith.constant 0 : i32
        %dma_start3A_170 = tpu.memref_slice %arg10[%dma_start3A_168, %dma_start3A_169] : memref<10112x64xf32, #tpu.memory_space<vmem_shared>> -> memref<10112x64xf32, #tpu.memory_space<vmem_shared>>
        tpu.enqueue_indirect_dma source(%dma_start3A_164 : memref<128x64xf32, #tpu.memory_space<vmem>>) target(%dma_start3A_170 : memref<10112x64xf32, #tpu.memory_space<vmem_shared>>) offsets(%dma_start3A_167 : memref<128xi32, #tpu.memory_space<vmem>>) semaphore(%run_scoped3A : memref<!tpu.dma_semaphore, #tpu.memory_space<semaphore_mem>>) {add = true}
        %dma_wait3A_171 = arith.constant 256 : i32
        %dma_wait3A_172 = arith.constant 0 : i32
        %dma_wait3A_173 = tpu.memref_slice %arg9[%dma_wait3A_171, %dma_wait3A_172] : memref<768x64xf32, #tpu.memory_space<vmem>> -> memref<128x64xf32, #tpu.memory_space<vmem>>
        %dma_wait3A_174 = arith.constant 0 : i32
        %dma_wait3A_175 = tpu.memref_slice %arg8[%add3A_128, %dma_wait3A_174] : memref<138x128xi32, #tpu.memory_space<vmem>> -> memref<1x128xi32, #tpu.memory_space<vmem>>
        %dma_wait3A_176 = tpu.memref_squeeze %dma_wait3A_175 : memref<1x128xi32, #tpu.memory_space<vmem>> -> memref<128xi32, #tpu.memory_space<vmem>>
        %dma_wait3A_177 = arith.constant 0 : i32
        %dma_wait3A_178 = arith.constant 0 : i32
        %dma_wait3A_179 = tpu.memref_slice %arg10[%dma_wait3A_177, %dma_wait3A_178] : memref<10112x64xf32, #tpu.memory_space<vmem_shared>> -> memref<10112x64xf32, #tpu.memory_space<vmem_shared>>
        tpu.wait_indirect_dma semaphore(%run_scoped3A : memref<!tpu.dma_semaphore, #tpu.memory_space<semaphore_mem>>) src(%dma_wait3A_173 : memref<128x64xf32, #tpu.memory_space<vmem>>) dst(%dma_wait3A_179 : memref<10112x64xf32, #tpu.memory_space<vmem_shared>>)
        tpu.yield
      }) : () -> ()
      %add3A_129 = arith.constant 6 : i32
      %add3A_130 = arith.addi %mul3A_111, %add3A_129 : i32
      %lt3A = arith.cmpi slt, %add3A_130, %select_n3A_10 : i32
      %convert_element_type3A = arith.extui %lt3A : i1 to i32
      %cond3A = arith.constant 0 : i32
      %cond3A_131 = arith.cmpi ne, %convert_element_type3A, %cond3A : i32
      scf.if %cond3A_131 {
        %add3A_162 = arith.constant 6 : i32
        %add3A_163 = arith.addi %mul3A_111, %add3A_162 : i32
        %add3A_164 = arith.constant 0 : i32
        %add3A_165 = arith.addi %add3A_163, %add3A_164 : i32
        %dma_start3A_166 = arith.constant 0 : i32
        %dma_start3A_167 = arith.constant 0 : i32
        %dma_start3A_168 = tpu.memref_slice %arg9[%dma_start3A_166, %dma_start3A_167] : memref<768x64xf32, #tpu.memory_space<vmem>> -> memref<128x64xf32, #tpu.memory_space<vmem>>
        %dma_start3A_169 = arith.constant 0 : i32
        %dma_start3A_170 = tpu.memref_slice %arg7[%add3A_165, %dma_start3A_169] : memref<138x128xi32, #tpu.memory_space<vmem>> -> memref<1x128xi32, #tpu.memory_space<vmem>>
        %dma_start3A_171 = tpu.memref_squeeze %dma_start3A_170 : memref<1x128xi32, #tpu.memory_space<vmem>> -> memref<128xi32, #tpu.memory_space<vmem>>
        %dma_start3A_172 = arith.constant 0 : i32
        %dma_start3A_173 = arith.constant 0 : i32
        %dma_start3A_174 = tpu.memref_slice %arg2[%dma_start3A_172, %dma_start3A_173] : memref<10000x64xf32, #tpu.memory_space<hbm>> -> memref<10000x64xf32, #tpu.memory_space<hbm>>
        tpu.enqueue_indirect_dma source(%dma_start3A_174 : memref<10000x64xf32, #tpu.memory_space<hbm>>) target(%dma_start3A_168 : memref<128x64xf32, #tpu.memory_space<vmem>>) offsets(%dma_start3A_171 : memref<128xi32, #tpu.memory_space<vmem>>) semaphore(%arg11 : memref<!tpu.dma_semaphore, #tpu.memory_space<semaphore_mem>>)
        %add3A_175 = arith.constant 6 : i32
        %add3A_176 = arith.addi %mul3A_111, %add3A_175 : i32
        %add3A_177 = arith.constant 1 : i32
        %add3A_178 = arith.addi %add3A_176, %add3A_177 : i32
        %dma_start3A_179 = arith.constant 128 : i32
        %dma_start3A_180 = arith.constant 0 : i32
        %dma_start3A_181 = tpu.memref_slice %arg9[%dma_start3A_179, %dma_start3A_180] : memref<768x64xf32, #tpu.memory_space<vmem>> -> memref<128x64xf32, #tpu.memory_space<vmem>>
        %dma_start3A_182 = arith.constant 0 : i32
        %dma_start3A_183 = tpu.memref_slice %arg7[%add3A_178, %dma_start3A_182] : memref<138x128xi32, #tpu.memory_space<vmem>> -> memref<1x128xi32, #tpu.memory_space<vmem>>
        %dma_start3A_184 = tpu.memref_squeeze %dma_start3A_183 : memref<1x128xi32, #tpu.memory_space<vmem>> -> memref<128xi32, #tpu.memory_space<vmem>>
        %dma_start3A_185 = arith.constant 0 : i32
        %dma_start3A_186 = arith.constant 0 : i32
        %dma_start3A_187 = tpu.memref_slice %arg2[%dma_start3A_185, %dma_start3A_186] : memref<10000x64xf32, #tpu.memory_space<hbm>> -> memref<10000x64xf32, #tpu.memory_space<hbm>>
        tpu.enqueue_indirect_dma source(%dma_start3A_187 : memref<10000x64xf32, #tpu.memory_space<hbm>>) target(%dma_start3A_181 : memref<128x64xf32, #tpu.memory_space<vmem>>) offsets(%dma_start3A_184 : memref<128xi32, #tpu.memory_space<vmem>>) semaphore(%arg11 : memref<!tpu.dma_semaphore, #tpu.memory_space<semaphore_mem>>)
        %add3A_188 = arith.constant 6 : i32
        %add3A_189 = arith.addi %mul3A_111, %add3A_188 : i32
        %add3A_190 = arith.constant 2 : i32
        %add3A_191 = arith.addi %add3A_189, %add3A_190 : i32
        %dma_start3A_192 = arith.constant 256 : i32
        %dma_start3A_193 = arith.constant 0 : i32
        %dma_start3A_194 = tpu.memref_slice %arg9[%dma_start3A_192, %dma_start3A_193] : memref<768x64xf32, #tpu.memory_space<vmem>> -> memref<128x64xf32, #tpu.memory_space<vmem>>
        %dma_start3A_195 = arith.constant 0 : i32
        %dma_start3A_196 = tpu.memref_slice %arg7[%add3A_191, %dma_start3A_195] : memref<138x128xi32, #tpu.memory_space<vmem>> -> memref<1x128xi32, #tpu.memory_space<vmem>>
        %dma_start3A_197 = tpu.memref_squeeze %dma_start3A_196 : memref<1x128xi32, #tpu.memory_space<vmem>> -> memref<128xi32, #tpu.memory_space<vmem>>
        %dma_start3A_198 = arith.constant 0 : i32
        %dma_start3A_199 = arith.constant 0 : i32
        %dma_start3A_200 = tpu.memref_slice %arg2[%dma_start3A_198, %dma_start3A_199] : memref<10000x64xf32, #tpu.memory_space<hbm>> -> memref<10000x64xf32, #tpu.memory_space<hbm>>
        tpu.enqueue_indirect_dma source(%dma_start3A_200 : memref<10000x64xf32, #tpu.memory_space<hbm>>) target(%dma_start3A_194 : memref<128x64xf32, #tpu.memory_space<vmem>>) offsets(%dma_start3A_197 : memref<128xi32, #tpu.memory_space<vmem>>) semaphore(%arg11 : memref<!tpu.dma_semaphore, #tpu.memory_space<semaphore_mem>>)
      } else {
      }
      %dma_wait3A_132 = arith.constant 384 : i32
      %dma_wait3A_133 = arith.constant 0 : i32
      %dma_wait3A_134 = tpu.memref_slice %arg9[%dma_wait3A_132, %dma_wait3A_133] : memref<768x64xf32, #tpu.memory_space<vmem>> -> memref<384x64xf32, #tpu.memory_space<vmem>>
      %dma_wait3A_135 = arith.constant 0 : i32
      %dma_wait3A_136 = arith.constant 0 : i32
      %dma_wait3A_137 = tpu.memref_slice %arg5[%dma_wait3A_135, %dma_wait3A_136] : memref<10112x64xf32, #tpu.memory_space<hbm>> -> memref<384x64xf32, #tpu.memory_space<hbm>>
      %dma_wait3A_138 = arith.constant 384 : i32
      %dma_wait3A_139 = arith.constant 0 : i32
      %dma_wait3A_140 = tpu.memref_slice %arg9[%dma_wait3A_138, %dma_wait3A_139] : memref<768x64xf32, #tpu.memory_space<vmem>> -> memref<384x64xf32, #tpu.memory_space<vmem>>
      %dma_wait3A_141 = arith.constant 0 : i32
      %dma_wait3A_142 = arith.constant 0 : i32
      %dma_wait3A_143 = tpu.memref_slice %arg5[%dma_wait3A_141, %dma_wait3A_142] : memref<10112x64xf32, #tpu.memory_space<hbm>> -> memref<384x64xf32, #tpu.memory_space<hbm>>
      tpu.wait_dma2 semaphore(%arg12 : memref<!tpu.dma_semaphore, #tpu.memory_space<semaphore_mem>>) src(%dma_wait3A_143 : memref<384x64xf32, #tpu.memory_space<hbm>>) dst(%dma_wait3A_140 : memref<384x64xf32, #tpu.memory_space<vmem>>)
      %add3A_144 = arith.constant 3 : i32
      %add3A_145 = arith.addi %mul3A_111, %add3A_144 : i32
      %add3A_146 = arith.constant 0 : i32
      %add3A_147 = arith.addi %add3A_145, %add3A_146 : i32
      "tpu.region"() ({
        %run_scoped3A = tpu.sem_alloc : memref<!tpu.dma_semaphore, #tpu.memory_space<semaphore_mem>>
        %dma_start3A_162 = arith.constant 384 : i32
        %dma_start3A_163 = arith.constant 0 : i32
        %dma_start3A_164 = tpu.memref_slice %arg9[%dma_start3A_162, %dma_start3A_163] : memref<768x64xf32, #tpu.memory_space<vmem>> -> memref<128x64xf32, #tpu.memory_space<vmem>>
        %dma_start3A_165 = arith.constant 0 : i32
        %dma_start3A_166 = tpu.memref_slice %arg8[%add3A_147, %dma_start3A_165] : memref<138x128xi32, #tpu.memory_space<vmem>> -> memref<1x128xi32, #tpu.memory_space<vmem>>
        %dma_start3A_167 = tpu.memref_squeeze %dma_start3A_166 : memref<1x128xi32, #tpu.memory_space<vmem>> -> memref<128xi32, #tpu.memory_space<vmem>>
        %dma_start3A_168 = arith.constant 0 : i32
        %dma_start3A_169 = arith.constant 0 : i32
        %dma_start3A_170 = tpu.memref_slice %arg10[%dma_start3A_168, %dma_start3A_169] : memref<10112x64xf32, #tpu.memory_space<vmem_shared>> -> memref<10112x64xf32, #tpu.memory_space<vmem_shared>>
        tpu.enqueue_indirect_dma source(%dma_start3A_164 : memref<128x64xf32, #tpu.memory_space<vmem>>) target(%dma_start3A_170 : memref<10112x64xf32, #tpu.memory_space<vmem_shared>>) offsets(%dma_start3A_167 : memref<128xi32, #tpu.memory_space<vmem>>) semaphore(%run_scoped3A : memref<!tpu.dma_semaphore, #tpu.memory_space<semaphore_mem>>) {add = true}
        %dma_wait3A_171 = arith.constant 384 : i32
        %dma_wait3A_172 = arith.constant 0 : i32
        %dma_wait3A_173 = tpu.memref_slice %arg9[%dma_wait3A_171, %dma_wait3A_172] : memref<768x64xf32, #tpu.memory_space<vmem>> -> memref<128x64xf32, #tpu.memory_space<vmem>>
        %dma_wait3A_174 = arith.constant 0 : i32
        %dma_wait3A_175 = tpu.memref_slice %arg8[%add3A_147, %dma_wait3A_174] : memref<138x128xi32, #tpu.memory_space<vmem>> -> memref<1x128xi32, #tpu.memory_space<vmem>>
        %dma_wait3A_176 = tpu.memref_squeeze %dma_wait3A_175 : memref<1x128xi32, #tpu.memory_space<vmem>> -> memref<128xi32, #tpu.memory_space<vmem>>
        %dma_wait3A_177 = arith.constant 0 : i32
        %dma_wait3A_178 = arith.constant 0 : i32
        %dma_wait3A_179 = tpu.memref_slice %arg10[%dma_wait3A_177, %dma_wait3A_178] : memref<10112x64xf32, #tpu.memory_space<vmem_shared>> -> memref<10112x64xf32, #tpu.memory_space<vmem_shared>>
        tpu.wait_indirect_dma semaphore(%run_scoped3A : memref<!tpu.dma_semaphore, #tpu.memory_space<semaphore_mem>>) src(%dma_wait3A_173 : memref<128x64xf32, #tpu.memory_space<vmem>>) dst(%dma_wait3A_179 : memref<10112x64xf32, #tpu.memory_space<vmem_shared>>)
        tpu.yield
      }) : () -> ()
      %add3A_148 = arith.constant 3 : i32
      %add3A_149 = arith.addi %mul3A_111, %add3A_148 : i32
      %add3A_150 = arith.constant 1 : i32
      %add3A_151 = arith.addi %add3A_149, %add3A_150 : i32
      "tpu.region"() ({
        %run_scoped3A = tpu.sem_alloc : memref<!tpu.dma_semaphore, #tpu.memory_space<semaphore_mem>>
        %dma_start3A_162 = arith.constant 512 : i32
        %dma_start3A_163 = arith.constant 0 : i32
        %dma_start3A_164 = tpu.memref_slice %arg9[%dma_start3A_162, %dma_start3A_163] : memref<768x64xf32, #tpu.memory_space<vmem>> -> memref<128x64xf32, #tpu.memory_space<vmem>>
        %dma_start3A_165 = arith.constant 0 : i32
        %dma_start3A_166 = tpu.memref_slice %arg8[%add3A_151, %dma_start3A_165] : memref<138x128xi32, #tpu.memory_space<vmem>> -> memref<1x128xi32, #tpu.memory_space<vmem>>
        %dma_start3A_167 = tpu.memref_squeeze %dma_start3A_166 : memref<1x128xi32, #tpu.memory_space<vmem>> -> memref<128xi32, #tpu.memory_space<vmem>>
        %dma_start3A_168 = arith.constant 0 : i32
        %dma_start3A_169 = arith.constant 0 : i32
        %dma_start3A_170 = tpu.memref_slice %arg10[%dma_start3A_168, %dma_start3A_169] : memref<10112x64xf32, #tpu.memory_space<vmem_shared>> -> memref<10112x64xf32, #tpu.memory_space<vmem_shared>>
        tpu.enqueue_indirect_dma source(%dma_start3A_164 : memref<128x64xf32, #tpu.memory_space<vmem>>) target(%dma_start3A_170 : memref<10112x64xf32, #tpu.memory_space<vmem_shared>>) offsets(%dma_start3A_167 : memref<128xi32, #tpu.memory_space<vmem>>) semaphore(%run_scoped3A : memref<!tpu.dma_semaphore, #tpu.memory_space<semaphore_mem>>) {add = true}
        %dma_wait3A_171 = arith.constant 512 : i32
        %dma_wait3A_172 = arith.constant 0 : i32
        %dma_wait3A_173 = tpu.memref_slice %arg9[%dma_wait3A_171, %dma_wait3A_172] : memref<768x64xf32, #tpu.memory_space<vmem>> -> memref<128x64xf32, #tpu.memory_space<vmem>>
        %dma_wait3A_174 = arith.constant 0 : i32
        %dma_wait3A_175 = tpu.memref_slice %arg8[%add3A_151, %dma_wait3A_174] : memref<138x128xi32, #tpu.memory_space<vmem>> -> memref<1x128xi32, #tpu.memory_space<vmem>>
        %dma_wait3A_176 = tpu.memref_squeeze %dma_wait3A_175 : memref<1x128xi32, #tpu.memory_space<vmem>> -> memref<128xi32, #tpu.memory_space<vmem>>
        %dma_wait3A_177 = arith.constant 0 : i32
        %dma_wait3A_178 = arith.constant 0 : i32
        %dma_wait3A_179 = tpu.memref_slice %arg10[%dma_wait3A_177, %dma_wait3A_178] : memref<10112x64xf32, #tpu.memory_space<vmem_shared>> -> memref<10112x64xf32, #tpu.memory_space<vmem_shared>>
        tpu.wait_indirect_dma semaphore(%run_scoped3A : memref<!tpu.dma_semaphore, #tpu.memory_space<semaphore_mem>>) src(%dma_wait3A_173 : memref<128x64xf32, #tpu.memory_space<vmem>>) dst(%dma_wait3A_179 : memref<10112x64xf32, #tpu.memory_space<vmem_shared>>)
        tpu.yield
      }) : () -> ()
      %add3A_152 = arith.constant 3 : i32
      %add3A_153 = arith.addi %mul3A_111, %add3A_152 : i32
      %add3A_154 = arith.constant 2 : i32
      %add3A_155 = arith.addi %add3A_153, %add3A_154 : i32
      "tpu.region"() ({
        %run_scoped3A = tpu.sem_alloc : memref<!tpu.dma_semaphore, #tpu.memory_space<semaphore_mem>>
        %dma_start3A_162 = arith.constant 640 : i32
        %dma_start3A_163 = arith.constant 0 : i32
        %dma_start3A_164 = tpu.memref_slice %arg9[%dma_start3A_162, %dma_start3A_163] : memref<768x64xf32, #tpu.memory_space<vmem>> -> memref<128x64xf32, #tpu.memory_space<vmem>>
        %dma_start3A_165 = arith.constant 0 : i32
        %dma_start3A_166 = tpu.memref_slice %arg8[%add3A_155, %dma_start3A_165] : memref<138x128xi32, #tpu.memory_space<vmem>> -> memref<1x128xi32, #tpu.memory_space<vmem>>
        %dma_start3A_167 = tpu.memref_squeeze %dma_start3A_166 : memref<1x128xi32, #tpu.memory_space<vmem>> -> memref<128xi32, #tpu.memory_space<vmem>>
        %dma_start3A_168 = arith.constant 0 : i32
        %dma_start3A_169 = arith.constant 0 : i32
        %dma_start3A_170 = tpu.memref_slice %arg10[%dma_start3A_168, %dma_start3A_169] : memref<10112x64xf32, #tpu.memory_space<vmem_shared>> -> memref<10112x64xf32, #tpu.memory_space<vmem_shared>>
        tpu.enqueue_indirect_dma source(%dma_start3A_164 : memref<128x64xf32, #tpu.memory_space<vmem>>) target(%dma_start3A_170 : memref<10112x64xf32, #tpu.memory_space<vmem_shared>>) offsets(%dma_start3A_167 : memref<128xi32, #tpu.memory_space<vmem>>) semaphore(%run_scoped3A : memref<!tpu.dma_semaphore, #tpu.memory_space<semaphore_mem>>) {add = true}
        %dma_wait3A_171 = arith.constant 640 : i32
        %dma_wait3A_172 = arith.constant 0 : i32
        %dma_wait3A_173 = tpu.memref_slice %arg9[%dma_wait3A_171, %dma_wait3A_172] : memref<768x64xf32, #tpu.memory_space<vmem>> -> memref<128x64xf32, #tpu.memory_space<vmem>>
        %dma_wait3A_174 = arith.constant 0 : i32
        %dma_wait3A_175 = tpu.memref_slice %arg8[%add3A_155, %dma_wait3A_174] : memref<138x128xi32, #tpu.memory_space<vmem>> -> memref<1x128xi32, #tpu.memory_space<vmem>>
        %dma_wait3A_176 = tpu.memref_squeeze %dma_wait3A_175 : memref<1x128xi32, #tpu.memory_space<vmem>> -> memref<128xi32, #tpu.memory_space<vmem>>
        %dma_wait3A_177 = arith.constant 0 : i32
        %dma_wait3A_178 = arith.constant 0 : i32
        %dma_wait3A_179 = tpu.memref_slice %arg10[%dma_wait3A_177, %dma_wait3A_178] : memref<10112x64xf32, #tpu.memory_space<vmem_shared>> -> memref<10112x64xf32, #tpu.memory_space<vmem_shared>>
        tpu.wait_indirect_dma semaphore(%run_scoped3A : memref<!tpu.dma_semaphore, #tpu.memory_space<semaphore_mem>>) src(%dma_wait3A_173 : memref<128x64xf32, #tpu.memory_space<vmem>>) dst(%dma_wait3A_179 : memref<10112x64xf32, #tpu.memory_space<vmem_shared>>)
        tpu.yield
      }) : () -> ()
      %add3A_156 = arith.constant 9 : i32
      %add3A_157 = arith.addi %mul3A_111, %add3A_156 : i32
      %lt3A_158 = arith.cmpi slt, %add3A_157, %select_n3A_10 : i32
      %convert_element_type3A_159 = arith.extui %lt3A_158 : i1 to i32
      %cond3A_160 = arith.constant 0 : i32
      %cond3A_161 = arith.cmpi ne, %convert_element_type3A_159, %cond3A_160 : i32
      scf.if %cond3A_161 {
        %add3A_162 = arith.constant 9 : i32
        %add3A_163 = arith.addi %mul3A_111, %add3A_162 : i32
        %add3A_164 = arith.constant 0 : i32
        %add3A_165 = arith.addi %add3A_163, %add3A_164 : i32
        %dma_start3A_166 = arith.constant 384 : i32
        %dma_start3A_167 = arith.constant 0 : i32
        %dma_start3A_168 = tpu.memref_slice %arg9[%dma_start3A_166, %dma_start3A_167] : memref<768x64xf32, #tpu.memory_space<vmem>> -> memref<128x64xf32, #tpu.memory_space<vmem>>
        %dma_start3A_169 = arith.constant 0 : i32
        %dma_start3A_170 = tpu.memref_slice %arg7[%add3A_165, %dma_start3A_169] : memref<138x128xi32, #tpu.memory_space<vmem>> -> memref<1x128xi32, #tpu.memory_space<vmem>>
        %dma_start3A_171 = tpu.memref_squeeze %dma_start3A_170 : memref<1x128xi32, #tpu.memory_space<vmem>> -> memref<128xi32, #tpu.memory_space<vmem>>
        %dma_start3A_172 = arith.constant 0 : i32
        %dma_start3A_173 = arith.constant 0 : i32
        %dma_start3A_174 = tpu.memref_slice %arg2[%dma_start3A_172, %dma_start3A_173] : memref<10000x64xf32, #tpu.memory_space<hbm>> -> memref<10000x64xf32, #tpu.memory_space<hbm>>
        tpu.enqueue_indirect_dma source(%dma_start3A_174 : memref<10000x64xf32, #tpu.memory_space<hbm>>) target(%dma_start3A_168 : memref<128x64xf32, #tpu.memory_space<vmem>>) offsets(%dma_start3A_171 : memref<128xi32, #tpu.memory_space<vmem>>) semaphore(%arg12 : memref<!tpu.dma_semaphore, #tpu.memory_space<semaphore_mem>>)
        %add3A_175 = arith.constant 9 : i32
        %add3A_176 = arith.addi %mul3A_111, %add3A_175 : i32
        %add3A_177 = arith.constant 1 : i32
        %add3A_178 = arith.addi %add3A_176, %add3A_177 : i32
        %dma_start3A_179 = arith.constant 512 : i32
        %dma_start3A_180 = arith.constant 0 : i32
        %dma_start3A_181 = tpu.memref_slice %arg9[%dma_start3A_179, %dma_start3A_180] : memref<768x64xf32, #tpu.memory_space<vmem>> -> memref<128x64xf32, #tpu.memory_space<vmem>>
        %dma_start3A_182 = arith.constant 0 : i32
        %dma_start3A_183 = tpu.memref_slice %arg7[%add3A_178, %dma_start3A_182] : memref<138x128xi32, #tpu.memory_space<vmem>> -> memref<1x128xi32, #tpu.memory_space<vmem>>
        %dma_start3A_184 = tpu.memref_squeeze %dma_start3A_183 : memref<1x128xi32, #tpu.memory_space<vmem>> -> memref<128xi32, #tpu.memory_space<vmem>>
        %dma_start3A_185 = arith.constant 0 : i32
        %dma_start3A_186 = arith.constant 0 : i32
        %dma_start3A_187 = tpu.memref_slice %arg2[%dma_start3A_185, %dma_start3A_186] : memref<10000x64xf32, #tpu.memory_space<hbm>> -> memref<10000x64xf32, #tpu.memory_space<hbm>>
        tpu.enqueue_indirect_dma source(%dma_start3A_187 : memref<10000x64xf32, #tpu.memory_space<hbm>>) target(%dma_start3A_181 : memref<128x64xf32, #tpu.memory_space<vmem>>) offsets(%dma_start3A_184 : memref<128xi32, #tpu.memory_space<vmem>>) semaphore(%arg12 : memref<!tpu.dma_semaphore, #tpu.memory_space<semaphore_mem>>)
        %add3A_188 = arith.constant 9 : i32
        %add3A_189 = arith.addi %mul3A_111, %add3A_188 : i32
        %add3A_190 = arith.constant 2 : i32
        %add3A_191 = arith.addi %add3A_189, %add3A_190 : i32
        %dma_start3A_192 = arith.constant 640 : i32
        %dma_start3A_193 = arith.constant 0 : i32
        %dma_start3A_194 = tpu.memref_slice %arg9[%dma_start3A_192, %dma_start3A_193] : memref<768x64xf32, #tpu.memory_space<vmem>> -> memref<128x64xf32, #tpu.memory_space<vmem>>
        %dma_start3A_195 = arith.constant 0 : i32
        %dma_start3A_196 = tpu.memref_slice %arg7[%add3A_191, %dma_start3A_195] : memref<138x128xi32, #tpu.memory_space<vmem>> -> memref<1x128xi32, #tpu.memory_space<vmem>>
        %dma_start3A_197 = tpu.memref_squeeze %dma_start3A_196 : memref<1x128xi32, #tpu.memory_space<vmem>> -> memref<128xi32, #tpu.memory_space<vmem>>
        %dma_start3A_198 = arith.constant 0 : i32
        %dma_start3A_199 = arith.constant 0 : i32
        %dma_start3A_200 = tpu.memref_slice %arg2[%dma_start3A_198, %dma_start3A_199] : memref<10000x64xf32, #tpu.memory_space<hbm>> -> memref<10000x64xf32, #tpu.memory_space<hbm>>
        tpu.enqueue_indirect_dma source(%dma_start3A_200 : memref<10000x64xf32, #tpu.memory_space<hbm>>) target(%dma_start3A_194 : memref<128x64xf32, #tpu.memory_space<vmem>>) offsets(%dma_start3A_197 : memref<128xi32, #tpu.memory_space<vmem>>) semaphore(%arg12 : memref<!tpu.dma_semaphore, #tpu.memory_space<semaphore_mem>>)
      } else {
      }
    }
    %barrier3A_106 = arith.constant 0 : index
    tpu.barrier barrier_id(%barrier3A_106)
    "tpu.region"() ({
      %run_scoped3A = tpu.sem_alloc : memref<!tpu.dma_semaphore, #tpu.memory_space<semaphore_mem>>
      %dma_start3A_107 = arith.constant 0 : i32
      %dma_start3A_108 = tpu.memref_slice %arg6[%arg0, %mul3A_0, %dma_start3A_107] : memref<2x10112x64xf32, #tpu.memory_space<hbm>> -> memref<1x632x64xf32, #tpu.memory_space<hbm>>
      %dma_start3A_109 = tpu.memref_squeeze %dma_start3A_108 : memref<1x632x64xf32, #tpu.memory_space<hbm>> -> memref<632x64xf32, #tpu.memory_space<hbm>>
      %dma_start3A_110 = arith.constant 0 : i32
      %dma_start3A_111 = tpu.memref_slice %arg10[%mul3A_0, %dma_start3A_110] : memref<10112x64xf32, #tpu.memory_space<vmem_shared>> -> memref<632x64xf32, #tpu.memory_space<vmem_shared>>
      tpu.enqueue_dma source(%dma_start3A_111 : memref<632x64xf32, #tpu.memory_space<vmem_shared>>) target(%dma_start3A_109 : memref<632x64xf32, #tpu.memory_space<hbm>>) target_semaphore(%run_scoped3A : memref<!tpu.dma_semaphore, #tpu.memory_space<semaphore_mem>>)
      %dma_wait3A = arith.constant 0 : i32
      %dma_wait3A_112 = tpu.memref_slice %arg6[%arg0, %mul3A_0, %dma_wait3A] : memref<2x10112x64xf32, #tpu.memory_space<hbm>> -> memref<1x632x64xf32, #tpu.memory_space<hbm>>
      %dma_wait3A_113 = tpu.memref_squeeze %dma_wait3A_112 : memref<1x632x64xf32, #tpu.memory_space<hbm>> -> memref<632x64xf32, #tpu.memory_space<hbm>>
      %dma_wait3A_114 = arith.constant 0 : i32
      %dma_wait3A_115 = tpu.memref_slice %arg10[%mul3A_0, %dma_wait3A_114] : memref<10112x64xf32, #tpu.memory_space<vmem_shared>> -> memref<632x64xf32, #tpu.memory_space<vmem_shared>>
      tpu.wait_dma2 semaphore(%run_scoped3A : memref<!tpu.dma_semaphore, #tpu.memory_space<semaphore_mem>>) src(%dma_wait3A_115 : memref<632x64xf32, #tpu.memory_space<vmem_shared>>) dst(%dma_wait3A_113 : memref<632x64xf32, #tpu.memory_space<hbm>>)
      tpu.yield
    }) : () -> ()
    return
  }
}

module attributes {stable_mosaic.version = 14 : i64} {
  func.func @_embed_tc(%arg0: memref<10000x128xf32, #tpu.memory_space<vmem>>, %arg1: memref<128x64xf32, #tpu.memory_space<vmem>>, %arg2: memref<1x64xf32, #tpu.memory_space<vmem>>, %arg3: memref<10000x64xf32, #tpu.memory_space<vmem>>) attributes {dimension_semantics = [], scalar_prefetch = 0 : i64, scratch_operands = 0 : i64, tpu.core_type = #tpu.core_type<tc>} {
    %get3A = arith.constant 0 : index
    %get3A_0 = arith.constant 0 : index
    %get3A_1 = vector.load %arg0[%get3A, %get3A_0] : memref<10000x128xf32, #tpu.memory_space<vmem>>, vector<10000x128xf32>
    %get3A_2 = arith.constant 0 : index
    %get3A_3 = arith.constant 0 : index
    %get3A_4 = vector.load %arg1[%get3A_2, %get3A_3] : memref<128x64xf32, #tpu.memory_space<vmem>>, vector<128x64xf32>
    %dot_general3A = arith.constant dense<0.000000e+00> : vector<10000x64xf32>
    %dot_general3A_5 = tpu.matmul %get3A_1, %get3A_4, %dot_general3A {dimension_numbers = #tpu.dot_dimension_numbers<[1], [0], [0], [1], [0, 0, 1, 1], [], []>, transpose_lhs_hint = false} : vector<10000x128xf32>, vector<128x64xf32>, vector<10000x64xf32> -> vector<10000x64xf32>
    %get3A_6 = arith.constant 0 : index
    %get3A_7 = arith.constant 0 : index
    %get3A_8 = vector.load %arg2[%get3A_6, %get3A_7] : memref<1x64xf32, #tpu.memory_space<vmem>>, vector<1x64xf32>
    %add3A = vector.broadcast %get3A_8 : vector<1x64xf32> to vector<10000x64xf32>
    %add3A_9 = arith.addf %dot_general3A_5, %add3A : vector<10000x64xf32>
    %max3A = arith.constant 0.000000e+00 : f32
    %max3A_10 = vector.broadcast %max3A : f32 to vector<10000x64xf32>
    %max3A_11 = arith.maximumf %add3A_9, %max3A_10 : vector<10000x64xf32>
    %swap3A = arith.constant 0 : index
    %swap3A_12 = arith.constant 0 : index
    %swap3A_13 = vector.load %arg3[%swap3A, %swap3A_12] : memref<10000x64xf32, #tpu.memory_space<vmem>>, vector<10000x64xf32>
    tpu.vector_store %arg3[%swap3A, %swap3A_12], %max3A_11 {strides = array<i32>} : memref<10000x64xf32, #tpu.memory_space<vmem>>, vector<10000x64xf32>,
    return
  }
}

module attributes {stable_mosaic.version = 14 : i64} {
  func.func @body(%arg0: memref<10000x64xf32, #tpu.memory_space<vmem>>, %arg1: memref<2x10112x64xf32, #tpu.memory_space<vmem>>, %arg2: memref<128x64xf32, #tpu.memory_space<vmem>>, %arg3: memref<1x64xf32, #tpu.memory_space<vmem>>, %arg4: memref<1x64xf32, #tpu.memory_space<vmem>>, %arg5: memref<1x64xf32, #tpu.memory_space<vmem>>, %arg6: memref<10000x64xf32, #tpu.memory_space<vmem>>) attributes {dimension_semantics = [], scalar_prefetch = 0 : i64, scratch_operands = 0 : i64, tpu.core_type = #tpu.core_type<tc>} {
    %get3A = arith.constant 0 : index
    %get3A_0 = arith.constant 0 : index
    %get3A_1 = arith.constant 0 : index
    %get3A_2 = vector.load %arg1[%get3A, %get3A_0, %get3A_1] : memref<2x10112x64xf32, #tpu.memory_space<vmem>>, vector<1x10000x64xf32>
    %get3A_3 = vector.shape_cast %get3A_2 : vector<1x10000x64xf32> to vector<10000x64xf32>
    %get3A_4 = arith.constant 1 : index
    %get3A_5 = arith.constant 0 : index
    %get3A_6 = arith.constant 0 : index
    %get3A_7 = vector.load %arg1[%get3A_4, %get3A_5, %get3A_6] : memref<2x10112x64xf32, #tpu.memory_space<vmem>>, vector<1x10000x64xf32>
    %get3A_8 = vector.shape_cast %get3A_7 : vector<1x10000x64xf32> to vector<10000x64xf32>
    %add3A = arith.addf %get3A_3, %get3A_8 : vector<10000x64xf32>
    %get3A_9 = arith.constant 0 : index
    %get3A_10 = arith.constant 0 : index
    %get3A_11 = vector.load %arg0[%get3A_9, %get3A_10] : memref<10000x64xf32, #tpu.memory_space<vmem>>, vector<10000x64xf32>
    %concatenate3A = tpu.concatenate %get3A_11, %add3A in 1 : vector<10000x64xf32>, vector<10000x64xf32> -> vector<10000x128xf32>
    %get3A_12 = arith.constant 0 : index
    %get3A_13 = arith.constant 0 : index
    %get3A_14 = vector.load %arg2[%get3A_12, %get3A_13] : memref<128x64xf32, #tpu.memory_space<vmem>>, vector<128x64xf32>
    %dot_general3A = arith.constant dense<0.000000e+00> : vector<10000x64xf32>
    %dot_general3A_15 = tpu.matmul %concatenate3A, %get3A_14, %dot_general3A {dimension_numbers = #tpu.dot_dimension_numbers<[1], [0], [0], [1], [0, 0, 1, 1], [], []>, transpose_lhs_hint = false} : vector<10000x128xf32>, vector<128x64xf32>, vector<10000x64xf32> -> vector<10000x64xf32>
    %get3A_16 = arith.constant 0 : index
    %get3A_17 = arith.constant 0 : index
    %get3A_18 = vector.load %arg3[%get3A_16, %get3A_17] : memref<1x64xf32, #tpu.memory_space<vmem>>, vector<1x64xf32>
    %add3A_19 = vector.broadcast %get3A_18 : vector<1x64xf32> to vector<10000x64xf32>
    %add3A_20 = arith.addf %dot_general3A_15, %add3A_19 : vector<10000x64xf32>
    %reduce_sum3A = arith.constant dense<0.000000e+00> : vector<10000xf32>
    %reduce_sum3A_21 = vector.multi_reduction <add>, %add3A_20, %reduce_sum3A [1] : vector<10000x64xf32> to vector<10000xf32>
    %broadcast_in_dim3A = vector.shape_cast %reduce_sum3A_21 : vector<10000xf32> to vector<10000x1xf32>
    %div3A = arith.constant 6.400000e+01 : f32
    %div3A_22 = vector.broadcast %div3A : f32 to vector<10000x1xf32>
    %div3A_23 = arith.divf %broadcast_in_dim3A, %div3A_22 : vector<10000x1xf32>
    %sub3A = vector.broadcast %div3A_23 : vector<10000x1xf32> to vector<10000x64xf32>
    %sub3A_24 = arith.subf %add3A_20, %sub3A : vector<10000x64xf32>
    %integer_pow3A = arith.mulf %sub3A_24, %sub3A_24 : vector<10000x64xf32>
    %reduce_sum3A_25 = arith.constant dense<0.000000e+00> : vector<10000xf32>
    %reduce_sum3A_26 = vector.multi_reduction <add>, %integer_pow3A, %reduce_sum3A_25 [1] : vector<10000x64xf32> to vector<10000xf32>
    %broadcast_in_dim3A_27 = vector.shape_cast %reduce_sum3A_26 : vector<10000xf32> to vector<10000x1xf32>
    %div3A_28 = arith.constant 6.400000e+01 : f32
    %div3A_29 = vector.broadcast %div3A_28 : f32 to vector<10000x1xf32>
    %div3A_30 = arith.divf %broadcast_in_dim3A_27, %div3A_29 : vector<10000x1xf32>
    %sub3A_31 = vector.broadcast %div3A_23 : vector<10000x1xf32> to vector<10000x64xf32>
    %sub3A_32 = arith.subf %add3A_20, %sub3A_31 : vector<10000x64xf32>
    %add3A_33 = arith.constant 9.99999974E-6 : f32
    %add3A_34 = vector.broadcast %add3A_33 : f32 to vector<10000x1xf32>
    %add3A_35 = arith.addf %div3A_30, %add3A_34 : vector<10000x1xf32>
    %sqrt3A = math.sqrt %add3A_35 : vector<10000x1xf32>
    %div3A_36 = vector.broadcast %sqrt3A : vector<10000x1xf32> to vector<10000x64xf32>
    %div3A_37 = arith.divf %sub3A_32, %div3A_36 : vector<10000x64xf32>
    %get3A_38 = arith.constant 0 : index
    %get3A_39 = arith.constant 0 : index
    %get3A_40 = vector.load %arg4[%get3A_38, %get3A_39] : memref<1x64xf32, #tpu.memory_space<vmem>>, vector<1x64xf32>
    %mul3A = vector.broadcast %get3A_40 : vector<1x64xf32> to vector<10000x64xf32>
    %mul3A_41 = arith.mulf %div3A_37, %mul3A : vector<10000x64xf32>
    %get3A_42 = arith.constant 0 : index
    %get3A_43 = arith.constant 0 : index
    %get3A_44 = vector.load %arg5[%get3A_42, %get3A_43] : memref<1x64xf32, #tpu.memory_space<vmem>>, vector<1x64xf32>
    %add3A_45 = vector.broadcast %get3A_44 : vector<1x64xf32> to vector<10000x64xf32>
    %add3A_46 = arith.addf %mul3A_41, %add3A_45 : vector<10000x64xf32>
    %max3A = arith.constant 0.000000e+00 : f32
    %max3A_47 = vector.broadcast %max3A : f32 to vector<10000x64xf32>
    %max3A_48 = arith.maximumf %add3A_46, %max3A_47 : vector<10000x64xf32>
    %swap3A = arith.constant 0 : index
    %swap3A_49 = arith.constant 0 : index
    %swap3A_50 = vector.load %arg6[%swap3A, %swap3A_49] : memref<10000x64xf32, #tpu.memory_space<vmem>>, vector<10000x64xf32>
    tpu.vector_store %arg6[%swap3A, %swap3A_49], %max3A_48 {strides = array<i32>} : memref<10000x64xf32, #tpu.memory_space<vmem>>, vector<10000x64xf32>,
    return
  }
}

module attributes {stable_mosaic.version = 14 : i64} {
  func.func @body(%arg0: memref<1x10000xi32, #tpu.memory_space<vmem>>, %arg1: memref<10000x64xf32, #tpu.memory_space<vmem>>, %arg2: memref<64x64xf32, #tpu.memory_space<vmem>>, %arg3: memref<1x64xf32, #tpu.memory_space<vmem>>, %arg4: memref<1x64xf32, #tpu.memory_space<vmem>>, %arg5: memref<1x64xf32, #tpu.memory_space<vmem>>, %arg6: memref<64x128xf32, #tpu.memory_space<vmem>>, %arg7: memref<1x128xf32, #tpu.memory_space<vmem>>, %arg8: memref<128x128xf32, #tpu.memory_space<vmem>>) attributes {dimension_semantics = [], scalar_prefetch = 0 : i64, scratch_operands = 0 : i64, tpu.core_type = #tpu.core_type<tc>} {
    %get3A = arith.constant 0 : index
    %get3A_0 = arith.constant 0 : index
    %get3A_1 = vector.load %arg0[%get3A, %get3A_0] : memref<1x10000xi32, #tpu.memory_space<vmem>>, vector<1x10000xi32>
    %iota3A = tpu.iota {dimensions = array<i32: 0>} : vector<128x10000xi32>
    %eq3A = vector.broadcast %get3A_1 : vector<1x10000xi32> to vector<128x10000xi32>
    %eq3A_2 = arith.cmpi eq, %eq3A, %iota3A : vector<128x10000xi32>
    %convert_element_type3A = arith.extui %eq3A_2 : vector<128x10000xi1> to vector<128x10000xi32>
    %convert_element_type3A_3 = arith.sitofp %convert_element_type3A : vector<128x10000xi32> to vector<128x10000xf32>
    %get3A_4 = arith.constant 0 : index
    %get3A_5 = arith.constant 0 : index
    %get3A_6 = vector.load %arg1[%get3A_4, %get3A_5] : memref<10000x64xf32, #tpu.memory_space<vmem>>, vector<10000x64xf32>
    %dot_general3A = arith.constant dense<0.000000e+00> : vector<128x64xf32>
    %dot_general3A_7 = tpu.matmul %convert_element_type3A_3, %get3A_6, %dot_general3A {dimension_numbers = #tpu.dot_dimension_numbers<[1], [0], [0], [1], [0, 0, 1, 1], [], []>, precision = #tpu.contract_precision<fp32>, transpose_lhs_hint = false} : vector<128x10000xf32>, vector<10000x64xf32>, vector<128x64xf32> -> vector<128x64xf32>
    %get3A_8 = arith.constant 0 : index
    %get3A_9 = arith.constant 0 : index
    %get3A_10 = vector.load %arg2[%get3A_8, %get3A_9] : memref<64x64xf32, #tpu.memory_space<vmem>>, vector<64x64xf32>
    %dot_general3A_11 = arith.constant dense<0.000000e+00> : vector<128x64xf32>
    %dot_general3A_12 = tpu.matmul %dot_general3A_7, %get3A_10, %dot_general3A_11 {dimension_numbers = #tpu.dot_dimension_numbers<[1], [0], [0], [1], [0, 0, 1, 1], [], []>, transpose_lhs_hint = false} : vector<128x64xf32>, vector<64x64xf32>, vector<128x64xf32> -> vector<128x64xf32>
    %get3A_13 = arith.constant 0 : index
    %get3A_14 = arith.constant 0 : index
    %get3A_15 = vector.load %arg3[%get3A_13, %get3A_14] : memref<1x64xf32, #tpu.memory_space<vmem>>, vector<1x64xf32>
    %add3A = vector.broadcast %get3A_15 : vector<1x64xf32> to vector<128x64xf32>
    %add3A_16 = arith.addf %dot_general3A_12, %add3A : vector<128x64xf32>
    %get3A_17 = arith.constant 0 : index
    %get3A_18 = arith.constant 0 : index
    %get3A_19 = vector.load %arg4[%get3A_17, %get3A_18] : memref<1x64xf32, #tpu.memory_space<vmem>>, vector<1x64xf32>
    %mul3A = vector.broadcast %get3A_19 : vector<1x64xf32> to vector<128x64xf32>
    %mul3A_20 = arith.mulf %add3A_16, %mul3A : vector<128x64xf32>
    %get3A_21 = arith.constant 0 : index
    %get3A_22 = arith.constant 0 : index
    %get3A_23 = vector.load %arg5[%get3A_21, %get3A_22] : memref<1x64xf32, #tpu.memory_space<vmem>>, vector<1x64xf32>
    %add3A_24 = vector.broadcast %get3A_23 : vector<1x64xf32> to vector<128x64xf32>
    %add3A_25 = arith.addf %mul3A_20, %add3A_24 : vector<128x64xf32>
    %max3A = arith.constant 0.000000e+00 : f32
    %max3A_26 = vector.broadcast %max3A : f32 to vector<128x64xf32>
    %max3A_27 = arith.maximumf %add3A_25, %max3A_26 : vector<128x64xf32>
    %get3A_28 = arith.constant 0 : index
    %get3A_29 = arith.constant 0 : index
    %get3A_30 = vector.load %arg6[%get3A_28, %get3A_29] : memref<64x128xf32, #tpu.memory_space<vmem>>, vector<64x128xf32>
    %dot_general3A_31 = arith.constant dense<0.000000e+00> : vector<128x128xf32>
    %dot_general3A_32 = tpu.matmul %max3A_27, %get3A_30, %dot_general3A_31 {dimension_numbers = #tpu.dot_dimension_numbers<[1], [0], [0], [1], [0, 0, 1, 1], [], []>, transpose_lhs_hint = false} : vector<128x64xf32>, vector<64x128xf32>, vector<128x128xf32> -> vector<128x128xf32>
    %get3A_33 = arith.constant 0 : index
    %get3A_34 = arith.constant 0 : index
    %get3A_35 = vector.load %arg7[%get3A_33, %get3A_34] : memref<1x128xf32, #tpu.memory_space<vmem>>, vector<1x128xf32>
    %add3A_36 = vector.broadcast %get3A_35 : vector<1x128xf32> to vector<128x128xf32>
    %add3A_37 = arith.addf %dot_general3A_32, %add3A_36 : vector<128x128xf32>
    %swap3A = arith.constant 0 : index
    %swap3A_38 = arith.constant 0 : index
    %swap3A_39 = vector.load %arg8[%swap3A, %swap3A_38] : memref<128x128xf32, #tpu.memory_space<vmem>>, vector<128x128xf32>
    tpu.vector_store %arg8[%swap3A, %swap3A_38], %add3A_37 {strides = array<i32>} : memref<128x128xf32, #tpu.memory_space<vmem>>, vector<128x128xf32>,
    return
  }
}

</mosaic_0001>

<sc_bundles>
// kernel: kernel.10.cloned.1.call-start
scs
__scs_entry_jumppad:
0x0: {  	(pc) =	sbr.rel $0x88, $3  }
0x1: {  	(tag) =	ssettag $0x0;
	lr =	simm.s32 $0x1  }
0x2: {  	[smem:$0x3F92] =	sst lr;
	_ =	strace $0xD0000000  }
0x3: {  	_ = 	snop  }
0x4: {  	_ = 	snop  }
0x5: {  	_ = 	snop  }
0x6: {  	_ = 	snop  }
0x7: {  	_ = 	snop  }
__scs_overlays_trampoline_lowered:
0x8: {  	[smem:$0x3FA1] =	sst s0  }
0x9: {  	[smem:$0x3FA2] =	sst s1  }
0xa: {  	[smem:$0x3FA3] =	sst s2  }
0xb: {  	[smem:$0x3FA4] =	sst s3  }
0xc: {  	[smem:$0x3FA5] =	sst s4  }
0xd: {  	[smem:$0x3FA6] =	sst s5  }
0xe: {  	[smem:$0x3FA7] =	sst s6  }
0xf: {  	[smem:$0x3FA8] =	sst s7  }
0x10: {  	[smem:$0x3FA9] =	sst s8  }
0x11: {  	[smem:$0x3FAA] =	sst s9;
	s0 =	simm.s32 @!p0 $0x0  }
0x12: {  	s1 =	sld [smem:$0x3F90];
	s0 =	simm.s32 @p0 $0x1  }
0x13: {  	[smem:$0x3FAB] =	sst s0;
	s0 =	simm.s32 @!p1 $0x0  }
0x14: {  	s2 =	sld [smem:$0x3F8F];
	s0 =	simm.s32 @p1 $0x1  }
0x15: {  	[smem:$0x3FAC] =	sst s0;
	s0 =	simm.s32 @!p2 $0x0  }
0x16: {  	s3 =	sld [smem:$0x3FDB];
	s0 =	simm.s32 @p2 $0x1  }
0x17: {  	s4 =	simm.s32 $0x1BF5;
	[smem:$0x3FAE] =	sst s0  }
0x18: {  	s0 =	sld [smem:$0x3F91];
	_ =	swait.ge [sflag:s4], $0x0  }
0x19: {  	s7 =	sld [smem:$0x3F92]  }
0x1a: {  	s8 =	sadd.s32 $0xFFFFE003, lr  }
0x1b: {  	s9 =	sadd.s32 $0xFFFFFEF7, lr;
	s5 =	simm.s32 $0xFFFFFFFF;
	p2 =	slt.u32 s8, $0xFFFFF086  }
0x1c: {  	p1 =	slt.u32 s9, $0xF7A;
	s5 =	simm.s32 @!p2 $0x0  }
0x1d: {  	s5 =	simm.s32 @p1 $0x1;
	p0 =	seq.s32 s7, s2  }
0x1e: {  	s7 =	smul.u32 @!p0 $0xF7A, s2;
	p2 =	seq.s32 @!p0 s5, $0x0  }
0x1f: {  	s9 =	smul.u32 $0xF7A, s1;
	s8 =	simm.s32 @!p0 $0x1BF5;
	p2 =	por !p2, p0  }
0x20: {  	[sflag:s8] =	ssyncset.s32 @!p0 $0xFFFFF086;
	s6 =	sadd.s32 @!p0 s3, s7;
	s7 =	simm.s32 @!p0 $0x108  }
0x21: {  	s3 =	sadd.s32 s3, s9;
	s6 =	sadd.s32 @!p0 $0x88, s6;
	s7 =	simm.s32 @p2 $0x1082  }
0x22: {  	[simem:s7], [sflag:s8] =	dma.local @!p0 [hbm:s6], $0xF7A  }
0x23: {  	s9 =	sor.u32 $0xD0000000, s2;
	s6 =	simm.s32 $0x108;
	_ =	swait.ge @!p0 [sflag:s8], $0x0  }
0x24: {  	s3 =	sadd.s32 $0x88, s3;
	s6 =	simm.s32 @!p1 $0x1082;
	[sflag:s4] =	ssyncset.s32 $0xFFFFF086  }
0x25: {  	[simem:s6], [sflag:s4] =	dma.local [hbm:s3], $0xF7A  }
0x26: {  	[smem:$0x3F92] =	sst s1;
	(tag) =	ssettag s2;
	_ =	strace s9  }
0x27: {  	s1 =	sld [smem:$0x3FA2]  }
0x28: {  	s2 =	sld [smem:$0x3FA3]  }
0x29: {  	s4 =	sld [smem:$0x3FA5]  }
0x2a: {  	p0 =	seq.s32 s5, $0x0;
	s5 =	sld [smem:$0x3FA6]  }
0x2b: {  	s6 =	sld [smem:$0x3FA7]  }
0x2c: {  	s7 =	sld [smem:$0x3FA8]  }
0x2d: {  	s3 =	simm.s32 $0x108;
	s8 =	sld [smem:$0x3FA9]  }
0x2e: {  	s3 =	simm.s32 @!p0 $0x1082;
	s9 =	sld [smem:$0x3FAA]  }
0x2f: {  	lr =	sadd.s32 s0, s3;
	s0 =	sld [smem:$0x3FA1]  }
0x30: {  	s3 =	sld [smem:$0x3FA4]  }
0x31: {  	[smem:$0x3FAD] =	sst s10  }
0x32: {  	s10 =	sld [smem:$0x3FAB];
	_ =	sdelay $0x3  }
0x33: {  	p0 =	seq.s32 s10, $0x1;
	s10 =	sld [smem:$0x3FAD];
	_ =	sdelay $0x3  }
0x34: {  	[smem:$0x3FAD] =	sst s10  }
0x35: {  	s10 =	sld [smem:$0x3FAC];
	_ =	sdelay $0x3  }
0x36: {  	p1 =	seq.s32 s10, $0x1;
	s10 =	sld [smem:$0x3FAD];
	_ =	sdelay $0x3  }
0x37: {  	[smem:$0x3FAD] =	sst s10  }
0x38: {  	s10 =	sld [smem:$0x3FAE]  }
0x39: {  	_ = 	snop;
	(pc) =	sbr.ind lr, $3  }
0x3a: {  	_ = 	snop  }
0x3b: {  	_ = 	snop  }
0x3c: {  	p2 =	seq.s32 s10, $0x1;
	s10 =	sld [smem:$0x3FAD]  }
0x3d: {  	_ =	shalt  }
0x3e: {  	_ =	shalt  }
0x3f: {  	_ =	shalt  }
0x40: {  	_ =	shalt  }
0x41: {  	_ =	shalt  }
0x42: {  	_ =	shalt  }
0x43: {  	_ =	shalt  }
0x44: {  	_ =	shalt  }
0x45: {  	_ =	shalt  }
0x46: {  	_ =	shalt  }
0x47: {  	_ =	shalt  }
0x48: {  	_ =	shalt  }
0x49: {  	_ =	shalt  }
0x4a: {  	_ =	shalt  }
0x4b: {  	_ =	shalt  }
0x4c: {  	_ =	shalt  }
0x4d: {  	_ =	shalt  }
0x4e: {  	_ =	shalt  }
0x4f: {  	_ =	shalt  }
0x50: {  	_ =	shalt  }
0x51: {  	_ =	shalt  }
0x52: {  	_ =	shalt  }
0x53: {  	_ =	shalt  }
0x54: {  	_ =	shalt  }
0x55: {  	_ =	shalt  }
0x56: {  	_ =	shalt  }
0x57: {  	_ =	shalt  }
0x58: {  	_ =	shalt  }
0x59: {  	_ =	shalt  }
0x5a: {  	_ =	shalt  }
0x5b: {  	_ =	shalt  }
0x5c: {  	_ =	shalt  }
0x5d: {  	_ =	shalt  }
0x5e: {  	_ =	shalt  }
0x5f: {  	_ =	shalt  }
0x60: {  	_ =	shalt  }
0x61: {  	_ =	shalt  }
0x62: {  	_ =	shalt  }
0x63: {  	_ =	shalt  }
0x64: {  	_ =	shalt  }
0x65: {  	_ =	shalt  }
0x66: {  	_ =	shalt  }
0x67: {  	_ =	shalt  }
0x68: {  	_ =	shalt  }
0x69: {  	_ =	shalt  }
0x6a: {  	_ =	shalt  }
0x6b: {  	_ =	shalt  }
0x6c: {  	_ =	shalt  }
0x6d: {  	_ =	shalt  }
0x6e: {  	_ =	shalt  }
0x6f: {  	_ =	shalt  }
0x70: {  	_ =	shalt  }
0x71: {  	_ =	shalt  }
0x72: {  	_ =	shalt  }
0x73: {  	_ =	shalt  }
0x74: {  	_ =	shalt  }
0x75: {  	_ =	shalt  }
0x76: {  	_ =	shalt  }
0x77: {  	_ =	shalt  }
0x78: {  	_ =	shalt  }
0x79: {  	_ =	shalt  }
0x7a: {  	_ =	shalt  }
0x7b: {  	_ =	shalt  }
0x7c: {  	_ =	shalt  }
0x7d: {  	_ =	shalt  }
0x7e: {  	_ =	shalt  }
0x7f: {  	_ =	shalt  }
0x80: {  	_ =	shalt  }
0x81: {  	_ =	shalt  }
0x82: {  	_ =	shalt  }
0x83: {  	_ =	shalt  }
0x84: {  	_ =	shalt  }
0x85: {  	_ =	shalt  }
0x86: {  	_ =	shalt  }
0x87: {  	_ =	shalt  }
.Lfunc_end0:
.L_simem_size_0:
called_computation_lowered:
.L_overlay_start_0:
0x88: {  	s2 =	sld [smem:$0x3FD9]  }
0x89: {  	s3 =	sld [smem:$0x3FFE];
	_ =	sdelay $0x1  }
0x8a: {  	s1 =	srdreg.scid  }
0x8b: {  	s0 =	sand.u32 $0x1, s1  }
0x8c: {  	s16 =	sshll.u32 s0, $0xA;
	s2 =	sadd.s32 s3, s2  }
0x8d: {  	s2 =	sadd.s32 s2, s16  }
0x8e: {  	[smem:$0x3FB9] =	sst s2  }
0x8f: {  	_ = 	snop  }
0x90: {  	(tm) =	ssettm $0x1  }
0x91: {  	s17 =	sld [smem:$0x3FFB];
	_ =	sdelay $0x3  }
0x92: {  	_ =	strace s17  }
0x93: {  	s2 =	sld [smem:$0x3FFC];
	_ =	sdelay $0x3  }
0x94: {  	_ =	strace s2  }
0x95: {  	s2 =	sld [smem:$0x3FFD];
	_ =	sdelay $0x3  }
0x96: {  	_ =	strace s2  }
0x97: {  	_ =	strace $0x8FFFFFFF  }
0x98: {  	s18 =	sld [smem:$0x3FDB];
	_ =	sdelay $0x1  }
0x99: {  	s19 =	simm.s32 $_scs_section_size  }
0x9a: {  	s4 =	simm.s32 $_size__tile_overlayer_lowered;
	s5 =	simm.s32 $_tile_overlayer_lowered  }
0x9b: {  	s22 =	simm.s32 $0x1BFF;
	s21 =	sshll.u32 s5, $0x1;
	s2 =	sadd.s32 s19, s18  }
0x9c: {  	s6 =	simm.s32 $0x0;
	s20 =	sshll.u32 s4, $0x1;
	s4 =	sadd.s32 s21, s2  }
0x9d: {  	[timem:s6], [sflag:s22] =	dma.local [hbm:s4], s20  }
0x9e: {  	_ =	swait.ge [sflag:s22], s20  }
0x9f: {  	s3 =	ssub.s32 $0x0, s20;
	[sflag:s22] =	ssyncset.done $0x0  }
0xa0: {  	[sflag:s22] =	ssyncadd.s32 s3;
	_ =	sdelay $0x1  }
0xa1: {  	s23 =	simm.s32 $0x1B8B  }
0xa2: {  	_ =	swait.ge [sflag:s23], $0x1  }
0xa3: {  	[sflag:s23] =	ssyncset.done $0x0  }
0xa4: {  	s25 =	simm.s32 $0x1B8E;
	s24 =	sld [smem:$0x3FFE];
	[sflag:s23] =	ssyncadd.s32 $0xFFFFFFFF  }
0xa5: {  	s26 =	simm.s32 $execute0_lowered;
	[smem:$0x3FD2] =	sst s25  }
0xa6: {  	s4 =	sshll.u32 s26, $0x1;
	_ =	strace $0x80000046;
	[dreg:$0x1] =	wrdreg $0xFFFFFFFF  }
0xa7: {  	s28 =	simm.s32 $_size_execute0_lowered;
	s2 =	sadd.s32 s2, s4;
	[dreg:$0x0] =	wrdreg $0x0  }
0xa8: {  	s4 =	sshll.u32 s28, $0x1;
	[dreg:$0x2] =	wrdreg s2  }
0xa9: {  	[dreg:$0x3] =	wrdreg s4  }
0xaa: {  	[dreg:$0x4] =	wrdreg $0xC0  }
0xab: {  	_ =	task [dreg:s6], $0x5FFFF  }
0xac: {  	[dreg:$0x1] =	wrdreg $0xFFFFFFFF  }
0xad: {  	[dreg:$0x0] =	wrdreg $0x60  }
0xae: {  	[dreg:$0x2] =	wrdreg s24  }
0xaf: {  	[dreg:$0x3] =	wrdreg $0x14A000  }
0xb0: {  	[dreg:$0x4] =	wrdreg $0x9  }
0xb1: {  	_ =	task.clear_ibuf [dreg:s6], $0x5FFFF;
	_ =	strace $0x90000046  }
0xb2: {  	s29 =	simm.s32 $0x9;
	_ =	strace $0x80000048  }
0xb3: {  	_ =	swait.ge [sflag:s29], $0x1  }
0xb4: {  	[sflag:s29] =	ssyncadd.s32 $0xFFFFFFFF  }
0xb5: {  	_ =	strace $0x90000048  }
0xb6: {  	_ =	sfence  }
0xb7: {  	s30 =	sld [smem:$0x0];
	_ =	sdelay $0x2  }
0xb8: {  	s31 =	sshll.u32 s1, $0xD;
	s1 =	sshrl.u32 s1, $0x2  }
0xb9: {  	s3 =	sand.u32 $0x4000, s31;
	s1 =	sadd.s32 s1, s30  }
0xba: {  	s0 =	sor.u32 s3, s0;
	s1 =	sshll.u32 s1, $0x11  }
0xbb: {  	s0 =	sor.u32 s1, s0  }
0xbc: {  	s0 =	sadd.s32 $0x8F2B, s0  }
0xbd: {  	[sflag:s0] =	ssyncadd.remote.s32 $0x1  }
0xbe: {  	_ =	sfence.sel $0xFFFF  }
0xbf: {  	[dreg:$0x0] =	wrdreg $0xFFFFFFFF;
	(pc) =	sbr.abs _section_cstart, $3  }
0xc0: {  	[dreg:$0x1] =	wrdreg $0xFFFFFFFF  }
0xc1: {  	_ =	task.clear_ibuf [dreg:s6], $0x2FFFF;
	_ =	strace $0x9FFFFFFF  }
0xc2: {  	(tm) =	ssettm $0x7FFFFFFF  }
0xc3: {  	_ =	shalt  }
tec
execute0_lowered:
.L_overlay_start_1:
0x0: {  	(tag) =	ssettag $0x1  }
0x1: {  	s0 =	rddreg [dreg:$0x0]  }
0x2: {  	s2 =	rddreg [dreg:$0x1];
	s13 =	stileid.u32;
	s3 =	simm.s32 $0x0  }
0x3: {  	s1 =	srdreg.scid;
	s15 =	simm.s32 $0x80;
	s16 =	simm.s32 $0x8A00  }
0x4: {  	s18 =	simm.s32 $0xEA00;
	s19 =	simm.s32 $0xAA00;
	s21 =	simm.s32 $0x10A00  }
0x5: {  	s23 =	simm.s32 $0xCA00;
	s28 =	simm.s32 $0x2;
	s4 =	smul.u32 $0x8A, s13  }
0x6: {  	s29 =	simm.s32 $0x0;
	[smem:$0x7FF] =	sst s3;
	s5 =	smul.u32 $0x18, s13  }
0x7: {  	s1 =	sand.u32 $0x1, s1;
	s7 =	smul.u32 $0x9E00, s13;
	s26 =	sshll.u32 s13, $0x6  }
0x8: {  	s13 =	simm.s32 $0x3;
	p0 =	seq.s32 s1, $0x0;
	s6 =	sadd.s32 $0x180, s4  }
0x9: {  	_ =	strace $0x80000047;
	s8 =	smul.u32 $0x9E000, s1;
	s6 =	smov.u32 @p0 s5  }
0xa: {  	s1 =	ssub.s32 $0x2, s1;
	s4 =	sadd.s32 $0x2200, s0;
	s5 =	sshll.u32 s6, $0x4  }
0xb: {  	s25 =	sshrl.u32 s7, $0x3;
	s9 =	sadd.s32 s5, s0;
	s5 =	simm.s32 $0x18  }
0xc: {  	s10 =	sshrl.u32 s1, $0x1;
	s12 =	sadd.s32 s7, s2;
	s5 =	simm.s32 @!p0 $0x8A  }
0xd: {  	s8 =	sadd.s32 s7, s8;
	s1 =	ssub.s32 s1, s10;
	s11 =	smul.u32 $0xAB, s5  }
0xe: {  	s7 =	sor.u32 $0x1C03, s26;
	s12 =	sshrl.u32 s12, $0x3;
	s26 =	simm.s32 $0x1  }
0xf: {  	s6 =	sadd.s32 s25, s0;
	s8 =	sshrl.u32 s8, $0x3;
	s30 =	sshrl.u32 s11, $0xA  }
0x10: {  	s25 =	simm.s32 $0x12A00;
	s0 =	sadd.s32 s8, s0;
	s31 =	smul.u32 $0xC00, s30  }
0x11: {  	s6 =	sadd.s32 $0x2B400, s6;
	s8 =	sadd.s32 $0x20800, s9;
	s9 =	sadd.s32 $0x15C00, s9  }
0x12: {  	s10 =	sadd.s32 $0x3F000, s0;
	s11 =	smax.u32 s1, $0x1;
	[dreg:$0x3] =	wrdreg s31  }
.LBB2_1:
0x13: {  	[spmem:s12], [sflag:s7] =	dma.local [hbm:s6], $0x13C0  }
0x14: {  	_ =	swait.ge [sflag:s13], $0x13C0  }
0x15: {  	[sflag:s13] =	ssyncset.done $0x0  }
0x16: {  	[sflag:s13] =	ssyncadd.s32 $0xFFFFEC40  }
0x17: {  	[tilespmem:s3], [sflag:$0x3] =	stream.linear.gather [hbm4b:s8+s3], $0x4500, $0x38;
	[tilespmem:$0x1E800] =	vst v63  }
0x18: {  	_ =	swait.ge [sflag:s13], $0x4500  }
0x19: {  	[sflag:s13] =	ssyncset.done $0x0  }
0x1a: {  	s0 =	simm.s32 $0x4500;
	[sflag:s13] =	ssyncadd.s32 $0xFFFFBB00  }
0x1b: {  	[tilespmem:s0], [sflag:$0x3] =	stream.linear.gather [hbm4b:s9+s3], $0x4500, $0x38;
	[tilespmem:$0x1E800] =	vst v63  }
0x1c: {  	_ =	swait.ge [sflag:s13], $0x4500  }
0x1d: {  	[sflag:s13] =	ssyncset.done $0x0  }
0x1e: {  	[sflag:s13] =	ssyncadd.s32 $0xFFFFBB00  }
0x1f: {  	[bflag:$0x0] =	sbarrier.arrive $0xFFFF  }
0x20: {  	[tilespmem:s16], [sflag:$0x1] =	stream.indirect.gather [hbm4b:s4+s15], $0x40, s3, s15, $0xb8;
	[tilespmem:$0x1E800] =	vst v63  }
0x21: {  	s14 =	simm.s32 $0x180  }
0x22: {  	[tilespmem:s18], [sflag:$0x2] =	stream.indirect.gather [hbm4b:s4+s15], $0x40, s14, s15, $0xb8;
	[tilespmem:$0x1E800] =	vst v63  }
0x23: {  	_ = 	snop  }
0x24: {  	[tilespmem:s19], [sflag:$0x1] =	stream.indirect.gather [hbm4b:s4+s15], $0x40, s15, s15, $0xb8;
	[tilespmem:$0x1E800] =	vst v63  }
0x25: {  	s17 =	simm.s32 $0x200  }
0x26: {  	[tilespmem:s21], [sflag:$0x2] =	stream.indirect.gather [hbm4b:s4+s15], $0x40, s17, s15, $0xb8;
	[tilespmem:$0x1E800] =	vst v63  }
0x27: {  	s20 =	simm.s32 $0x100  }
0x28: {  	[tilespmem:s23], [sflag:$0x1] =	stream.indirect.gather [hbm4b:s4+s15], $0x40, s20, s15, $0xb8;
	[tilespmem:$0x1E800] =	vst v63  }
0x29: {  	s22 =	simm.s32 $0x280  }
0x2a: {  	[tilespmem:s25], [sflag:$0x2] =	stream.indirect.gather [hbm4b:s4+s15], $0x40, s22, s15, $0xb8;
	[tilespmem:$0x1E800] =	vst v63  }
0x2b: {  	_ =	swait.ge [sflag:s26], $0x6000  }
0x2c: {  	[sflag:s26] =	ssyncset.done $0x0  }
0x2d: {  	s24 =	simm.s32 $0x4500;
	[sflag:s26] =	ssyncadd.s32 $0xFFFFA000  }
0x2e: {  	[spmem:s2] =	stream.indirect.scatter.add.f32 [tilespmem:s16], [sflag:$0x3], $0x40, s24, s15, $0xb8;
	[tilespmem:$0x1E800] =	vst v63  }
0x2f: {  	_ =	swait.ge [sflag:s13], $0x2000  }
0x30: {  	[sflag:s13] =	ssyncset.done $0x0  }
0x31: {  	s1 =	simm.s32 $0x4580;
	[sflag:s13] =	ssyncadd.s32 $0xFFFFE000  }
0x32: {  	[spmem:s2] =	stream.indirect.scatter.add.f32 [tilespmem:s19], [sflag:$0x3], $0x40, s1, s15, $0xb8;
	[tilespmem:$0x1E800] =	vst v63  }
0x33: {  	_ =	swait.ge [sflag:s13], $0x2000  }
0x34: {  	[sflag:s13] =	ssyncset.done $0x0  }
0x35: {  	s14 =	simm.s32 $0x4600;
	[sflag:s13] =	ssyncadd.s32 $0xFFFFE000  }
0x36: {  	[spmem:s2] =	stream.indirect.scatter.add.f32 [tilespmem:s23], [sflag:$0x3], $0x40, s14, s15, $0xb8;
	[tilespmem:$0x1E800] =	vst v63  }
0x37: {  	p0 =	sle.u32 s5, $0x6;
	_ =	swait.ge [sflag:s13], $0x2000  }
0x38: {  	s0 =	simm.s32 @!p0 $0x8A00;
	[sflag:s13] =	ssyncset.done $0x0  }
0x39: {  	s1 =	simm.s32 @!p0 $0x300;
	s14 =	simm.s32 @!p0 $0x80;
	[sflag:s13] =	ssyncadd.s32 $0xFFFFE000  }
0x3a: {  	[tilespmem:s0], [sflag:$0x1] =	stream.indirect.gather @!p0 [hbm4b:s4+s14], $0x40, s1, s14, $0xb8;
	[tilespmem:$0x1E800] =	vst v63  }
0x3b: {  	s0 =	simm.s32 @!p0 $0x380;
	s1 =	simm.s32 @!p0 $0xAA00  }
0x3c: {  	[tilespmem:s1], [sflag:$0x1] =	stream.indirect.gather @!p0 [hbm4b:s4+s14], $0x40, s0, s14, $0xb8;
	[tilespmem:$0x1E800] =	vst v63  }
0x3d: {  	s0 =	simm.s32 @!p0 $0x400;
	s1 =	simm.s32 @!p0 $0xCA00  }
0x3e: {  	[tilespmem:s1], [sflag:$0x1] =	stream.indirect.gather @!p0 [hbm4b:s4+s14], $0x40, s0, s14, $0xb8;
	[tilespmem:$0x1E800] =	vst v63  }
0x3f: {  	_ =	swait.ge [sflag:s28], $0x6000  }
0x40: {  	[sflag:s28] =	ssyncset.done $0x0  }
0x41: {  	s17 =	simm.s32 $0x4680;
	[sflag:s28] =	ssyncadd.s32 $0xFFFFA000  }
0x42: {  	[spmem:s2] =	stream.indirect.scatter.add.f32 [tilespmem:s18], [sflag:$0x3], $0x40, s17, s15, $0xb8;
	[tilespmem:$0x1E800] =	vst v63  }
0x43: {  	_ =	swait.ge [sflag:s13], $0x2000  }
0x44: {  	[sflag:s13] =	ssyncset.done $0x0  }
0x45: {  	s20 =	simm.s32 $0x4700;
	[sflag:s13] =	ssyncadd.s32 $0xFFFFE000  }
0x46: {  	[spmem:s2] =	stream.indirect.scatter.add.f32 [tilespmem:s21], [sflag:$0x3], $0x40, s20, s15, $0xb8;
	[tilespmem:$0x1E800] =	vst v63  }
0x47: {  	_ =	swait.ge [sflag:s13], $0x2000  }
0x48: {  	[sflag:s13] =	ssyncset.done $0x0  }
0x49: {  	s22 =	simm.s32 $0x4780;
	[sflag:s13] =	ssyncadd.s32 $0xFFFFE000  }
0x4a: {  	[spmem:s2] =	stream.indirect.scatter.add.f32 [tilespmem:s25], [sflag:$0x3], $0x40, s22, s15, $0xb8;
	[tilespmem:$0x1E800] =	vst v63  }
0x4b: {  	p0 =	sle.u32 s5, $0x9;
	_ =	swait.ge [sflag:s13], $0x2000  }
0x4c: {  	s1 =	simm.s32 @!p0 $0x80;
	s24 =	rddreg [dreg:$0x3]  }
0x4d: {  	s14 =	simm.s32 @!p0 $0xEA00;
	[sflag:s13] =	ssyncset.done $0x0;
	p1 =	sne.s32 s24, $0xC00  }
.Ltmp0:
0x4e: {  	s17 =	simm.s32 @!p0 $0x480;
	[sflag:s13] =	ssyncadd.s32 $0xFFFFE000;
	(pc) =	sbr.rel @!p1 .LBB2_3-.Ltmp0, $4  }
0x4f: {  	[tilespmem:s14], [sflag:$0x2] =	stream.indirect.gather @!p0 [hbm4b:s4+s1], $0x40, s17, s1, $0xb8;
	[tilespmem:$0x1E800] =	vst v63  }
0x50: {  	s30 =	simm.s32 $0x9;
	s14 =	simm.s32 @!p0 $0x500;
	s17 =	simm.s32 @!p0 $0x10A00  }
0x51: {  	[tilespmem:s17], [sflag:$0x2] =	stream.indirect.gather @!p0 [hbm4b:s4+s1], $0x40, s14, s1, $0xb8;
	[tilespmem:$0x1E800] =	vst v63  }
0x52: {  	s31 =	simm.s32 $0xC00;
	s14 =	simm.s32 @!p0 $0x580;
	s17 =	simm.s32 @!p0 $0x12A00  }
.LBB2_2:
0x53: {  	[tilespmem:s17], [sflag:$0x2] =	stream.indirect.gather @!p0 [hbm4b:s4+s1], $0x40, s14, s1, $0xb8;
	[tilespmem:$0x1E800] =	vst v63  }
0x54: {  	s0 =	smov.u32 s31;
	_ =	swait.ge [sflag:s26], $0x6000  }
0x55: {  	s1 =	sshra.s32 s0, $0x2;
	[sflag:s26] =	ssyncset.done $0x0  }
0x56: {  	s22 =	sadd.s32 $0x4500, s1;
	[sflag:s26] =	ssyncadd.s32 $0xFFFFA000  }
0x57: {  	[spmem:s2] =	stream.indirect.scatter.add.f32 [tilespmem:s16], [sflag:$0x3], $0x40, s22, s15, $0xb8;
	[tilespmem:$0x1E800] =	vst v63  }
0x58: {  	_ =	swait.ge [sflag:s13], $0x2000  }
0x59: {  	[sflag:s13] =	ssyncset.done $0x0  }
0x5a: {  	s24 =	sadd.s32 $0x4580, s1;
	[sflag:s13] =	ssyncadd.s32 $0xFFFFE000  }
0x5b: {  	[spmem:s2] =	stream.indirect.scatter.add.f32 [tilespmem:s19], [sflag:$0x3], $0x40, s24, s15, $0xb8;
	[tilespmem:$0x1E800] =	vst v63  }
0x5c: {  	s30 =	sadd.s32 $0x6, s30;
	_ =	swait.ge [sflag:s13], $0x2000  }
0x5d: {  	s20 =	sadd.s32 $0xFFFFFFFD, s30;
	[sflag:s13] =	ssyncset.done $0x0  }
0x5e: {  	s17 =	sadd.s32 $0x4600, s1;
	p0 =	sge.u32 s20, s5;
	[sflag:s13] =	ssyncadd.s32 $0xFFFFE000  }
0x5f: {  	[spmem:s2] =	stream.indirect.scatter.add.f32 [tilespmem:s23], [sflag:$0x3], $0x40, s17, s15, $0xb8;
	[tilespmem:$0x1E800] =	vst v63  }
0x60: {  	s14 =	sshra.s32 @!p0 s0, $0x2;
	_ =	swait.ge [sflag:s13], $0x2000  }
0x61: {  	s20 =	sadd.s32 @!p0 $0x300, s14;
	[sflag:s13] =	ssyncset.done $0x0  }
0x62: {  	s22 =	simm.s32 @!p0 $0x80;
	s17 =	simm.s32 @!p0 $0x8A00;
	[sflag:s13] =	ssyncadd.s32 $0xFFFFE000  }
0x63: {  	[tilespmem:s17], [sflag:$0x1] =	stream.indirect.gather @!p0 [hbm4b:s4+s22], $0x40, s20, s22, $0xb8;
	[tilespmem:$0x1E800] =	vst v63  }
0x64: {  	s17 =	sadd.s32 @!p0 $0x380, s14;
	s20 =	simm.s32 @!p0 $0xAA00  }
0x65: {  	[tilespmem:s20], [sflag:$0x1] =	stream.indirect.gather @!p0 [hbm4b:s4+s22], $0x40, s17, s22, $0xb8;
	[tilespmem:$0x1E800] =	vst v63  }
0x66: {  	s14 =	sadd.s32 @!p0 $0x400, s14;
	s17 =	simm.s32 @!p0 $0xCA00  }
0x67: {  	[tilespmem:s17], [sflag:$0x1] =	stream.indirect.gather @!p0 [hbm4b:s4+s22], $0x40, s14, s22, $0xb8;
	[tilespmem:$0x1E800] =	vst v63  }
0x68: {  	_ =	swait.ge [sflag:s28], $0x6000  }
0x69: {  	[sflag:s28] =	ssyncset.done $0x0  }
0x6a: {  	s22 =	sadd.s32 $0x4680, s1;
	[sflag:s28] =	ssyncadd.s32 $0xFFFFA000  }
0x6b: {  	[spmem:s2] =	stream.indirect.scatter.add.f32 [tilespmem:s18], [sflag:$0x3], $0x40, s22, s15, $0xb8;
	[tilespmem:$0x1E800] =	vst v63  }
0x6c: {  	_ =	swait.ge [sflag:s13], $0x2000  }
0x6d: {  	[sflag:s13] =	ssyncset.done $0x0  }
0x6e: {  	s24 =	sadd.s32 $0x4700, s1;
	[sflag:s13] =	ssyncadd.s32 $0xFFFFE000  }
0x6f: {  	[spmem:s2] =	stream.indirect.scatter.add.f32 [tilespmem:s21], [sflag:$0x3], $0x40, s24, s15, $0xb8;
	[tilespmem:$0x1E800] =	vst v63  }
0x70: {  	_ =	swait.ge [sflag:s13], $0x2000  }
0x71: {  	[sflag:s13] =	ssyncset.done $0x0  }
0x72: {  	s1 =	sadd.s32 $0x4780, s1;
	[sflag:s13] =	ssyncadd.s32 $0xFFFFE000  }
0x73: {  	[spmem:s2] =	stream.indirect.scatter.add.f32 [tilespmem:s25], [sflag:$0x3], $0x40, s1, s15, $0xb8;
	[tilespmem:$0x1E800] =	vst v63  }
0x74: {  	_ =	swait.ge [sflag:s13], $0x2000  }
0x75: {  	s31 =	sadd.s32 $0xC00, s31;
	p0 =	sge.u32 s30, s5;
	s20 =	rddreg [dreg:$0x3]  }
0x76: {  	s0 =	sshra.s32 @!p0 s0, $0x2;
	s14 =	simm.s32 @!p0 $0xEA00;
	p1 =	sne.s32 s20, s31  }
.Ltmp1:
0x77: {  	s17 =	sadd.s32 @!p0 $0x480, s0;
	[sflag:s13] =	ssyncset.done $0x0;
	(pc) =	sbr.rel @p1 .LBB2_2-.Ltmp1, $4  }
0x78: {  	s22 =	sadd.s32 @!p0 $0x500, s0;
	s1 =	simm.s32 @!p0 $0x80;
	[sflag:s13] =	ssyncadd.s32 $0xFFFFE000  }
0x79: {  	[tilespmem:s14], [sflag:$0x2] =	stream.indirect.gather @!p0 [hbm4b:s4+s1], $0x40, s17, s1, $0xb8;
	[tilespmem:$0x1E800] =	vst v63  }
0x7a: {  	s24 =	simm.s32 @!p0 $0x10A00;
	s14 =	sadd.s32 @!p0 $0x580, s0;
	s17 =	simm.s32 @!p0 $0x12A00  }
0x7b: {  	[tilespmem:s24], [sflag:$0x2] =	stream.indirect.gather @!p0 [hbm4b:s4+s1], $0x40, s22, s1, $0xb8;
	[tilespmem:$0x1E800] =	vst v63  }
.LBB2_3:
0x7c: {  	[tilespmem:s17], [sflag:$0x2] =	stream.indirect.gather @!p0 [hbm4b:s4+s1], $0x40, s14, s1, $0xb8;
	[tilespmem:$0x1E800] =	vst v63  }
0x7d: {  	s29 =	sadd.s32 $0x1, s29  }
0x7e: {  	p0 =	sne.s32 s29, s11  }
.Ltmp2:
0x7f: {  	[bflag:$0x0] =	sbarrier.arrive $0xFFFF;
	(pc) =	sbr.rel @p0 .LBB2_1-.Ltmp2, $4  }
0x80: {  	[hbm:s10], [sflag:s7] =	dma.local [spmem:s12], $0x13C0  }
0x81: {  	_ =	swait.ge [sflag:s13], $0x13C0  }
0x82: {  	[sflag:s13] =	ssyncset.done $0x0  }
0x83: {  	[sflag:s13] =	ssyncadd.s32 $0xFFFFEC40  }
0x84: {  	_ =	sfence.sel $0x180000  }
0x85: {  	[bflag:$0x0] =	sbarrier.arrive $0xFFFF  }
0x86: {  	_ =	strace $0x90000047  }
0x87: {  	s0 =	stileid.u32;
	[bflag:$0x2] =	sbarrier.arrive $0xFFFF  }
0x88: {  	p0 =	sne.s32 s0, $0x0;
	s0 =	rddreg [dreg:$0x2]  }
0x89: {  	s0 =	sadd.s32 @!p0 $0x100000, s0  }
0x8a: {  	[sflag:s0] =	ssyncadd.tile.s32 @!p0 $0x1;
	_ =	shalt  }
.Lfunc_end2:
_tile_overlayer_lowered:
.L_overlay_start_2:
0x8b: {  	(tag) =	ssettag $0x2  }
0x8c: {  	s0 =	rddreg [dreg:$0x0];
	s2 =	stileid.u32  }
0x8d: {  	s1 =	rddreg [dreg:$0x1];
	p0 =	sne.s32 s2, $0x0  }
0x8e: {  	s3 =	rddreg [dreg:$0x2];
	[bflag:$0x3] =	sbarrier.arrive $0xFFFF;
	s2 =	simm.s32 @!p0 $0x1C03  }
0x8f: {  	[timem:s3], [sflag:s2] =	dma.local @!p0 [hbm:s0], s1  }
0x90: {  	s0 =	simm.s32 @!p0 $0x3  }
0x91: {  	_ =	swait.ge @!p0 [sflag:s0], s1  }
0x92: {  	s1 =	ssub.s32 @!p0 $0x0, s1;
	[sflag:s0] =	ssyncset.done @!p0 $0x0  }
0x93: {  	[sflag:s0] =	ssyncadd.s32 @!p0 s1  }
0x94: {  	[bflag:$0x3] =	sbarrier.arrive $0xFFFF  }
0x95: {  	_ =	shalt  }

// kernel: kernel.13.cloned.1.call-start
scs
__scs_entry_jumppad:
0x0: {  	(pc) =	sbr.rel $0x88, $3  }
0x1: {  	(tag) =	ssettag $0x0;
	lr =	simm.s32 $0x1  }
0x2: {  	[smem:$0x3F92] =	sst lr;
	_ =	strace $0xD0000000  }
0x3: {  	_ = 	snop  }
0x4: {  	_ = 	snop  }
0x5: {  	_ = 	snop  }
0x6: {  	_ = 	snop  }
0x7: {  	_ = 	snop  }
__scs_overlays_trampoline_lowered:
0x8: {  	[smem:$0x3FA1] =	sst s0  }
0x9: {  	[smem:$0x3FA2] =	sst s1  }
0xa: {  	[smem:$0x3FA3] =	sst s2  }
0xb: {  	[smem:$0x3FA4] =	sst s3  }
0xc: {  	[smem:$0x3FA5] =	sst s4  }
0xd: {  	[smem:$0x3FA6] =	sst s5  }
0xe: {  	[smem:$0x3FA7] =	sst s6  }
0xf: {  	[smem:$0x3FA8] =	sst s7  }
0x10: {  	[smem:$0x3FA9] =	sst s8  }
0x11: {  	[smem:$0x3FAA] =	sst s9;
	s0 =	simm.s32 @!p0 $0x0  }
0x12: {  	s1 =	sld [smem:$0x3F90];
	s0 =	simm.s32 @p0 $0x1  }
0x13: {  	[smem:$0x3FAB] =	sst s0;
	s0 =	simm.s32 @!p1 $0x0  }
0x14: {  	s2 =	sld [smem:$0x3F8F];
	s0 =	simm.s32 @p1 $0x1  }
0x15: {  	[smem:$0x3FAC] =	sst s0;
	s0 =	simm.s32 @!p2 $0x0  }
0x16: {  	s3 =	sld [smem:$0x3FDB];
	s0 =	simm.s32 @p2 $0x1  }
0x17: {  	s4 =	simm.s32 $0x1BF5;
	[smem:$0x3FAE] =	sst s0  }
0x18: {  	s0 =	sld [smem:$0x3F91];
	_ =	swait.ge [sflag:s4], $0x0  }
0x19: {  	s7 =	sld [smem:$0x3F92]  }
0x1a: {  	s8 =	sadd.s32 $0xFFFFE003, lr  }
0x1b: {  	s9 =	sadd.s32 $0xFFFFFEF7, lr;
	s5 =	simm.s32 $0xFFFFFFFF;
	p2 =	slt.u32 s8, $0xFFFFF086  }
0x1c: {  	p1 =	slt.u32 s9, $0xF7A;
	s5 =	simm.s32 @!p2 $0x0  }
0x1d: {  	s5 =	simm.s32 @p1 $0x1;
	p0 =	seq.s32 s7, s2  }
0x1e: {  	s7 =	smul.u32 @!p0 $0xF7A, s2;
	p2 =	seq.s32 @!p0 s5, $0x0  }
0x1f: {  	s9 =	smul.u32 $0xF7A, s1;
	s8 =	simm.s32 @!p0 $0x1BF5;
	p2 =	por !p2, p0  }
0x20: {  	[sflag:s8] =	ssyncset.s32 @!p0 $0xFFFFF086;
	s6 =	sadd.s32 @!p0 s3, s7;
	s7 =	simm.s32 @!p0 $0x108  }
0x21: {  	s3 =	sadd.s32 s3, s9;
	s6 =	sadd.s32 @!p0 $0x88, s6;
	s7 =	simm.s32 @p2 $0x1082  }
0x22: {  	[simem:s7], [sflag:s8] =	dma.local @!p0 [hbm:s6], $0xF7A  }
0x23: {  	s9 =	sor.u32 $0xD0000000, s2;
	s6 =	simm.s32 $0x108;
	_ =	swait.ge @!p0 [sflag:s8], $0x0  }
0x24: {  	s3 =	sadd.s32 $0x88, s3;
	s6 =	simm.s32 @!p1 $0x1082;
	[sflag:s4] =	ssyncset.s32 $0xFFFFF086  }
0x25: {  	[simem:s6], [sflag:s4] =	dma.local [hbm:s3], $0xF7A  }
0x26: {  	[smem:$0x3F92] =	sst s1;
	(tag) =	ssettag s2;
	_ =	strace s9  }
0x27: {  	s1 =	sld [smem:$0x3FA2]  }
0x28: {  	s2 =	sld [smem:$0x3FA3]  }
0x29: {  	s4 =	sld [smem:$0x3FA5]  }
0x2a: {  	p0 =	seq.s32 s5, $0x0;
	s5 =	sld [smem:$0x3FA6]  }
0x2b: {  	s6 =	sld [smem:$0x3FA7]  }
0x2c: {  	s7 =	sld [smem:$0x3FA8]  }
0x2d: {  	s3 =	simm.s32 $0x108;
	s8 =	sld [smem:$0x3FA9]  }
0x2e: {  	s3 =	simm.s32 @!p0 $0x1082;
	s9 =	sld [smem:$0x3FAA]  }
0x2f: {  	lr =	sadd.s32 s0, s3;
	s0 =	sld [smem:$0x3FA1]  }
0x30: {  	s3 =	sld [smem:$0x3FA4]  }
0x31: {  	[smem:$0x3FAD] =	sst s10  }
0x32: {  	s10 =	sld [smem:$0x3FAB];
	_ =	sdelay $0x3  }
0x33: {  	p0 =	seq.s32 s10, $0x1;
	s10 =	sld [smem:$0x3FAD];
	_ =	sdelay $0x3  }
0x34: {  	[smem:$0x3FAD] =	sst s10  }
0x35: {  	s10 =	sld [smem:$0x3FAC];
	_ =	sdelay $0x3  }
0x36: {  	p1 =	seq.s32 s10, $0x1;
	s10 =	sld [smem:$0x3FAD];
	_ =	sdelay $0x3  }
0x37: {  	[smem:$0x3FAD] =	sst s10  }
0x38: {  	s10 =	sld [smem:$0x3FAE]  }
0x39: {  	_ = 	snop;
	(pc) =	sbr.ind lr, $3  }
0x3a: {  	_ = 	snop  }
0x3b: {  	_ = 	snop  }
0x3c: {  	p2 =	seq.s32 s10, $0x1;
	s10 =	sld [smem:$0x3FAD]  }
0x3d: {  	_ =	shalt  }
0x3e: {  	_ =	shalt  }
0x3f: {  	_ =	shalt  }
0x40: {  	_ =	shalt  }
0x41: {  	_ =	shalt  }
0x42: {  	_ =	shalt  }
0x43: {  	_ =	shalt  }
0x44: {  	_ =	shalt  }
0x45: {  	_ =	shalt  }
0x46: {  	_ =	shalt  }
0x47: {  	_ =	shalt  }
0x48: {  	_ =	shalt  }
0x49: {  	_ =	shalt  }
0x4a: {  	_ =	shalt  }
0x4b: {  	_ =	shalt  }
0x4c: {  	_ =	shalt  }
0x4d: {  	_ =	shalt  }
0x4e: {  	_ =	shalt  }
0x4f: {  	_ =	shalt  }
0x50: {  	_ =	shalt  }
0x51: {  	_ =	shalt  }
0x52: {  	_ =	shalt  }
0x53: {  	_ =	shalt  }
0x54: {  	_ =	shalt  }
0x55: {  	_ =	shalt  }
0x56: {  	_ =	shalt  }
0x57: {  	_ =	shalt  }
0x58: {  	_ =	shalt  }
0x59: {  	_ =	shalt  }
0x5a: {  	_ =	shalt  }
0x5b: {  	_ =	shalt  }
0x5c: {  	_ =	shalt  }
0x5d: {  	_ =	shalt  }
0x5e: {  	_ =	shalt  }
0x5f: {  	_ =	shalt  }
0x60: {  	_ =	shalt  }
0x61: {  	_ =	shalt  }
0x62: {  	_ =	shalt  }
0x63: {  	_ =	shalt  }
0x64: {  	_ =	shalt  }
0x65: {  	_ =	shalt  }
0x66: {  	_ =	shalt  }
0x67: {  	_ =	shalt  }
0x68: {  	_ =	shalt  }
0x69: {  	_ =	shalt  }
0x6a: {  	_ =	shalt  }
0x6b: {  	_ =	shalt  }
0x6c: {  	_ =	shalt  }
0x6d: {  	_ =	shalt  }
0x6e: {  	_ =	shalt  }
0x6f: {  	_ =	shalt  }
0x70: {  	_ =	shalt  }
0x71: {  	_ =	shalt  }
0x72: {  	_ =	shalt  }
0x73: {  	_ =	shalt  }
0x74: {  	_ =	shalt  }
0x75: {  	_ =	shalt  }
0x76: {  	_ =	shalt  }
0x77: {  	_ =	shalt  }
0x78: {  	_ =	shalt  }
0x79: {  	_ =	shalt  }
0x7a: {  	_ =	shalt  }
0x7b: {  	_ =	shalt  }
0x7c: {  	_ =	shalt  }
0x7d: {  	_ =	shalt  }
0x7e: {  	_ =	shalt  }
0x7f: {  	_ =	shalt  }
0x80: {  	_ =	shalt  }
0x81: {  	_ =	shalt  }
0x82: {  	_ =	shalt  }
0x83: {  	_ =	shalt  }
0x84: {  	_ =	shalt  }
0x85: {  	_ =	shalt  }
0x86: {  	_ =	shalt  }
0x87: {  	_ =	shalt  }
.Lfunc_end0:
.L_simem_size_0:
called_computation.1_lowered:
.L_overlay_start_0:
0x88: {  	s2 =	sld [smem:$0x3FD9]  }
0x89: {  	s3 =	sld [smem:$0x3FFE];
	_ =	sdelay $0x1  }
0x8a: {  	s1 =	srdreg.scid  }
0x8b: {  	s0 =	sand.u32 $0x1, s1  }
0x8c: {  	s16 =	sshll.u32 s0, $0xA;
	s2 =	sadd.s32 s3, s2  }
0x8d: {  	s2 =	sadd.s32 s2, s16  }
0x8e: {  	[smem:$0x3FB9] =	sst s2  }
0x8f: {  	_ = 	snop  }
0x90: {  	(tm) =	ssettm $0x1  }
0x91: {  	s17 =	sld [smem:$0x3FFB];
	_ =	sdelay $0x3  }
0x92: {  	_ =	strace s17  }
0x93: {  	s2 =	sld [smem:$0x3FFC];
	_ =	sdelay $0x3  }
0x94: {  	_ =	strace s2  }
0x95: {  	s2 =	sld [smem:$0x3FFD];
	_ =	sdelay $0x3  }
0x96: {  	_ =	strace s2  }
0x97: {  	_ =	strace $0x8FFFFFFF  }
0x98: {  	s18 =	sld [smem:$0x3FDB];
	_ =	sdelay $0x1  }
0x99: {  	s19 =	simm.s32 $_scs_section_size  }
0x9a: {  	s4 =	simm.s32 $_size__tile_overlayer_lowered;
	s5 =	simm.s32 $_tile_overlayer_lowered  }
0x9b: {  	s22 =	simm.s32 $0x1BFF;
	s21 =	sshll.u32 s5, $0x1;
	s2 =	sadd.s32 s19, s18  }
0x9c: {  	s6 =	simm.s32 $0x0;
	s20 =	sshll.u32 s4, $0x1;
	s4 =	sadd.s32 s21, s2  }
0x9d: {  	[timem:s6], [sflag:s22] =	dma.local [hbm:s4], s20  }
0x9e: {  	_ =	swait.ge [sflag:s22], s20  }
0x9f: {  	s3 =	ssub.s32 $0x0, s20;
	[sflag:s22] =	ssyncset.done $0x0  }
0xa0: {  	[sflag:s22] =	ssyncadd.s32 s3;
	_ =	sdelay $0x1  }
0xa1: {  	s23 =	simm.s32 $0x1B8B  }
0xa2: {  	_ =	swait.ge [sflag:s23], $0x1  }
0xa3: {  	[sflag:s23] =	ssyncset.done $0x0  }
0xa4: {  	s25 =	simm.s32 $0x1B8E;
	s24 =	sld [smem:$0x3FFE];
	[sflag:s23] =	ssyncadd.s32 $0xFFFFFFFF  }
0xa5: {  	s26 =	simm.s32 $execute0_lowered;
	[smem:$0x3FD2] =	sst s25  }
0xa6: {  	s4 =	sshll.u32 s26, $0x1;
	_ =	strace $0x80000049;
	[dreg:$0x1] =	wrdreg $0xFFFFFFFF  }
0xa7: {  	s28 =	simm.s32 $_size_execute0_lowered;
	s2 =	sadd.s32 s2, s4;
	[dreg:$0x0] =	wrdreg $0x0  }
0xa8: {  	s4 =	sshll.u32 s28, $0x1;
	[dreg:$0x2] =	wrdreg s2  }
0xa9: {  	[dreg:$0x3] =	wrdreg s4  }
0xaa: {  	[dreg:$0x4] =	wrdreg $0xC0  }
0xab: {  	_ =	task [dreg:s6], $0x5FFFF  }
0xac: {  	[dreg:$0x1] =	wrdreg $0xFFFFFFFF  }
0xad: {  	[dreg:$0x0] =	wrdreg $0x60  }
0xae: {  	[dreg:$0x2] =	wrdreg s24  }
0xaf: {  	[dreg:$0x3] =	wrdreg $0x14A000  }
0xb0: {  	[dreg:$0x4] =	wrdreg $0x9  }
0xb1: {  	_ =	task.clear_ibuf [dreg:s6], $0x5FFFF;
	_ =	strace $0x90000049  }
0xb2: {  	s29 =	simm.s32 $0x9;
	_ =	strace $0x8000004B  }
0xb3: {  	_ =	swait.ge [sflag:s29], $0x1  }
0xb4: {  	[sflag:s29] =	ssyncadd.s32 $0xFFFFFFFF  }
0xb5: {  	_ =	strace $0x9000004B  }
0xb6: {  	_ =	sfence  }
0xb7: {  	s30 =	sld [smem:$0x0];
	_ =	sdelay $0x2  }
0xb8: {  	s31 =	sshll.u32 s1, $0xD;
	s1 =	sshrl.u32 s1, $0x2  }
0xb9: {  	s3 =	sand.u32 $0x4000, s31;
	s1 =	sadd.s32 s1, s30  }
0xba: {  	s0 =	sor.u32 s3, s0;
	s1 =	sshll.u32 s1, $0x11  }
0xbb: {  	s0 =	sor.u32 s1, s0  }
0xbc: {  	s0 =	sadd.s32 $0x8F2B, s0  }
0xbd: {  	[sflag:s0] =	ssyncadd.remote.s32 $0x1  }
0xbe: {  	_ =	sfence.sel $0xFFFF  }
0xbf: {  	[dreg:$0x0] =	wrdreg $0xFFFFFFFF;
	(pc) =	sbr.abs _section_cstart, $3  }
0xc0: {  	[dreg:$0x1] =	wrdreg $0xFFFFFFFF  }
0xc1: {  	_ =	task.clear_ibuf [dreg:s6], $0x2FFFF;
	_ =	strace $0x9FFFFFFF  }
0xc2: {  	(tm) =	ssettm $0x7FFFFFFF  }
0xc3: {  	_ =	shalt  }
tec
execute0_lowered:
.L_overlay_start_1:
0x0: {  	(tag) =	ssettag $0x1  }
0x1: {  	s0 =	rddreg [dreg:$0x0]  }
0x2: {  	s2 =	rddreg [dreg:$0x1];
	s13 =	stileid.u32;
	s3 =	simm.s32 $0x0  }
0x3: {  	s1 =	srdreg.scid;
	s15 =	simm.s32 $0x80;
	s16 =	simm.s32 $0x8A00  }
0x4: {  	s18 =	simm.s32 $0xEA00;
	s19 =	simm.s32 $0xAA00;
	s21 =	simm.s32 $0x10A00  }
0x5: {  	s23 =	simm.s32 $0xCA00;
	s28 =	simm.s32 $0x2;
	s4 =	smul.u32 $0x8A, s13  }
0x6: {  	s29 =	simm.s32 $0x0;
	[smem:$0x7FF] =	sst s3;
	s5 =	smul.u32 $0x18, s13  }
0x7: {  	s1 =	sand.u32 $0x1, s1;
	s7 =	smul.u32 $0x9E00, s13;
	s26 =	sshll.u32 s13, $0x6  }
0x8: {  	s13 =	simm.s32 $0x3;
	p0 =	seq.s32 s1, $0x0;
	s6 =	sadd.s32 $0x180, s4  }
0x9: {  	_ =	strace $0x8000004A;
	s8 =	smul.u32 $0x9E000, s1;
	s6 =	smov.u32 @p0 s5  }
0xa: {  	s1 =	ssub.s32 $0x2, s1;
	s4 =	sadd.s32 $0x2200, s0;
	s5 =	sshll.u32 s6, $0x4  }
0xb: {  	s25 =	sshrl.u32 s7, $0x3;
	s9 =	sadd.s32 s5, s0;
	s5 =	simm.s32 $0x18  }
0xc: {  	s10 =	sshrl.u32 s1, $0x1;
	s12 =	sadd.s32 s7, s2;
	s5 =	simm.s32 @!p0 $0x8A  }
0xd: {  	s8 =	sadd.s32 s7, s8;
	s1 =	ssub.s32 s1, s10;
	s11 =	smul.u32 $0xAB, s5  }
0xe: {  	s7 =	sor.u32 $0x1C03, s26;
	s12 =	sshrl.u32 s12, $0x3;
	s26 =	simm.s32 $0x1  }
0xf: {  	s6 =	sadd.s32 s25, s0;
	s8 =	sshrl.u32 s8, $0x3;
	s30 =	sshrl.u32 s11, $0xA  }
0x10: {  	s25 =	simm.s32 $0x12A00;
	s0 =	sadd.s32 s8, s0;
	s31 =	smul.u32 $0xC00, s30  }
0x11: {  	s6 =	sadd.s32 $0x2B400, s6;
	s8 =	sadd.s32 $0x20800, s9;
	s9 =	sadd.s32 $0x15C00, s9  }
0x12: {  	s10 =	sadd.s32 $0x3F000, s0;
	s11 =	smax.u32 s1, $0x1;
	[dreg:$0x3] =	wrdreg s31  }
.LBB2_1:
0x13: {  	[spmem:s12], [sflag:s7] =	dma.local [hbm:s6], $0x13C0  }
0x14: {  	_ =	swait.ge [sflag:s13], $0x13C0  }
0x15: {  	[sflag:s13] =	ssyncset.done $0x0  }
0x16: {  	[sflag:s13] =	ssyncadd.s32 $0xFFFFEC40  }
0x17: {  	[tilespmem:s3], [sflag:$0x3] =	stream.linear.gather [hbm4b:s8+s3], $0x4500, $0x38;
	[tilespmem:$0x1E800] =	vst v63  }
0x18: {  	_ =	swait.ge [sflag:s13], $0x4500  }
0x19: {  	[sflag:s13] =	ssyncset.done $0x0  }
0x1a: {  	s0 =	simm.s32 $0x4500;
	[sflag:s13] =	ssyncadd.s32 $0xFFFFBB00  }
0x1b: {  	[tilespmem:s0], [sflag:$0x3] =	stream.linear.gather [hbm4b:s9+s3], $0x4500, $0x38;
	[tilespmem:$0x1E800] =	vst v63  }
0x1c: {  	_ =	swait.ge [sflag:s13], $0x4500  }
0x1d: {  	[sflag:s13] =	ssyncset.done $0x0  }
0x1e: {  	[sflag:s13] =	ssyncadd.s32 $0xFFFFBB00  }
0x1f: {  	[bflag:$0x0] =	sbarrier.arrive $0xFFFF  }
0x20: {  	[tilespmem:s16], [sflag:$0x1] =	stream.indirect.gather [hbm4b:s4+s15], $0x40, s3, s15, $0xb8;
	[tilespmem:$0x1E800] =	vst v63  }
0x21: {  	s14 =	simm.s32 $0x180  }
0x22: {  	[tilespmem:s18], [sflag:$0x2] =	stream.indirect.gather [hbm4b:s4+s15], $0x40, s14, s15, $0xb8;
	[tilespmem:$0x1E800] =	vst v63  }
0x23: {  	_ = 	snop  }
0x24: {  	[tilespmem:s19], [sflag:$0x1] =	stream.indirect.gather [hbm4b:s4+s15], $0x40, s15, s15, $0xb8;
	[tilespmem:$0x1E800] =	vst v63  }
0x25: {  	s17 =	simm.s32 $0x200  }
0x26: {  	[tilespmem:s21], [sflag:$0x2] =	stream.indirect.gather [hbm4b:s4+s15], $0x40, s17, s15, $0xb8;
	[tilespmem:$0x1E800] =	vst v63  }
0x27: {  	s20 =	simm.s32 $0x100  }
0x28: {  	[tilespmem:s23], [sflag:$0x1] =	stream.indirect.gather [hbm4b:s4+s15], $0x40, s20, s15, $0xb8;
	[tilespmem:$0x1E800] =	vst v63  }
0x29: {  	s22 =	simm.s32 $0x280  }
0x2a: {  	[tilespmem:s25], [sflag:$0x2] =	stream.indirect.gather [hbm4b:s4+s15], $0x40, s22, s15, $0xb8;
	[tilespmem:$0x1E800] =	vst v63  }
0x2b: {  	_ =	swait.ge [sflag:s26], $0x6000  }
0x2c: {  	[sflag:s26] =	ssyncset.done $0x0  }
0x2d: {  	s24 =	simm.s32 $0x4500;
	[sflag:s26] =	ssyncadd.s32 $0xFFFFA000  }
0x2e: {  	[spmem:s2] =	stream.indirect.scatter.add.f32 [tilespmem:s16], [sflag:$0x3], $0x40, s24, s15, $0xb8;
	[tilespmem:$0x1E800] =	vst v63  }
0x2f: {  	_ =	swait.ge [sflag:s13], $0x2000  }
0x30: {  	[sflag:s13] =	ssyncset.done $0x0  }
0x31: {  	s1 =	simm.s32 $0x4580;
	[sflag:s13] =	ssyncadd.s32 $0xFFFFE000  }
0x32: {  	[spmem:s2] =	stream.indirect.scatter.add.f32 [tilespmem:s19], [sflag:$0x3], $0x40, s1, s15, $0xb8;
	[tilespmem:$0x1E800] =	vst v63  }
0x33: {  	_ =	swait.ge [sflag:s13], $0x2000  }
0x34: {  	[sflag:s13] =	ssyncset.done $0x0  }
0x35: {  	s14 =	simm.s32 $0x4600;
	[sflag:s13] =	ssyncadd.s32 $0xFFFFE000  }
0x36: {  	[spmem:s2] =	stream.indirect.scatter.add.f32 [tilespmem:s23], [sflag:$0x3], $0x40, s14, s15, $0xb8;
	[tilespmem:$0x1E800] =	vst v63  }
0x37: {  	p0 =	sle.u32 s5, $0x6;
	_ =	swait.ge [sflag:s13], $0x2000  }
0x38: {  	s0 =	simm.s32 @!p0 $0x8A00;
	[sflag:s13] =	ssyncset.done $0x0  }
0x39: {  	s1 =	simm.s32 @!p0 $0x300;
	s14 =	simm.s32 @!p0 $0x80;
	[sflag:s13] =	ssyncadd.s32 $0xFFFFE000  }
0x3a: {  	[tilespmem:s0], [sflag:$0x1] =	stream.indirect.gather @!p0 [hbm4b:s4+s14], $0x40, s1, s14, $0xb8;
	[tilespmem:$0x1E800] =	vst v63  }
0x3b: {  	s0 =	simm.s32 @!p0 $0x380;
	s1 =	simm.s32 @!p0 $0xAA00  }
0x3c: {  	[tilespmem:s1], [sflag:$0x1] =	stream.indirect.gather @!p0 [hbm4b:s4+s14], $0x40, s0, s14, $0xb8;
	[tilespmem:$0x1E800] =	vst v63  }
0x3d: {  	s0 =	simm.s32 @!p0 $0x400;
	s1 =	simm.s32 @!p0 $0xCA00  }
0x3e: {  	[tilespmem:s1], [sflag:$0x1] =	stream.indirect.gather @!p0 [hbm4b:s4+s14], $0x40, s0, s14, $0xb8;
	[tilespmem:$0x1E800] =	vst v63  }
0x3f: {  	_ =	swait.ge [sflag:s28], $0x6000  }
0x40: {  	[sflag:s28] =	ssyncset.done $0x0  }
0x41: {  	s17 =	simm.s32 $0x4680;
	[sflag:s28] =	ssyncadd.s32 $0xFFFFA000  }
0x42: {  	[spmem:s2] =	stream.indirect.scatter.add.f32 [tilespmem:s18], [sflag:$0x3], $0x40, s17, s15, $0xb8;
	[tilespmem:$0x1E800] =	vst v63  }
0x43: {  	_ =	swait.ge [sflag:s13], $0x2000  }
0x44: {  	[sflag:s13] =	ssyncset.done $0x0  }
0x45: {  	s20 =	simm.s32 $0x4700;
	[sflag:s13] =	ssyncadd.s32 $0xFFFFE000  }
0x46: {  	[spmem:s2] =	stream.indirect.scatter.add.f32 [tilespmem:s21], [sflag:$0x3], $0x40, s20, s15, $0xb8;
	[tilespmem:$0x1E800] =	vst v63  }
0x47: {  	_ =	swait.ge [sflag:s13], $0x2000  }
0x48: {  	[sflag:s13] =	ssyncset.done $0x0  }
0x49: {  	s22 =	simm.s32 $0x4780;
	[sflag:s13] =	ssyncadd.s32 $0xFFFFE000  }
0x4a: {  	[spmem:s2] =	stream.indirect.scatter.add.f32 [tilespmem:s25], [sflag:$0x3], $0x40, s22, s15, $0xb8;
	[tilespmem:$0x1E800] =	vst v63  }
0x4b: {  	p0 =	sle.u32 s5, $0x9;
	_ =	swait.ge [sflag:s13], $0x2000  }
0x4c: {  	s1 =	simm.s32 @!p0 $0x80;
	s24 =	rddreg [dreg:$0x3]  }
0x4d: {  	s14 =	simm.s32 @!p0 $0xEA00;
	[sflag:s13] =	ssyncset.done $0x0;
	p1 =	sne.s32 s24, $0xC00  }
.Ltmp0:
0x4e: {  	s17 =	simm.s32 @!p0 $0x480;
	[sflag:s13] =	ssyncadd.s32 $0xFFFFE000;
	(pc) =	sbr.rel @!p1 .LBB2_3-.Ltmp0, $4  }
0x4f: {  	[tilespmem:s14], [sflag:$0x2] =	stream.indirect.gather @!p0 [hbm4b:s4+s1], $0x40, s17, s1, $0xb8;
	[tilespmem:$0x1E800] =	vst v63  }
0x50: {  	s30 =	simm.s32 $0x9;
	s14 =	simm.s32 @!p0 $0x500;
	s17 =	simm.s32 @!p0 $0x10A00  }
0x51: {  	[tilespmem:s17], [sflag:$0x2] =	stream.indirect.gather @!p0 [hbm4b:s4+s1], $0x40, s14, s1, $0xb8;
	[tilespmem:$0x1E800] =	vst v63  }
0x52: {  	s31 =	simm.s32 $0xC00;
	s14 =	simm.s32 @!p0 $0x580;
	s17 =	simm.s32 @!p0 $0x12A00  }
.LBB2_2:
0x53: {  	[tilespmem:s17], [sflag:$0x2] =	stream.indirect.gather @!p0 [hbm4b:s4+s1], $0x40, s14, s1, $0xb8;
	[tilespmem:$0x1E800] =	vst v63  }
0x54: {  	s0 =	smov.u32 s31;
	_ =	swait.ge [sflag:s26], $0x6000  }
0x55: {  	s1 =	sshra.s32 s0, $0x2;
	[sflag:s26] =	ssyncset.done $0x0  }
0x56: {  	s22 =	sadd.s32 $0x4500, s1;
	[sflag:s26] =	ssyncadd.s32 $0xFFFFA000  }
0x57: {  	[spmem:s2] =	stream.indirect.scatter.add.f32 [tilespmem:s16], [sflag:$0x3], $0x40, s22, s15, $0xb8;
	[tilespmem:$0x1E800] =	vst v63  }
0x58: {  	_ =	swait.ge [sflag:s13], $0x2000  }
0x59: {  	[sflag:s13] =	ssyncset.done $0x0  }
0x5a: {  	s24 =	sadd.s32 $0x4580, s1;
	[sflag:s13] =	ssyncadd.s32 $0xFFFFE000  }
0x5b: {  	[spmem:s2] =	stream.indirect.scatter.add.f32 [tilespmem:s19], [sflag:$0x3], $0x40, s24, s15, $0xb8;
	[tilespmem:$0x1E800] =	vst v63  }
0x5c: {  	s30 =	sadd.s32 $0x6, s30;
	_ =	swait.ge [sflag:s13], $0x2000  }
0x5d: {  	s20 =	sadd.s32 $0xFFFFFFFD, s30;
	[sflag:s13] =	ssyncset.done $0x0  }
0x5e: {  	s17 =	sadd.s32 $0x4600, s1;
	p0 =	sge.u32 s20, s5;
	[sflag:s13] =	ssyncadd.s32 $0xFFFFE000  }
0x5f: {  	[spmem:s2] =	stream.indirect.scatter.add.f32 [tilespmem:s23], [sflag:$0x3], $0x40, s17, s15, $0xb8;
	[tilespmem:$0x1E800] =	vst v63  }
0x60: {  	s14 =	sshra.s32 @!p0 s0, $0x2;
	_ =	swait.ge [sflag:s13], $0x2000  }
0x61: {  	s20 =	sadd.s32 @!p0 $0x300, s14;
	[sflag:s13] =	ssyncset.done $0x0  }
0x62: {  	s22 =	simm.s32 @!p0 $0x80;
	s17 =	simm.s32 @!p0 $0x8A00;
	[sflag:s13] =	ssyncadd.s32 $0xFFFFE000  }
0x63: {  	[tilespmem:s17], [sflag:$0x1] =	stream.indirect.gather @!p0 [hbm4b:s4+s22], $0x40, s20, s22, $0xb8;
	[tilespmem:$0x1E800] =	vst v63  }
0x64: {  	s17 =	sadd.s32 @!p0 $0x380, s14;
	s20 =	simm.s32 @!p0 $0xAA00  }
0x65: {  	[tilespmem:s20], [sflag:$0x1] =	stream.indirect.gather @!p0 [hbm4b:s4+s22], $0x40, s17, s22, $0xb8;
	[tilespmem:$0x1E800] =	vst v63  }
0x66: {  	s14 =	sadd.s32 @!p0 $0x400, s14;
	s17 =	simm.s32 @!p0 $0xCA00  }
0x67: {  	[tilespmem:s17], [sflag:$0x1] =	stream.indirect.gather @!p0 [hbm4b:s4+s22], $0x40, s14, s22, $0xb8;
	[tilespmem:$0x1E800] =	vst v63  }
0x68: {  	_ =	swait.ge [sflag:s28], $0x6000  }
0x69: {  	[sflag:s28] =	ssyncset.done $0x0  }
0x6a: {  	s22 =	sadd.s32 $0x4680, s1;
	[sflag:s28] =	ssyncadd.s32 $0xFFFFA000  }
0x6b: {  	[spmem:s2] =	stream.indirect.scatter.add.f32 [tilespmem:s18], [sflag:$0x3], $0x40, s22, s15, $0xb8;
	[tilespmem:$0x1E800] =	vst v63  }
0x6c: {  	_ =	swait.ge [sflag:s13], $0x2000  }
0x6d: {  	[sflag:s13] =	ssyncset.done $0x0  }
0x6e: {  	s24 =	sadd.s32 $0x4700, s1;
	[sflag:s13] =	ssyncadd.s32 $0xFFFFE000  }
0x6f: {  	[spmem:s2] =	stream.indirect.scatter.add.f32 [tilespmem:s21], [sflag:$0x3], $0x40, s24, s15, $0xb8;
	[tilespmem:$0x1E800] =	vst v63  }
0x70: {  	_ =	swait.ge [sflag:s13], $0x2000  }
0x71: {  	[sflag:s13] =	ssyncset.done $0x0  }
0x72: {  	s1 =	sadd.s32 $0x4780, s1;
	[sflag:s13] =	ssyncadd.s32 $0xFFFFE000  }
0x73: {  	[spmem:s2] =	stream.indirect.scatter.add.f32 [tilespmem:s25], [sflag:$0x3], $0x40, s1, s15, $0xb8;
	[tilespmem:$0x1E800] =	vst v63  }
0x74: {  	_ =	swait.ge [sflag:s13], $0x2000  }
0x75: {  	s31 =	sadd.s32 $0xC00, s31;
	p0 =	sge.u32 s30, s5;
	s20 =	rddreg [dreg:$0x3]  }
0x76: {  	s0 =	sshra.s32 @!p0 s0, $0x2;
	s14 =	simm.s32 @!p0 $0xEA00;
	p1 =	sne.s32 s20, s31  }
.Ltmp1:
0x77: {  	s17 =	sadd.s32 @!p0 $0x480, s0;
	[sflag:s13] =	ssyncset.done $0x0;
	(pc) =	sbr.rel @p1 .LBB2_2-.Ltmp1, $4  }
0x78: {  	s22 =	sadd.s32 @!p0 $0x500, s0;
	s1 =	simm.s32 @!p0 $0x80;
	[sflag:s13] =	ssyncadd.s32 $0xFFFFE000  }
0x79: {  	[tilespmem:s14], [sflag:$0x2] =	stream.indirect.gather @!p0 [hbm4b:s4+s1], $0x40, s17, s1, $0xb8;
	[tilespmem:$0x1E800] =	vst v63  }
0x7a: {  	s24 =	simm.s32 @!p0 $0x10A00;
	s14 =	sadd.s32 @!p0 $0x580, s0;
	s17 =	simm.s32 @!p0 $0x12A00  }
0x7b: {  	[tilespmem:s24], [sflag:$0x2] =	stream.indirect.gather @!p0 [hbm4b:s4+s1], $0x40, s22, s1, $0xb8;
	[tilespmem:$0x1E800] =	vst v63  }
.LBB2_3:
0x7c: {  	[tilespmem:s17], [sflag:$0x2] =	stream.indirect.gather @!p0 [hbm4b:s4+s1], $0x40, s14, s1, $0xb8;
	[tilespmem:$0x1E800] =	vst v63  }
0x7d: {  	s29 =	sadd.s32 $0x1, s29  }
0x7e: {  	p0 =	sne.s32 s29, s11  }
.Ltmp2:
0x7f: {  	[bflag:$0x0] =	sbarrier.arrive $0xFFFF;
	(pc) =	sbr.rel @p0 .LBB2_1-.Ltmp2, $4  }
0x80: {  	[hbm:s10], [sflag:s7] =	dma.local [spmem:s12], $0x13C0  }
0x81: {  	_ =	swait.ge [sflag:s13], $0x13C0  }
0x82: {  	[sflag:s13] =	ssyncset.done $0x0  }
0x83: {  	[sflag:s13] =	ssyncadd.s32 $0xFFFFEC40  }
0x84: {  	_ =	sfence.sel $0x180000  }
0x85: {  	[bflag:$0x0] =	sbarrier.arrive $0xFFFF  }
0x86: {  	_ =	strace $0x9000004A  }
0x87: {  	s0 =	stileid.u32;
	[bflag:$0x2] =	sbarrier.arrive $0xFFFF  }
0x88: {  	p0 =	sne.s32 s0, $0x0;
	s0 =	rddreg [dreg:$0x2]  }
0x89: {  	s0 =	sadd.s32 @!p0 $0x100000, s0  }
0x8a: {  	[sflag:s0] =	ssyncadd.tile.s32 @!p0 $0x1;
	_ =	shalt  }
.Lfunc_end2:
_tile_overlayer_lowered:
.L_overlay_start_2:
0x8b: {  	(tag) =	ssettag $0x2  }
0x8c: {  	s0 =	rddreg [dreg:$0x0];
	s2 =	stileid.u32  }
0x8d: {  	s1 =	rddreg [dreg:$0x1];
	p0 =	sne.s32 s2, $0x0  }
0x8e: {  	s3 =	rddreg [dreg:$0x2];
	[bflag:$0x3] =	sbarrier.arrive $0xFFFF;
	s2 =	simm.s32 @!p0 $0x1C03  }
0x8f: {  	[timem:s3], [sflag:s2] =	dma.local @!p0 [hbm:s0], s1  }
0x90: {  	s0 =	simm.s32 @!p0 $0x3  }
0x91: {  	_ =	swait.ge @!p0 [sflag:s0], s1  }
0x92: {  	s1 =	ssub.s32 @!p0 $0x0, s1;
	[sflag:s0] =	ssyncset.done @!p0 $0x0  }
0x93: {  	[sflag:s0] =	ssyncadd.s32 @!p0 s1  }
0x94: {  	[bflag:$0x3] =	sbarrier.arrive $0xFFFF  }
0x95: {  	_ =	shalt  }

// kernel: kernel.16.cloned.1.call-start
scs
__scs_entry_jumppad:
0x0: {  	(pc) =	sbr.rel $0x88, $3  }
0x1: {  	(tag) =	ssettag $0x0;
	lr =	simm.s32 $0x1  }
0x2: {  	[smem:$0x3F92] =	sst lr;
	_ =	strace $0xD0000000  }
0x3: {  	_ = 	snop  }
0x4: {  	_ = 	snop  }
0x5: {  	_ = 	snop  }
0x6: {  	_ = 	snop  }
0x7: {  	_ = 	snop  }
__scs_overlays_trampoline_lowered:
0x8: {  	[smem:$0x3FA1] =	sst s0  }
0x9: {  	[smem:$0x3FA2] =	sst s1  }
0xa: {  	[smem:$0x3FA3] =	sst s2  }
0xb: {  	[smem:$0x3FA4] =	sst s3  }
0xc: {  	[smem:$0x3FA5] =	sst s4  }
0xd: {  	[smem:$0x3FA6] =	sst s5  }
0xe: {  	[smem:$0x3FA7] =	sst s6  }
0xf: {  	[smem:$0x3FA8] =	sst s7  }
0x10: {  	[smem:$0x3FA9] =	sst s8  }
0x11: {  	[smem:$0x3FAA] =	sst s9;
	s0 =	simm.s32 @!p0 $0x0  }
0x12: {  	s1 =	sld [smem:$0x3F90];
	s0 =	simm.s32 @p0 $0x1  }
0x13: {  	[smem:$0x3FAB] =	sst s0;
	s0 =	simm.s32 @!p1 $0x0  }
0x14: {  	s2 =	sld [smem:$0x3F8F];
	s0 =	simm.s32 @p1 $0x1  }
0x15: {  	[smem:$0x3FAC] =	sst s0;
	s0 =	simm.s32 @!p2 $0x0  }
0x16: {  	s3 =	sld [smem:$0x3FDB];
	s0 =	simm.s32 @p2 $0x1  }
0x17: {  	s4 =	simm.s32 $0x1BF5;
	[smem:$0x3FAE] =	sst s0  }
0x18: {  	s0 =	sld [smem:$0x3F91];
	_ =	swait.ge [sflag:s4], $0x0  }
0x19: {  	s7 =	sld [smem:$0x3F92]  }
0x1a: {  	s8 =	sadd.s32 $0xFFFFE003, lr  }
0x1b: {  	s9 =	sadd.s32 $0xFFFFFEF7, lr;
	s5 =	simm.s32 $0xFFFFFFFF;
	p2 =	slt.u32 s8, $0xFFFFF086  }
0x1c: {  	p1 =	slt.u32 s9, $0xF7A;
	s5 =	simm.s32 @!p2 $0x0  }
0x1d: {  	s5 =	simm.s32 @p1 $0x1;
	p0 =	seq.s32 s7, s2  }
0x1e: {  	s7 =	smul.u32 @!p0 $0xF7A, s2;
	p2 =	seq.s32 @!p0 s5, $0x0  }
0x1f: {  	s9 =	smul.u32 $0xF7A, s1;
	s8 =	simm.s32 @!p0 $0x1BF5;
	p2 =	por !p2, p0  }
0x20: {  	[sflag:s8] =	ssyncset.s32 @!p0 $0xFFFFF086;
	s6 =	sadd.s32 @!p0 s3, s7;
	s7 =	simm.s32 @!p0 $0x108  }
0x21: {  	s3 =	sadd.s32 s3, s9;
	s6 =	sadd.s32 @!p0 $0x88, s6;
	s7 =	simm.s32 @p2 $0x1082  }
0x22: {  	[simem:s7], [sflag:s8] =	dma.local @!p0 [hbm:s6], $0xF7A  }
0x23: {  	s9 =	sor.u32 $0xD0000000, s2;
	s6 =	simm.s32 $0x108;
	_ =	swait.ge @!p0 [sflag:s8], $0x0  }
0x24: {  	s3 =	sadd.s32 $0x88, s3;
	s6 =	simm.s32 @!p1 $0x1082;
	[sflag:s4] =	ssyncset.s32 $0xFFFFF086  }
0x25: {  	[simem:s6], [sflag:s4] =	dma.local [hbm:s3], $0xF7A  }
0x26: {  	[smem:$0x3F92] =	sst s1;
	(tag) =	ssettag s2;
	_ =	strace s9  }
0x27: {  	s1 =	sld [smem:$0x3FA2]  }
0x28: {  	s2 =	sld [smem:$0x3FA3]  }
0x29: {  	s4 =	sld [smem:$0x3FA5]  }
0x2a: {  	p0 =	seq.s32 s5, $0x0;
	s5 =	sld [smem:$0x3FA6]  }
0x2b: {  	s6 =	sld [smem:$0x3FA7]  }
0x2c: {  	s7 =	sld [smem:$0x3FA8]  }
0x2d: {  	s3 =	simm.s32 $0x108;
	s8 =	sld [smem:$0x3FA9]  }
0x2e: {  	s3 =	simm.s32 @!p0 $0x1082;
	s9 =	sld [smem:$0x3FAA]  }
0x2f: {  	lr =	sadd.s32 s0, s3;
	s0 =	sld [smem:$0x3FA1]  }
0x30: {  	s3 =	sld [smem:$0x3FA4]  }
0x31: {  	[smem:$0x3FAD] =	sst s10  }
0x32: {  	s10 =	sld [smem:$0x3FAB];
	_ =	sdelay $0x3  }
0x33: {  	p0 =	seq.s32 s10, $0x1;
	s10 =	sld [smem:$0x3FAD];
	_ =	sdelay $0x3  }
0x34: {  	[smem:$0x3FAD] =	sst s10  }
0x35: {  	s10 =	sld [smem:$0x3FAC];
	_ =	sdelay $0x3  }
0x36: {  	p1 =	seq.s32 s10, $0x1;
	s10 =	sld [smem:$0x3FAD];
	_ =	sdelay $0x3  }
0x37: {  	[smem:$0x3FAD] =	sst s10  }
0x38: {  	s10 =	sld [smem:$0x3FAE]  }
0x39: {  	_ = 	snop;
	(pc) =	sbr.ind lr, $3  }
0x3a: {  	_ = 	snop  }
0x3b: {  	_ = 	snop  }
0x3c: {  	p2 =	seq.s32 s10, $0x1;
	s10 =	sld [smem:$0x3FAD]  }
0x3d: {  	_ =	shalt  }
0x3e: {  	_ =	shalt  }
0x3f: {  	_ =	shalt  }
0x40: {  	_ =	shalt  }
0x41: {  	_ =	shalt  }
0x42: {  	_ =	shalt  }
0x43: {  	_ =	shalt  }
0x44: {  	_ =	shalt  }
0x45: {  	_ =	shalt  }
0x46: {  	_ =	shalt  }
0x47: {  	_ =	shalt  }
0x48: {  	_ =	shalt  }
0x49: {  	_ =	shalt  }
0x4a: {  	_ =	shalt  }
0x4b: {  	_ =	shalt  }
0x4c: {  	_ =	shalt  }
0x4d: {  	_ =	shalt  }
0x4e: {  	_ =	shalt  }
0x4f: {  	_ =	shalt  }
0x50: {  	_ =	shalt  }
0x51: {  	_ =	shalt  }
0x52: {  	_ =	shalt  }
0x53: {  	_ =	shalt  }
0x54: {  	_ =	shalt  }
0x55: {  	_ =	shalt  }
0x56: {  	_ =	shalt  }
0x57: {  	_ =	shalt  }
0x58: {  	_ =	shalt  }
0x59: {  	_ =	shalt  }
0x5a: {  	_ =	shalt  }
0x5b: {  	_ =	shalt  }
0x5c: {  	_ =	shalt  }
0x5d: {  	_ =	shalt  }
0x5e: {  	_ =	shalt  }
0x5f: {  	_ =	shalt  }
0x60: {  	_ =	shalt  }
0x61: {  	_ =	shalt  }
0x62: {  	_ =	shalt  }
0x63: {  	_ =	shalt  }
0x64: {  	_ =	shalt  }
0x65: {  	_ =	shalt  }
0x66: {  	_ =	shalt  }
0x67: {  	_ =	shalt  }
0x68: {  	_ =	shalt  }
0x69: {  	_ =	shalt  }
0x6a: {  	_ =	shalt  }
0x6b: {  	_ =	shalt  }
0x6c: {  	_ =	shalt  }
0x6d: {  	_ =	shalt  }
0x6e: {  	_ =	shalt  }
0x6f: {  	_ =	shalt  }
0x70: {  	_ =	shalt  }
0x71: {  	_ =	shalt  }
0x72: {  	_ =	shalt  }
0x73: {  	_ =	shalt  }
0x74: {  	_ =	shalt  }
0x75: {  	_ =	shalt  }
0x76: {  	_ =	shalt  }
0x77: {  	_ =	shalt  }
0x78: {  	_ =	shalt  }
0x79: {  	_ =	shalt  }
0x7a: {  	_ =	shalt  }
0x7b: {  	_ =	shalt  }
0x7c: {  	_ =	shalt  }
0x7d: {  	_ =	shalt  }
0x7e: {  	_ =	shalt  }
0x7f: {  	_ =	shalt  }
0x80: {  	_ =	shalt  }
0x81: {  	_ =	shalt  }
0x82: {  	_ =	shalt  }
0x83: {  	_ =	shalt  }
0x84: {  	_ =	shalt  }
0x85: {  	_ =	shalt  }
0x86: {  	_ =	shalt  }
0x87: {  	_ =	shalt  }
.Lfunc_end0:
.L_simem_size_0:
called_computation.2_lowered:
.L_overlay_start_0:
0x88: {  	s2 =	sld [smem:$0x3FD9]  }
0x89: {  	s3 =	sld [smem:$0x3FFE];
	_ =	sdelay $0x1  }
0x8a: {  	s1 =	srdreg.scid  }
0x8b: {  	s0 =	sand.u32 $0x1, s1  }
0x8c: {  	s16 =	sshll.u32 s0, $0xA;
	s2 =	sadd.s32 s3, s2  }
0x8d: {  	s2 =	sadd.s32 s2, s16  }
0x8e: {  	[smem:$0x3FB9] =	sst s2  }
0x8f: {  	_ = 	snop  }
0x90: {  	(tm) =	ssettm $0x1  }
0x91: {  	s17 =	sld [smem:$0x3FFB];
	_ =	sdelay $0x3  }
0x92: {  	_ =	strace s17  }
0x93: {  	s2 =	sld [smem:$0x3FFC];
	_ =	sdelay $0x3  }
0x94: {  	_ =	strace s2  }
0x95: {  	s2 =	sld [smem:$0x3FFD];
	_ =	sdelay $0x3  }
0x96: {  	_ =	strace s2  }
0x97: {  	_ =	strace $0x8FFFFFFF  }
0x98: {  	s18 =	sld [smem:$0x3FDB];
	_ =	sdelay $0x1  }
0x99: {  	s19 =	simm.s32 $_scs_section_size  }
0x9a: {  	s4 =	simm.s32 $_size__tile_overlayer_lowered;
	s5 =	simm.s32 $_tile_overlayer_lowered  }
0x9b: {  	s22 =	simm.s32 $0x1BFF;
	s21 =	sshll.u32 s5, $0x1;
	s2 =	sadd.s32 s19, s18  }
0x9c: {  	s6 =	simm.s32 $0x0;
	s20 =	sshll.u32 s4, $0x1;
	s4 =	sadd.s32 s21, s2  }
0x9d: {  	[timem:s6], [sflag:s22] =	dma.local [hbm:s4], s20  }
0x9e: {  	_ =	swait.ge [sflag:s22], s20  }
0x9f: {  	s3 =	ssub.s32 $0x0, s20;
	[sflag:s22] =	ssyncset.done $0x0  }
0xa0: {  	[sflag:s22] =	ssyncadd.s32 s3;
	_ =	sdelay $0x1  }
0xa1: {  	s23 =	simm.s32 $0x1B8B  }
0xa2: {  	_ =	swait.ge [sflag:s23], $0x1  }
0xa3: {  	[sflag:s23] =	ssyncset.done $0x0  }
0xa4: {  	s25 =	simm.s32 $0x1B8E;
	s24 =	sld [smem:$0x3FFE];
	[sflag:s23] =	ssyncadd.s32 $0xFFFFFFFF  }
0xa5: {  	s26 =	simm.s32 $execute0_lowered;
	[smem:$0x3FD2] =	sst s25  }
0xa6: {  	s4 =	sshll.u32 s26, $0x1;
	_ =	strace $0x8000004C;
	[dreg:$0x1] =	wrdreg $0xFFFFFFFF  }
0xa7: {  	s28 =	simm.s32 $_size_execute0_lowered;
	s2 =	sadd.s32 s2, s4;
	[dreg:$0x0] =	wrdreg $0x0  }
0xa8: {  	s4 =	sshll.u32 s28, $0x1;
	[dreg:$0x2] =	wrdreg s2  }
0xa9: {  	[dreg:$0x3] =	wrdreg s4  }
0xaa: {  	[dreg:$0x4] =	wrdreg $0xC0  }
0xab: {  	_ =	task [dreg:s6], $0x5FFFF  }
0xac: {  	[dreg:$0x1] =	wrdreg $0xFFFFFFFF  }
0xad: {  	[dreg:$0x0] =	wrdreg $0x60  }
0xae: {  	[dreg:$0x2] =	wrdreg s24  }
0xaf: {  	[dreg:$0x3] =	wrdreg $0x14A000  }
0xb0: {  	[dreg:$0x4] =	wrdreg $0x9  }
0xb1: {  	_ =	task.clear_ibuf [dreg:s6], $0x5FFFF;
	_ =	strace $0x9000004C  }
0xb2: {  	s29 =	simm.s32 $0x9;
	_ =	strace $0x8000004E  }
0xb3: {  	_ =	swait.ge [sflag:s29], $0x1  }
0xb4: {  	[sflag:s29] =	ssyncadd.s32 $0xFFFFFFFF  }
0xb5: {  	_ =	strace $0x9000004E  }
0xb6: {  	_ =	sfence  }
0xb7: {  	s30 =	sld [smem:$0x0];
	_ =	sdelay $0x2  }
0xb8: {  	s31 =	sshll.u32 s1, $0xD;
	s1 =	sshrl.u32 s1, $0x2  }
0xb9: {  	s3 =	sand.u32 $0x4000, s31;
	s1 =	sadd.s32 s1, s30  }
0xba: {  	s0 =	sor.u32 s3, s0;
	s1 =	sshll.u32 s1, $0x11  }
0xbb: {  	s0 =	sor.u32 s1, s0  }
0xbc: {  	s0 =	sadd.s32 $0x8F2B, s0  }
0xbd: {  	[sflag:s0] =	ssyncadd.remote.s32 $0x1  }
0xbe: {  	_ =	sfence.sel $0xFFFF  }
0xbf: {  	[dreg:$0x0] =	wrdreg $0xFFFFFFFF;
	(pc) =	sbr.abs _section_cstart, $3  }
0xc0: {  	[dreg:$0x1] =	wrdreg $0xFFFFFFFF  }
0xc1: {  	_ =	task.clear_ibuf [dreg:s6], $0x2FFFF;
	_ =	strace $0x9FFFFFFF  }
0xc2: {  	(tm) =	ssettm $0x7FFFFFFF  }
0xc3: {  	_ =	shalt  }
tec
execute0_lowered:
.L_overlay_start_1:
0x0: {  	(tag) =	ssettag $0x1  }
0x1: {  	s0 =	rddreg [dreg:$0x0]  }
0x2: {  	s2 =	rddreg [dreg:$0x1];
	s13 =	stileid.u32;
	s3 =	simm.s32 $0x0  }
0x3: {  	s1 =	srdreg.scid;
	s15 =	simm.s32 $0x80;
	s16 =	simm.s32 $0x8A00  }
0x4: {  	s18 =	simm.s32 $0xEA00;
	s19 =	simm.s32 $0xAA00;
	s21 =	simm.s32 $0x10A00  }
0x5: {  	s23 =	simm.s32 $0xCA00;
	s28 =	simm.s32 $0x2;
	s4 =	smul.u32 $0x8A, s13  }
0x6: {  	s29 =	simm.s32 $0x0;
	[smem:$0x7FF] =	sst s3;
	s5 =	smul.u32 $0x18, s13  }
0x7: {  	s1 =	sand.u32 $0x1, s1;
	s7 =	smul.u32 $0x9E00, s13;
	s26 =	sshll.u32 s13, $0x6  }
0x8: {  	s13 =	simm.s32 $0x3;
	p0 =	seq.s32 s1, $0x0;
	s6 =	sadd.s32 $0x180, s4  }
0x9: {  	_ =	strace $0x8000004D;
	s8 =	smul.u32 $0x9E000, s1;
	s6 =	smov.u32 @p0 s5  }
0xa: {  	s1 =	ssub.s32 $0x2, s1;
	s4 =	sadd.s32 $0x2200, s0;
	s5 =	sshll.u32 s6, $0x4  }
0xb: {  	s25 =	sshrl.u32 s7, $0x3;
	s9 =	sadd.s32 s5, s0;
	s5 =	simm.s32 $0x18  }
0xc: {  	s10 =	sshrl.u32 s1, $0x1;
	s12 =	sadd.s32 s7, s2;
	s5 =	simm.s32 @!p0 $0x8A  }
0xd: {  	s8 =	sadd.s32 s7, s8;
	s1 =	ssub.s32 s1, s10;
	s11 =	smul.u32 $0xAB, s5  }
0xe: {  	s7 =	sor.u32 $0x1C03, s26;
	s12 =	sshrl.u32 s12, $0x3;
	s26 =	simm.s32 $0x1  }
0xf: {  	s6 =	sadd.s32 s25, s0;
	s8 =	sshrl.u32 s8, $0x3;
	s30 =	sshrl.u32 s11, $0xA  }
0x10: {  	s25 =	simm.s32 $0x12A00;
	s0 =	sadd.s32 s8, s0;
	s31 =	smul.u32 $0xC00, s30  }
0x11: {  	s6 =	sadd.s32 $0x2B400, s6;
	s8 =	sadd.s32 $0x20800, s9;
	s9 =	sadd.s32 $0x15C00, s9  }
0x12: {  	s10 =	sadd.s32 $0x3F000, s0;
	s11 =	smax.u32 s1, $0x1;
	[dreg:$0x3] =	wrdreg s31  }
.LBB2_1:
0x13: {  	[spmem:s12], [sflag:s7] =	dma.local [hbm:s6], $0x13C0  }
0x14: {  	_ =	swait.ge [sflag:s13], $0x13C0  }
0x15: {  	[sflag:s13] =	ssyncset.done $0x0  }
0x16: {  	[sflag:s13] =	ssyncadd.s32 $0xFFFFEC40  }
0x17: {  	[tilespmem:s3], [sflag:$0x3] =	stream.linear.gather [hbm4b:s8+s3], $0x4500, $0x38;
	[tilespmem:$0x1E800] =	vst v63  }
0x18: {  	_ =	swait.ge [sflag:s13], $0x4500  }
0x19: {  	[sflag:s13] =	ssyncset.done $0x0  }
0x1a: {  	s0 =	simm.s32 $0x4500;
	[sflag:s13] =	ssyncadd.s32 $0xFFFFBB00  }
0x1b: {  	[tilespmem:s0], [sflag:$0x3] =	stream.linear.gather [hbm4b:s9+s3], $0x4500, $0x38;
	[tilespmem:$0x1E800] =	vst v63  }
0x1c: {  	_ =	swait.ge [sflag:s13], $0x4500  }
0x1d: {  	[sflag:s13] =	ssyncset.done $0x0  }
0x1e: {  	[sflag:s13] =	ssyncadd.s32 $0xFFFFBB00  }
0x1f: {  	[bflag:$0x0] =	sbarrier.arrive $0xFFFF  }
0x20: {  	[tilespmem:s16], [sflag:$0x1] =	stream.indirect.gather [hbm4b:s4+s15], $0x40, s3, s15, $0xb8;
	[tilespmem:$0x1E800] =	vst v63  }
0x21: {  	s14 =	simm.s32 $0x180  }
0x22: {  	[tilespmem:s18], [sflag:$0x2] =	stream.indirect.gather [hbm4b:s4+s15], $0x40, s14, s15, $0xb8;
	[tilespmem:$0x1E800] =	vst v63  }
0x23: {  	_ = 	snop  }
0x24: {  	[tilespmem:s19], [sflag:$0x1] =	stream.indirect.gather [hbm4b:s4+s15], $0x40, s15, s15, $0xb8;
	[tilespmem:$0x1E800] =	vst v63  }
0x25: {  	s17 =	simm.s32 $0x200  }
0x26: {  	[tilespmem:s21], [sflag:$0x2] =	stream.indirect.gather [hbm4b:s4+s15], $0x40, s17, s15, $0xb8;
	[tilespmem:$0x1E800] =	vst v63  }
0x27: {  	s20 =	simm.s32 $0x100  }
0x28: {  	[tilespmem:s23], [sflag:$0x1] =	stream.indirect.gather [hbm4b:s4+s15], $0x40, s20, s15, $0xb8;
	[tilespmem:$0x1E800] =	vst v63  }
0x29: {  	s22 =	simm.s32 $0x280  }
0x2a: {  	[tilespmem:s25], [sflag:$0x2] =	stream.indirect.gather [hbm4b:s4+s15], $0x40, s22, s15, $0xb8;
	[tilespmem:$0x1E800] =	vst v63  }
0x2b: {  	_ =	swait.ge [sflag:s26], $0x6000  }
0x2c: {  	[sflag:s26] =	ssyncset.done $0x0  }
0x2d: {  	s24 =	simm.s32 $0x4500;
	[sflag:s26] =	ssyncadd.s32 $0xFFFFA000  }
0x2e: {  	[spmem:s2] =	stream.indirect.scatter.add.f32 [tilespmem:s16], [sflag:$0x3], $0x40, s24, s15, $0xb8;
	[tilespmem:$0x1E800] =	vst v63  }
0x2f: {  	_ =	swait.ge [sflag:s13], $0x2000  }
0x30: {  	[sflag:s13] =	ssyncset.done $0x0  }
0x31: {  	s1 =	simm.s32 $0x4580;
	[sflag:s13] =	ssyncadd.s32 $0xFFFFE000  }
0x32: {  	[spmem:s2] =	stream.indirect.scatter.add.f32 [tilespmem:s19], [sflag:$0x3], $0x40, s1, s15, $0xb8;
	[tilespmem:$0x1E800] =	vst v63  }
0x33: {  	_ =	swait.ge [sflag:s13], $0x2000  }
0x34: {  	[sflag:s13] =	ssyncset.done $0x0  }
0x35: {  	s14 =	simm.s32 $0x4600;
	[sflag:s13] =	ssyncadd.s32 $0xFFFFE000  }
0x36: {  	[spmem:s2] =	stream.indirect.scatter.add.f32 [tilespmem:s23], [sflag:$0x3], $0x40, s14, s15, $0xb8;
	[tilespmem:$0x1E800] =	vst v63  }
0x37: {  	p0 =	sle.u32 s5, $0x6;
	_ =	swait.ge [sflag:s13], $0x2000  }
0x38: {  	s0 =	simm.s32 @!p0 $0x8A00;
	[sflag:s13] =	ssyncset.done $0x0  }
0x39: {  	s1 =	simm.s32 @!p0 $0x300;
	s14 =	simm.s32 @!p0 $0x80;
	[sflag:s13] =	ssyncadd.s32 $0xFFFFE000  }
0x3a: {  	[tilespmem:s0], [sflag:$0x1] =	stream.indirect.gather @!p0 [hbm4b:s4+s14], $0x40, s1, s14, $0xb8;
	[tilespmem:$0x1E800] =	vst v63  }
0x3b: {  	s0 =	simm.s32 @!p0 $0x380;
	s1 =	simm.s32 @!p0 $0xAA00  }
0x3c: {  	[tilespmem:s1], [sflag:$0x1] =	stream.indirect.gather @!p0 [hbm4b:s4+s14], $0x40, s0, s14, $0xb8;
	[tilespmem:$0x1E800] =	vst v63  }
0x3d: {  	s0 =	simm.s32 @!p0 $0x400;
	s1 =	simm.s32 @!p0 $0xCA00  }
0x3e: {  	[tilespmem:s1], [sflag:$0x1] =	stream.indirect.gather @!p0 [hbm4b:s4+s14], $0x40, s0, s14, $0xb8;
	[tilespmem:$0x1E800] =	vst v63  }
0x3f: {  	_ =	swait.ge [sflag:s28], $0x6000  }
0x40: {  	[sflag:s28] =	ssyncset.done $0x0  }
0x41: {  	s17 =	simm.s32 $0x4680;
	[sflag:s28] =	ssyncadd.s32 $0xFFFFA000  }
0x42: {  	[spmem:s2] =	stream.indirect.scatter.add.f32 [tilespmem:s18], [sflag:$0x3], $0x40, s17, s15, $0xb8;
	[tilespmem:$0x1E800] =	vst v63  }
0x43: {  	_ =	swait.ge [sflag:s13], $0x2000  }
0x44: {  	[sflag:s13] =	ssyncset.done $0x0  }
0x45: {  	s20 =	simm.s32 $0x4700;
	[sflag:s13] =	ssyncadd.s32 $0xFFFFE000  }
0x46: {  	[spmem:s2] =	stream.indirect.scatter.add.f32 [tilespmem:s21], [sflag:$0x3], $0x40, s20, s15, $0xb8;
	[tilespmem:$0x1E800] =	vst v63  }
0x47: {  	_ =	swait.ge [sflag:s13], $0x2000  }
0x48: {  	[sflag:s13] =	ssyncset.done $0x0  }
0x49: {  	s22 =	simm.s32 $0x4780;
	[sflag:s13] =	ssyncadd.s32 $0xFFFFE000  }
0x4a: {  	[spmem:s2] =	stream.indirect.scatter.add.f32 [tilespmem:s25], [sflag:$0x3], $0x40, s22, s15, $0xb8;
	[tilespmem:$0x1E800] =	vst v63  }
0x4b: {  	p0 =	sle.u32 s5, $0x9;
	_ =	swait.ge [sflag:s13], $0x2000  }
0x4c: {  	s1 =	simm.s32 @!p0 $0x80;
	s24 =	rddreg [dreg:$0x3]  }
0x4d: {  	s14 =	simm.s32 @!p0 $0xEA00;
	[sflag:s13] =	ssyncset.done $0x0;
	p1 =	sne.s32 s24, $0xC00  }
.Ltmp0:
0x4e: {  	s17 =	simm.s32 @!p0 $0x480;
	[sflag:s13] =	ssyncadd.s32 $0xFFFFE000;
	(pc) =	sbr.rel @!p1 .LBB2_3-.Ltmp0, $4  }
0x4f: {  	[tilespmem:s14], [sflag:$0x2] =	stream.indirect.gather @!p0 [hbm4b:s4+s1], $0x40, s17, s1, $0xb8;
	[tilespmem:$0x1E800] =	vst v63  }
0x50: {  	s30 =	simm.s32 $0x9;
	s14 =	simm.s32 @!p0 $0x500;
	s17 =	simm.s32 @!p0 $0x10A00  }
0x51: {  	[tilespmem:s17], [sflag:$0x2] =	stream.indirect.gather @!p0 [hbm4b:s4+s1], $0x40, s14, s1, $0xb8;
	[tilespmem:$0x1E800] =	vst v63  }
0x52: {  	s31 =	simm.s32 $0xC00;
	s14 =	simm.s32 @!p0 $0x580;
	s17 =	simm.s32 @!p0 $0x12A00  }
.LBB2_2:
0x53: {  	[tilespmem:s17], [sflag:$0x2] =	stream.indirect.gather @!p0 [hbm4b:s4+s1], $0x40, s14, s1, $0xb8;
	[tilespmem:$0x1E800] =	vst v63  }
0x54: {  	s0 =	smov.u32 s31;
	_ =	swait.ge [sflag:s26], $0x6000  }
0x55: {  	s1 =	sshra.s32 s0, $0x2;
	[sflag:s26] =	ssyncset.done $0x0  }
0x56: {  	s22 =	sadd.s32 $0x4500, s1;
	[sflag:s26] =	ssyncadd.s32 $0xFFFFA000  }
0x57: {  	[spmem:s2] =	stream.indirect.scatter.add.f32 [tilespmem:s16], [sflag:$0x3], $0x40, s22, s15, $0xb8;
	[tilespmem:$0x1E800] =	vst v63  }
0x58: {  	_ =	swait.ge [sflag:s13], $0x2000  }
0x59: {  	[sflag:s13] =	ssyncset.done $0x0  }
0x5a: {  	s24 =	sadd.s32 $0x4580, s1;
	[sflag:s13] =	ssyncadd.s32 $0xFFFFE000  }
0x5b: {  	[spmem:s2] =	stream.indirect.scatter.add.f32 [tilespmem:s19], [sflag:$0x3], $0x40, s24, s15, $0xb8;
	[tilespmem:$0x1E800] =	vst v63  }
0x5c: {  	s30 =	sadd.s32 $0x6, s30;
	_ =	swait.ge [sflag:s13], $0x2000  }
0x5d: {  	s20 =	sadd.s32 $0xFFFFFFFD, s30;
	[sflag:s13] =	ssyncset.done $0x0  }
0x5e: {  	s17 =	sadd.s32 $0x4600, s1;
	p0 =	sge.u32 s20, s5;
	[sflag:s13] =	ssyncadd.s32 $0xFFFFE000  }
0x5f: {  	[spmem:s2] =	stream.indirect.scatter.add.f32 [tilespmem:s23], [sflag:$0x3], $0x40, s17, s15, $0xb8;
	[tilespmem:$0x1E800] =	vst v63  }
0x60: {  	s14 =	sshra.s32 @!p0 s0, $0x2;
	_ =	swait.ge [sflag:s13], $0x2000  }
0x61: {  	s20 =	sadd.s32 @!p0 $0x300, s14;
	[sflag:s13] =	ssyncset.done $0x0  }
0x62: {  	s22 =	simm.s32 @!p0 $0x80;
	s17 =	simm.s32 @!p0 $0x8A00;
	[sflag:s13] =	ssyncadd.s32 $0xFFFFE000  }
0x63: {  	[tilespmem:s17], [sflag:$0x1] =	stream.indirect.gather @!p0 [hbm4b:s4+s22], $0x40, s20, s22, $0xb8;
	[tilespmem:$0x1E800] =	vst v63  }
0x64: {  	s17 =	sadd.s32 @!p0 $0x380, s14;
	s20 =	simm.s32 @!p0 $0xAA00  }
0x65: {  	[tilespmem:s20], [sflag:$0x1] =	stream.indirect.gather @!p0 [hbm4b:s4+s22], $0x40, s17, s22, $0xb8;
	[tilespmem:$0x1E800] =	vst v63  }
0x66: {  	s14 =	sadd.s32 @!p0 $0x400, s14;
	s17 =	simm.s32 @!p0 $0xCA00  }
0x67: {  	[tilespmem:s17], [sflag:$0x1] =	stream.indirect.gather @!p0 [hbm4b:s4+s22], $0x40, s14, s22, $0xb8;
	[tilespmem:$0x1E800] =	vst v63  }
0x68: {  	_ =	swait.ge [sflag:s28], $0x6000  }
0x69: {  	[sflag:s28] =	ssyncset.done $0x0  }
0x6a: {  	s22 =	sadd.s32 $0x4680, s1;
	[sflag:s28] =	ssyncadd.s32 $0xFFFFA000  }
0x6b: {  	[spmem:s2] =	stream.indirect.scatter.add.f32 [tilespmem:s18], [sflag:$0x3], $0x40, s22, s15, $0xb8;
	[tilespmem:$0x1E800] =	vst v63  }
0x6c: {  	_ =	swait.ge [sflag:s13], $0x2000  }
0x6d: {  	[sflag:s13] =	ssyncset.done $0x0  }
0x6e: {  	s24 =	sadd.s32 $0x4700, s1;
	[sflag:s13] =	ssyncadd.s32 $0xFFFFE000  }
0x6f: {  	[spmem:s2] =	stream.indirect.scatter.add.f32 [tilespmem:s21], [sflag:$0x3], $0x40, s24, s15, $0xb8;
	[tilespmem:$0x1E800] =	vst v63  }
0x70: {  	_ =	swait.ge [sflag:s13], $0x2000  }
0x71: {  	[sflag:s13] =	ssyncset.done $0x0  }
0x72: {  	s1 =	sadd.s32 $0x4780, s1;
	[sflag:s13] =	ssyncadd.s32 $0xFFFFE000  }
0x73: {  	[spmem:s2] =	stream.indirect.scatter.add.f32 [tilespmem:s25], [sflag:$0x3], $0x40, s1, s15, $0xb8;
	[tilespmem:$0x1E800] =	vst v63  }
0x74: {  	_ =	swait.ge [sflag:s13], $0x2000  }
0x75: {  	s31 =	sadd.s32 $0xC00, s31;
	p0 =	sge.u32 s30, s5;
	s20 =	rddreg [dreg:$0x3]  }
0x76: {  	s0 =	sshra.s32 @!p0 s0, $0x2;
	s14 =	simm.s32 @!p0 $0xEA00;
	p1 =	sne.s32 s20, s31  }
.Ltmp1:
0x77: {  	s17 =	sadd.s32 @!p0 $0x480, s0;
	[sflag:s13] =	ssyncset.done $0x0;
	(pc) =	sbr.rel @p1 .LBB2_2-.Ltmp1, $4  }
0x78: {  	s22 =	sadd.s32 @!p0 $0x500, s0;
	s1 =	simm.s32 @!p0 $0x80;
	[sflag:s13] =	ssyncadd.s32 $0xFFFFE000  }
0x79: {  	[tilespmem:s14], [sflag:$0x2] =	stream.indirect.gather @!p0 [hbm4b:s4+s1], $0x40, s17, s1, $0xb8;
	[tilespmem:$0x1E800] =	vst v63  }
0x7a: {  	s24 =	simm.s32 @!p0 $0x10A00;
	s14 =	sadd.s32 @!p0 $0x580, s0;
	s17 =	simm.s32 @!p0 $0x12A00  }
0x7b: {  	[tilespmem:s24], [sflag:$0x2] =	stream.indirect.gather @!p0 [hbm4b:s4+s1], $0x40, s22, s1, $0xb8;
	[tilespmem:$0x1E800] =	vst v63  }
.LBB2_3:
0x7c: {  	[tilespmem:s17], [sflag:$0x2] =	stream.indirect.gather @!p0 [hbm4b:s4+s1], $0x40, s14, s1, $0xb8;
	[tilespmem:$0x1E800] =	vst v63  }
0x7d: {  	s29 =	sadd.s32 $0x1, s29  }
0x7e: {  	p0 =	sne.s32 s29, s11  }
.Ltmp2:
0x7f: {  	[bflag:$0x0] =	sbarrier.arrive $0xFFFF;
	(pc) =	sbr.rel @p0 .LBB2_1-.Ltmp2, $4  }
0x80: {  	[hbm:s10], [sflag:s7] =	dma.local [spmem:s12], $0x13C0  }
0x81: {  	_ =	swait.ge [sflag:s13], $0x13C0  }
0x82: {  	[sflag:s13] =	ssyncset.done $0x0  }
0x83: {  	[sflag:s13] =	ssyncadd.s32 $0xFFFFEC40  }
0x84: {  	_ =	sfence.sel $0x180000  }
0x85: {  	[bflag:$0x0] =	sbarrier.arrive $0xFFFF  }
0x86: {  	_ =	strace $0x9000004D  }
0x87: {  	s0 =	stileid.u32;
	[bflag:$0x2] =	sbarrier.arrive $0xFFFF  }
0x88: {  	p0 =	sne.s32 s0, $0x0;
	s0 =	rddreg [dreg:$0x2]  }
0x89: {  	s0 =	sadd.s32 @!p0 $0x100000, s0  }
0x8a: {  	[sflag:s0] =	ssyncadd.tile.s32 @!p0 $0x1;
	_ =	shalt  }
.Lfunc_end2:
_tile_overlayer_lowered:
.L_overlay_start_2:
0x8b: {  	(tag) =	ssettag $0x2  }
0x8c: {  	s0 =	rddreg [dreg:$0x0];
	s2 =	stileid.u32  }
0x8d: {  	s1 =	rddreg [dreg:$0x1];
	p0 =	sne.s32 s2, $0x0  }
0x8e: {  	s3 =	rddreg [dreg:$0x2];
	[bflag:$0x3] =	sbarrier.arrive $0xFFFF;
	s2 =	simm.s32 @!p0 $0x1C03  }
0x8f: {  	[timem:s3], [sflag:s2] =	dma.local @!p0 [hbm:s0], s1  }
0x90: {  	s0 =	simm.s32 @!p0 $0x3  }
0x91: {  	_ =	swait.ge @!p0 [sflag:s0], s1  }
0x92: {  	s1 =	ssub.s32 @!p0 $0x0, s1;
	[sflag:s0] =	ssyncset.done @!p0 $0x0  }
0x93: {  	[sflag:s0] =	ssyncadd.s32 @!p0 s1  }
0x94: {  	[bflag:$0x3] =	sbarrier.arrive $0xFFFF  }
0x95: {  	_ =	shalt  }

</sc_bundles>
